<compile_context>
chip_gen: v7x
topology: tpu7x:2x2x1
jax: 0.10.2.dev20260603
libtpu: 0.0.44.dev20260713+nightly
codegen_flags: <defaults>
</compile_context>

<pallas_src>
import functools

import numpy as np
import jax
import jax.numpy as jnp
from jax import lax
from jax.experimental import pallas as pl
from jax.experimental.pallas import tpu as pltpu
from jax.experimental.pallas import tpu_sc as plsc

L_LEVELS = 16
F_FEAT = 2
T_SIZE = 2 ** 19
B_PTS = 262144
APP_DIM = 27

P2 = np.int32(-1640531535)
P3 = np.int32(805459861)

NW = 32
PTS_PER_W = B_PTS // NW
BLK = 1024
NCHUNK = BLK // 16
NBLOCKS = PTS_PER_W // BLK
PIPE = 4

DL = 5
D_G = [3, 5, 9, 17, 33]
D_OFF = [0, 27, 152, 881, 5794]
D_TOT = 41731
NSTREAM = L_LEVELS - DL
CW = NSTREAM * 128
D_PAD = 8 * (4 * CW)

def _dense_idx():
    parts = []
    for l in range(DL):
        g = np.uint32(D_G[l])
        xs = np.arange(g, dtype=np.uint32)
        hy = xs * np.uint32(2654435761)
        hz = xs * np.uint32(805459861)
        h = (xs[:, None, None] ^ hy[None, :, None] ^ hz[None, None, :]) \
            & np.uint32(T_SIZE - 1)
        parts.append((np.int64(l * T_SIZE) + h.reshape(-1)).astype(np.int32))
    flat = np.concatenate(parts)
    return np.concatenate([flat, np.zeros(D_PAD - flat.size, np.int32)])

DIDX = _dense_idx()

_MASK = np.int32(T_SIZE - 1)


def _encode_body(cx_hbm, cy_hbm, cz_hbm, cd_hbm, tpk_hbm, dense_hbm, out_hbm,
                 cx_v, cy_v, cz_v, cd_v, idx_v, rows_v, feat_v, dense_v,
                 gsem):
    nc = 2
    wid = lax.axis_index("s") * nc + lax.axis_index("c")
    lanes = lax.iota(jnp.int32, 16)

    def load_xyz(o):
        invd = cd_v[pl.ds(o, 16)]
        return (cx_v[pl.ds(o, 16)] * invd,
                cy_v[pl.ds(o, 16)] * invd,
                cz_v[pl.ds(o, 16)] * invd)

    def fire(ci, par):
        x0, x1, x2 = load_xyz(ci * 16)
        for l in range(DL, L_LEVELS):
            res = np.float32(2.0 * (2.0 ** l))
            px = x0 * res
            py = x1 * res
            pz = x2 * res
            ix = px.astype(jnp.int32)
            iy = py.astype(jnp.int32)
            iz = pz.astype(jnp.int32)
            hx0 = ix
            hx1 = ix + np.int32(1)
            hy0 = iy * P2
            hy1 = hy0 + P2
            hz0 = iz * P3
            hz1 = hz0 + P3
            base_l = np.int32(l * T_SIZE)
            corner = 0
            for hx in (hx0, hx1):
                for hy in (hy0, hy1):
                    for hz in (hz0, hz1):
                        idx = ((hx ^ hy ^ hz) & _MASK) + base_l
                        idx_v[pl.ds(par * np.int32(CW) + np.int32((l - DL) * 128 + corner * 16), 16)] = idx
                        corner += 1
        pltpu.async_copy(tpk_hbm.at[idx_v.at[pl.ds(par * np.int32(CW), CW)]],
                         rows_v.at[pl.ds(par * np.int32(CW), CW)], gsem)

    def drain_and_interp(ci, par):
        pltpu.make_async_copy(tpk_hbm.at[idx_v.at[pl.ds(par * np.int32(CW), CW)]],
                              rows_v.at[pl.ds(par * np.int32(CW), CW)],
                              gsem).wait()

        o = ci * 16
        x0, x1, x2 = load_xyz(o)
        pbase_i = (o + lanes) * np.int32(2 * L_LEVELS)
        for l in range(L_LEVELS):
            res = np.float32(2.0 * (2.0 ** l))
            px = x0 * res
            py = x1 * res
            pz = x2 * res
            ix = px.astype(jnp.int32)
            iy = py.astype(jnp.int32)
            iz = pz.astype(jnp.int32)
            w0 = px - ix.astype(jnp.float32)
            w1 = py - iy.astype(jnp.float32)
            w2 = pz - iz.astype(jnp.float32)
            u0 = np.float32(1.0) - w0
            u1 = np.float32(1.0) - w1
            u2 = np.float32(1.0) - w2
            acc0 = jnp.zeros((16,), jnp.float32)
            acc1 = jnp.zeros((16,), jnp.float32)
            if l < DL:
                g = D_G[l]
                gg = g * g
                e0 = ix * np.int32(gg) + iy * np.int32(g) + iz + np.int32(D_OFF[l])
            else:
                row = par * np.int32(CW) + np.int32((l - DL) * 128)
            corner = 0
            for ci_x, wxv in ((0, u0), (1, w0)):
                for ci_y, wyv in ((0, u1), (1, w1)):
                    for ci_z, wzv in ((0, u2), (1, w2)):
                        ww = (wxv * wyv) * wzv
                        if l < DL:
                            off = ci_x * gg + ci_y * g + ci_z
                            v = plsc.load_gather(dense_v, [e0 + np.int32(off)])
                        else:
                            v = rows_v[pl.ds(row + np.int32(corner * 16), 16)]
                        f0 = plsc.bitcast(v & np.int32(-65536), jnp.float32)
                        f1 = plsc.bitcast(v << np.int32(16), jnp.float32)
                        acc0 = acc0 + f0 * ww
                        acc1 = acc1 + f1 * ww
                        corner += 1
            plsc.store_scatter(feat_v, [pbase_i + np.int32(2 * l)], acc0)
            plsc.store_scatter(feat_v, [pbase_i + np.int32(2 * l + 1)], acc1)

    pltpu.sync_copy(dense_hbm, dense_v)

    def block_body(b, carry):
        pbase = wid * PTS_PER_W + b * BLK
        pltpu.sync_copy(cx_hbm.at[pl.ds(pbase, BLK)], cx_v)
        pltpu.sync_copy(cy_hbm.at[pl.ds(pbase, BLK)], cy_v)
        pltpu.sync_copy(cz_hbm.at[pl.ds(pbase, BLK)], cz_v)
        pltpu.sync_copy(cd_hbm.at[pl.ds(pbase, BLK)], cd_v)

        def chunk_body(ci, carry2):
            par = lax.rem(ci, np.int32(PIPE))

            @pl.when(ci >= PIPE)
            def _():
                drain_and_interp(ci - PIPE, par)

            @pl.when(ci < NCHUNK)
            def _():
                fire(ci, par)

            return carry2

        lax.fori_loop(0, NCHUNK + PIPE, chunk_body, 0)
        pltpu.sync_copy(feat_v, out_hbm.at[pl.ds(pbase * np.int32(2 * L_LEVELS),
                                                 BLK * 2 * L_LEVELS)])
        return carry

    lax.fori_loop(0, NBLOCKS, block_body, 0)


@jax.jit
def _encode(cx, cy, cz, cd, tpk, dense):
    mesh = plsc.VectorSubcoreMesh(core_axis_name="c", subcore_axis_name="s")
    fn = functools.partial(
        pl.kernel,
        mesh=mesh,
        compiler_params=pltpu.CompilerParams(needs_layout_passes=False),
        out_type=jax.ShapeDtypeStruct((B_PTS * 2 * L_LEVELS,), jnp.float32),
        scratch_types=[
            pltpu.VMEM((BLK,), jnp.float32),
            pltpu.VMEM((BLK,), jnp.float32),
            pltpu.VMEM((BLK,), jnp.float32),
            pltpu.VMEM((BLK,), jnp.float32),
            pltpu.VMEM((PIPE * CW,), jnp.int32),
            pltpu.VMEM((PIPE * CW,), jnp.int32),
            pltpu.VMEM((BLK * 2 * L_LEVELS,), jnp.float32),
            pltpu.VMEM((D_PAD,), jnp.int32),
            pltpu.SemaphoreType.DMA,
        ],
    )(_encode_body)
    return fn(cx, cy, cz, cd, tpk, dense).reshape(B_PTS, 2 * L_LEVELS)


def _mlp_body(feat_ref, w1_ref, w2_ref, w3_ref, sig_ref, app_ref):
    f = feat_ref[...]
    h = jnp.maximum(jnp.dot(f, w1_ref[...], preferred_element_type=jnp.float32), 0.0)
    h = jnp.maximum(jnp.dot(h, w2_ref[...], preferred_element_type=jnp.float32), 0.0)
    out = jnp.dot(h, w3_ref[...], preferred_element_type=jnp.float32)
    sig_ref[...] = out[:, :1]
    app_ref[...] = out[:, 1:1 + APP_DIM]


@jax.jit
def _mlp(feats, W1, W2, W3):
    BM = 2048
    return pl.pallas_call(
        _mlp_body,
        grid=(B_PTS // BM,),
        in_specs=[
            pl.BlockSpec((BM, 2 * L_LEVELS), lambda i: (i, 0)),
            pl.BlockSpec((2 * L_LEVELS, 128), lambda i: (0, 0)),
            pl.BlockSpec((128, 128), lambda i: (0, 0)),
            pl.BlockSpec((128, 32), lambda i: (0, 0)),
        ],
        out_specs=[
            pl.BlockSpec((BM, 1), lambda i: (i, 0)),
            pl.BlockSpec((BM, APP_DIM), lambda i: (i, 0)),
        ],
        out_shape=[
            jax.ShapeDtypeStruct((B_PTS, 1), jnp.float32),
            jax.ShapeDtypeStruct((B_PTS, APP_DIM), jnp.float32),
        ],
    )(feats, W1, W2, W3)


def kernel(xyz_env_normed, table, W1d, W2d, W3d, W1r, W2r, W3r):
    cx = xyz_env_normed[:, 0]
    cy = xyz_env_normed[:, 1]
    cz = xyz_env_normed[:, 2]
    cd = xyz_env_normed[:, 3]
    bits = jax.lax.bitcast_convert_type(
        table.astype(jnp.bfloat16), jnp.uint16).astype(jnp.uint32)
    tpk = jax.lax.bitcast_convert_type(
        (bits[:, :, 0] << jnp.uint32(16)) | bits[:, :, 1],
        jnp.int32).reshape(L_LEVELS * T_SIZE)

    dense = jnp.take(tpk, jnp.asarray(DIDX))

    feats = _encode(cx, cy, cz, cd, tpk, dense)

    Z = jnp.zeros((64, 64), jnp.float32)
    W1 = jnp.concatenate([W1d, W1r], axis=1)
    W2 = jnp.concatenate(
        [jnp.concatenate([W2d, Z], axis=1),
         jnp.concatenate([Z, W2r], axis=1)], axis=0)
    W3 = jnp.zeros((128, 32), jnp.float32)
    W3 = W3.at[:64, 0:1].set(W3d)
    W3 = W3.at[64:, 1:1 + APP_DIM].set(W3r)

    sig, app_feat = _mlp(feats, W1, W2, W3)
    return (sig[:, 0], app_feat)

# --- scband reference (transcript-rebuilt; emitter-appended) ---
"""Pipeline reference for scband-hash-envmap-42563125903443 (READ-ONLY COPY).

The authoritative reference and input builder live on the scoring server;
editing this copy changes nothing except your own understanding.
"""

import jax, jax.numpy as jnp
import numpy as np

L = 16
F = 2
T = 2 ** 19
BASE = 2.0
APP_DIM = 27
B = 262144
PRIMES = (np.uint32(1), np.uint32(2654435761), np.uint32(805459861))


def hash_encode(x, table):
    outs = []
    for l in range(L):
        res = BASE * (2.0 ** l)
        pos = x * res
        p0 = jnp.floor(pos)
        w = pos - p0
        p0i = p0.astype(jnp.int32)
        acc = jnp.zeros((x.shape[0], F), dtype=table.dtype)
        for dx in (0, 1):
            for dy in (0, 1):
                for dz in (0, 1):
                    off = jnp.array([dx, dy, dz], dtype=jnp.int32)
                    c = (p0i + off).astype(jnp.uint32)
                    h = (c[:, 0] * PRIMES[0]) ^ (c[:, 1] * PRIMES[1]) ^ (c[:, 2] * PRIMES[2])
                    idx = (h % np.uint32(T)).astype(jnp.int32)
                    f = jnp.take(table[l], idx, axis=0)
                    wx = w[:, 0] if dx else 1.0 - w[:, 0]
                    wy = w[:, 1] if dy else 1.0 - w[:, 1]
                    wz = w[:, 2] if dz else 1.0 - w[:, 2]
                    acc = acc + f * (wx * wy * wz)[:, None]
        outs.append(acc)
    return jnp.concatenate(outs, axis=-1)


def setup_inputs(seed: int = 0) -> dict:
    key = jax.random.key(seed)
    ks = jax.random.split(key, 8)
    xyz = jax.random.uniform(ks[0], (B, 5), dtype=jnp.float32)
    table = jax.random.uniform(ks[1], (L, T, F), dtype=jnp.float32, minval=-1e-4, maxval=1e-4)
    d_in = L * F
    W1d = jax.random.normal(ks[2], (d_in, 64), dtype=jnp.float32) * np.sqrt(2.0 / d_in)
    W2d = jax.random.normal(ks[3], (64, 64), dtype=jnp.float32) * np.sqrt(2.0 / 64)
    W3d = jax.random.normal(ks[4], (64, 1), dtype=jnp.float32) * np.sqrt(2.0 / 64)
    W1r = jax.random.normal(ks[5], (d_in, 64), dtype=jnp.float32) * np.sqrt(2.0 / d_in)
    W2r = jax.random.normal(ks[6], (64, 64), dtype=jnp.float32) * np.sqrt(2.0 / 64)
    W3r = jax.random.normal(ks[7], (64, APP_DIM), dtype=jnp.float32) * np.sqrt(2.0 / 64)
    return {"xyz_env_normed": xyz, "table": table, "W1d": W1d, "W2d": W2d, "W3d": W3d, "W1r": W1r, "W2r": W2r, "W3r": W3r}


def reference(xyz_env_normed, table, W1d, W2d, W3d, W1r, W2r, W3r):
    inner_dir = xyz_env_normed[..., :3]
    inv_depth = xyz_env_normed[..., 3:4]
    x = inner_dir * inv_depth
    upper_feature = hash_encode(x, table)
    h = jax.nn.relu(upper_feature @ W1d)
    h = jax.nn.relu(h @ W2d)
    sigma = (h @ W3d)[..., 0]
    h2 = jax.nn.relu(upper_feature @ W1r)
    h2 = jax.nn.relu(h2 @ W2r)
    app_feat = h2 @ W3r
    return (sigma, app_feat)

if __name__ == "__main__":
    import jax
    _d = setup_inputs()
    print(jax.jit(kernel)(*tuple(_d.values())))

</pallas_src>

<mosaic_0001>
#map = affine_map<(d0, d1) -> (0)>
module attributes {stable_mosaic.version = 14 : i64} {
  func.func @_encode_body(%arg0: i32, %arg1: i32, %arg2: memref<262144xf32, #tpu.memory_space<hbm>>, %arg3: memref<262144xf32, #tpu.memory_space<hbm>>, %arg4: memref<262144xf32, #tpu.memory_space<hbm>>, %arg5: memref<262144xf32, #tpu.memory_space<hbm>>, %arg6: memref<8388608xi32, #tpu.memory_space<hbm>>, %arg7: memref<45056xi32, #tpu.memory_space<hbm>>, %arg8: memref<8388608xf32, #tpu.memory_space<hbm>>, %arg9: memref<1024xf32, #tpu.memory_space<vmem>>, %arg10: memref<1024xf32, #tpu.memory_space<vmem>>, %arg11: memref<1024xf32, #tpu.memory_space<vmem>>, %arg12: memref<1024xf32, #tpu.memory_space<vmem>>, %arg13: memref<5632xi32, #tpu.memory_space<vmem>>, %arg14: memref<5632xi32, #tpu.memory_space<vmem>>, %arg15: memref<32768xf32, #tpu.memory_space<vmem>>, %arg16: memref<45056xi32, #tpu.memory_space<vmem>>, %arg17: memref<!tpu.dma_semaphore, #tpu.memory_space<semaphore_mem>>) attributes {dimension_semantics = [#tpu.dimension_semantics<core_parallel>, #tpu.dimension_semantics<subcore_parallel>], iteration_bounds = array<i64: 2, 16>, scalar_prefetch = 0 : i64, scratch_operands = 9 : i64, tpu.core_type = #tpu.core_type<sc_vector_subcore>, window_params = [{transform_indices = #map}, {transform_indices = #map}, {transform_indices = #map}, {transform_indices = #map}, {transform_indices = #map}, {transform_indices = #map}, {transform_indices = #map}]} {
    %mul3A = arith.constant 2 : i32
    %mul3A_0 = arith.muli %arg1, %mul3A : i32
    %add3A = arith.addi %mul3A_0, %arg0 : i32
    %iota3A = tpu.iota {dimensions = array<i32: 0>} : vector<16xi32>
    "tpu.region"() ({
      %run_scoped3A = tpu.sem_alloc : memref<!tpu.dma_semaphore, #tpu.memory_space<semaphore_mem>>
      tpu.enqueue_dma source(%arg7 : memref<45056xi32, #tpu.memory_space<hbm>>) target(%arg16 : memref<45056xi32, #tpu.memory_space<vmem>>) target_semaphore(%run_scoped3A : memref<!tpu.dma_semaphore, #tpu.memory_space<semaphore_mem>>)
      tpu.wait_dma2 semaphore(%run_scoped3A : memref<!tpu.dma_semaphore, #tpu.memory_space<semaphore_mem>>) src(%arg7 : memref<45056xi32, #tpu.memory_space<hbm>>) dst(%arg16 : memref<45056xi32, #tpu.memory_space<vmem>>)
      tpu.yield
    }) : () -> ()
    %scan3A = arith.constant 0 : i32
    %scan3A_1 = arith.constant 0 : i32
    %scan3A_2 = arith.constant 8 : i32
    %scan3A_3 = arith.addi %scan3A_1, %scan3A_2 : i32
    %scan3A_4 = arith.constant 1 : i32
    scf.for %scan3A_6 = %scan3A_1 to %scan3A_3 step %scan3A_4  : i32 {
      %mul3A_7 = arith.constant 8192 : i32
      %mul3A_8 = arith.muli %add3A, %mul3A_7 : i32
      %mul3A_9 = arith.constant 1024 : i32
      %mul3A_10 = arith.muli %scan3A_6, %mul3A_9 : i32
      %add3A_11 = arith.addi %mul3A_8, %mul3A_10 : i32
      "tpu.region"() ({
        %run_scoped3A = tpu.sem_alloc : memref<!tpu.dma_semaphore, #tpu.memory_space<semaphore_mem>>
        %dma_start3A = tpu.memref_slice %arg2[%add3A_11] : memref<262144xf32, #tpu.memory_space<hbm>> -> memref<1024xf32, #tpu.memory_space<hbm>>
        %dma_start3A_20 = tpu.memref_slice %arg2[%add3A_11] : memref<262144xf32, #tpu.memory_space<hbm>> -> memref<1024xf32, #tpu.memory_space<hbm>>
        tpu.enqueue_dma source(%dma_start3A_20 : memref<1024xf32, #tpu.memory_space<hbm>>) target(%arg9 : memref<1024xf32, #tpu.memory_space<vmem>>) target_semaphore(%run_scoped3A : memref<!tpu.dma_semaphore, #tpu.memory_space<semaphore_mem>>)
        %dma_wait3A = tpu.memref_slice %arg2[%add3A_11] : memref<262144xf32, #tpu.memory_space<hbm>> -> memref<1024xf32, #tpu.memory_space<hbm>>
        %dma_wait3A_21 = tpu.memref_slice %arg2[%add3A_11] : memref<262144xf32, #tpu.memory_space<hbm>> -> memref<1024xf32, #tpu.memory_space<hbm>>
        tpu.wait_dma2 semaphore(%run_scoped3A : memref<!tpu.dma_semaphore, #tpu.memory_space<semaphore_mem>>) src(%dma_wait3A_21 : memref<1024xf32, #tpu.memory_space<hbm>>) dst(%arg9 : memref<1024xf32, #tpu.memory_space<vmem>>)
        tpu.yield
      }) : () -> ()
      "tpu.region"() ({
        %run_scoped3A = tpu.sem_alloc : memref<!tpu.dma_semaphore, #tpu.memory_space<semaphore_mem>>
        %dma_start3A = tpu.memref_slice %arg3[%add3A_11] : memref<262144xf32, #tpu.memory_space<hbm>> -> memref<1024xf32, #tpu.memory_space<hbm>>
        %dma_start3A_20 = tpu.memref_slice %arg3[%add3A_11] : memref<262144xf32, #tpu.memory_space<hbm>> -> memref<1024xf32, #tpu.memory_space<hbm>>
        tpu.enqueue_dma source(%dma_start3A_20 : memref<1024xf32, #tpu.memory_space<hbm>>) target(%arg10 : memref<1024xf32, #tpu.memory_space<vmem>>) target_semaphore(%run_scoped3A : memref<!tpu.dma_semaphore, #tpu.memory_space<semaphore_mem>>)
        %dma_wait3A = tpu.memref_slice %arg3[%add3A_11] : memref<262144xf32, #tpu.memory_space<hbm>> -> memref<1024xf32, #tpu.memory_space<hbm>>
        %dma_wait3A_21 = tpu.memref_slice %arg3[%add3A_11] : memref<262144xf32, #tpu.memory_space<hbm>> -> memref<1024xf32, #tpu.memory_space<hbm>>
        tpu.wait_dma2 semaphore(%run_scoped3A : memref<!tpu.dma_semaphore, #tpu.memory_space<semaphore_mem>>) src(%dma_wait3A_21 : memref<1024xf32, #tpu.memory_space<hbm>>) dst(%arg10 : memref<1024xf32, #tpu.memory_space<vmem>>)
        tpu.yield
      }) : () -> ()
      "tpu.region"() ({
        %run_scoped3A = tpu.sem_alloc : memref<!tpu.dma_semaphore, #tpu.memory_space<semaphore_mem>>
        %dma_start3A = tpu.memref_slice %arg4[%add3A_11] : memref<262144xf32, #tpu.memory_space<hbm>> -> memref<1024xf32, #tpu.memory_space<hbm>>
        %dma_start3A_20 = tpu.memref_slice %arg4[%add3A_11] : memref<262144xf32, #tpu.memory_space<hbm>> -> memref<1024xf32, #tpu.memory_space<hbm>>
        tpu.enqueue_dma source(%dma_start3A_20 : memref<1024xf32, #tpu.memory_space<hbm>>) target(%arg11 : memref<1024xf32, #tpu.memory_space<vmem>>) target_semaphore(%run_scoped3A : memref<!tpu.dma_semaphore, #tpu.memory_space<semaphore_mem>>)
        %dma_wait3A = tpu.memref_slice %arg4[%add3A_11] : memref<262144xf32, #tpu.memory_space<hbm>> -> memref<1024xf32, #tpu.memory_space<hbm>>
        %dma_wait3A_21 = tpu.memref_slice %arg4[%add3A_11] : memref<262144xf32, #tpu.memory_space<hbm>> -> memref<1024xf32, #tpu.memory_space<hbm>>
        tpu.wait_dma2 semaphore(%run_scoped3A : memref<!tpu.dma_semaphore, #tpu.memory_space<semaphore_mem>>) src(%dma_wait3A_21 : memref<1024xf32, #tpu.memory_space<hbm>>) dst(%arg11 : memref<1024xf32, #tpu.memory_space<vmem>>)
        tpu.yield
      }) : () -> ()
      "tpu.region"() ({
        %run_scoped3A = tpu.sem_alloc : memref<!tpu.dma_semaphore, #tpu.memory_space<semaphore_mem>>
        %dma_start3A = tpu.memref_slice %arg5[%add3A_11] : memref<262144xf32, #tpu.memory_space<hbm>> -> memref<1024xf32, #tpu.memory_space<hbm>>
        %dma_start3A_20 = tpu.memref_slice %arg5[%add3A_11] : memref<262144xf32, #tpu.memory_space<hbm>> -> memref<1024xf32, #tpu.memory_space<hbm>>
        tpu.enqueue_dma source(%dma_start3A_20 : memref<1024xf32, #tpu.memory_space<hbm>>) target(%arg12 : memref<1024xf32, #tpu.memory_space<vmem>>) target_semaphore(%run_scoped3A : memref<!tpu.dma_semaphore, #tpu.memory_space<semaphore_mem>>)
        %dma_wait3A = tpu.memref_slice %arg5[%add3A_11] : memref<262144xf32, #tpu.memory_space<hbm>> -> memref<1024xf32, #tpu.memory_space<hbm>>
        %dma_wait3A_21 = tpu.memref_slice %arg5[%add3A_11] : memref<262144xf32, #tpu.memory_space<hbm>> -> memref<1024xf32, #tpu.memory_space<hbm>>
        tpu.wait_dma2 semaphore(%run_scoped3A : memref<!tpu.dma_semaphore, #tpu.memory_space<semaphore_mem>>) src(%dma_wait3A_21 : memref<1024xf32, #tpu.memory_space<hbm>>) dst(%arg12 : memref<1024xf32, #tpu.memory_space<vmem>>)
        tpu.yield
      }) : () -> ()
      %scan3A_12 = arith.constant 0 : i32
      %scan3A_13 = arith.constant 0 : i32
      %scan3A_14 = arith.constant 68 : i32
      %scan3A_15 = arith.addi %scan3A_13, %scan3A_14 : i32
      %scan3A_16 = arith.constant 1 : i32
      scf.for %scan3A_20 = %scan3A_13 to %scan3A_15 step %scan3A_16  : i32 {
        %rem3A = arith.constant 4 : i32
        %rem3A_21 = arith.remsi %scan3A_20, %rem3A : i32
        %ge3A = arith.constant 4 : i32
        %ge3A_22 = arith.cmpi sge, %scan3A_20, %ge3A : i32
        %convert_element_type3A = arith.extui %ge3A_22 : i1 to i32
        %cond3A = arith.constant 0 : i32
        %cond3A_23 = arith.cmpi ne, %convert_element_type3A, %cond3A : i32
        scf.if %cond3A_23 {
          %sub3A = arith.constant 4 : i32
          %sub3A_28 = arith.subi %scan3A_20, %sub3A : i32
          %mul3A_29 = arith.constant 1408 : i32
          %mul3A_30 = arith.muli %rem3A_21, %mul3A_29 : i32
          %mul3A_31 = arith.constant 1408 : i32
          %mul3A_32 = arith.muli %rem3A_21, %mul3A_31 : i32
          %dma_wait3A = tpu.memref_slice %arg14[%mul3A_32] : memref<5632xi32, #tpu.memory_space<vmem>> -> memref<1408xi32, #tpu.memory_space<vmem>>
          %dma_wait3A_33 = tpu.memref_slice %arg13[%mul3A_30] : memref<5632xi32, #tpu.memory_space<vmem>> -> memref<1408xi32, #tpu.memory_space<vmem>>
          %dma_wait3A_34 = arith.constant 0 : i32
          %dma_wait3A_35 = tpu.memref_slice %arg6[%dma_wait3A_34] : memref<8388608xi32, #tpu.memory_space<hbm>> -> memref<8388608xi32, #tpu.memory_space<hbm>>
          tpu.wait_indirect_dma semaphore(%arg17 : memref<!tpu.dma_semaphore, #tpu.memory_space<semaphore_mem>>) src(%dma_wait3A_35 : memref<8388608xi32, #tpu.memory_space<hbm>>) dst(%dma_wait3A : memref<1408xi32, #tpu.memory_space<vmem>>)
          %mul3A_36 = arith.constant 16 : i32
          %mul3A_37 = arith.muli %sub3A_28, %mul3A_36 : i32
          %get3A = arith.index_cast %mul3A_37 : i32 to index
          %get3A_38 = tpu.vector_load %arg12[%get3A] {strides = array<i32>} : memref<1024xf32, #tpu.memory_space<vmem>>, vector<16xf32>,
          %get3A_39 = arith.index_cast %mul3A_37 : i32 to index
          %get3A_40 = tpu.vector_load %arg9[%get3A_39] {strides = array<i32>} : memref<1024xf32, #tpu.memory_space<vmem>>, vector<16xf32>,
          %mul3A_41 = arith.mulf %get3A_40, %get3A_38 : vector<16xf32>
          %get3A_42 = arith.index_cast %mul3A_37 : i32 to index
          %get3A_43 = tpu.vector_load %arg10[%get3A_42] {strides = array<i32>} : memref<1024xf32, #tpu.memory_space<vmem>>, vector<16xf32>,
          %mul3A_44 = arith.mulf %get3A_43, %get3A_38 : vector<16xf32>
          %get3A_45 = arith.index_cast %mul3A_37 : i32 to index
          %get3A_46 = tpu.vector_load %arg11[%get3A_45] {strides = array<i32>} : memref<1024xf32, #tpu.memory_space<vmem>>, vector<16xf32>,
          %mul3A_47 = arith.mulf %get3A_46, %get3A_38 : vector<16xf32>
          %add3A_48 = vector.broadcast %mul3A_37 : i32 to vector<16xi32>
          %add3A_49 = arith.addi %add3A_48, %iota3A : vector<16xi32>
          %mul3A_50 = arith.constant 32 : i32
          %mul3A_51 = vector.broadcast %mul3A_50 : i32 to vector<16xi32>
          %mul3A_52 = arith.muli %add3A_49, %mul3A_51 : vector<16xi32>
          %mul3A_53 = arith.constant 2.000000e+00 : f32
          %mul3A_54 = vector.broadcast %mul3A_53 : f32 to vector<16xf32>
          %mul3A_55 = arith.mulf %mul3A_41, %mul3A_54 : vector<16xf32>
          %mul3A_56 = arith.constant 2.000000e+00 : f32
          %mul3A_57 = vector.broadcast %mul3A_56 : f32 to vector<16xf32>
          %mul3A_58 = arith.mulf %mul3A_44, %mul3A_57 : vector<16xf32>
          %mul3A_59 = arith.constant 2.000000e+00 : f32
          %mul3A_60 = vector.broadcast %mul3A_59 : f32 to vector<16xf32>
          %mul3A_61 = arith.mulf %mul3A_47, %mul3A_60 : vector<16xf32>
          %convert_element_type3A_62 = arith.fptosi %mul3A_55 : vector<16xf32> to vector<16xi32>
          %convert_element_type3A_63 = arith.fptosi %mul3A_58 : vector<16xf32> to vector<16xi32>
          %convert_element_type3A_64 = arith.fptosi %mul3A_61 : vector<16xf32> to vector<16xi32>
          %convert_element_type3A_65 = arith.sitofp %convert_element_type3A_62 : vector<16xi32> to vector<16xf32>
          %sub3A_66 = arith.subf %mul3A_55, %convert_element_type3A_65 : vector<16xf32>
          %convert_element_type3A_67 = arith.sitofp %convert_element_type3A_63 : vector<16xi32> to vector<16xf32>
          %sub3A_68 = arith.subf %mul3A_58, %convert_element_type3A_67 : vector<16xf32>
          %convert_element_type3A_69 = arith.sitofp %convert_element_type3A_64 : vector<16xi32> to vector<16xf32>
          %sub3A_70 = arith.subf %mul3A_61, %convert_element_type3A_69 : vector<16xf32>
          %sub3A_71 = arith.constant 1.000000e+00 : f32
          %sub3A_72 = vector.broadcast %sub3A_71 : f32 to vector<16xf32>
          %sub3A_73 = arith.subf %sub3A_72, %sub3A_66 : vector<16xf32>
          %sub3A_74 = arith.constant 1.000000e+00 : f32
          %sub3A_75 = vector.broadcast %sub3A_74 : f32 to vector<16xf32>
          %sub3A_76 = arith.subf %sub3A_75, %sub3A_68 : vector<16xf32>
          %sub3A_77 = arith.constant 1.000000e+00 : f32
          %sub3A_78 = vector.broadcast %sub3A_77 : f32 to vector<16xf32>
          %sub3A_79 = arith.subf %sub3A_78, %sub3A_70 : vector<16xf32>
          %broadcast_in_dim3A = arith.constant 0.000000e+00 : f32
          %broadcast_in_dim3A_80 = vector.broadcast %broadcast_in_dim3A : f32 to vector<16xf32>
          %broadcast_in_dim3A_81 = arith.constant 0.000000e+00 : f32
          %broadcast_in_dim3A_82 = vector.broadcast %broadcast_in_dim3A_81 : f32 to vector<16xf32>
          %mul3A_83 = arith.constant 9 : i32
          %mul3A_84 = vector.broadcast %mul3A_83 : i32 to vector<16xi32>
          %mul3A_85 = arith.muli %convert_element_type3A_62, %mul3A_84 : vector<16xi32>
          %mul3A_86 = arith.constant 3 : i32
          %mul3A_87 = vector.broadcast %mul3A_86 : i32 to vector<16xi32>
          %mul3A_88 = arith.muli %convert_element_type3A_63, %mul3A_87 : vector<16xi32>
          %add3A_89 = arith.addi %mul3A_85, %mul3A_88 : vector<16xi32>
          %add3A_90 = arith.addi %add3A_89, %convert_element_type3A_64 : vector<16xi32>
          %add3A_91 = arith.constant 0 : i32
          %add3A_92 = vector.broadcast %add3A_91 : i32 to vector<16xi32>
          %add3A_93 = arith.addi %add3A_90, %add3A_92 : vector<16xi32>
          %mul3A_94 = arith.mulf %sub3A_73, %sub3A_76 : vector<16xf32>
          %mul3A_95 = arith.mulf %mul3A_94, %sub3A_79 : vector<16xf32>
          %add3A_96 = arith.constant 0 : i32
          %add3A_97 = vector.broadcast %add3A_96 : i32 to vector<16xi32>
          %add3A_98 = arith.addi %add3A_93, %add3A_97 : vector<16xi32>
          %gather3A = tpu.vector_load_idx %arg16[%add3A_98] : memref<45056xi32, #tpu.memory_space<vmem>>[vector<16xi32>], vector<16xi32>,
          %and3A = arith.constant -65536 : i32
          %and3A_99 = vector.broadcast %and3A : i32 to vector<16xi32>
          %and3A_100 = arith.andi %gather3A, %and3A_99 : vector<16xi32>
          %bitcast3A = vector.bitcast %and3A_100 : vector<16xi32> to vector<16xf32>
          %shift_left3A = arith.constant 16 : i32
          %shift_left3A_101 = vector.broadcast %shift_left3A : i32 to vector<16xi32>
          %shift_left3A_102 = arith.shli %gather3A, %shift_left3A_101 : vector<16xi32>
          %bitcast3A_103 = vector.bitcast %shift_left3A_102 : vector<16xi32> to vector<16xf32>
          %mul3A_104 = arith.mulf %bitcast3A, %mul3A_95 : vector<16xf32>
          %add3A_105 = arith.addf %broadcast_in_dim3A_80, %mul3A_104 : vector<16xf32>
          %mul3A_106 = arith.mulf %bitcast3A_103, %mul3A_95 : vector<16xf32>
          %add3A_107 = arith.addf %broadcast_in_dim3A_82, %mul3A_106 : vector<16xf32>
          %mul3A_108 = arith.mulf %sub3A_73, %sub3A_76 : vector<16xf32>
          %mul3A_109 = arith.mulf %mul3A_108, %sub3A_70 : vector<16xf32>
          %add3A_110 = arith.constant 1 : i32
          %add3A_111 = vector.broadcast %add3A_110 : i32 to vector<16xi32>
          %add3A_112 = arith.addi %add3A_93, %add3A_111 : vector<16xi32>
          %gather3A_113 = tpu.vector_load_idx %arg16[%add3A_112] : memref<45056xi32, #tpu.memory_space<vmem>>[vector<16xi32>], vector<16xi32>,
          %and3A_114 = arith.constant -65536 : i32
          %and3A_115 = vector.broadcast %and3A_114 : i32 to vector<16xi32>
          %and3A_116 = arith.andi %gather3A_113, %and3A_115 : vector<16xi32>
          %bitcast3A_117 = vector.bitcast %and3A_116 : vector<16xi32> to vector<16xf32>
          %shift_left3A_118 = arith.constant 16 : i32
          %shift_left3A_119 = vector.broadcast %shift_left3A_118 : i32 to vector<16xi32>
          %shift_left3A_120 = arith.shli %gather3A_113, %shift_left3A_119 : vector<16xi32>
          %bitcast3A_121 = vector.bitcast %shift_left3A_120 : vector<16xi32> to vector<16xf32>
          %mul3A_122 = arith.mulf %bitcast3A_117, %mul3A_109 : vector<16xf32>
          %add3A_123 = arith.addf %add3A_105, %mul3A_122 : vector<16xf32>
          %mul3A_124 = arith.mulf %bitcast3A_121, %mul3A_109 : vector<16xf32>
          %add3A_125 = arith.addf %add3A_107, %mul3A_124 : vector<16xf32>
          %mul3A_126 = arith.mulf %sub3A_73, %sub3A_68 : vector<16xf32>
          %mul3A_127 = arith.mulf %mul3A_126, %sub3A_79 : vector<16xf32>
          %add3A_128 = arith.constant 3 : i32
          %add3A_129 = vector.broadcast %add3A_128 : i32 to vector<16xi32>
          %add3A_130 = arith.addi %add3A_93, %add3A_129 : vector<16xi32>
          %gather3A_131 = tpu.vector_load_idx %arg16[%add3A_130] : memref<45056xi32, #tpu.memory_space<vmem>>[vector<16xi32>], vector<16xi32>,
          %and3A_132 = arith.constant -65536 : i32
          %and3A_133 = vector.broadcast %and3A_132 : i32 to vector<16xi32>
          %and3A_134 = arith.andi %gather3A_131, %and3A_133 : vector<16xi32>
          %bitcast3A_135 = vector.bitcast %and3A_134 : vector<16xi32> to vector<16xf32>
          %shift_left3A_136 = arith.constant 16 : i32
          %shift_left3A_137 = vector.broadcast %shift_left3A_136 : i32 to vector<16xi32>
          %shift_left3A_138 = arith.shli %gather3A_131, %shift_left3A_137 : vector<16xi32>
          %bitcast3A_139 = vector.bitcast %shift_left3A_138 : vector<16xi32> to vector<16xf32>
          %mul3A_140 = arith.mulf %bitcast3A_135, %mul3A_127 : vector<16xf32>
          %add3A_141 = arith.addf %add3A_123, %mul3A_140 : vector<16xf32>
          %mul3A_142 = arith.mulf %bitcast3A_139, %mul3A_127 : vector<16xf32>
          %add3A_143 = arith.addf %add3A_125, %mul3A_142 : vector<16xf32>
          %mul3A_144 = arith.mulf %sub3A_73, %sub3A_68 : vector<16xf32>
          %mul3A_145 = arith.mulf %mul3A_144, %sub3A_70 : vector<16xf32>
          %add3A_146 = arith.constant 4 : i32
          %add3A_147 = vector.broadcast %add3A_146 : i32 to vector<16xi32>
          %add3A_148 = arith.addi %add3A_93, %add3A_147 : vector<16xi32>
          %gather3A_149 = tpu.vector_load_idx %arg16[%add3A_148] : memref<45056xi32, #tpu.memory_space<vmem>>[vector<16xi32>], vector<16xi32>,
          %and3A_150 = arith.constant -65536 : i32
          %and3A_151 = vector.broadcast %and3A_150 : i32 to vector<16xi32>
          %and3A_152 = arith.andi %gather3A_149, %and3A_151 : vector<16xi32>
          %bitcast3A_153 = vector.bitcast %and3A_152 : vector<16xi32> to vector<16xf32>
          %shift_left3A_154 = arith.constant 16 : i32
          %shift_left3A_155 = vector.broadcast %shift_left3A_154 : i32 to vector<16xi32>
          %shift_left3A_156 = arith.shli %gather3A_149, %shift_left3A_155 : vector<16xi32>
          %bitcast3A_157 = vector.bitcast %shift_left3A_156 : vector<16xi32> to vector<16xf32>
          %mul3A_158 = arith.mulf %bitcast3A_153, %mul3A_145 : vector<16xf32>
          %add3A_159 = arith.addf %add3A_141, %mul3A_158 : vector<16xf32>
          %mul3A_160 = arith.mulf %bitcast3A_157, %mul3A_145 : vector<16xf32>
          %add3A_161 = arith.addf %add3A_143, %mul3A_160 : vector<16xf32>
          %mul3A_162 = arith.mulf %sub3A_66, %sub3A_76 : vector<16xf32>
          %mul3A_163 = arith.mulf %mul3A_162, %sub3A_79 : vector<16xf32>
          %add3A_164 = arith.constant 9 : i32
          %add3A_165 = vector.broadcast %add3A_164 : i32 to vector<16xi32>
          %add3A_166 = arith.addi %add3A_93, %add3A_165 : vector<16xi32>
          %gather3A_167 = tpu.vector_load_idx %arg16[%add3A_166] : memref<45056xi32, #tpu.memory_space<vmem>>[vector<16xi32>], vector<16xi32>,
          %and3A_168 = arith.constant -65536 : i32
          %and3A_169 = vector.broadcast %and3A_168 : i32 to vector<16xi32>
          %and3A_170 = arith.andi %gather3A_167, %and3A_169 : vector<16xi32>
          %bitcast3A_171 = vector.bitcast %and3A_170 : vector<16xi32> to vector<16xf32>
          %shift_left3A_172 = arith.constant 16 : i32
          %shift_left3A_173 = vector.broadcast %shift_left3A_172 : i32 to vector<16xi32>
          %shift_left3A_174 = arith.shli %gather3A_167, %shift_left3A_173 : vector<16xi32>
          %bitcast3A_175 = vector.bitcast %shift_left3A_174 : vector<16xi32> to vector<16xf32>
          %mul3A_176 = arith.mulf %bitcast3A_171, %mul3A_163 : vector<16xf32>
          %add3A_177 = arith.addf %add3A_159, %mul3A_176 : vector<16xf32>
          %mul3A_178 = arith.mulf %bitcast3A_175, %mul3A_163 : vector<16xf32>
          %add3A_179 = arith.addf %add3A_161, %mul3A_178 : vector<16xf32>
          %mul3A_180 = arith.mulf %sub3A_66, %sub3A_76 : vector<16xf32>
          %mul3A_181 = arith.mulf %mul3A_180, %sub3A_70 : vector<16xf32>
          %add3A_182 = arith.constant 10 : i32
          %add3A_183 = vector.broadcast %add3A_182 : i32 to vector<16xi32>
          %add3A_184 = arith.addi %add3A_93, %add3A_183 : vector<16xi32>
          %gather3A_185 = tpu.vector_load_idx %arg16[%add3A_184] : memref<45056xi32, #tpu.memory_space<vmem>>[vector<16xi32>], vector<16xi32>,
          %and3A_186 = arith.constant -65536 : i32
          %and3A_187 = vector.broadcast %and3A_186 : i32 to vector<16xi32>
          %and3A_188 = arith.andi %gather3A_185, %and3A_187 : vector<16xi32>
          %bitcast3A_189 = vector.bitcast %and3A_188 : vector<16xi32> to vector<16xf32>
          %shift_left3A_190 = arith.constant 16 : i32
          %shift_left3A_191 = vector.broadcast %shift_left3A_190 : i32 to vector<16xi32>
          %shift_left3A_192 = arith.shli %gather3A_185, %shift_left3A_191 : vector<16xi32>
          %bitcast3A_193 = vector.bitcast %shift_left3A_192 : vector<16xi32> to vector<16xf32>
          %mul3A_194 = arith.mulf %bitcast3A_189, %mul3A_181 : vector<16xf32>
          %add3A_195 = arith.addf %add3A_177, %mul3A_194 : vector<16xf32>
          %mul3A_196 = arith.mulf %bitcast3A_193, %mul3A_181 : vector<16xf32>
          %add3A_197 = arith.addf %add3A_179, %mul3A_196 : vector<16xf32>
          %mul3A_198 = arith.mulf %sub3A_66, %sub3A_68 : vector<16xf32>
          %mul3A_199 = arith.mulf %mul3A_198, %sub3A_79 : vector<16xf32>
          %add3A_200 = arith.constant 12 : i32
          %add3A_201 = vector.broadcast %add3A_200 : i32 to vector<16xi32>
          %add3A_202 = arith.addi %add3A_93, %add3A_201 : vector<16xi32>
          %gather3A_203 = tpu.vector_load_idx %arg16[%add3A_202] : memref<45056xi32, #tpu.memory_space<vmem>>[vector<16xi32>], vector<16xi32>,
          %and3A_204 = arith.constant -65536 : i32
          %and3A_205 = vector.broadcast %and3A_204 : i32 to vector<16xi32>
          %and3A_206 = arith.andi %gather3A_203, %and3A_205 : vector<16xi32>
          %bitcast3A_207 = vector.bitcast %and3A_206 : vector<16xi32> to vector<16xf32>
          %shift_left3A_208 = arith.constant 16 : i32
          %shift_left3A_209 = vector.broadcast %shift_left3A_208 : i32 to vector<16xi32>
          %shift_left3A_210 = arith.shli %gather3A_203, %shift_left3A_209 : vector<16xi32>
          %bitcast3A_211 = vector.bitcast %shift_left3A_210 : vector<16xi32> to vector<16xf32>
          %mul3A_212 = arith.mulf %bitcast3A_207, %mul3A_199 : vector<16xf32>
          %add3A_213 = arith.addf %add3A_195, %mul3A_212 : vector<16xf32>
          %mul3A_214 = arith.mulf %bitcast3A_211, %mul3A_199 : vector<16xf32>
          %add3A_215 = arith.addf %add3A_197, %mul3A_214 : vector<16xf32>
          %mul3A_216 = arith.mulf %sub3A_66, %sub3A_68 : vector<16xf32>
          %mul3A_217 = arith.mulf %mul3A_216, %sub3A_70 : vector<16xf32>
          %add3A_218 = arith.constant 13 : i32
          %add3A_219 = vector.broadcast %add3A_218 : i32 to vector<16xi32>
          %add3A_220 = arith.addi %add3A_93, %add3A_219 : vector<16xi32>
          %gather3A_221 = tpu.vector_load_idx %arg16[%add3A_220] : memref<45056xi32, #tpu.memory_space<vmem>>[vector<16xi32>], vector<16xi32>,
          %and3A_222 = arith.constant -65536 : i32
          %and3A_223 = vector.broadcast %and3A_222 : i32 to vector<16xi32>
          %and3A_224 = arith.andi %gather3A_221, %and3A_223 : vector<16xi32>
          %bitcast3A_225 = vector.bitcast %and3A_224 : vector<16xi32> to vector<16xf32>
          %shift_left3A_226 = arith.constant 16 : i32
          %shift_left3A_227 = vector.broadcast %shift_left3A_226 : i32 to vector<16xi32>
          %shift_left3A_228 = arith.shli %gather3A_221, %shift_left3A_227 : vector<16xi32>
          %bitcast3A_229 = vector.bitcast %shift_left3A_228 : vector<16xi32> to vector<16xf32>
          %mul3A_230 = arith.mulf %bitcast3A_225, %mul3A_217 : vector<16xf32>
          %add3A_231 = arith.addf %add3A_213, %mul3A_230 : vector<16xf32>
          %mul3A_232 = arith.mulf %bitcast3A_229, %mul3A_217 : vector<16xf32>
          %add3A_233 = arith.addf %add3A_215, %mul3A_232 : vector<16xf32>
          %add3A_234 = arith.constant 0 : i32
          %add3A_235 = vector.broadcast %add3A_234 : i32 to vector<16xi32>
          %add3A_236 = arith.addi %mul3A_52, %add3A_235 : vector<16xi32>
          tpu.vector_store_idx %arg15[%add3A_236], %add3A_231 : memref<32768xf32, #tpu.memory_space<vmem>>[vector<16xi32>], vector<16xf32>,
          %add3A_237 = arith.constant 1 : i32
          %add3A_238 = vector.broadcast %add3A_237 : i32 to vector<16xi32>
          %add3A_239 = arith.addi %mul3A_52, %add3A_238 : vector<16xi32>
          tpu.vector_store_idx %arg15[%add3A_239], %add3A_233 : memref<32768xf32, #tpu.memory_space<vmem>>[vector<16xi32>], vector<16xf32>,
          %mul3A_240 = arith.constant 4.000000e+00 : f32
          %mul3A_241 = vector.broadcast %mul3A_240 : f32 to vector<16xf32>
          %mul3A_242 = arith.mulf %mul3A_41, %mul3A_241 : vector<16xf32>
          %mul3A_243 = arith.constant 4.000000e+00 : f32
          %mul3A_244 = vector.broadcast %mul3A_243 : f32 to vector<16xf32>
          %mul3A_245 = arith.mulf %mul3A_44, %mul3A_244 : vector<16xf32>
          %mul3A_246 = arith.constant 4.000000e+00 : f32
          %mul3A_247 = vector.broadcast %mul3A_246 : f32 to vector<16xf32>
          %mul3A_248 = arith.mulf %mul3A_47, %mul3A_247 : vector<16xf32>
          %convert_element_type3A_249 = arith.fptosi %mul3A_242 : vector<16xf32> to vector<16xi32>
          %convert_element_type3A_250 = arith.fptosi %mul3A_245 : vector<16xf32> to vector<16xi32>
          %convert_element_type3A_251 = arith.fptosi %mul3A_248 : vector<16xf32> to vector<16xi32>
          %convert_element_type3A_252 = arith.sitofp %convert_element_type3A_249 : vector<16xi32> to vector<16xf32>
          %sub3A_253 = arith.subf %mul3A_242, %convert_element_type3A_252 : vector<16xf32>
          %convert_element_type3A_254 = arith.sitofp %convert_element_type3A_250 : vector<16xi32> to vector<16xf32>
          %sub3A_255 = arith.subf %mul3A_245, %convert_element_type3A_254 : vector<16xf32>
          %convert_element_type3A_256 = arith.sitofp %convert_element_type3A_251 : vector<16xi32> to vector<16xf32>
          %sub3A_257 = arith.subf %mul3A_248, %convert_element_type3A_256 : vector<16xf32>
          %sub3A_258 = arith.constant 1.000000e+00 : f32
          %sub3A_259 = vector.broadcast %sub3A_258 : f32 to vector<16xf32>
          %sub3A_260 = arith.subf %sub3A_259, %sub3A_253 : vector<16xf32>
          %sub3A_261 = arith.constant 1.000000e+00 : f32
          %sub3A_262 = vector.broadcast %sub3A_261 : f32 to vector<16xf32>
          %sub3A_263 = arith.subf %sub3A_262, %sub3A_255 : vector<16xf32>
          %sub3A_264 = arith.constant 1.000000e+00 : f32
          %sub3A_265 = vector.broadcast %sub3A_264 : f32 to vector<16xf32>
          %sub3A_266 = arith.subf %sub3A_265, %sub3A_257 : vector<16xf32>
          %broadcast_in_dim3A_267 = arith.constant 0.000000e+00 : f32
          %broadcast_in_dim3A_268 = vector.broadcast %broadcast_in_dim3A_267 : f32 to vector<16xf32>
          %broadcast_in_dim3A_269 = arith.constant 0.000000e+00 : f32
          %broadcast_in_dim3A_270 = vector.broadcast %broadcast_in_dim3A_269 : f32 to vector<16xf32>
          %mul3A_271 = arith.constant 25 : i32
          %mul3A_272 = vector.broadcast %mul3A_271 : i32 to vector<16xi32>
          %mul3A_273 = arith.muli %convert_element_type3A_249, %mul3A_272 : vector<16xi32>
          %mul3A_274 = arith.constant 5 : i32
          %mul3A_275 = vector.broadcast %mul3A_274 : i32 to vector<16xi32>
          %mul3A_276 = arith.muli %convert_element_type3A_250, %mul3A_275 : vector<16xi32>
          %add3A_277 = arith.addi %mul3A_273, %mul3A_276 : vector<16xi32>
          %add3A_278 = arith.addi %add3A_277, %convert_element_type3A_251 : vector<16xi32>
          %add3A_279 = arith.constant 27 : i32
          %add3A_280 = vector.broadcast %add3A_279 : i32 to vector<16xi32>
          %add3A_281 = arith.addi %add3A_278, %add3A_280 : vector<16xi32>
          %mul3A_282 = arith.mulf %sub3A_260, %sub3A_263 : vector<16xf32>
          %mul3A_283 = arith.mulf %mul3A_282, %sub3A_266 : vector<16xf32>
          %add3A_284 = arith.constant 0 : i32
          %add3A_285 = vector.broadcast %add3A_284 : i32 to vector<16xi32>
          %add3A_286 = arith.addi %add3A_281, %add3A_285 : vector<16xi32>
          %gather3A_287 = tpu.vector_load_idx %arg16[%add3A_286] : memref<45056xi32, #tpu.memory_space<vmem>>[vector<16xi32>], vector<16xi32>,
          %and3A_288 = arith.constant -65536 : i32
          %and3A_289 = vector.broadcast %and3A_288 : i32 to vector<16xi32>
          %and3A_290 = arith.andi %gather3A_287, %and3A_289 : vector<16xi32>
          %bitcast3A_291 = vector.bitcast %and3A_290 : vector<16xi32> to vector<16xf32>
          %shift_left3A_292 = arith.constant 16 : i32
          %shift_left3A_293 = vector.broadcast %shift_left3A_292 : i32 to vector<16xi32>
          %shift_left3A_294 = arith.shli %gather3A_287, %shift_left3A_293 : vector<16xi32>
          %bitcast3A_295 = vector.bitcast %shift_left3A_294 : vector<16xi32> to vector<16xf32>
          %mul3A_296 = arith.mulf %bitcast3A_291, %mul3A_283 : vector<16xf32>
          %add3A_297 = arith.addf %broadcast_in_dim3A_268, %mul3A_296 : vector<16xf32>
          %mul3A_298 = arith.mulf %bitcast3A_295, %mul3A_283 : vector<16xf32>
          %add3A_299 = arith.addf %broadcast_in_dim3A_270, %mul3A_298 : vector<16xf32>
          %mul3A_300 = arith.mulf %sub3A_260, %sub3A_263 : vector<16xf32>
          %mul3A_301 = arith.mulf %mul3A_300, %sub3A_257 : vector<16xf32>
          %add3A_302 = arith.constant 1 : i32
          %add3A_303 = vector.broadcast %add3A_302 : i32 to vector<16xi32>
          %add3A_304 = arith.addi %add3A_281, %add3A_303 : vector<16xi32>
          %gather3A_305 = tpu.vector_load_idx %arg16[%add3A_304] : memref<45056xi32, #tpu.memory_space<vmem>>[vector<16xi32>], vector<16xi32>,
          %and3A_306 = arith.constant -65536 : i32
          %and3A_307 = vector.broadcast %and3A_306 : i32 to vector<16xi32>
          %and3A_308 = arith.andi %gather3A_305, %and3A_307 : vector<16xi32>
          %bitcast3A_309 = vector.bitcast %and3A_308 : vector<16xi32> to vector<16xf32>
          %shift_left3A_310 = arith.constant 16 : i32
          %shift_left3A_311 = vector.broadcast %shift_left3A_310 : i32 to vector<16xi32>
          %shift_left3A_312 = arith.shli %gather3A_305, %shift_left3A_311 : vector<16xi32>
          %bitcast3A_313 = vector.bitcast %shift_left3A_312 : vector<16xi32> to vector<16xf32>
          %mul3A_314 = arith.mulf %bitcast3A_309, %mul3A_301 : vector<16xf32>
          %add3A_315 = arith.addf %add3A_297, %mul3A_314 : vector<16xf32>
          %mul3A_316 = arith.mulf %bitcast3A_313, %mul3A_301 : vector<16xf32>
          %add3A_317 = arith.addf %add3A_299, %mul3A_316 : vector<16xf32>
          %mul3A_318 = arith.mulf %sub3A_260, %sub3A_255 : vector<16xf32>
          %mul3A_319 = arith.mulf %mul3A_318, %sub3A_266 : vector<16xf32>
          %add3A_320 = arith.constant 5 : i32
          %add3A_321 = vector.broadcast %add3A_320 : i32 to vector<16xi32>
          %add3A_322 = arith.addi %add3A_281, %add3A_321 : vector<16xi32>
          %gather3A_323 = tpu.vector_load_idx %arg16[%add3A_322] : memref<45056xi32, #tpu.memory_space<vmem>>[vector<16xi32>], vector<16xi32>,
          %and3A_324 = arith.constant -65536 : i32
          %and3A_325 = vector.broadcast %and3A_324 : i32 to vector<16xi32>
          %and3A_326 = arith.andi %gather3A_323, %and3A_325 : vector<16xi32>
          %bitcast3A_327 = vector.bitcast %and3A_326 : vector<16xi32> to vector<16xf32>
          %shift_left3A_328 = arith.constant 16 : i32
          %shift_left3A_329 = vector.broadcast %shift_left3A_328 : i32 to vector<16xi32>
          %shift_left3A_330 = arith.shli %gather3A_323, %shift_left3A_329 : vector<16xi32>
          %bitcast3A_331 = vector.bitcast %shift_left3A_330 : vector<16xi32> to vector<16xf32>
          %mul3A_332 = arith.mulf %bitcast3A_327, %mul3A_319 : vector<16xf32>
          %add3A_333 = arith.addf %add3A_315, %mul3A_332 : vector<16xf32>
          %mul3A_334 = arith.mulf %bitcast3A_331, %mul3A_319 : vector<16xf32>
          %add3A_335 = arith.addf %add3A_317, %mul3A_334 : vector<16xf32>
          %mul3A_336 = arith.mulf %sub3A_260, %sub3A_255 : vector<16xf32>
          %mul3A_337 = arith.mulf %mul3A_336, %sub3A_257 : vector<16xf32>
          %add3A_338 = arith.constant 6 : i32
          %add3A_339 = vector.broadcast %add3A_338 : i32 to vector<16xi32>
          %add3A_340 = arith.addi %add3A_281, %add3A_339 : vector<16xi32>
          %gather3A_341 = tpu.vector_load_idx %arg16[%add3A_340] : memref<45056xi32, #tpu.memory_space<vmem>>[vector<16xi32>], vector<16xi32>,
          %and3A_342 = arith.constant -65536 : i32
          %and3A_343 = vector.broadcast %and3A_342 : i32 to vector<16xi32>
          %and3A_344 = arith.andi %gather3A_341, %and3A_343 : vector<16xi32>
          %bitcast3A_345 = vector.bitcast %and3A_344 : vector<16xi32> to vector<16xf32>
          %shift_left3A_346 = arith.constant 16 : i32
          %shift_left3A_347 = vector.broadcast %shift_left3A_346 : i32 to vector<16xi32>
          %shift_left3A_348 = arith.shli %gather3A_341, %shift_left3A_347 : vector<16xi32>
          %bitcast3A_349 = vector.bitcast %shift_left3A_348 : vector<16xi32> to vector<16xf32>
          %mul3A_350 = arith.mulf %bitcast3A_345, %mul3A_337 : vector<16xf32>
          %add3A_351 = arith.addf %add3A_333, %mul3A_350 : vector<16xf32>
          %mul3A_352 = arith.mulf %bitcast3A_349, %mul3A_337 : vector<16xf32>
          %add3A_353 = arith.addf %add3A_335, %mul3A_352 : vector<16xf32>
          %mul3A_354 = arith.mulf %sub3A_253, %sub3A_263 : vector<16xf32>
          %mul3A_355 = arith.mulf %mul3A_354, %sub3A_266 : vector<16xf32>
          %add3A_356 = arith.constant 25 : i32
          %add3A_357 = vector.broadcast %add3A_356 : i32 to vector<16xi32>
          %add3A_358 = arith.addi %add3A_281, %add3A_357 : vector<16xi32>
          %gather3A_359 = tpu.vector_load_idx %arg16[%add3A_358] : memref<45056xi32, #tpu.memory_space<vmem>>[vector<16xi32>], vector<16xi32>,
          %and3A_360 = arith.constant -65536 : i32
          %and3A_361 = vector.broadcast %and3A_360 : i32 to vector<16xi32>
          %and3A_362 = arith.andi %gather3A_359, %and3A_361 : vector<16xi32>
          %bitcast3A_363 = vector.bitcast %and3A_362 : vector<16xi32> to vector<16xf32>
          %shift_left3A_364 = arith.constant 16 : i32
          %shift_left3A_365 = vector.broadcast %shift_left3A_364 : i32 to vector<16xi32>
          %shift_left3A_366 = arith.shli %gather3A_359, %shift_left3A_365 : vector<16xi32>
          %bitcast3A_367 = vector.bitcast %shift_left3A_366 : vector<16xi32> to vector<16xf32>
          %mul3A_368 = arith.mulf %bitcast3A_363, %mul3A_355 : vector<16xf32>
          %add3A_369 = arith.addf %add3A_351, %mul3A_368 : vector<16xf32>
          %mul3A_370 = arith.mulf %bitcast3A_367, %mul3A_355 : vector<16xf32>
          %add3A_371 = arith.addf %add3A_353, %mul3A_370 : vector<16xf32>
          %mul3A_372 = arith.mulf %sub3A_253, %sub3A_263 : vector<16xf32>
          %mul3A_373 = arith.mulf %mul3A_372, %sub3A_257 : vector<16xf32>
          %add3A_374 = arith.constant 26 : i32
          %add3A_375 = vector.broadcast %add3A_374 : i32 to vector<16xi32>
          %add3A_376 = arith.addi %add3A_281, %add3A_375 : vector<16xi32>
          %gather3A_377 = tpu.vector_load_idx %arg16[%add3A_376] : memref<45056xi32, #tpu.memory_space<vmem>>[vector<16xi32>], vector<16xi32>,
          %and3A_378 = arith.constant -65536 : i32
          %and3A_379 = vector.broadcast %and3A_378 : i32 to vector<16xi32>
          %and3A_380 = arith.andi %gather3A_377, %and3A_379 : vector<16xi32>
          %bitcast3A_381 = vector.bitcast %and3A_380 : vector<16xi32> to vector<16xf32>
          %shift_left3A_382 = arith.constant 16 : i32
          %shift_left3A_383 = vector.broadcast %shift_left3A_382 : i32 to vector<16xi32>
          %shift_left3A_384 = arith.shli %gather3A_377, %shift_left3A_383 : vector<16xi32>
          %bitcast3A_385 = vector.bitcast %shift_left3A_384 : vector<16xi32> to vector<16xf32>
          %mul3A_386 = arith.mulf %bitcast3A_381, %mul3A_373 : vector<16xf32>
          %add3A_387 = arith.addf %add3A_369, %mul3A_386 : vector<16xf32>
          %mul3A_388 = arith.mulf %bitcast3A_385, %mul3A_373 : vector<16xf32>
          %add3A_389 = arith.addf %add3A_371, %mul3A_388 : vector<16xf32>
          %mul3A_390 = arith.mulf %sub3A_253, %sub3A_255 : vector<16xf32>
          %mul3A_391 = arith.mulf %mul3A_390, %sub3A_266 : vector<16xf32>
          %add3A_392 = arith.constant 30 : i32
          %add3A_393 = vector.broadcast %add3A_392 : i32 to vector<16xi32>
          %add3A_394 = arith.addi %add3A_281, %add3A_393 : vector<16xi32>
          %gather3A_395 = tpu.vector_load_idx %arg16[%add3A_394] : memref<45056xi32, #tpu.memory_space<vmem>>[vector<16xi32>], vector<16xi32>,
          %and3A_396 = arith.constant -65536 : i32
          %and3A_397 = vector.broadcast %and3A_396 : i32 to vector<16xi32>
          %and3A_398 = arith.andi %gather3A_395, %and3A_397 : vector<16xi32>
          %bitcast3A_399 = vector.bitcast %and3A_398 : vector<16xi32> to vector<16xf32>
          %shift_left3A_400 = arith.constant 16 : i32
          %shift_left3A_401 = vector.broadcast %shift_left3A_400 : i32 to vector<16xi32>
          %shift_left3A_402 = arith.shli %gather3A_395, %shift_left3A_401 : vector<16xi32>
          %bitcast3A_403 = vector.bitcast %shift_left3A_402 : vector<16xi32> to vector<16xf32>
          %mul3A_404 = arith.mulf %bitcast3A_399, %mul3A_391 : vector<16xf32>
          %add3A_405 = arith.addf %add3A_387, %mul3A_404 : vector<16xf32>
          %mul3A_406 = arith.mulf %bitcast3A_403, %mul3A_391 : vector<16xf32>
          %add3A_407 = arith.addf %add3A_389, %mul3A_406 : vector<16xf32>
          %mul3A_408 = arith.mulf %sub3A_253, %sub3A_255 : vector<16xf32>
          %mul3A_409 = arith.mulf %mul3A_408, %sub3A_257 : vector<16xf32>
          %add3A_410 = arith.constant 31 : i32
          %add3A_411 = vector.broadcast %add3A_410 : i32 to vector<16xi32>
          %add3A_412 = arith.addi %add3A_281, %add3A_411 : vector<16xi32>
          %gather3A_413 = tpu.vector_load_idx %arg16[%add3A_412] : memref<45056xi32, #tpu.memory_space<vmem>>[vector<16xi32>], vector<16xi32>,
          %and3A_414 = arith.constant -65536 : i32
          %and3A_415 = vector.broadcast %and3A_414 : i32 to vector<16xi32>
          %and3A_416 = arith.andi %gather3A_413, %and3A_415 : vector<16xi32>
          %bitcast3A_417 = vector.bitcast %and3A_416 : vector<16xi32> to vector<16xf32>
          %shift_left3A_418 = arith.constant 16 : i32
          %shift_left3A_419 = vector.broadcast %shift_left3A_418 : i32 to vector<16xi32>
          %shift_left3A_420 = arith.shli %gather3A_413, %shift_left3A_419 : vector<16xi32>
          %bitcast3A_421 = vector.bitcast %shift_left3A_420 : vector<16xi32> to vector<16xf32>
          %mul3A_422 = arith.mulf %bitcast3A_417, %mul3A_409 : vector<16xf32>
          %add3A_423 = arith.addf %add3A_405, %mul3A_422 : vector<16xf32>
          %mul3A_424 = arith.mulf %bitcast3A_421, %mul3A_409 : vector<16xf32>
          %add3A_425 = arith.addf %add3A_407, %mul3A_424 : vector<16xf32>
          %add3A_426 = arith.constant 2 : i32
          %add3A_427 = vector.broadcast %add3A_426 : i32 to vector<16xi32>
          %add3A_428 = arith.addi %mul3A_52, %add3A_427 : vector<16xi32>
          tpu.vector_store_idx %arg15[%add3A_428], %add3A_423 : memref<32768xf32, #tpu.memory_space<vmem>>[vector<16xi32>], vector<16xf32>,
          %add3A_429 = arith.constant 3 : i32
          %add3A_430 = vector.broadcast %add3A_429 : i32 to vector<16xi32>
          %add3A_431 = arith.addi %mul3A_52, %add3A_430 : vector<16xi32>
          tpu.vector_store_idx %arg15[%add3A_431], %add3A_425 : memref<32768xf32, #tpu.memory_space<vmem>>[vector<16xi32>], vector<16xf32>,
          %mul3A_432 = arith.constant 8.000000e+00 : f32
          %mul3A_433 = vector.broadcast %mul3A_432 : f32 to vector<16xf32>
          %mul3A_434 = arith.mulf %mul3A_41, %mul3A_433 : vector<16xf32>
          %mul3A_435 = arith.constant 8.000000e+00 : f32
          %mul3A_436 = vector.broadcast %mul3A_435 : f32 to vector<16xf32>
          %mul3A_437 = arith.mulf %mul3A_44, %mul3A_436 : vector<16xf32>
          %mul3A_438 = arith.constant 8.000000e+00 : f32
          %mul3A_439 = vector.broadcast %mul3A_438 : f32 to vector<16xf32>
          %mul3A_440 = arith.mulf %mul3A_47, %mul3A_439 : vector<16xf32>
          %convert_element_type3A_441 = arith.fptosi %mul3A_434 : vector<16xf32> to vector<16xi32>
          %convert_element_type3A_442 = arith.fptosi %mul3A_437 : vector<16xf32> to vector<16xi32>
          %convert_element_type3A_443 = arith.fptosi %mul3A_440 : vector<16xf32> to vector<16xi32>
          %convert_element_type3A_444 = arith.sitofp %convert_element_type3A_441 : vector<16xi32> to vector<16xf32>
          %sub3A_445 = arith.subf %mul3A_434, %convert_element_type3A_444 : vector<16xf32>
          %convert_element_type3A_446 = arith.sitofp %convert_element_type3A_442 : vector<16xi32> to vector<16xf32>
          %sub3A_447 = arith.subf %mul3A_437, %convert_element_type3A_446 : vector<16xf32>
          %convert_element_type3A_448 = arith.sitofp %convert_element_type3A_443 : vector<16xi32> to vector<16xf32>
          %sub3A_449 = arith.subf %mul3A_440, %convert_element_type3A_448 : vector<16xf32>
          %sub3A_450 = arith.constant 1.000000e+00 : f32
          %sub3A_451 = vector.broadcast %sub3A_450 : f32 to vector<16xf32>
          %sub3A_452 = arith.subf %sub3A_451, %sub3A_445 : vector<16xf32>
          %sub3A_453 = arith.constant 1.000000e+00 : f32
          %sub3A_454 = vector.broadcast %sub3A_453 : f32 to vector<16xf32>
          %sub3A_455 = arith.subf %sub3A_454, %sub3A_447 : vector<16xf32>
          %sub3A_456 = arith.constant 1.000000e+00 : f32
          %sub3A_457 = vector.broadcast %sub3A_456 : f32 to vector<16xf32>
          %sub3A_458 = arith.subf %sub3A_457, %sub3A_449 : vector<16xf32>
          %broadcast_in_dim3A_459 = arith.constant 0.000000e+00 : f32
          %broadcast_in_dim3A_460 = vector.broadcast %broadcast_in_dim3A_459 : f32 to vector<16xf32>
          %broadcast_in_dim3A_461 = arith.constant 0.000000e+00 : f32
          %broadcast_in_dim3A_462 = vector.broadcast %broadcast_in_dim3A_461 : f32 to vector<16xf32>
          %mul3A_463 = arith.constant 81 : i32
          %mul3A_464 = vector.broadcast %mul3A_463 : i32 to vector<16xi32>
          %mul3A_465 = arith.muli %convert_element_type3A_441, %mul3A_464 : vector<16xi32>
          %mul3A_466 = arith.constant 9 : i32
          %mul3A_467 = vector.broadcast %mul3A_466 : i32 to vector<16xi32>
          %mul3A_468 = arith.muli %convert_element_type3A_442, %mul3A_467 : vector<16xi32>
          %add3A_469 = arith.addi %mul3A_465, %mul3A_468 : vector<16xi32>
          %add3A_470 = arith.addi %add3A_469, %convert_element_type3A_443 : vector<16xi32>
          %add3A_471 = arith.constant 152 : i32
          %add3A_472 = vector.broadcast %add3A_471 : i32 to vector<16xi32>
          %add3A_473 = arith.addi %add3A_470, %add3A_472 : vector<16xi32>
          %mul3A_474 = arith.mulf %sub3A_452, %sub3A_455 : vector<16xf32>
          %mul3A_475 = arith.mulf %mul3A_474, %sub3A_458 : vector<16xf32>
          %add3A_476 = arith.constant 0 : i32
          %add3A_477 = vector.broadcast %add3A_476 : i32 to vector<16xi32>
          %add3A_478 = arith.addi %add3A_473, %add3A_477 : vector<16xi32>
          %gather3A_479 = tpu.vector_load_idx %arg16[%add3A_478] : memref<45056xi32, #tpu.memory_space<vmem>>[vector<16xi32>], vector<16xi32>,
          %and3A_480 = arith.constant -65536 : i32
          %and3A_481 = vector.broadcast %and3A_480 : i32 to vector<16xi32>
          %and3A_482 = arith.andi %gather3A_479, %and3A_481 : vector<16xi32>
          %bitcast3A_483 = vector.bitcast %and3A_482 : vector<16xi32> to vector<16xf32>
          %shift_left3A_484 = arith.constant 16 : i32
          %shift_left3A_485 = vector.broadcast %shift_left3A_484 : i32 to vector<16xi32>
          %shift_left3A_486 = arith.shli %gather3A_479, %shift_left3A_485 : vector<16xi32>
          %bitcast3A_487 = vector.bitcast %shift_left3A_486 : vector<16xi32> to vector<16xf32>
          %mul3A_488 = arith.mulf %bitcast3A_483, %mul3A_475 : vector<16xf32>
          %add3A_489 = arith.addf %broadcast_in_dim3A_460, %mul3A_488 : vector<16xf32>
          %mul3A_490 = arith.mulf %bitcast3A_487, %mul3A_475 : vector<16xf32>
          %add3A_491 = arith.addf %broadcast_in_dim3A_462, %mul3A_490 : vector<16xf32>
          %mul3A_492 = arith.mulf %sub3A_452, %sub3A_455 : vector<16xf32>
          %mul3A_493 = arith.mulf %mul3A_492, %sub3A_449 : vector<16xf32>
          %add3A_494 = arith.constant 1 : i32
          %add3A_495 = vector.broadcast %add3A_494 : i32 to vector<16xi32>
          %add3A_496 = arith.addi %add3A_473, %add3A_495 : vector<16xi32>
          %gather3A_497 = tpu.vector_load_idx %arg16[%add3A_496] : memref<45056xi32, #tpu.memory_space<vmem>>[vector<16xi32>], vector<16xi32>,
          %and3A_498 = arith.constant -65536 : i32
          %and3A_499 = vector.broadcast %and3A_498 : i32 to vector<16xi32>
          %and3A_500 = arith.andi %gather3A_497, %and3A_499 : vector<16xi32>
          %bitcast3A_501 = vector.bitcast %and3A_500 : vector<16xi32> to vector<16xf32>
          %shift_left3A_502 = arith.constant 16 : i32
          %shift_left3A_503 = vector.broadcast %shift_left3A_502 : i32 to vector<16xi32>
          %shift_left3A_504 = arith.shli %gather3A_497, %shift_left3A_503 : vector<16xi32>
          %bitcast3A_505 = vector.bitcast %shift_left3A_504 : vector<16xi32> to vector<16xf32>
          %mul3A_506 = arith.mulf %bitcast3A_501, %mul3A_493 : vector<16xf32>
          %add3A_507 = arith.addf %add3A_489, %mul3A_506 : vector<16xf32>
          %mul3A_508 = arith.mulf %bitcast3A_505, %mul3A_493 : vector<16xf32>
          %add3A_509 = arith.addf %add3A_491, %mul3A_508 : vector<16xf32>
          %mul3A_510 = arith.mulf %sub3A_452, %sub3A_447 : vector<16xf32>
          %mul3A_511 = arith.mulf %mul3A_510, %sub3A_458 : vector<16xf32>
          %add3A_512 = arith.constant 9 : i32
          %add3A_513 = vector.broadcast %add3A_512 : i32 to vector<16xi32>
          %add3A_514 = arith.addi %add3A_473, %add3A_513 : vector<16xi32>
          %gather3A_515 = tpu.vector_load_idx %arg16[%add3A_514] : memref<45056xi32, #tpu.memory_space<vmem>>[vector<16xi32>], vector<16xi32>,
          %and3A_516 = arith.constant -65536 : i32
          %and3A_517 = vector.broadcast %and3A_516 : i32 to vector<16xi32>
          %and3A_518 = arith.andi %gather3A_515, %and3A_517 : vector<16xi32>
          %bitcast3A_519 = vector.bitcast %and3A_518 : vector<16xi32> to vector<16xf32>
          %shift_left3A_520 = arith.constant 16 : i32
          %shift_left3A_521 = vector.broadcast %shift_left3A_520 : i32 to vector<16xi32>
          %shift_left3A_522 = arith.shli %gather3A_515, %shift_left3A_521 : vector<16xi32>
          %bitcast3A_523 = vector.bitcast %shift_left3A_522 : vector<16xi32> to vector<16xf32>
          %mul3A_524 = arith.mulf %bitcast3A_519, %mul3A_511 : vector<16xf32>
          %add3A_525 = arith.addf %add3A_507, %mul3A_524 : vector<16xf32>
          %mul3A_526 = arith.mulf %bitcast3A_523, %mul3A_511 : vector<16xf32>
          %add3A_527 = arith.addf %add3A_509, %mul3A_526 : vector<16xf32>
          %mul3A_528 = arith.mulf %sub3A_452, %sub3A_447 : vector<16xf32>
          %mul3A_529 = arith.mulf %mul3A_528, %sub3A_449 : vector<16xf32>
          %add3A_530 = arith.constant 10 : i32
          %add3A_531 = vector.broadcast %add3A_530 : i32 to vector<16xi32>
          %add3A_532 = arith.addi %add3A_473, %add3A_531 : vector<16xi32>
          %gather3A_533 = tpu.vector_load_idx %arg16[%add3A_532] : memref<45056xi32, #tpu.memory_space<vmem>>[vector<16xi32>], vector<16xi32>,
          %and3A_534 = arith.constant -65536 : i32
          %and3A_535 = vector.broadcast %and3A_534 : i32 to vector<16xi32>
          %and3A_536 = arith.andi %gather3A_533, %and3A_535 : vector<16xi32>
          %bitcast3A_537 = vector.bitcast %and3A_536 : vector<16xi32> to vector<16xf32>
          %shift_left3A_538 = arith.constant 16 : i32
          %shift_left3A_539 = vector.broadcast %shift_left3A_538 : i32 to vector<16xi32>
          %shift_left3A_540 = arith.shli %gather3A_533, %shift_left3A_539 : vector<16xi32>
          %bitcast3A_541 = vector.bitcast %shift_left3A_540 : vector<16xi32> to vector<16xf32>
          %mul3A_542 = arith.mulf %bitcast3A_537, %mul3A_529 : vector<16xf32>
          %add3A_543 = arith.addf %add3A_525, %mul3A_542 : vector<16xf32>
          %mul3A_544 = arith.mulf %bitcast3A_541, %mul3A_529 : vector<16xf32>
          %add3A_545 = arith.addf %add3A_527, %mul3A_544 : vector<16xf32>
          %mul3A_546 = arith.mulf %sub3A_445, %sub3A_455 : vector<16xf32>
          %mul3A_547 = arith.mulf %mul3A_546, %sub3A_458 : vector<16xf32>
          %add3A_548 = arith.constant 81 : i32
          %add3A_549 = vector.broadcast %add3A_548 : i32 to vector<16xi32>
          %add3A_550 = arith.addi %add3A_473, %add3A_549 : vector<16xi32>
          %gather3A_551 = tpu.vector_load_idx %arg16[%add3A_550] : memref<45056xi32, #tpu.memory_space<vmem>>[vector<16xi32>], vector<16xi32>,
          %and3A_552 = arith.constant -65536 : i32
          %and3A_553 = vector.broadcast %and3A_552 : i32 to vector<16xi32>
          %and3A_554 = arith.andi %gather3A_551, %and3A_553 : vector<16xi32>
          %bitcast3A_555 = vector.bitcast %and3A_554 : vector<16xi32> to vector<16xf32>
          %shift_left3A_556 = arith.constant 16 : i32
          %shift_left3A_557 = vector.broadcast %shift_left3A_556 : i32 to vector<16xi32>
          %shift_left3A_558 = arith.shli %gather3A_551, %shift_left3A_557 : vector<16xi32>
          %bitcast3A_559 = vector.bitcast %shift_left3A_558 : vector<16xi32> to vector<16xf32>
          %mul3A_560 = arith.mulf %bitcast3A_555, %mul3A_547 : vector<16xf32>
          %add3A_561 = arith.addf %add3A_543, %mul3A_560 : vector<16xf32>
          %mul3A_562 = arith.mulf %bitcast3A_559, %mul3A_547 : vector<16xf32>
          %add3A_563 = arith.addf %add3A_545, %mul3A_562 : vector<16xf32>
          %mul3A_564 = arith.mulf %sub3A_445, %sub3A_455 : vector<16xf32>
          %mul3A_565 = arith.mulf %mul3A_564, %sub3A_449 : vector<16xf32>
          %add3A_566 = arith.constant 82 : i32
          %add3A_567 = vector.broadcast %add3A_566 : i32 to vector<16xi32>
          %add3A_568 = arith.addi %add3A_473, %add3A_567 : vector<16xi32>
          %gather3A_569 = tpu.vector_load_idx %arg16[%add3A_568] : memref<45056xi32, #tpu.memory_space<vmem>>[vector<16xi32>], vector<16xi32>,
          %and3A_570 = arith.constant -65536 : i32
          %and3A_571 = vector.broadcast %and3A_570 : i32 to vector<16xi32>
          %and3A_572 = arith.andi %gather3A_569, %and3A_571 : vector<16xi32>
          %bitcast3A_573 = vector.bitcast %and3A_572 : vector<16xi32> to vector<16xf32>
          %shift_left3A_574 = arith.constant 16 : i32
          %shift_left3A_575 = vector.broadcast %shift_left3A_574 : i32 to vector<16xi32>
          %shift_left3A_576 = arith.shli %gather3A_569, %shift_left3A_575 : vector<16xi32>
          %bitcast3A_577 = vector.bitcast %shift_left3A_576 : vector<16xi32> to vector<16xf32>
          %mul3A_578 = arith.mulf %bitcast3A_573, %mul3A_565 : vector<16xf32>
          %add3A_579 = arith.addf %add3A_561, %mul3A_578 : vector<16xf32>
          %mul3A_580 = arith.mulf %bitcast3A_577, %mul3A_565 : vector<16xf32>
          %add3A_581 = arith.addf %add3A_563, %mul3A_580 : vector<16xf32>
          %mul3A_582 = arith.mulf %sub3A_445, %sub3A_447 : vector<16xf32>
          %mul3A_583 = arith.mulf %mul3A_582, %sub3A_458 : vector<16xf32>
          %add3A_584 = arith.constant 90 : i32
          %add3A_585 = vector.broadcast %add3A_584 : i32 to vector<16xi32>
          %add3A_586 = arith.addi %add3A_473, %add3A_585 : vector<16xi32>
          %gather3A_587 = tpu.vector_load_idx %arg16[%add3A_586] : memref<45056xi32, #tpu.memory_space<vmem>>[vector<16xi32>], vector<16xi32>,
          %and3A_588 = arith.constant -65536 : i32
          %and3A_589 = vector.broadcast %and3A_588 : i32 to vector<16xi32>
          %and3A_590 = arith.andi %gather3A_587, %and3A_589 : vector<16xi32>
          %bitcast3A_591 = vector.bitcast %and3A_590 : vector<16xi32> to vector<16xf32>
          %shift_left3A_592 = arith.constant 16 : i32
          %shift_left3A_593 = vector.broadcast %shift_left3A_592 : i32 to vector<16xi32>
          %shift_left3A_594 = arith.shli %gather3A_587, %shift_left3A_593 : vector<16xi32>
          %bitcast3A_595 = vector.bitcast %shift_left3A_594 : vector<16xi32> to vector<16xf32>
          %mul3A_596 = arith.mulf %bitcast3A_591, %mul3A_583 : vector<16xf32>
          %add3A_597 = arith.addf %add3A_579, %mul3A_596 : vector<16xf32>
          %mul3A_598 = arith.mulf %bitcast3A_595, %mul3A_583 : vector<16xf32>
          %add3A_599 = arith.addf %add3A_581, %mul3A_598 : vector<16xf32>
          %mul3A_600 = arith.mulf %sub3A_445, %sub3A_447 : vector<16xf32>
          %mul3A_601 = arith.mulf %mul3A_600, %sub3A_449 : vector<16xf32>
          %add3A_602 = arith.constant 91 : i32
          %add3A_603 = vector.broadcast %add3A_602 : i32 to vector<16xi32>
          %add3A_604 = arith.addi %add3A_473, %add3A_603 : vector<16xi32>
          %gather3A_605 = tpu.vector_load_idx %arg16[%add3A_604] : memref<45056xi32, #tpu.memory_space<vmem>>[vector<16xi32>], vector<16xi32>,
          %and3A_606 = arith.constant -65536 : i32
          %and3A_607 = vector.broadcast %and3A_606 : i32 to vector<16xi32>
          %and3A_608 = arith.andi %gather3A_605, %and3A_607 : vector<16xi32>
          %bitcast3A_609 = vector.bitcast %and3A_608 : vector<16xi32> to vector<16xf32>
          %shift_left3A_610 = arith.constant 16 : i32
          %shift_left3A_611 = vector.broadcast %shift_left3A_610 : i32 to vector<16xi32>
          %shift_left3A_612 = arith.shli %gather3A_605, %shift_left3A_611 : vector<16xi32>
          %bitcast3A_613 = vector.bitcast %shift_left3A_612 : vector<16xi32> to vector<16xf32>
          %mul3A_614 = arith.mulf %bitcast3A_609, %mul3A_601 : vector<16xf32>
          %add3A_615 = arith.addf %add3A_597, %mul3A_614 : vector<16xf32>
          %mul3A_616 = arith.mulf %bitcast3A_613, %mul3A_601 : vector<16xf32>
          %add3A_617 = arith.addf %add3A_599, %mul3A_616 : vector<16xf32>
          %add3A_618 = arith.constant 4 : i32
          %add3A_619 = vector.broadcast %add3A_618 : i32 to vector<16xi32>
          %add3A_620 = arith.addi %mul3A_52, %add3A_619 : vector<16xi32>
          tpu.vector_store_idx %arg15[%add3A_620], %add3A_615 : memref<32768xf32, #tpu.memory_space<vmem>>[vector<16xi32>], vector<16xf32>,
          %add3A_621 = arith.constant 5 : i32
          %add3A_622 = vector.broadcast %add3A_621 : i32 to vector<16xi32>
          %add3A_623 = arith.addi %mul3A_52, %add3A_622 : vector<16xi32>
          tpu.vector_store_idx %arg15[%add3A_623], %add3A_617 : memref<32768xf32, #tpu.memory_space<vmem>>[vector<16xi32>], vector<16xf32>,
          %mul3A_624 = arith.constant 1.600000e+01 : f32
          %mul3A_625 = vector.broadcast %mul3A_624 : f32 to vector<16xf32>
          %mul3A_626 = arith.mulf %mul3A_41, %mul3A_625 : vector<16xf32>
          %mul3A_627 = arith.constant 1.600000e+01 : f32
          %mul3A_628 = vector.broadcast %mul3A_627 : f32 to vector<16xf32>
          %mul3A_629 = arith.mulf %mul3A_44, %mul3A_628 : vector<16xf32>
          %mul3A_630 = arith.constant 1.600000e+01 : f32
          %mul3A_631 = vector.broadcast %mul3A_630 : f32 to vector<16xf32>
          %mul3A_632 = arith.mulf %mul3A_47, %mul3A_631 : vector<16xf32>
          %convert_element_type3A_633 = arith.fptosi %mul3A_626 : vector<16xf32> to vector<16xi32>
          %convert_element_type3A_634 = arith.fptosi %mul3A_629 : vector<16xf32> to vector<16xi32>
          %convert_element_type3A_635 = arith.fptosi %mul3A_632 : vector<16xf32> to vector<16xi32>
          %convert_element_type3A_636 = arith.sitofp %convert_element_type3A_633 : vector<16xi32> to vector<16xf32>
          %sub3A_637 = arith.subf %mul3A_626, %convert_element_type3A_636 : vector<16xf32>
          %convert_element_type3A_638 = arith.sitofp %convert_element_type3A_634 : vector<16xi32> to vector<16xf32>
          %sub3A_639 = arith.subf %mul3A_629, %convert_element_type3A_638 : vector<16xf32>
          %convert_element_type3A_640 = arith.sitofp %convert_element_type3A_635 : vector<16xi32> to vector<16xf32>
          %sub3A_641 = arith.subf %mul3A_632, %convert_element_type3A_640 : vector<16xf32>
          %sub3A_642 = arith.constant 1.000000e+00 : f32
          %sub3A_643 = vector.broadcast %sub3A_642 : f32 to vector<16xf32>
          %sub3A_644 = arith.subf %sub3A_643, %sub3A_637 : vector<16xf32>
          %sub3A_645 = arith.constant 1.000000e+00 : f32
          %sub3A_646 = vector.broadcast %sub3A_645 : f32 to vector<16xf32>
          %sub3A_647 = arith.subf %sub3A_646, %sub3A_639 : vector<16xf32>
          %sub3A_648 = arith.constant 1.000000e+00 : f32
          %sub3A_649 = vector.broadcast %sub3A_648 : f32 to vector<16xf32>
          %sub3A_650 = arith.subf %sub3A_649, %sub3A_641 : vector<16xf32>
          %broadcast_in_dim3A_651 = arith.constant 0.000000e+00 : f32
          %broadcast_in_dim3A_652 = vector.broadcast %broadcast_in_dim3A_651 : f32 to vector<16xf32>
          %broadcast_in_dim3A_653 = arith.constant 0.000000e+00 : f32
          %broadcast_in_dim3A_654 = vector.broadcast %broadcast_in_dim3A_653 : f32 to vector<16xf32>
          %mul3A_655 = arith.constant 289 : i32
          %mul3A_656 = vector.broadcast %mul3A_655 : i32 to vector<16xi32>
          %mul3A_657 = arith.muli %convert_element_type3A_633, %mul3A_656 : vector<16xi32>
          %mul3A_658 = arith.constant 17 : i32
          %mul3A_659 = vector.broadcast %mul3A_658 : i32 to vector<16xi32>
          %mul3A_660 = arith.muli %convert_element_type3A_634, %mul3A_659 : vector<16xi32>
          %add3A_661 = arith.addi %mul3A_657, %mul3A_660 : vector<16xi32>
          %add3A_662 = arith.addi %add3A_661, %convert_element_type3A_635 : vector<16xi32>
          %add3A_663 = arith.constant 881 : i32
          %add3A_664 = vector.broadcast %add3A_663 : i32 to vector<16xi32>
          %add3A_665 = arith.addi %add3A_662, %add3A_664 : vector<16xi32>
          %mul3A_666 = arith.mulf %sub3A_644, %sub3A_647 : vector<16xf32>
          %mul3A_667 = arith.mulf %mul3A_666, %sub3A_650 : vector<16xf32>
          %add3A_668 = arith.constant 0 : i32
          %add3A_669 = vector.broadcast %add3A_668 : i32 to vector<16xi32>
          %add3A_670 = arith.addi %add3A_665, %add3A_669 : vector<16xi32>
          %gather3A_671 = tpu.vector_load_idx %arg16[%add3A_670] : memref<45056xi32, #tpu.memory_space<vmem>>[vector<16xi32>], vector<16xi32>,
          %and3A_672 = arith.constant -65536 : i32
          %and3A_673 = vector.broadcast %and3A_672 : i32 to vector<16xi32>
          %and3A_674 = arith.andi %gather3A_671, %and3A_673 : vector<16xi32>
          %bitcast3A_675 = vector.bitcast %and3A_674 : vector<16xi32> to vector<16xf32>
          %shift_left3A_676 = arith.constant 16 : i32
          %shift_left3A_677 = vector.broadcast %shift_left3A_676 : i32 to vector<16xi32>
          %shift_left3A_678 = arith.shli %gather3A_671, %shift_left3A_677 : vector<16xi32>
          %bitcast3A_679 = vector.bitcast %shift_left3A_678 : vector<16xi32> to vector<16xf32>
          %mul3A_680 = arith.mulf %bitcast3A_675, %mul3A_667 : vector<16xf32>
          %add3A_681 = arith.addf %broadcast_in_dim3A_652, %mul3A_680 : vector<16xf32>
          %mul3A_682 = arith.mulf %bitcast3A_679, %mul3A_667 : vector<16xf32>
          %add3A_683 = arith.addf %broadcast_in_dim3A_654, %mul3A_682 : vector<16xf32>
          %mul3A_684 = arith.mulf %sub3A_644, %sub3A_647 : vector<16xf32>
          %mul3A_685 = arith.mulf %mul3A_684, %sub3A_641 : vector<16xf32>
          %add3A_686 = arith.constant 1 : i32
          %add3A_687 = vector.broadcast %add3A_686 : i32 to vector<16xi32>
          %add3A_688 = arith.addi %add3A_665, %add3A_687 : vector<16xi32>
          %gather3A_689 = tpu.vector_load_idx %arg16[%add3A_688] : memref<45056xi32, #tpu.memory_space<vmem>>[vector<16xi32>], vector<16xi32>,
          %and3A_690 = arith.constant -65536 : i32
          %and3A_691 = vector.broadcast %and3A_690 : i32 to vector<16xi32>
          %and3A_692 = arith.andi %gather3A_689, %and3A_691 : vector<16xi32>
          %bitcast3A_693 = vector.bitcast %and3A_692 : vector<16xi32> to vector<16xf32>
          %shift_left3A_694 = arith.constant 16 : i32
          %shift_left3A_695 = vector.broadcast %shift_left3A_694 : i32 to vector<16xi32>
          %shift_left3A_696 = arith.shli %gather3A_689, %shift_left3A_695 : vector<16xi32>
          %bitcast3A_697 = vector.bitcast %shift_left3A_696 : vector<16xi32> to vector<16xf32>
          %mul3A_698 = arith.mulf %bitcast3A_693, %mul3A_685 : vector<16xf32>
          %add3A_699 = arith.addf %add3A_681, %mul3A_698 : vector<16xf32>
          %mul3A_700 = arith.mulf %bitcast3A_697, %mul3A_685 : vector<16xf32>
          %add3A_701 = arith.addf %add3A_683, %mul3A_700 : vector<16xf32>
          %mul3A_702 = arith.mulf %sub3A_644, %sub3A_639 : vector<16xf32>
          %mul3A_703 = arith.mulf %mul3A_702, %sub3A_650 : vector<16xf32>
          %add3A_704 = arith.constant 17 : i32
          %add3A_705 = vector.broadcast %add3A_704 : i32 to vector<16xi32>
          %add3A_706 = arith.addi %add3A_665, %add3A_705 : vector<16xi32>
          %gather3A_707 = tpu.vector_load_idx %arg16[%add3A_706] : memref<45056xi32, #tpu.memory_space<vmem>>[vector<16xi32>], vector<16xi32>,
          %and3A_708 = arith.constant -65536 : i32
          %and3A_709 = vector.broadcast %and3A_708 : i32 to vector<16xi32>
          %and3A_710 = arith.andi %gather3A_707, %and3A_709 : vector<16xi32>
          %bitcast3A_711 = vector.bitcast %and3A_710 : vector<16xi32> to vector<16xf32>
          %shift_left3A_712 = arith.constant 16 : i32
          %shift_left3A_713 = vector.broadcast %shift_left3A_712 : i32 to vector<16xi32>
          %shift_left3A_714 = arith.shli %gather3A_707, %shift_left3A_713 : vector<16xi32>
          %bitcast3A_715 = vector.bitcast %shift_left3A_714 : vector<16xi32> to vector<16xf32>
          %mul3A_716 = arith.mulf %bitcast3A_711, %mul3A_703 : vector<16xf32>
          %add3A_717 = arith.addf %add3A_699, %mul3A_716 : vector<16xf32>
          %mul3A_718 = arith.mulf %bitcast3A_715, %mul3A_703 : vector<16xf32>
          %add3A_719 = arith.addf %add3A_701, %mul3A_718 : vector<16xf32>
          %mul3A_720 = arith.mulf %sub3A_644, %sub3A_639 : vector<16xf32>
          %mul3A_721 = arith.mulf %mul3A_720, %sub3A_641 : vector<16xf32>
          %add3A_722 = arith.constant 18 : i32
          %add3A_723 = vector.broadcast %add3A_722 : i32 to vector<16xi32>
          %add3A_724 = arith.addi %add3A_665, %add3A_723 : vector<16xi32>
          %gather3A_725 = tpu.vector_load_idx %arg16[%add3A_724] : memref<45056xi32, #tpu.memory_space<vmem>>[vector<16xi32>], vector<16xi32>,
          %and3A_726 = arith.constant -65536 : i32
          %and3A_727 = vector.broadcast %and3A_726 : i32 to vector<16xi32>
          %and3A_728 = arith.andi %gather3A_725, %and3A_727 : vector<16xi32>
          %bitcast3A_729 = vector.bitcast %and3A_728 : vector<16xi32> to vector<16xf32>
          %shift_left3A_730 = arith.constant 16 : i32
          %shift_left3A_731 = vector.broadcast %shift_left3A_730 : i32 to vector<16xi32>
          %shift_left3A_732 = arith.shli %gather3A_725, %shift_left3A_731 : vector<16xi32>
          %bitcast3A_733 = vector.bitcast %shift_left3A_732 : vector<16xi32> to vector<16xf32>
          %mul3A_734 = arith.mulf %bitcast3A_729, %mul3A_721 : vector<16xf32>
          %add3A_735 = arith.addf %add3A_717, %mul3A_734 : vector<16xf32>
          %mul3A_736 = arith.mulf %bitcast3A_733, %mul3A_721 : vector<16xf32>
          %add3A_737 = arith.addf %add3A_719, %mul3A_736 : vector<16xf32>
          %mul3A_738 = arith.mulf %sub3A_637, %sub3A_647 : vector<16xf32>
          %mul3A_739 = arith.mulf %mul3A_738, %sub3A_650 : vector<16xf32>
          %add3A_740 = arith.constant 289 : i32
          %add3A_741 = vector.broadcast %add3A_740 : i32 to vector<16xi32>
          %add3A_742 = arith.addi %add3A_665, %add3A_741 : vector<16xi32>
          %gather3A_743 = tpu.vector_load_idx %arg16[%add3A_742] : memref<45056xi32, #tpu.memory_space<vmem>>[vector<16xi32>], vector<16xi32>,
          %and3A_744 = arith.constant -65536 : i32
          %and3A_745 = vector.broadcast %and3A_744 : i32 to vector<16xi32>
          %and3A_746 = arith.andi %gather3A_743, %and3A_745 : vector<16xi32>
          %bitcast3A_747 = vector.bitcast %and3A_746 : vector<16xi32> to vector<16xf32>
          %shift_left3A_748 = arith.constant 16 : i32
          %shift_left3A_749 = vector.broadcast %shift_left3A_748 : i32 to vector<16xi32>
          %shift_left3A_750 = arith.shli %gather3A_743, %shift_left3A_749 : vector<16xi32>
          %bitcast3A_751 = vector.bitcast %shift_left3A_750 : vector<16xi32> to vector<16xf32>
          %mul3A_752 = arith.mulf %bitcast3A_747, %mul3A_739 : vector<16xf32>
          %add3A_753 = arith.addf %add3A_735, %mul3A_752 : vector<16xf32>
          %mul3A_754 = arith.mulf %bitcast3A_751, %mul3A_739 : vector<16xf32>
          %add3A_755 = arith.addf %add3A_737, %mul3A_754 : vector<16xf32>
          %mul3A_756 = arith.mulf %sub3A_637, %sub3A_647 : vector<16xf32>
          %mul3A_757 = arith.mulf %mul3A_756, %sub3A_641 : vector<16xf32>
          %add3A_758 = arith.constant 290 : i32
          %add3A_759 = vector.broadcast %add3A_758 : i32 to vector<16xi32>
          %add3A_760 = arith.addi %add3A_665, %add3A_759 : vector<16xi32>
          %gather3A_761 = tpu.vector_load_idx %arg16[%add3A_760] : memref<45056xi32, #tpu.memory_space<vmem>>[vector<16xi32>], vector<16xi32>,
          %and3A_762 = arith.constant -65536 : i32
          %and3A_763 = vector.broadcast %and3A_762 : i32 to vector<16xi32>
          %and3A_764 = arith.andi %gather3A_761, %and3A_763 : vector<16xi32>
          %bitcast3A_765 = vector.bitcast %and3A_764 : vector<16xi32> to vector<16xf32>
          %shift_left3A_766 = arith.constant 16 : i32
          %shift_left3A_767 = vector.broadcast %shift_left3A_766 : i32 to vector<16xi32>
          %shift_left3A_768 = arith.shli %gather3A_761, %shift_left3A_767 : vector<16xi32>
          %bitcast3A_769 = vector.bitcast %shift_left3A_768 : vector<16xi32> to vector<16xf32>
          %mul3A_770 = arith.mulf %bitcast3A_765, %mul3A_757 : vector<16xf32>
          %add3A_771 = arith.addf %add3A_753, %mul3A_770 : vector<16xf32>
          %mul3A_772 = arith.mulf %bitcast3A_769, %mul3A_757 : vector<16xf32>
          %add3A_773 = arith.addf %add3A_755, %mul3A_772 : vector<16xf32>
          %mul3A_774 = arith.mulf %sub3A_637, %sub3A_639 : vector<16xf32>
          %mul3A_775 = arith.mulf %mul3A_774, %sub3A_650 : vector<16xf32>
          %add3A_776 = arith.constant 306 : i32
          %add3A_777 = vector.broadcast %add3A_776 : i32 to vector<16xi32>
          %add3A_778 = arith.addi %add3A_665, %add3A_777 : vector<16xi32>
          %gather3A_779 = tpu.vector_load_idx %arg16[%add3A_778] : memref<45056xi32, #tpu.memory_space<vmem>>[vector<16xi32>], vector<16xi32>,
          %and3A_780 = arith.constant -65536 : i32
          %and3A_781 = vector.broadcast %and3A_780 : i32 to vector<16xi32>
          %and3A_782 = arith.andi %gather3A_779, %and3A_781 : vector<16xi32>
          %bitcast3A_783 = vector.bitcast %and3A_782 : vector<16xi32> to vector<16xf32>
          %shift_left3A_784 = arith.constant 16 : i32
          %shift_left3A_785 = vector.broadcast %shift_left3A_784 : i32 to vector<16xi32>
          %shift_left3A_786 = arith.shli %gather3A_779, %shift_left3A_785 : vector<16xi32>
          %bitcast3A_787 = vector.bitcast %shift_left3A_786 : vector<16xi32> to vector<16xf32>
          %mul3A_788 = arith.mulf %bitcast3A_783, %mul3A_775 : vector<16xf32>
          %add3A_789 = arith.addf %add3A_771, %mul3A_788 : vector<16xf32>
          %mul3A_790 = arith.mulf %bitcast3A_787, %mul3A_775 : vector<16xf32>
          %add3A_791 = arith.addf %add3A_773, %mul3A_790 : vector<16xf32>
          %mul3A_792 = arith.mulf %sub3A_637, %sub3A_639 : vector<16xf32>
          %mul3A_793 = arith.mulf %mul3A_792, %sub3A_641 : vector<16xf32>
          %add3A_794 = arith.constant 307 : i32
          %add3A_795 = vector.broadcast %add3A_794 : i32 to vector<16xi32>
          %add3A_796 = arith.addi %add3A_665, %add3A_795 : vector<16xi32>
          %gather3A_797 = tpu.vector_load_idx %arg16[%add3A_796] : memref<45056xi32, #tpu.memory_space<vmem>>[vector<16xi32>], vector<16xi32>,
          %and3A_798 = arith.constant -65536 : i32
          %and3A_799 = vector.broadcast %and3A_798 : i32 to vector<16xi32>
          %and3A_800 = arith.andi %gather3A_797, %and3A_799 : vector<16xi32>
          %bitcast3A_801 = vector.bitcast %and3A_800 : vector<16xi32> to vector<16xf32>
          %shift_left3A_802 = arith.constant 16 : i32
          %shift_left3A_803 = vector.broadcast %shift_left3A_802 : i32 to vector<16xi32>
          %shift_left3A_804 = arith.shli %gather3A_797, %shift_left3A_803 : vector<16xi32>
          %bitcast3A_805 = vector.bitcast %shift_left3A_804 : vector<16xi32> to vector<16xf32>
          %mul3A_806 = arith.mulf %bitcast3A_801, %mul3A_793 : vector<16xf32>
          %add3A_807 = arith.addf %add3A_789, %mul3A_806 : vector<16xf32>
          %mul3A_808 = arith.mulf %bitcast3A_805, %mul3A_793 : vector<16xf32>
          %add3A_809 = arith.addf %add3A_791, %mul3A_808 : vector<16xf32>
          %add3A_810 = arith.constant 6 : i32
          %add3A_811 = vector.broadcast %add3A_810 : i32 to vector<16xi32>
          %add3A_812 = arith.addi %mul3A_52, %add3A_811 : vector<16xi32>
          tpu.vector_store_idx %arg15[%add3A_812], %add3A_807 : memref<32768xf32, #tpu.memory_space<vmem>>[vector<16xi32>], vector<16xf32>,
          %add3A_813 = arith.constant 7 : i32
          %add3A_814 = vector.broadcast %add3A_813 : i32 to vector<16xi32>
          %add3A_815 = arith.addi %mul3A_52, %add3A_814 : vector<16xi32>
          tpu.vector_store_idx %arg15[%add3A_815], %add3A_809 : memref<32768xf32, #tpu.memory_space<vmem>>[vector<16xi32>], vector<16xf32>,
          %mul3A_816 = arith.constant 3.200000e+01 : f32
          %mul3A_817 = vector.broadcast %mul3A_816 : f32 to vector<16xf32>
          %mul3A_818 = arith.mulf %mul3A_41, %mul3A_817 : vector<16xf32>
          %mul3A_819 = arith.constant 3.200000e+01 : f32
          %mul3A_820 = vector.broadcast %mul3A_819 : f32 to vector<16xf32>
          %mul3A_821 = arith.mulf %mul3A_44, %mul3A_820 : vector<16xf32>
          %mul3A_822 = arith.constant 3.200000e+01 : f32
          %mul3A_823 = vector.broadcast %mul3A_822 : f32 to vector<16xf32>
          %mul3A_824 = arith.mulf %mul3A_47, %mul3A_823 : vector<16xf32>
          %convert_element_type3A_825 = arith.fptosi %mul3A_818 : vector<16xf32> to vector<16xi32>
          %convert_element_type3A_826 = arith.fptosi %mul3A_821 : vector<16xf32> to vector<16xi32>
          %convert_element_type3A_827 = arith.fptosi %mul3A_824 : vector<16xf32> to vector<16xi32>
          %convert_element_type3A_828 = arith.sitofp %convert_element_type3A_825 : vector<16xi32> to vector<16xf32>
          %sub3A_829 = arith.subf %mul3A_818, %convert_element_type3A_828 : vector<16xf32>
          %convert_element_type3A_830 = arith.sitofp %convert_element_type3A_826 : vector<16xi32> to vector<16xf32>
          %sub3A_831 = arith.subf %mul3A_821, %convert_element_type3A_830 : vector<16xf32>
          %convert_element_type3A_832 = arith.sitofp %convert_element_type3A_827 : vector<16xi32> to vector<16xf32>
          %sub3A_833 = arith.subf %mul3A_824, %convert_element_type3A_832 : vector<16xf32>
          %sub3A_834 = arith.constant 1.000000e+00 : f32
          %sub3A_835 = vector.broadcast %sub3A_834 : f32 to vector<16xf32>
          %sub3A_836 = arith.subf %sub3A_835, %sub3A_829 : vector<16xf32>
          %sub3A_837 = arith.constant 1.000000e+00 : f32
          %sub3A_838 = vector.broadcast %sub3A_837 : f32 to vector<16xf32>
          %sub3A_839 = arith.subf %sub3A_838, %sub3A_831 : vector<16xf32>
          %sub3A_840 = arith.constant 1.000000e+00 : f32
          %sub3A_841 = vector.broadcast %sub3A_840 : f32 to vector<16xf32>
          %sub3A_842 = arith.subf %sub3A_841, %sub3A_833 : vector<16xf32>
          %broadcast_in_dim3A_843 = arith.constant 0.000000e+00 : f32
          %broadcast_in_dim3A_844 = vector.broadcast %broadcast_in_dim3A_843 : f32 to vector<16xf32>
          %broadcast_in_dim3A_845 = arith.constant 0.000000e+00 : f32
          %broadcast_in_dim3A_846 = vector.broadcast %broadcast_in_dim3A_845 : f32 to vector<16xf32>
          %mul3A_847 = arith.constant 1089 : i32
          %mul3A_848 = vector.broadcast %mul3A_847 : i32 to vector<16xi32>
          %mul3A_849 = arith.muli %convert_element_type3A_825, %mul3A_848 : vector<16xi32>
          %mul3A_850 = arith.constant 33 : i32
          %mul3A_851 = vector.broadcast %mul3A_850 : i32 to vector<16xi32>
          %mul3A_852 = arith.muli %convert_element_type3A_826, %mul3A_851 : vector<16xi32>
          %add3A_853 = arith.addi %mul3A_849, %mul3A_852 : vector<16xi32>
          %add3A_854 = arith.addi %add3A_853, %convert_element_type3A_827 : vector<16xi32>
          %add3A_855 = arith.constant 5794 : i32
          %add3A_856 = vector.broadcast %add3A_855 : i32 to vector<16xi32>
          %add3A_857 = arith.addi %add3A_854, %add3A_856 : vector<16xi32>
          %mul3A_858 = arith.mulf %sub3A_836, %sub3A_839 : vector<16xf32>
          %mul3A_859 = arith.mulf %mul3A_858, %sub3A_842 : vector<16xf32>
          %add3A_860 = arith.constant 0 : i32
          %add3A_861 = vector.broadcast %add3A_860 : i32 to vector<16xi32>
          %add3A_862 = arith.addi %add3A_857, %add3A_861 : vector<16xi32>
          %gather3A_863 = tpu.vector_load_idx %arg16[%add3A_862] : memref<45056xi32, #tpu.memory_space<vmem>>[vector<16xi32>], vector<16xi32>,
          %and3A_864 = arith.constant -65536 : i32
          %and3A_865 = vector.broadcast %and3A_864 : i32 to vector<16xi32>
          %and3A_866 = arith.andi %gather3A_863, %and3A_865 : vector<16xi32>
          %bitcast3A_867 = vector.bitcast %and3A_866 : vector<16xi32> to vector<16xf32>
          %shift_left3A_868 = arith.constant 16 : i32
          %shift_left3A_869 = vector.broadcast %shift_left3A_868 : i32 to vector<16xi32>
          %shift_left3A_870 = arith.shli %gather3A_863, %shift_left3A_869 : vector<16xi32>
          %bitcast3A_871 = vector.bitcast %shift_left3A_870 : vector<16xi32> to vector<16xf32>
          %mul3A_872 = arith.mulf %bitcast3A_867, %mul3A_859 : vector<16xf32>
          %add3A_873 = arith.addf %broadcast_in_dim3A_844, %mul3A_872 : vector<16xf32>
          %mul3A_874 = arith.mulf %bitcast3A_871, %mul3A_859 : vector<16xf32>
          %add3A_875 = arith.addf %broadcast_in_dim3A_846, %mul3A_874 : vector<16xf32>
          %mul3A_876 = arith.mulf %sub3A_836, %sub3A_839 : vector<16xf32>
          %mul3A_877 = arith.mulf %mul3A_876, %sub3A_833 : vector<16xf32>
          %add3A_878 = arith.constant 1 : i32
          %add3A_879 = vector.broadcast %add3A_878 : i32 to vector<16xi32>
          %add3A_880 = arith.addi %add3A_857, %add3A_879 : vector<16xi32>
          %gather3A_881 = tpu.vector_load_idx %arg16[%add3A_880] : memref<45056xi32, #tpu.memory_space<vmem>>[vector<16xi32>], vector<16xi32>,
          %and3A_882 = arith.constant -65536 : i32
          %and3A_883 = vector.broadcast %and3A_882 : i32 to vector<16xi32>
          %and3A_884 = arith.andi %gather3A_881, %and3A_883 : vector<16xi32>
          %bitcast3A_885 = vector.bitcast %and3A_884 : vector<16xi32> to vector<16xf32>
          %shift_left3A_886 = arith.constant 16 : i32
          %shift_left3A_887 = vector.broadcast %shift_left3A_886 : i32 to vector<16xi32>
          %shift_left3A_888 = arith.shli %gather3A_881, %shift_left3A_887 : vector<16xi32>
          %bitcast3A_889 = vector.bitcast %shift_left3A_888 : vector<16xi32> to vector<16xf32>
          %mul3A_890 = arith.mulf %bitcast3A_885, %mul3A_877 : vector<16xf32>
          %add3A_891 = arith.addf %add3A_873, %mul3A_890 : vector<16xf32>
          %mul3A_892 = arith.mulf %bitcast3A_889, %mul3A_877 : vector<16xf32>
          %add3A_893 = arith.addf %add3A_875, %mul3A_892 : vector<16xf32>
          %mul3A_894 = arith.mulf %sub3A_836, %sub3A_831 : vector<16xf32>
          %mul3A_895 = arith.mulf %mul3A_894, %sub3A_842 : vector<16xf32>
          %add3A_896 = arith.constant 33 : i32
          %add3A_897 = vector.broadcast %add3A_896 : i32 to vector<16xi32>
          %add3A_898 = arith.addi %add3A_857, %add3A_897 : vector<16xi32>
          %gather3A_899 = tpu.vector_load_idx %arg16[%add3A_898] : memref<45056xi32, #tpu.memory_space<vmem>>[vector<16xi32>], vector<16xi32>,
          %and3A_900 = arith.constant -65536 : i32
          %and3A_901 = vector.broadcast %and3A_900 : i32 to vector<16xi32>
          %and3A_902 = arith.andi %gather3A_899, %and3A_901 : vector<16xi32>
          %bitcast3A_903 = vector.bitcast %and3A_902 : vector<16xi32> to vector<16xf32>
          %shift_left3A_904 = arith.constant 16 : i32
          %shift_left3A_905 = vector.broadcast %shift_left3A_904 : i32 to vector<16xi32>
          %shift_left3A_906 = arith.shli %gather3A_899, %shift_left3A_905 : vector<16xi32>
          %bitcast3A_907 = vector.bitcast %shift_left3A_906 : vector<16xi32> to vector<16xf32>
          %mul3A_908 = arith.mulf %bitcast3A_903, %mul3A_895 : vector<16xf32>
          %add3A_909 = arith.addf %add3A_891, %mul3A_908 : vector<16xf32>
          %mul3A_910 = arith.mulf %bitcast3A_907, %mul3A_895 : vector<16xf32>
          %add3A_911 = arith.addf %add3A_893, %mul3A_910 : vector<16xf32>
          %mul3A_912 = arith.mulf %sub3A_836, %sub3A_831 : vector<16xf32>
          %mul3A_913 = arith.mulf %mul3A_912, %sub3A_833 : vector<16xf32>
          %add3A_914 = arith.constant 34 : i32
          %add3A_915 = vector.broadcast %add3A_914 : i32 to vector<16xi32>
          %add3A_916 = arith.addi %add3A_857, %add3A_915 : vector<16xi32>
          %gather3A_917 = tpu.vector_load_idx %arg16[%add3A_916] : memref<45056xi32, #tpu.memory_space<vmem>>[vector<16xi32>], vector<16xi32>,
          %and3A_918 = arith.constant -65536 : i32
          %and3A_919 = vector.broadcast %and3A_918 : i32 to vector<16xi32>
          %and3A_920 = arith.andi %gather3A_917, %and3A_919 : vector<16xi32>
          %bitcast3A_921 = vector.bitcast %and3A_920 : vector<16xi32> to vector<16xf32>
          %shift_left3A_922 = arith.constant 16 : i32
          %shift_left3A_923 = vector.broadcast %shift_left3A_922 : i32 to vector<16xi32>
          %shift_left3A_924 = arith.shli %gather3A_917, %shift_left3A_923 : vector<16xi32>
          %bitcast3A_925 = vector.bitcast %shift_left3A_924 : vector<16xi32> to vector<16xf32>
          %mul3A_926 = arith.mulf %bitcast3A_921, %mul3A_913 : vector<16xf32>
          %add3A_927 = arith.addf %add3A_909, %mul3A_926 : vector<16xf32>
          %mul3A_928 = arith.mulf %bitcast3A_925, %mul3A_913 : vector<16xf32>
          %add3A_929 = arith.addf %add3A_911, %mul3A_928 : vector<16xf32>
          %mul3A_930 = arith.mulf %sub3A_829, %sub3A_839 : vector<16xf32>
          %mul3A_931 = arith.mulf %mul3A_930, %sub3A_842 : vector<16xf32>
          %add3A_932 = arith.constant 1089 : i32
          %add3A_933 = vector.broadcast %add3A_932 : i32 to vector<16xi32>
          %add3A_934 = arith.addi %add3A_857, %add3A_933 : vector<16xi32>
          %gather3A_935 = tpu.vector_load_idx %arg16[%add3A_934] : memref<45056xi32, #tpu.memory_space<vmem>>[vector<16xi32>], vector<16xi32>,
          %and3A_936 = arith.constant -65536 : i32
          %and3A_937 = vector.broadcast %and3A_936 : i32 to vector<16xi32>
          %and3A_938 = arith.andi %gather3A_935, %and3A_937 : vector<16xi32>
          %bitcast3A_939 = vector.bitcast %and3A_938 : vector<16xi32> to vector<16xf32>
          %shift_left3A_940 = arith.constant 16 : i32
          %shift_left3A_941 = vector.broadcast %shift_left3A_940 : i32 to vector<16xi32>
          %shift_left3A_942 = arith.shli %gather3A_935, %shift_left3A_941 : vector<16xi32>
          %bitcast3A_943 = vector.bitcast %shift_left3A_942 : vector<16xi32> to vector<16xf32>
          %mul3A_944 = arith.mulf %bitcast3A_939, %mul3A_931 : vector<16xf32>
          %add3A_945 = arith.addf %add3A_927, %mul3A_944 : vector<16xf32>
          %mul3A_946 = arith.mulf %bitcast3A_943, %mul3A_931 : vector<16xf32>
          %add3A_947 = arith.addf %add3A_929, %mul3A_946 : vector<16xf32>
          %mul3A_948 = arith.mulf %sub3A_829, %sub3A_839 : vector<16xf32>
          %mul3A_949 = arith.mulf %mul3A_948, %sub3A_833 : vector<16xf32>
          %add3A_950 = arith.constant 1090 : i32
          %add3A_951 = vector.broadcast %add3A_950 : i32 to vector<16xi32>
          %add3A_952 = arith.addi %add3A_857, %add3A_951 : vector<16xi32>
          %gather3A_953 = tpu.vector_load_idx %arg16[%add3A_952] : memref<45056xi32, #tpu.memory_space<vmem>>[vector<16xi32>], vector<16xi32>,
          %and3A_954 = arith.constant -65536 : i32
          %and3A_955 = vector.broadcast %and3A_954 : i32 to vector<16xi32>
          %and3A_956 = arith.andi %gather3A_953, %and3A_955 : vector<16xi32>
          %bitcast3A_957 = vector.bitcast %and3A_956 : vector<16xi32> to vector<16xf32>
          %shift_left3A_958 = arith.constant 16 : i32
          %shift_left3A_959 = vector.broadcast %shift_left3A_958 : i32 to vector<16xi32>
          %shift_left3A_960 = arith.shli %gather3A_953, %shift_left3A_959 : vector<16xi32>
          %bitcast3A_961 = vector.bitcast %shift_left3A_960 : vector<16xi32> to vector<16xf32>
          %mul3A_962 = arith.mulf %bitcast3A_957, %mul3A_949 : vector<16xf32>
          %add3A_963 = arith.addf %add3A_945, %mul3A_962 : vector<16xf32>
          %mul3A_964 = arith.mulf %bitcast3A_961, %mul3A_949 : vector<16xf32>
          %add3A_965 = arith.addf %add3A_947, %mul3A_964 : vector<16xf32>
          %mul3A_966 = arith.mulf %sub3A_829, %sub3A_831 : vector<16xf32>
          %mul3A_967 = arith.mulf %mul3A_966, %sub3A_842 : vector<16xf32>
          %add3A_968 = arith.constant 1122 : i32
          %add3A_969 = vector.broadcast %add3A_968 : i32 to vector<16xi32>
          %add3A_970 = arith.addi %add3A_857, %add3A_969 : vector<16xi32>
          %gather3A_971 = tpu.vector_load_idx %arg16[%add3A_970] : memref<45056xi32, #tpu.memory_space<vmem>>[vector<16xi32>], vector<16xi32>,
          %and3A_972 = arith.constant -65536 : i32
          %and3A_973 = vector.broadcast %and3A_972 : i32 to vector<16xi32>
          %and3A_974 = arith.andi %gather3A_971, %and3A_973 : vector<16xi32>
          %bitcast3A_975 = vector.bitcast %and3A_974 : vector<16xi32> to vector<16xf32>
          %shift_left3A_976 = arith.constant 16 : i32
          %shift_left3A_977 = vector.broadcast %shift_left3A_976 : i32 to vector<16xi32>
          %shift_left3A_978 = arith.shli %gather3A_971, %shift_left3A_977 : vector<16xi32>
          %bitcast3A_979 = vector.bitcast %shift_left3A_978 : vector<16xi32> to vector<16xf32>
          %mul3A_980 = arith.mulf %bitcast3A_975, %mul3A_967 : vector<16xf32>
          %add3A_981 = arith.addf %add3A_963, %mul3A_980 : vector<16xf32>
          %mul3A_982 = arith.mulf %bitcast3A_979, %mul3A_967 : vector<16xf32>
          %add3A_983 = arith.addf %add3A_965, %mul3A_982 : vector<16xf32>
          %mul3A_984 = arith.mulf %sub3A_829, %sub3A_831 : vector<16xf32>
          %mul3A_985 = arith.mulf %mul3A_984, %sub3A_833 : vector<16xf32>
          %add3A_986 = arith.constant 1123 : i32
          %add3A_987 = vector.broadcast %add3A_986 : i32 to vector<16xi32>
          %add3A_988 = arith.addi %add3A_857, %add3A_987 : vector<16xi32>
          %gather3A_989 = tpu.vector_load_idx %arg16[%add3A_988] : memref<45056xi32, #tpu.memory_space<vmem>>[vector<16xi32>], vector<16xi32>,
          %and3A_990 = arith.constant -65536 : i32
          %and3A_991 = vector.broadcast %and3A_990 : i32 to vector<16xi32>
          %and3A_992 = arith.andi %gather3A_989, %and3A_991 : vector<16xi32>
          %bitcast3A_993 = vector.bitcast %and3A_992 : vector<16xi32> to vector<16xf32>
          %shift_left3A_994 = arith.constant 16 : i32
          %shift_left3A_995 = vector.broadcast %shift_left3A_994 : i32 to vector<16xi32>
          %shift_left3A_996 = arith.shli %gather3A_989, %shift_left3A_995 : vector<16xi32>
          %bitcast3A_997 = vector.bitcast %shift_left3A_996 : vector<16xi32> to vector<16xf32>
          %mul3A_998 = arith.mulf %bitcast3A_993, %mul3A_985 : vector<16xf32>
          %add3A_999 = arith.addf %add3A_981, %mul3A_998 : vector<16xf32>
          %mul3A_1000 = arith.mulf %bitcast3A_997, %mul3A_985 : vector<16xf32>
          %add3A_1001 = arith.addf %add3A_983, %mul3A_1000 : vector<16xf32>
          %add3A_1002 = arith.constant 8 : i32
          %add3A_1003 = vector.broadcast %add3A_1002 : i32 to vector<16xi32>
          %add3A_1004 = arith.addi %mul3A_52, %add3A_1003 : vector<16xi32>
          tpu.vector_store_idx %arg15[%add3A_1004], %add3A_999 : memref<32768xf32, #tpu.memory_space<vmem>>[vector<16xi32>], vector<16xf32>,
          %add3A_1005 = arith.constant 9 : i32
          %add3A_1006 = vector.broadcast %add3A_1005 : i32 to vector<16xi32>
          %add3A_1007 = arith.addi %mul3A_52, %add3A_1006 : vector<16xi32>
          tpu.vector_store_idx %arg15[%add3A_1007], %add3A_1001 : memref<32768xf32, #tpu.memory_space<vmem>>[vector<16xi32>], vector<16xf32>,
          %mul3A_1008 = arith.constant 6.400000e+01 : f32
          %mul3A_1009 = vector.broadcast %mul3A_1008 : f32 to vector<16xf32>
          %mul3A_1010 = arith.mulf %mul3A_41, %mul3A_1009 : vector<16xf32>
          %mul3A_1011 = arith.constant 6.400000e+01 : f32
          %mul3A_1012 = vector.broadcast %mul3A_1011 : f32 to vector<16xf32>
          %mul3A_1013 = arith.mulf %mul3A_44, %mul3A_1012 : vector<16xf32>
          %mul3A_1014 = arith.constant 6.400000e+01 : f32
          %mul3A_1015 = vector.broadcast %mul3A_1014 : f32 to vector<16xf32>
          %mul3A_1016 = arith.mulf %mul3A_47, %mul3A_1015 : vector<16xf32>
          %convert_element_type3A_1017 = arith.fptosi %mul3A_1010 : vector<16xf32> to vector<16xi32>
          %convert_element_type3A_1018 = arith.fptosi %mul3A_1013 : vector<16xf32> to vector<16xi32>
          %convert_element_type3A_1019 = arith.fptosi %mul3A_1016 : vector<16xf32> to vector<16xi32>
          %convert_element_type3A_1020 = arith.sitofp %convert_element_type3A_1017 : vector<16xi32> to vector<16xf32>
          %sub3A_1021 = arith.subf %mul3A_1010, %convert_element_type3A_1020 : vector<16xf32>
          %convert_element_type3A_1022 = arith.sitofp %convert_element_type3A_1018 : vector<16xi32> to vector<16xf32>
          %sub3A_1023 = arith.subf %mul3A_1013, %convert_element_type3A_1022 : vector<16xf32>
          %convert_element_type3A_1024 = arith.sitofp %convert_element_type3A_1019 : vector<16xi32> to vector<16xf32>
          %sub3A_1025 = arith.subf %mul3A_1016, %convert_element_type3A_1024 : vector<16xf32>
          %sub3A_1026 = arith.constant 1.000000e+00 : f32
          %sub3A_1027 = vector.broadcast %sub3A_1026 : f32 to vector<16xf32>
          %sub3A_1028 = arith.subf %sub3A_1027, %sub3A_1021 : vector<16xf32>
          %sub3A_1029 = arith.constant 1.000000e+00 : f32
          %sub3A_1030 = vector.broadcast %sub3A_1029 : f32 to vector<16xf32>
          %sub3A_1031 = arith.subf %sub3A_1030, %sub3A_1023 : vector<16xf32>
          %sub3A_1032 = arith.constant 1.000000e+00 : f32
          %sub3A_1033 = vector.broadcast %sub3A_1032 : f32 to vector<16xf32>
          %sub3A_1034 = arith.subf %sub3A_1033, %sub3A_1025 : vector<16xf32>
          %broadcast_in_dim3A_1035 = arith.constant 0.000000e+00 : f32
          %broadcast_in_dim3A_1036 = vector.broadcast %broadcast_in_dim3A_1035 : f32 to vector<16xf32>
          %broadcast_in_dim3A_1037 = arith.constant 0.000000e+00 : f32
          %broadcast_in_dim3A_1038 = vector.broadcast %broadcast_in_dim3A_1037 : f32 to vector<16xf32>
          %mul3A_1039 = arith.constant 1408 : i32
          %mul3A_1040 = arith.muli %rem3A_21, %mul3A_1039 : i32
          %add3A_1041 = arith.constant 0 : i32
          %add3A_1042 = arith.addi %mul3A_1040, %add3A_1041 : i32
          %mul3A_1043 = arith.mulf %sub3A_1028, %sub3A_1031 : vector<16xf32>
          %mul3A_1044 = arith.mulf %mul3A_1043, %sub3A_1034 : vector<16xf32>
          %add3A_1045 = arith.constant 0 : i32
          %add3A_1046 = arith.addi %add3A_1042, %add3A_1045 : i32
          %get3A_1047 = arith.index_cast %add3A_1046 : i32 to index
          %get3A_1048 = tpu.vector_load %arg14[%get3A_1047] {strides = array<i32>} : memref<5632xi32, #tpu.memory_space<vmem>>, vector<16xi32>,
          %and3A_1049 = arith.constant -65536 : i32
          %and3A_1050 = vector.broadcast %and3A_1049 : i32 to vector<16xi32>
          %and3A_1051 = arith.andi %get3A_1048, %and3A_1050 : vector<16xi32>
          %bitcast3A_1052 = vector.bitcast %and3A_1051 : vector<16xi32> to vector<16xf32>
          %shift_left3A_1053 = arith.constant 16 : i32
          %shift_left3A_1054 = vector.broadcast %shift_left3A_1053 : i32 to vector<16xi32>
          %shift_left3A_1055 = arith.shli %get3A_1048, %shift_left3A_1054 : vector<16xi32>
          %bitcast3A_1056 = vector.bitcast %shift_left3A_1055 : vector<16xi32> to vector<16xf32>
          %mul3A_1057 = arith.mulf %bitcast3A_1052, %mul3A_1044 : vector<16xf32>
          %add3A_1058 = arith.addf %broadcast_in_dim3A_1036, %mul3A_1057 : vector<16xf32>
          %mul3A_1059 = arith.mulf %bitcast3A_1056, %mul3A_1044 : vector<16xf32>
          %add3A_1060 = arith.addf %broadcast_in_dim3A_1038, %mul3A_1059 : vector<16xf32>
          %mul3A_1061 = arith.mulf %sub3A_1028, %sub3A_1031 : vector<16xf32>
          %mul3A_1062 = arith.mulf %mul3A_1061, %sub3A_1025 : vector<16xf32>
          %add3A_1063 = arith.constant 16 : i32
          %add3A_1064 = arith.addi %add3A_1042, %add3A_1063 : i32
          %get3A_1065 = arith.index_cast %add3A_1064 : i32 to index
          %get3A_1066 = tpu.vector_load %arg14[%get3A_1065] {strides = array<i32>} : memref<5632xi32, #tpu.memory_space<vmem>>, vector<16xi32>,
          %and3A_1067 = arith.constant -65536 : i32
          %and3A_1068 = vector.broadcast %and3A_1067 : i32 to vector<16xi32>
          %and3A_1069 = arith.andi %get3A_1066, %and3A_1068 : vector<16xi32>
          %bitcast3A_1070 = vector.bitcast %and3A_1069 : vector<16xi32> to vector<16xf32>
          %shift_left3A_1071 = arith.constant 16 : i32
          %shift_left3A_1072 = vector.broadcast %shift_left3A_1071 : i32 to vector<16xi32>
          %shift_left3A_1073 = arith.shli %get3A_1066, %shift_left3A_1072 : vector<16xi32>
          %bitcast3A_1074 = vector.bitcast %shift_left3A_1073 : vector<16xi32> to vector<16xf32>
          %mul3A_1075 = arith.mulf %bitcast3A_1070, %mul3A_1062 : vector<16xf32>
          %add3A_1076 = arith.addf %add3A_1058, %mul3A_1075 : vector<16xf32>
          %mul3A_1077 = arith.mulf %bitcast3A_1074, %mul3A_1062 : vector<16xf32>
          %add3A_1078 = arith.addf %add3A_1060, %mul3A_1077 : vector<16xf32>
          %mul3A_1079 = arith.mulf %sub3A_1028, %sub3A_1023 : vector<16xf32>
          %mul3A_1080 = arith.mulf %mul3A_1079, %sub3A_1034 : vector<16xf32>
          %add3A_1081 = arith.constant 32 : i32
          %add3A_1082 = arith.addi %add3A_1042, %add3A_1081 : i32
          %get3A_1083 = arith.index_cast %add3A_1082 : i32 to index
          %get3A_1084 = tpu.vector_load %arg14[%get3A_1083] {strides = array<i32>} : memref<5632xi32, #tpu.memory_space<vmem>>, vector<16xi32>,
          %and3A_1085 = arith.constant -65536 : i32
          %and3A_1086 = vector.broadcast %and3A_1085 : i32 to vector<16xi32>
          %and3A_1087 = arith.andi %get3A_1084, %and3A_1086 : vector<16xi32>
          %bitcast3A_1088 = vector.bitcast %and3A_1087 : vector<16xi32> to vector<16xf32>
          %shift_left3A_1089 = arith.constant 16 : i32
          %shift_left3A_1090 = vector.broadcast %shift_left3A_1089 : i32 to vector<16xi32>
          %shift_left3A_1091 = arith.shli %get3A_1084, %shift_left3A_1090 : vector<16xi32>
          %bitcast3A_1092 = vector.bitcast %shift_left3A_1091 : vector<16xi32> to vector<16xf32>
          %mul3A_1093 = arith.mulf %bitcast3A_1088, %mul3A_1080 : vector<16xf32>
          %add3A_1094 = arith.addf %add3A_1076, %mul3A_1093 : vector<16xf32>
          %mul3A_1095 = arith.mulf %bitcast3A_1092, %mul3A_1080 : vector<16xf32>
          %add3A_1096 = arith.addf %add3A_1078, %mul3A_1095 : vector<16xf32>
          %mul3A_1097 = arith.mulf %sub3A_1028, %sub3A_1023 : vector<16xf32>
          %mul3A_1098 = arith.mulf %mul3A_1097, %sub3A_1025 : vector<16xf32>
          %add3A_1099 = arith.constant 48 : i32
          %add3A_1100 = arith.addi %add3A_1042, %add3A_1099 : i32
          %get3A_1101 = arith.index_cast %add3A_1100 : i32 to index
          %get3A_1102 = tpu.vector_load %arg14[%get3A_1101] {strides = array<i32>} : memref<5632xi32, #tpu.memory_space<vmem>>, vector<16xi32>,
          %and3A_1103 = arith.constant -65536 : i32
          %and3A_1104 = vector.broadcast %and3A_1103 : i32 to vector<16xi32>
          %and3A_1105 = arith.andi %get3A_1102, %and3A_1104 : vector<16xi32>
          %bitcast3A_1106 = vector.bitcast %and3A_1105 : vector<16xi32> to vector<16xf32>
          %shift_left3A_1107 = arith.constant 16 : i32
          %shift_left3A_1108 = vector.broadcast %shift_left3A_1107 : i32 to vector<16xi32>
          %shift_left3A_1109 = arith.shli %get3A_1102, %shift_left3A_1108 : vector<16xi32>
          %bitcast3A_1110 = vector.bitcast %shift_left3A_1109 : vector<16xi32> to vector<16xf32>
          %mul3A_1111 = arith.mulf %bitcast3A_1106, %mul3A_1098 : vector<16xf32>
          %add3A_1112 = arith.addf %add3A_1094, %mul3A_1111 : vector<16xf32>
          %mul3A_1113 = arith.mulf %bitcast3A_1110, %mul3A_1098 : vector<16xf32>
          %add3A_1114 = arith.addf %add3A_1096, %mul3A_1113 : vector<16xf32>
          %mul3A_1115 = arith.mulf %sub3A_1021, %sub3A_1031 : vector<16xf32>
          %mul3A_1116 = arith.mulf %mul3A_1115, %sub3A_1034 : vector<16xf32>
          %add3A_1117 = arith.constant 64 : i32
          %add3A_1118 = arith.addi %add3A_1042, %add3A_1117 : i32
          %get3A_1119 = arith.index_cast %add3A_1118 : i32 to index
          %get3A_1120 = tpu.vector_load %arg14[%get3A_1119] {strides = array<i32>} : memref<5632xi32, #tpu.memory_space<vmem>>, vector<16xi32>,
          %and3A_1121 = arith.constant -65536 : i32
          %and3A_1122 = vector.broadcast %and3A_1121 : i32 to vector<16xi32>
          %and3A_1123 = arith.andi %get3A_1120, %and3A_1122 : vector<16xi32>
          %bitcast3A_1124 = vector.bitcast %and3A_1123 : vector<16xi32> to vector<16xf32>
          %shift_left3A_1125 = arith.constant 16 : i32
          %shift_left3A_1126 = vector.broadcast %shift_left3A_1125 : i32 to vector<16xi32>
          %shift_left3A_1127 = arith.shli %get3A_1120, %shift_left3A_1126 : vector<16xi32>
          %bitcast3A_1128 = vector.bitcast %shift_left3A_1127 : vector<16xi32> to vector<16xf32>
          %mul3A_1129 = arith.mulf %bitcast3A_1124, %mul3A_1116 : vector<16xf32>
          %add3A_1130 = arith.addf %add3A_1112, %mul3A_1129 : vector<16xf32>
          %mul3A_1131 = arith.mulf %bitcast3A_1128, %mul3A_1116 : vector<16xf32>
          %add3A_1132 = arith.addf %add3A_1114, %mul3A_1131 : vector<16xf32>
          %mul3A_1133 = arith.mulf %sub3A_1021, %sub3A_1031 : vector<16xf32>
          %mul3A_1134 = arith.mulf %mul3A_1133, %sub3A_1025 : vector<16xf32>
          %add3A_1135 = arith.constant 80 : i32
          %add3A_1136 = arith.addi %add3A_1042, %add3A_1135 : i32
          %get3A_1137 = arith.index_cast %add3A_1136 : i32 to index
          %get3A_1138 = tpu.vector_load %arg14[%get3A_1137] {strides = array<i32>} : memref<5632xi32, #tpu.memory_space<vmem>>, vector<16xi32>,
          %and3A_1139 = arith.constant -65536 : i32
          %and3A_1140 = vector.broadcast %and3A_1139 : i32 to vector<16xi32>
          %and3A_1141 = arith.andi %get3A_1138, %and3A_1140 : vector<16xi32>
          %bitcast3A_1142 = vector.bitcast %and3A_1141 : vector<16xi32> to vector<16xf32>
          %shift_left3A_1143 = arith.constant 16 : i32
          %shift_left3A_1144 = vector.broadcast %shift_left3A_1143 : i32 to vector<16xi32>
          %shift_left3A_1145 = arith.shli %get3A_1138, %shift_left3A_1144 : vector<16xi32>
          %bitcast3A_1146 = vector.bitcast %shift_left3A_1145 : vector<16xi32> to vector<16xf32>
          %mul3A_1147 = arith.mulf %bitcast3A_1142, %mul3A_1134 : vector<16xf32>
          %add3A_1148 = arith.addf %add3A_1130, %mul3A_1147 : vector<16xf32>
          %mul3A_1149 = arith.mulf %bitcast3A_1146, %mul3A_1134 : vector<16xf32>
          %add3A_1150 = arith.addf %add3A_1132, %mul3A_1149 : vector<16xf32>
          %mul3A_1151 = arith.mulf %sub3A_1021, %sub3A_1023 : vector<16xf32>
          %mul3A_1152 = arith.mulf %mul3A_1151, %sub3A_1034 : vector<16xf32>
          %add3A_1153 = arith.constant 96 : i32
          %add3A_1154 = arith.addi %add3A_1042, %add3A_1153 : i32
          %get3A_1155 = arith.index_cast %add3A_1154 : i32 to index
          %get3A_1156 = tpu.vector_load %arg14[%get3A_1155] {strides = array<i32>} : memref<5632xi32, #tpu.memory_space<vmem>>, vector<16xi32>,
          %and3A_1157 = arith.constant -65536 : i32
          %and3A_1158 = vector.broadcast %and3A_1157 : i32 to vector<16xi32>
          %and3A_1159 = arith.andi %get3A_1156, %and3A_1158 : vector<16xi32>
          %bitcast3A_1160 = vector.bitcast %and3A_1159 : vector<16xi32> to vector<16xf32>
          %shift_left3A_1161 = arith.constant 16 : i32
          %shift_left3A_1162 = vector.broadcast %shift_left3A_1161 : i32 to vector<16xi32>
          %shift_left3A_1163 = arith.shli %get3A_1156, %shift_left3A_1162 : vector<16xi32>
          %bitcast3A_1164 = vector.bitcast %shift_left3A_1163 : vector<16xi32> to vector<16xf32>
          %mul3A_1165 = arith.mulf %bitcast3A_1160, %mul3A_1152 : vector<16xf32>
          %add3A_1166 = arith.addf %add3A_1148, %mul3A_1165 : vector<16xf32>
          %mul3A_1167 = arith.mulf %bitcast3A_1164, %mul3A_1152 : vector<16xf32>
          %add3A_1168 = arith.addf %add3A_1150, %mul3A_1167 : vector<16xf32>
          %mul3A_1169 = arith.mulf %sub3A_1021, %sub3A_1023 : vector<16xf32>
          %mul3A_1170 = arith.mulf %mul3A_1169, %sub3A_1025 : vector<16xf32>
          %add3A_1171 = arith.constant 112 : i32
          %add3A_1172 = arith.addi %add3A_1042, %add3A_1171 : i32
          %get3A_1173 = arith.index_cast %add3A_1172 : i32 to index
          %get3A_1174 = tpu.vector_load %arg14[%get3A_1173] {strides = array<i32>} : memref<5632xi32, #tpu.memory_space<vmem>>, vector<16xi32>,
          %and3A_1175 = arith.constant -65536 : i32
          %and3A_1176 = vector.broadcast %and3A_1175 : i32 to vector<16xi32>
          %and3A_1177 = arith.andi %get3A_1174, %and3A_1176 : vector<16xi32>
          %bitcast3A_1178 = vector.bitcast %and3A_1177 : vector<16xi32> to vector<16xf32>
          %shift_left3A_1179 = arith.constant 16 : i32
          %shift_left3A_1180 = vector.broadcast %shift_left3A_1179 : i32 to vector<16xi32>
          %shift_left3A_1181 = arith.shli %get3A_1174, %shift_left3A_1180 : vector<16xi32>
          %bitcast3A_1182 = vector.bitcast %shift_left3A_1181 : vector<16xi32> to vector<16xf32>
          %mul3A_1183 = arith.mulf %bitcast3A_1178, %mul3A_1170 : vector<16xf32>
          %add3A_1184 = arith.addf %add3A_1166, %mul3A_1183 : vector<16xf32>
          %mul3A_1185 = arith.mulf %bitcast3A_1182, %mul3A_1170 : vector<16xf32>
          %add3A_1186 = arith.addf %add3A_1168, %mul3A_1185 : vector<16xf32>
          %add3A_1187 = arith.constant 10 : i32
          %add3A_1188 = vector.broadcast %add3A_1187 : i32 to vector<16xi32>
          %add3A_1189 = arith.addi %mul3A_52, %add3A_1188 : vector<16xi32>
          tpu.vector_store_idx %arg15[%add3A_1189], %add3A_1184 : memref<32768xf32, #tpu.memory_space<vmem>>[vector<16xi32>], vector<16xf32>,
          %add3A_1190 = arith.constant 11 : i32
          %add3A_1191 = vector.broadcast %add3A_1190 : i32 to vector<16xi32>
          %add3A_1192 = arith.addi %mul3A_52, %add3A_1191 : vector<16xi32>
          tpu.vector_store_idx %arg15[%add3A_1192], %add3A_1186 : memref<32768xf32, #tpu.memory_space<vmem>>[vector<16xi32>], vector<16xf32>,
          %mul3A_1193 = arith.constant 1.280000e+02 : f32
          %mul3A_1194 = vector.broadcast %mul3A_1193 : f32 to vector<16xf32>
          %mul3A_1195 = arith.mulf %mul3A_41, %mul3A_1194 : vector<16xf32>
          %mul3A_1196 = arith.constant 1.280000e+02 : f32
          %mul3A_1197 = vector.broadcast %mul3A_1196 : f32 to vector<16xf32>
          %mul3A_1198 = arith.mulf %mul3A_44, %mul3A_1197 : vector<16xf32>
          %mul3A_1199 = arith.constant 1.280000e+02 : f32
          %mul3A_1200 = vector.broadcast %mul3A_1199 : f32 to vector<16xf32>
          %mul3A_1201 = arith.mulf %mul3A_47, %mul3A_1200 : vector<16xf32>
          %convert_element_type3A_1202 = arith.fptosi %mul3A_1195 : vector<16xf32> to vector<16xi32>
          %convert_element_type3A_1203 = arith.fptosi %mul3A_1198 : vector<16xf32> to vector<16xi32>
          %convert_element_type3A_1204 = arith.fptosi %mul3A_1201 : vector<16xf32> to vector<16xi32>
          %convert_element_type3A_1205 = arith.sitofp %convert_element_type3A_1202 : vector<16xi32> to vector<16xf32>
          %sub3A_1206 = arith.subf %mul3A_1195, %convert_element_type3A_1205 : vector<16xf32>
          %convert_element_type3A_1207 = arith.sitofp %convert_element_type3A_1203 : vector<16xi32> to vector<16xf32>
          %sub3A_1208 = arith.subf %mul3A_1198, %convert_element_type3A_1207 : vector<16xf32>
          %convert_element_type3A_1209 = arith.sitofp %convert_element_type3A_1204 : vector<16xi32> to vector<16xf32>
          %sub3A_1210 = arith.subf %mul3A_1201, %convert_element_type3A_1209 : vector<16xf32>
          %sub3A_1211 = arith.constant 1.000000e+00 : f32
          %sub3A_1212 = vector.broadcast %sub3A_1211 : f32 to vector<16xf32>
          %sub3A_1213 = arith.subf %sub3A_1212, %sub3A_1206 : vector<16xf32>
          %sub3A_1214 = arith.constant 1.000000e+00 : f32
          %sub3A_1215 = vector.broadcast %sub3A_1214 : f32 to vector<16xf32>
          %sub3A_1216 = arith.subf %sub3A_1215, %sub3A_1208 : vector<16xf32>
          %sub3A_1217 = arith.constant 1.000000e+00 : f32
          %sub3A_1218 = vector.broadcast %sub3A_1217 : f32 to vector<16xf32>
          %sub3A_1219 = arith.subf %sub3A_1218, %sub3A_1210 : vector<16xf32>
          %broadcast_in_dim3A_1220 = arith.constant 0.000000e+00 : f32
          %broadcast_in_dim3A_1221 = vector.broadcast %broadcast_in_dim3A_1220 : f32 to vector<16xf32>
          %broadcast_in_dim3A_1222 = arith.constant 0.000000e+00 : f32
          %broadcast_in_dim3A_1223 = vector.broadcast %broadcast_in_dim3A_1222 : f32 to vector<16xf32>
          %mul3A_1224 = arith.constant 1408 : i32
          %mul3A_1225 = arith.muli %rem3A_21, %mul3A_1224 : i32
          %add3A_1226 = arith.constant 128 : i32
          %add3A_1227 = arith.addi %mul3A_1225, %add3A_1226 : i32
          %mul3A_1228 = arith.mulf %sub3A_1213, %sub3A_1216 : vector<16xf32>
          %mul3A_1229 = arith.mulf %mul3A_1228, %sub3A_1219 : vector<16xf32>
          %add3A_1230 = arith.constant 0 : i32
          %add3A_1231 = arith.addi %add3A_1227, %add3A_1230 : i32
          %get3A_1232 = arith.index_cast %add3A_1231 : i32 to index
          %get3A_1233 = tpu.vector_load %arg14[%get3A_1232] {strides = array<i32>} : memref<5632xi32, #tpu.memory_space<vmem>>, vector<16xi32>,
          %and3A_1234 = arith.constant -65536 : i32
          %and3A_1235 = vector.broadcast %and3A_1234 : i32 to vector<16xi32>
          %and3A_1236 = arith.andi %get3A_1233, %and3A_1235 : vector<16xi32>
          %bitcast3A_1237 = vector.bitcast %and3A_1236 : vector<16xi32> to vector<16xf32>
          %shift_left3A_1238 = arith.constant 16 : i32
          %shift_left3A_1239 = vector.broadcast %shift_left3A_1238 : i32 to vector<16xi32>
          %shift_left3A_1240 = arith.shli %get3A_1233, %shift_left3A_1239 : vector<16xi32>
          %bitcast3A_1241 = vector.bitcast %shift_left3A_1240 : vector<16xi32> to vector<16xf32>
          %mul3A_1242 = arith.mulf %bitcast3A_1237, %mul3A_1229 : vector<16xf32>
          %add3A_1243 = arith.addf %broadcast_in_dim3A_1221, %mul3A_1242 : vector<16xf32>
          %mul3A_1244 = arith.mulf %bitcast3A_1241, %mul3A_1229 : vector<16xf32>
          %add3A_1245 = arith.addf %broadcast_in_dim3A_1223, %mul3A_1244 : vector<16xf32>
          %mul3A_1246 = arith.mulf %sub3A_1213, %sub3A_1216 : vector<16xf32>
          %mul3A_1247 = arith.mulf %mul3A_1246, %sub3A_1210 : vector<16xf32>
          %add3A_1248 = arith.constant 16 : i32
          %add3A_1249 = arith.addi %add3A_1227, %add3A_1248 : i32
          %get3A_1250 = arith.index_cast %add3A_1249 : i32 to index
          %get3A_1251 = tpu.vector_load %arg14[%get3A_1250] {strides = array<i32>} : memref<5632xi32, #tpu.memory_space<vmem>>, vector<16xi32>,
          %and3A_1252 = arith.constant -65536 : i32
          %and3A_1253 = vector.broadcast %and3A_1252 : i32 to vector<16xi32>
          %and3A_1254 = arith.andi %get3A_1251, %and3A_1253 : vector<16xi32>
          %bitcast3A_1255 = vector.bitcast %and3A_1254 : vector<16xi32> to vector<16xf32>
          %shift_left3A_1256 = arith.constant 16 : i32
          %shift_left3A_1257 = vector.broadcast %shift_left3A_1256 : i32 to vector<16xi32>
          %shift_left3A_1258 = arith.shli %get3A_1251, %shift_left3A_1257 : vector<16xi32>
          %bitcast3A_1259 = vector.bitcast %shift_left3A_1258 : vector<16xi32> to vector<16xf32>
          %mul3A_1260 = arith.mulf %bitcast3A_1255, %mul3A_1247 : vector<16xf32>
          %add3A_1261 = arith.addf %add3A_1243, %mul3A_1260 : vector<16xf32>
          %mul3A_1262 = arith.mulf %bitcast3A_1259, %mul3A_1247 : vector<16xf32>
          %add3A_1263 = arith.addf %add3A_1245, %mul3A_1262 : vector<16xf32>
          %mul3A_1264 = arith.mulf %sub3A_1213, %sub3A_1208 : vector<16xf32>
          %mul3A_1265 = arith.mulf %mul3A_1264, %sub3A_1219 : vector<16xf32>
          %add3A_1266 = arith.constant 32 : i32
          %add3A_1267 = arith.addi %add3A_1227, %add3A_1266 : i32
          %get3A_1268 = arith.index_cast %add3A_1267 : i32 to index
          %get3A_1269 = tpu.vector_load %arg14[%get3A_1268] {strides = array<i32>} : memref<5632xi32, #tpu.memory_space<vmem>>, vector<16xi32>,
          %and3A_1270 = arith.constant -65536 : i32
          %and3A_1271 = vector.broadcast %and3A_1270 : i32 to vector<16xi32>
          %and3A_1272 = arith.andi %get3A_1269, %and3A_1271 : vector<16xi32>
          %bitcast3A_1273 = vector.bitcast %and3A_1272 : vector<16xi32> to vector<16xf32>
          %shift_left3A_1274 = arith.constant 16 : i32
          %shift_left3A_1275 = vector.broadcast %shift_left3A_1274 : i32 to vector<16xi32>
          %shift_left3A_1276 = arith.shli %get3A_1269, %shift_left3A_1275 : vector<16xi32>
          %bitcast3A_1277 = vector.bitcast %shift_left3A_1276 : vector<16xi32> to vector<16xf32>
          %mul3A_1278 = arith.mulf %bitcast3A_1273, %mul3A_1265 : vector<16xf32>
          %add3A_1279 = arith.addf %add3A_1261, %mul3A_1278 : vector<16xf32>
          %mul3A_1280 = arith.mulf %bitcast3A_1277, %mul3A_1265 : vector<16xf32>
          %add3A_1281 = arith.addf %add3A_1263, %mul3A_1280 : vector<16xf32>
          %mul3A_1282 = arith.mulf %sub3A_1213, %sub3A_1208 : vector<16xf32>
          %mul3A_1283 = arith.mulf %mul3A_1282, %sub3A_1210 : vector<16xf32>
          %add3A_1284 = arith.constant 48 : i32
          %add3A_1285 = arith.addi %add3A_1227, %add3A_1284 : i32
          %get3A_1286 = arith.index_cast %add3A_1285 : i32 to index
          %get3A_1287 = tpu.vector_load %arg14[%get3A_1286] {strides = array<i32>} : memref<5632xi32, #tpu.memory_space<vmem>>, vector<16xi32>,
          %and3A_1288 = arith.constant -65536 : i32
          %and3A_1289 = vector.broadcast %and3A_1288 : i32 to vector<16xi32>
          %and3A_1290 = arith.andi %get3A_1287, %and3A_1289 : vector<16xi32>
          %bitcast3A_1291 = vector.bitcast %and3A_1290 : vector<16xi32> to vector<16xf32>
          %shift_left3A_1292 = arith.constant 16 : i32
          %shift_left3A_1293 = vector.broadcast %shift_left3A_1292 : i32 to vector<16xi32>
          %shift_left3A_1294 = arith.shli %get3A_1287, %shift_left3A_1293 : vector<16xi32>
          %bitcast3A_1295 = vector.bitcast %shift_left3A_1294 : vector<16xi32> to vector<16xf32>
          %mul3A_1296 = arith.mulf %bitcast3A_1291, %mul3A_1283 : vector<16xf32>
          %add3A_1297 = arith.addf %add3A_1279, %mul3A_1296 : vector<16xf32>
          %mul3A_1298 = arith.mulf %bitcast3A_1295, %mul3A_1283 : vector<16xf32>
          %add3A_1299 = arith.addf %add3A_1281, %mul3A_1298 : vector<16xf32>
          %mul3A_1300 = arith.mulf %sub3A_1206, %sub3A_1216 : vector<16xf32>
          %mul3A_1301 = arith.mulf %mul3A_1300, %sub3A_1219 : vector<16xf32>
          %add3A_1302 = arith.constant 64 : i32
          %add3A_1303 = arith.addi %add3A_1227, %add3A_1302 : i32
          %get3A_1304 = arith.index_cast %add3A_1303 : i32 to index
          %get3A_1305 = tpu.vector_load %arg14[%get3A_1304] {strides = array<i32>} : memref<5632xi32, #tpu.memory_space<vmem>>, vector<16xi32>,
          %and3A_1306 = arith.constant -65536 : i32
          %and3A_1307 = vector.broadcast %and3A_1306 : i32 to vector<16xi32>
          %and3A_1308 = arith.andi %get3A_1305, %and3A_1307 : vector<16xi32>
          %bitcast3A_1309 = vector.bitcast %and3A_1308 : vector<16xi32> to vector<16xf32>
          %shift_left3A_1310 = arith.constant 16 : i32
          %shift_left3A_1311 = vector.broadcast %shift_left3A_1310 : i32 to vector<16xi32>
          %shift_left3A_1312 = arith.shli %get3A_1305, %shift_left3A_1311 : vector<16xi32>
          %bitcast3A_1313 = vector.bitcast %shift_left3A_1312 : vector<16xi32> to vector<16xf32>
          %mul3A_1314 = arith.mulf %bitcast3A_1309, %mul3A_1301 : vector<16xf32>
          %add3A_1315 = arith.addf %add3A_1297, %mul3A_1314 : vector<16xf32>
          %mul3A_1316 = arith.mulf %bitcast3A_1313, %mul3A_1301 : vector<16xf32>
          %add3A_1317 = arith.addf %add3A_1299, %mul3A_1316 : vector<16xf32>
          %mul3A_1318 = arith.mulf %sub3A_1206, %sub3A_1216 : vector<16xf32>
          %mul3A_1319 = arith.mulf %mul3A_1318, %sub3A_1210 : vector<16xf32>
          %add3A_1320 = arith.constant 80 : i32
          %add3A_1321 = arith.addi %add3A_1227, %add3A_1320 : i32
          %get3A_1322 = arith.index_cast %add3A_1321 : i32 to index
          %get3A_1323 = tpu.vector_load %arg14[%get3A_1322] {strides = array<i32>} : memref<5632xi32, #tpu.memory_space<vmem>>, vector<16xi32>,
          %and3A_1324 = arith.constant -65536 : i32
          %and3A_1325 = vector.broadcast %and3A_1324 : i32 to vector<16xi32>
          %and3A_1326 = arith.andi %get3A_1323, %and3A_1325 : vector<16xi32>
          %bitcast3A_1327 = vector.bitcast %and3A_1326 : vector<16xi32> to vector<16xf32>
          %shift_left3A_1328 = arith.constant 16 : i32
          %shift_left3A_1329 = vector.broadcast %shift_left3A_1328 : i32 to vector<16xi32>
          %shift_left3A_1330 = arith.shli %get3A_1323, %shift_left3A_1329 : vector<16xi32>
          %bitcast3A_1331 = vector.bitcast %shift_left3A_1330 : vector<16xi32> to vector<16xf32>
          %mul3A_1332 = arith.mulf %bitcast3A_1327, %mul3A_1319 : vector<16xf32>
          %add3A_1333 = arith.addf %add3A_1315, %mul3A_1332 : vector<16xf32>
          %mul3A_1334 = arith.mulf %bitcast3A_1331, %mul3A_1319 : vector<16xf32>
          %add3A_1335 = arith.addf %add3A_1317, %mul3A_1334 : vector<16xf32>
          %mul3A_1336 = arith.mulf %sub3A_1206, %sub3A_1208 : vector<16xf32>
          %mul3A_1337 = arith.mulf %mul3A_1336, %sub3A_1219 : vector<16xf32>
          %add3A_1338 = arith.constant 96 : i32
          %add3A_1339 = arith.addi %add3A_1227, %add3A_1338 : i32
          %get3A_1340 = arith.index_cast %add3A_1339 : i32 to index
          %get3A_1341 = tpu.vector_load %arg14[%get3A_1340] {strides = array<i32>} : memref<5632xi32, #tpu.memory_space<vmem>>, vector<16xi32>,
          %and3A_1342 = arith.constant -65536 : i32
          %and3A_1343 = vector.broadcast %and3A_1342 : i32 to vector<16xi32>
          %and3A_1344 = arith.andi %get3A_1341, %and3A_1343 : vector<16xi32>
          %bitcast3A_1345 = vector.bitcast %and3A_1344 : vector<16xi32> to vector<16xf32>
          %shift_left3A_1346 = arith.constant 16 : i32
          %shift_left3A_1347 = vector.broadcast %shift_left3A_1346 : i32 to vector<16xi32>
          %shift_left3A_1348 = arith.shli %get3A_1341, %shift_left3A_1347 : vector<16xi32>
          %bitcast3A_1349 = vector.bitcast %shift_left3A_1348 : vector<16xi32> to vector<16xf32>
          %mul3A_1350 = arith.mulf %bitcast3A_1345, %mul3A_1337 : vector<16xf32>
          %add3A_1351 = arith.addf %add3A_1333, %mul3A_1350 : vector<16xf32>
          %mul3A_1352 = arith.mulf %bitcast3A_1349, %mul3A_1337 : vector<16xf32>
          %add3A_1353 = arith.addf %add3A_1335, %mul3A_1352 : vector<16xf32>
          %mul3A_1354 = arith.mulf %sub3A_1206, %sub3A_1208 : vector<16xf32>
          %mul3A_1355 = arith.mulf %mul3A_1354, %sub3A_1210 : vector<16xf32>
          %add3A_1356 = arith.constant 112 : i32
          %add3A_1357 = arith.addi %add3A_1227, %add3A_1356 : i32
          %get3A_1358 = arith.index_cast %add3A_1357 : i32 to index
          %get3A_1359 = tpu.vector_load %arg14[%get3A_1358] {strides = array<i32>} : memref<5632xi32, #tpu.memory_space<vmem>>, vector<16xi32>,
          %and3A_1360 = arith.constant -65536 : i32
          %and3A_1361 = vector.broadcast %and3A_1360 : i32 to vector<16xi32>
          %and3A_1362 = arith.andi %get3A_1359, %and3A_1361 : vector<16xi32>
          %bitcast3A_1363 = vector.bitcast %and3A_1362 : vector<16xi32> to vector<16xf32>
          %shift_left3A_1364 = arith.constant 16 : i32
          %shift_left3A_1365 = vector.broadcast %shift_left3A_1364 : i32 to vector<16xi32>
          %shift_left3A_1366 = arith.shli %get3A_1359, %shift_left3A_1365 : vector<16xi32>
          %bitcast3A_1367 = vector.bitcast %shift_left3A_1366 : vector<16xi32> to vector<16xf32>
          %mul3A_1368 = arith.mulf %bitcast3A_1363, %mul3A_1355 : vector<16xf32>
          %add3A_1369 = arith.addf %add3A_1351, %mul3A_1368 : vector<16xf32>
          %mul3A_1370 = arith.mulf %bitcast3A_1367, %mul3A_1355 : vector<16xf32>
          %add3A_1371 = arith.addf %add3A_1353, %mul3A_1370 : vector<16xf32>
          %add3A_1372 = arith.constant 12 : i32
          %add3A_1373 = vector.broadcast %add3A_1372 : i32 to vector<16xi32>
          %add3A_1374 = arith.addi %mul3A_52, %add3A_1373 : vector<16xi32>
          tpu.vector_store_idx %arg15[%add3A_1374], %add3A_1369 : memref<32768xf32, #tpu.memory_space<vmem>>[vector<16xi32>], vector<16xf32>,
          %add3A_1375 = arith.constant 13 : i32
          %add3A_1376 = vector.broadcast %add3A_1375 : i32 to vector<16xi32>
          %add3A_1377 = arith.addi %mul3A_52, %add3A_1376 : vector<16xi32>
          tpu.vector_store_idx %arg15[%add3A_1377], %add3A_1371 : memref<32768xf32, #tpu.memory_space<vmem>>[vector<16xi32>], vector<16xf32>,
          %mul3A_1378 = arith.constant 2.560000e+02 : f32
          %mul3A_1379 = vector.broadcast %mul3A_1378 : f32 to vector<16xf32>
          %mul3A_1380 = arith.mulf %mul3A_41, %mul3A_1379 : vector<16xf32>
          %mul3A_1381 = arith.constant 2.560000e+02 : f32
          %mul3A_1382 = vector.broadcast %mul3A_1381 : f32 to vector<16xf32>
          %mul3A_1383 = arith.mulf %mul3A_44, %mul3A_1382 : vector<16xf32>
          %mul3A_1384 = arith.constant 2.560000e+02 : f32
          %mul3A_1385 = vector.broadcast %mul3A_1384 : f32 to vector<16xf32>
          %mul3A_1386 = arith.mulf %mul3A_47, %mul3A_1385 : vector<16xf32>
          %convert_element_type3A_1387 = arith.fptosi %mul3A_1380 : vector<16xf32> to vector<16xi32>
          %convert_element_type3A_1388 = arith.fptosi %mul3A_1383 : vector<16xf32> to vector<16xi32>
          %convert_element_type3A_1389 = arith.fptosi %mul3A_1386 : vector<16xf32> to vector<16xi32>
          %convert_element_type3A_1390 = arith.sitofp %convert_element_type3A_1387 : vector<16xi32> to vector<16xf32>
          %sub3A_1391 = arith.subf %mul3A_1380, %convert_element_type3A_1390 : vector<16xf32>
          %convert_element_type3A_1392 = arith.sitofp %convert_element_type3A_1388 : vector<16xi32> to vector<16xf32>
          %sub3A_1393 = arith.subf %mul3A_1383, %convert_element_type3A_1392 : vector<16xf32>
          %convert_element_type3A_1394 = arith.sitofp %convert_element_type3A_1389 : vector<16xi32> to vector<16xf32>
          %sub3A_1395 = arith.subf %mul3A_1386, %convert_element_type3A_1394 : vector<16xf32>
          %sub3A_1396 = arith.constant 1.000000e+00 : f32
          %sub3A_1397 = vector.broadcast %sub3A_1396 : f32 to vector<16xf32>
          %sub3A_1398 = arith.subf %sub3A_1397, %sub3A_1391 : vector<16xf32>
          %sub3A_1399 = arith.constant 1.000000e+00 : f32
          %sub3A_1400 = vector.broadcast %sub3A_1399 : f32 to vector<16xf32>
          %sub3A_1401 = arith.subf %sub3A_1400, %sub3A_1393 : vector<16xf32>
          %sub3A_1402 = arith.constant 1.000000e+00 : f32
          %sub3A_1403 = vector.broadcast %sub3A_1402 : f32 to vector<16xf32>
          %sub3A_1404 = arith.subf %sub3A_1403, %sub3A_1395 : vector<16xf32>
          %broadcast_in_dim3A_1405 = arith.constant 0.000000e+00 : f32
          %broadcast_in_dim3A_1406 = vector.broadcast %broadcast_in_dim3A_1405 : f32 to vector<16xf32>
          %broadcast_in_dim3A_1407 = arith.constant 0.000000e+00 : f32
          %broadcast_in_dim3A_1408 = vector.broadcast %broadcast_in_dim3A_1407 : f32 to vector<16xf32>
          %mul3A_1409 = arith.constant 1408 : i32
          %mul3A_1410 = arith.muli %rem3A_21, %mul3A_1409 : i32
          %add3A_1411 = arith.constant 256 : i32
          %add3A_1412 = arith.addi %mul3A_1410, %add3A_1411 : i32
          %mul3A_1413 = arith.mulf %sub3A_1398, %sub3A_1401 : vector<16xf32>
          %mul3A_1414 = arith.mulf %mul3A_1413, %sub3A_1404 : vector<16xf32>
          %add3A_1415 = arith.constant 0 : i32
          %add3A_1416 = arith.addi %add3A_1412, %add3A_1415 : i32
          %get3A_1417 = arith.index_cast %add3A_1416 : i32 to index
          %get3A_1418 = tpu.vector_load %arg14[%get3A_1417] {strides = array<i32>} : memref<5632xi32, #tpu.memory_space<vmem>>, vector<16xi32>,
          %and3A_1419 = arith.constant -65536 : i32
          %and3A_1420 = vector.broadcast %and3A_1419 : i32 to vector<16xi32>
          %and3A_1421 = arith.andi %get3A_1418, %and3A_1420 : vector<16xi32>
          %bitcast3A_1422 = vector.bitcast %and3A_1421 : vector<16xi32> to vector<16xf32>
          %shift_left3A_1423 = arith.constant 16 : i32
          %shift_left3A_1424 = vector.broadcast %shift_left3A_1423 : i32 to vector<16xi32>
          %shift_left3A_1425 = arith.shli %get3A_1418, %shift_left3A_1424 : vector<16xi32>
          %bitcast3A_1426 = vector.bitcast %shift_left3A_1425 : vector<16xi32> to vector<16xf32>
          %mul3A_1427 = arith.mulf %bitcast3A_1422, %mul3A_1414 : vector<16xf32>
          %add3A_1428 = arith.addf %broadcast_in_dim3A_1406, %mul3A_1427 : vector<16xf32>
          %mul3A_1429 = arith.mulf %bitcast3A_1426, %mul3A_1414 : vector<16xf32>
          %add3A_1430 = arith.addf %broadcast_in_dim3A_1408, %mul3A_1429 : vector<16xf32>
          %mul3A_1431 = arith.mulf %sub3A_1398, %sub3A_1401 : vector<16xf32>
          %mul3A_1432 = arith.mulf %mul3A_1431, %sub3A_1395 : vector<16xf32>
          %add3A_1433 = arith.constant 16 : i32
          %add3A_1434 = arith.addi %add3A_1412, %add3A_1433 : i32
          %get3A_1435 = arith.index_cast %add3A_1434 : i32 to index
          %get3A_1436 = tpu.vector_load %arg14[%get3A_1435] {strides = array<i32>} : memref<5632xi32, #tpu.memory_space<vmem>>, vector<16xi32>,
          %and3A_1437 = arith.constant -65536 : i32
          %and3A_1438 = vector.broadcast %and3A_1437 : i32 to vector<16xi32>
          %and3A_1439 = arith.andi %get3A_1436, %and3A_1438 : vector<16xi32>
          %bitcast3A_1440 = vector.bitcast %and3A_1439 : vector<16xi32> to vector<16xf32>
          %shift_left3A_1441 = arith.constant 16 : i32
          %shift_left3A_1442 = vector.broadcast %shift_left3A_1441 : i32 to vector<16xi32>
          %shift_left3A_1443 = arith.shli %get3A_1436, %shift_left3A_1442 : vector<16xi32>
          %bitcast3A_1444 = vector.bitcast %shift_left3A_1443 : vector<16xi32> to vector<16xf32>
          %mul3A_1445 = arith.mulf %bitcast3A_1440, %mul3A_1432 : vector<16xf32>
          %add3A_1446 = arith.addf %add3A_1428, %mul3A_1445 : vector<16xf32>
          %mul3A_1447 = arith.mulf %bitcast3A_1444, %mul3A_1432 : vector<16xf32>
          %add3A_1448 = arith.addf %add3A_1430, %mul3A_1447 : vector<16xf32>
          %mul3A_1449 = arith.mulf %sub3A_1398, %sub3A_1393 : vector<16xf32>
          %mul3A_1450 = arith.mulf %mul3A_1449, %sub3A_1404 : vector<16xf32>
          %add3A_1451 = arith.constant 32 : i32
          %add3A_1452 = arith.addi %add3A_1412, %add3A_1451 : i32
          %get3A_1453 = arith.index_cast %add3A_1452 : i32 to index
          %get3A_1454 = tpu.vector_load %arg14[%get3A_1453] {strides = array<i32>} : memref<5632xi32, #tpu.memory_space<vmem>>, vector<16xi32>,
          %and3A_1455 = arith.constant -65536 : i32
          %and3A_1456 = vector.broadcast %and3A_1455 : i32 to vector<16xi32>
          %and3A_1457 = arith.andi %get3A_1454, %and3A_1456 : vector<16xi32>
          %bitcast3A_1458 = vector.bitcast %and3A_1457 : vector<16xi32> to vector<16xf32>
          %shift_left3A_1459 = arith.constant 16 : i32
          %shift_left3A_1460 = vector.broadcast %shift_left3A_1459 : i32 to vector<16xi32>
          %shift_left3A_1461 = arith.shli %get3A_1454, %shift_left3A_1460 : vector<16xi32>
          %bitcast3A_1462 = vector.bitcast %shift_left3A_1461 : vector<16xi32> to vector<16xf32>
          %mul3A_1463 = arith.mulf %bitcast3A_1458, %mul3A_1450 : vector<16xf32>
          %add3A_1464 = arith.addf %add3A_1446, %mul3A_1463 : vector<16xf32>
          %mul3A_1465 = arith.mulf %bitcast3A_1462, %mul3A_1450 : vector<16xf32>
          %add3A_1466 = arith.addf %add3A_1448, %mul3A_1465 : vector<16xf32>
          %mul3A_1467 = arith.mulf %sub3A_1398, %sub3A_1393 : vector<16xf32>
          %mul3A_1468 = arith.mulf %mul3A_1467, %sub3A_1395 : vector<16xf32>
          %add3A_1469 = arith.constant 48 : i32
          %add3A_1470 = arith.addi %add3A_1412, %add3A_1469 : i32
          %get3A_1471 = arith.index_cast %add3A_1470 : i32 to index
          %get3A_1472 = tpu.vector_load %arg14[%get3A_1471] {strides = array<i32>} : memref<5632xi32, #tpu.memory_space<vmem>>, vector<16xi32>,
          %and3A_1473 = arith.constant -65536 : i32
          %and3A_1474 = vector.broadcast %and3A_1473 : i32 to vector<16xi32>
          %and3A_1475 = arith.andi %get3A_1472, %and3A_1474 : vector<16xi32>
          %bitcast3A_1476 = vector.bitcast %and3A_1475 : vector<16xi32> to vector<16xf32>
          %shift_left3A_1477 = arith.constant 16 : i32
          %shift_left3A_1478 = vector.broadcast %shift_left3A_1477 : i32 to vector<16xi32>
          %shift_left3A_1479 = arith.shli %get3A_1472, %shift_left3A_1478 : vector<16xi32>
          %bitcast3A_1480 = vector.bitcast %shift_left3A_1479 : vector<16xi32> to vector<16xf32>
          %mul3A_1481 = arith.mulf %bitcast3A_1476, %mul3A_1468 : vector<16xf32>
          %add3A_1482 = arith.addf %add3A_1464, %mul3A_1481 : vector<16xf32>
          %mul3A_1483 = arith.mulf %bitcast3A_1480, %mul3A_1468 : vector<16xf32>
          %add3A_1484 = arith.addf %add3A_1466, %mul3A_1483 : vector<16xf32>
          %mul3A_1485 = arith.mulf %sub3A_1391, %sub3A_1401 : vector<16xf32>
          %mul3A_1486 = arith.mulf %mul3A_1485, %sub3A_1404 : vector<16xf32>
          %add3A_1487 = arith.constant 64 : i32
          %add3A_1488 = arith.addi %add3A_1412, %add3A_1487 : i32
          %get3A_1489 = arith.index_cast %add3A_1488 : i32 to index
          %get3A_1490 = tpu.vector_load %arg14[%get3A_1489] {strides = array<i32>} : memref<5632xi32, #tpu.memory_space<vmem>>, vector<16xi32>,
          %and3A_1491 = arith.constant -65536 : i32
          %and3A_1492 = vector.broadcast %and3A_1491 : i32 to vector<16xi32>
          %and3A_1493 = arith.andi %get3A_1490, %and3A_1492 : vector<16xi32>
          %bitcast3A_1494 = vector.bitcast %and3A_1493 : vector<16xi32> to vector<16xf32>
          %shift_left3A_1495 = arith.constant 16 : i32
          %shift_left3A_1496 = vector.broadcast %shift_left3A_1495 : i32 to vector<16xi32>
          %shift_left3A_1497 = arith.shli %get3A_1490, %shift_left3A_1496 : vector<16xi32>
          %bitcast3A_1498 = vector.bitcast %shift_left3A_1497 : vector<16xi32> to vector<16xf32>
          %mul3A_1499 = arith.mulf %bitcast3A_1494, %mul3A_1486 : vector<16xf32>
          %add3A_1500 = arith.addf %add3A_1482, %mul3A_1499 : vector<16xf32>
          %mul3A_1501 = arith.mulf %bitcast3A_1498, %mul3A_1486 : vector<16xf32>
          %add3A_1502 = arith.addf %add3A_1484, %mul3A_1501 : vector<16xf32>
          %mul3A_1503 = arith.mulf %sub3A_1391, %sub3A_1401 : vector<16xf32>
          %mul3A_1504 = arith.mulf %mul3A_1503, %sub3A_1395 : vector<16xf32>
          %add3A_1505 = arith.constant 80 : i32
          %add3A_1506 = arith.addi %add3A_1412, %add3A_1505 : i32
          %get3A_1507 = arith.index_cast %add3A_1506 : i32 to index
          %get3A_1508 = tpu.vector_load %arg14[%get3A_1507] {strides = array<i32>} : memref<5632xi32, #tpu.memory_space<vmem>>, vector<16xi32>,
          %and3A_1509 = arith.constant -65536 : i32
          %and3A_1510 = vector.broadcast %and3A_1509 : i32 to vector<16xi32>
          %and3A_1511 = arith.andi %get3A_1508, %and3A_1510 : vector<16xi32>
          %bitcast3A_1512 = vector.bitcast %and3A_1511 : vector<16xi32> to vector<16xf32>
          %shift_left3A_1513 = arith.constant 16 : i32
          %shift_left3A_1514 = vector.broadcast %shift_left3A_1513 : i32 to vector<16xi32>
          %shift_left3A_1515 = arith.shli %get3A_1508, %shift_left3A_1514 : vector<16xi32>
          %bitcast3A_1516 = vector.bitcast %shift_left3A_1515 : vector<16xi32> to vector<16xf32>
          %mul3A_1517 = arith.mulf %bitcast3A_1512, %mul3A_1504 : vector<16xf32>
          %add3A_1518 = arith.addf %add3A_1500, %mul3A_1517 : vector<16xf32>
          %mul3A_1519 = arith.mulf %bitcast3A_1516, %mul3A_1504 : vector<16xf32>
          %add3A_1520 = arith.addf %add3A_1502, %mul3A_1519 : vector<16xf32>
          %mul3A_1521 = arith.mulf %sub3A_1391, %sub3A_1393 : vector<16xf32>
          %mul3A_1522 = arith.mulf %mul3A_1521, %sub3A_1404 : vector<16xf32>
          %add3A_1523 = arith.constant 96 : i32
          %add3A_1524 = arith.addi %add3A_1412, %add3A_1523 : i32
          %get3A_1525 = arith.index_cast %add3A_1524 : i32 to index
          %get3A_1526 = tpu.vector_load %arg14[%get3A_1525] {strides = array<i32>} : memref<5632xi32, #tpu.memory_space<vmem>>, vector<16xi32>,
          %and3A_1527 = arith.constant -65536 : i32
          %and3A_1528 = vector.broadcast %and3A_1527 : i32 to vector<16xi32>
          %and3A_1529 = arith.andi %get3A_1526, %and3A_1528 : vector<16xi32>
          %bitcast3A_1530 = vector.bitcast %and3A_1529 : vector<16xi32> to vector<16xf32>
          %shift_left3A_1531 = arith.constant 16 : i32
          %shift_left3A_1532 = vector.broadcast %shift_left3A_1531 : i32 to vector<16xi32>
          %shift_left3A_1533 = arith.shli %get3A_1526, %shift_left3A_1532 : vector<16xi32>
          %bitcast3A_1534 = vector.bitcast %shift_left3A_1533 : vector<16xi32> to vector<16xf32>
          %mul3A_1535 = arith.mulf %bitcast3A_1530, %mul3A_1522 : vector<16xf32>
          %add3A_1536 = arith.addf %add3A_1518, %mul3A_1535 : vector<16xf32>
          %mul3A_1537 = arith.mulf %bitcast3A_1534, %mul3A_1522 : vector<16xf32>
          %add3A_1538 = arith.addf %add3A_1520, %mul3A_1537 : vector<16xf32>
          %mul3A_1539 = arith.mulf %sub3A_1391, %sub3A_1393 : vector<16xf32>
          %mul3A_1540 = arith.mulf %mul3A_1539, %sub3A_1395 : vector<16xf32>
          %add3A_1541 = arith.constant 112 : i32
          %add3A_1542 = arith.addi %add3A_1412, %add3A_1541 : i32
          %get3A_1543 = arith.index_cast %add3A_1542 : i32 to index
          %get3A_1544 = tpu.vector_load %arg14[%get3A_1543] {strides = array<i32>} : memref<5632xi32, #tpu.memory_space<vmem>>, vector<16xi32>,
          %and3A_1545 = arith.constant -65536 : i32
          %and3A_1546 = vector.broadcast %and3A_1545 : i32 to vector<16xi32>
          %and3A_1547 = arith.andi %get3A_1544, %and3A_1546 : vector<16xi32>
          %bitcast3A_1548 = vector.bitcast %and3A_1547 : vector<16xi32> to vector<16xf32>
          %shift_left3A_1549 = arith.constant 16 : i32
          %shift_left3A_1550 = vector.broadcast %shift_left3A_1549 : i32 to vector<16xi32>
          %shift_left3A_1551 = arith.shli %get3A_1544, %shift_left3A_1550 : vector<16xi32>
          %bitcast3A_1552 = vector.bitcast %shift_left3A_1551 : vector<16xi32> to vector<16xf32>
          %mul3A_1553 = arith.mulf %bitcast3A_1548, %mul3A_1540 : vector<16xf32>
          %add3A_1554 = arith.addf %add3A_1536, %mul3A_1553 : vector<16xf32>
          %mul3A_1555 = arith.mulf %bitcast3A_1552, %mul3A_1540 : vector<16xf32>
          %add3A_1556 = arith.addf %add3A_1538, %mul3A_1555 : vector<16xf32>
          %add3A_1557 = arith.constant 14 : i32
          %add3A_1558 = vector.broadcast %add3A_1557 : i32 to vector<16xi32>
          %add3A_1559 = arith.addi %mul3A_52, %add3A_1558 : vector<16xi32>
          tpu.vector_store_idx %arg15[%add3A_1559], %add3A_1554 : memref<32768xf32, #tpu.memory_space<vmem>>[vector<16xi32>], vector<16xf32>,
          %add3A_1560 = arith.constant 15 : i32
          %add3A_1561 = vector.broadcast %add3A_1560 : i32 to vector<16xi32>
          %add3A_1562 = arith.addi %mul3A_52, %add3A_1561 : vector<16xi32>
          tpu.vector_store_idx %arg15[%add3A_1562], %add3A_1556 : memref<32768xf32, #tpu.memory_space<vmem>>[vector<16xi32>], vector<16xf32>,
          %mul3A_1563 = arith.constant 5.120000e+02 : f32
          %mul3A_1564 = vector.broadcast %mul3A_1563 : f32 to vector<16xf32>
          %mul3A_1565 = arith.mulf %mul3A_41, %mul3A_1564 : vector<16xf32>
          %mul3A_1566 = arith.constant 5.120000e+02 : f32
          %mul3A_1567 = vector.broadcast %mul3A_1566 : f32 to vector<16xf32>
          %mul3A_1568 = arith.mulf %mul3A_44, %mul3A_1567 : vector<16xf32>
          %mul3A_1569 = arith.constant 5.120000e+02 : f32
          %mul3A_1570 = vector.broadcast %mul3A_1569 : f32 to vector<16xf32>
          %mul3A_1571 = arith.mulf %mul3A_47, %mul3A_1570 : vector<16xf32>
          %convert_element_type3A_1572 = arith.fptosi %mul3A_1565 : vector<16xf32> to vector<16xi32>
          %convert_element_type3A_1573 = arith.fptosi %mul3A_1568 : vector<16xf32> to vector<16xi32>
          %convert_element_type3A_1574 = arith.fptosi %mul3A_1571 : vector<16xf32> to vector<16xi32>
          %convert_element_type3A_1575 = arith.sitofp %convert_element_type3A_1572 : vector<16xi32> to vector<16xf32>
          %sub3A_1576 = arith.subf %mul3A_1565, %convert_element_type3A_1575 : vector<16xf32>
          %convert_element_type3A_1577 = arith.sitofp %convert_element_type3A_1573 : vector<16xi32> to vector<16xf32>
          %sub3A_1578 = arith.subf %mul3A_1568, %convert_element_type3A_1577 : vector<16xf32>
          %convert_element_type3A_1579 = arith.sitofp %convert_element_type3A_1574 : vector<16xi32> to vector<16xf32>
          %sub3A_1580 = arith.subf %mul3A_1571, %convert_element_type3A_1579 : vector<16xf32>
          %sub3A_1581 = arith.constant 1.000000e+00 : f32
          %sub3A_1582 = vector.broadcast %sub3A_1581 : f32 to vector<16xf32>
          %sub3A_1583 = arith.subf %sub3A_1582, %sub3A_1576 : vector<16xf32>
          %sub3A_1584 = arith.constant 1.000000e+00 : f32
          %sub3A_1585 = vector.broadcast %sub3A_1584 : f32 to vector<16xf32>
          %sub3A_1586 = arith.subf %sub3A_1585, %sub3A_1578 : vector<16xf32>
          %sub3A_1587 = arith.constant 1.000000e+00 : f32
          %sub3A_1588 = vector.broadcast %sub3A_1587 : f32 to vector<16xf32>
          %sub3A_1589 = arith.subf %sub3A_1588, %sub3A_1580 : vector<16xf32>
          %broadcast_in_dim3A_1590 = arith.constant 0.000000e+00 : f32
          %broadcast_in_dim3A_1591 = vector.broadcast %broadcast_in_dim3A_1590 : f32 to vector<16xf32>
          %broadcast_in_dim3A_1592 = arith.constant 0.000000e+00 : f32
          %broadcast_in_dim3A_1593 = vector.broadcast %broadcast_in_dim3A_1592 : f32 to vector<16xf32>
          %mul3A_1594 = arith.constant 1408 : i32
          %mul3A_1595 = arith.muli %rem3A_21, %mul3A_1594 : i32
          %add3A_1596 = arith.constant 384 : i32
          %add3A_1597 = arith.addi %mul3A_1595, %add3A_1596 : i32
          %mul3A_1598 = arith.mulf %sub3A_1583, %sub3A_1586 : vector<16xf32>
          %mul3A_1599 = arith.mulf %mul3A_1598, %sub3A_1589 : vector<16xf32>
          %add3A_1600 = arith.constant 0 : i32
          %add3A_1601 = arith.addi %add3A_1597, %add3A_1600 : i32
          %get3A_1602 = arith.index_cast %add3A_1601 : i32 to index
          %get3A_1603 = tpu.vector_load %arg14[%get3A_1602] {strides = array<i32>} : memref<5632xi32, #tpu.memory_space<vmem>>, vector<16xi32>,
          %and3A_1604 = arith.constant -65536 : i32
          %and3A_1605 = vector.broadcast %and3A_1604 : i32 to vector<16xi32>
          %and3A_1606 = arith.andi %get3A_1603, %and3A_1605 : vector<16xi32>
          %bitcast3A_1607 = vector.bitcast %and3A_1606 : vector<16xi32> to vector<16xf32>
          %shift_left3A_1608 = arith.constant 16 : i32
          %shift_left3A_1609 = vector.broadcast %shift_left3A_1608 : i32 to vector<16xi32>
          %shift_left3A_1610 = arith.shli %get3A_1603, %shift_left3A_1609 : vector<16xi32>
          %bitcast3A_1611 = vector.bitcast %shift_left3A_1610 : vector<16xi32> to vector<16xf32>
          %mul3A_1612 = arith.mulf %bitcast3A_1607, %mul3A_1599 : vector<16xf32>
          %add3A_1613 = arith.addf %broadcast_in_dim3A_1591, %mul3A_1612 : vector<16xf32>
          %mul3A_1614 = arith.mulf %bitcast3A_1611, %mul3A_1599 : vector<16xf32>
          %add3A_1615 = arith.addf %broadcast_in_dim3A_1593, %mul3A_1614 : vector<16xf32>
          %mul3A_1616 = arith.mulf %sub3A_1583, %sub3A_1586 : vector<16xf32>
          %mul3A_1617 = arith.mulf %mul3A_1616, %sub3A_1580 : vector<16xf32>
          %add3A_1618 = arith.constant 16 : i32
          %add3A_1619 = arith.addi %add3A_1597, %add3A_1618 : i32
          %get3A_1620 = arith.index_cast %add3A_1619 : i32 to index
          %get3A_1621 = tpu.vector_load %arg14[%get3A_1620] {strides = array<i32>} : memref<5632xi32, #tpu.memory_space<vmem>>, vector<16xi32>,
          %and3A_1622 = arith.constant -65536 : i32
          %and3A_1623 = vector.broadcast %and3A_1622 : i32 to vector<16xi32>
          %and3A_1624 = arith.andi %get3A_1621, %and3A_1623 : vector<16xi32>
          %bitcast3A_1625 = vector.bitcast %and3A_1624 : vector<16xi32> to vector<16xf32>
          %shift_left3A_1626 = arith.constant 16 : i32
          %shift_left3A_1627 = vector.broadcast %shift_left3A_1626 : i32 to vector<16xi32>
          %shift_left3A_1628 = arith.shli %get3A_1621, %shift_left3A_1627 : vector<16xi32>
          %bitcast3A_1629 = vector.bitcast %shift_left3A_1628 : vector<16xi32> to vector<16xf32>
          %mul3A_1630 = arith.mulf %bitcast3A_1625, %mul3A_1617 : vector<16xf32>
          %add3A_1631 = arith.addf %add3A_1613, %mul3A_1630 : vector<16xf32>
          %mul3A_1632 = arith.mulf %bitcast3A_1629, %mul3A_1617 : vector<16xf32>
          %add3A_1633 = arith.addf %add3A_1615, %mul3A_1632 : vector<16xf32>
          %mul3A_1634 = arith.mulf %sub3A_1583, %sub3A_1578 : vector<16xf32>
          %mul3A_1635 = arith.mulf %mul3A_1634, %sub3A_1589 : vector<16xf32>
          %add3A_1636 = arith.constant 32 : i32
          %add3A_1637 = arith.addi %add3A_1597, %add3A_1636 : i32
          %get3A_1638 = arith.index_cast %add3A_1637 : i32 to index
          %get3A_1639 = tpu.vector_load %arg14[%get3A_1638] {strides = array<i32>} : memref<5632xi32, #tpu.memory_space<vmem>>, vector<16xi32>,
          %and3A_1640 = arith.constant -65536 : i32
          %and3A_1641 = vector.broadcast %and3A_1640 : i32 to vector<16xi32>
          %and3A_1642 = arith.andi %get3A_1639, %and3A_1641 : vector<16xi32>
          %bitcast3A_1643 = vector.bitcast %and3A_1642 : vector<16xi32> to vector<16xf32>
          %shift_left3A_1644 = arith.constant 16 : i32
          %shift_left3A_1645 = vector.broadcast %shift_left3A_1644 : i32 to vector<16xi32>
          %shift_left3A_1646 = arith.shli %get3A_1639, %shift_left3A_1645 : vector<16xi32>
          %bitcast3A_1647 = vector.bitcast %shift_left3A_1646 : vector<16xi32> to vector<16xf32>
          %mul3A_1648 = arith.mulf %bitcast3A_1643, %mul3A_1635 : vector<16xf32>
          %add3A_1649 = arith.addf %add3A_1631, %mul3A_1648 : vector<16xf32>
          %mul3A_1650 = arith.mulf %bitcast3A_1647, %mul3A_1635 : vector<16xf32>
          %add3A_1651 = arith.addf %add3A_1633, %mul3A_1650 : vector<16xf32>
          %mul3A_1652 = arith.mulf %sub3A_1583, %sub3A_1578 : vector<16xf32>
          %mul3A_1653 = arith.mulf %mul3A_1652, %sub3A_1580 : vector<16xf32>
          %add3A_1654 = arith.constant 48 : i32
          %add3A_1655 = arith.addi %add3A_1597, %add3A_1654 : i32
          %get3A_1656 = arith.index_cast %add3A_1655 : i32 to index
          %get3A_1657 = tpu.vector_load %arg14[%get3A_1656] {strides = array<i32>} : memref<5632xi32, #tpu.memory_space<vmem>>, vector<16xi32>,
          %and3A_1658 = arith.constant -65536 : i32
          %and3A_1659 = vector.broadcast %and3A_1658 : i32 to vector<16xi32>
          %and3A_1660 = arith.andi %get3A_1657, %and3A_1659 : vector<16xi32>
          %bitcast3A_1661 = vector.bitcast %and3A_1660 : vector<16xi32> to vector<16xf32>
          %shift_left3A_1662 = arith.constant 16 : i32
          %shift_left3A_1663 = vector.broadcast %shift_left3A_1662 : i32 to vector<16xi32>
          %shift_left3A_1664 = arith.shli %get3A_1657, %shift_left3A_1663 : vector<16xi32>
          %bitcast3A_1665 = vector.bitcast %shift_left3A_1664 : vector<16xi32> to vector<16xf32>
          %mul3A_1666 = arith.mulf %bitcast3A_1661, %mul3A_1653 : vector<16xf32>
          %add3A_1667 = arith.addf %add3A_1649, %mul3A_1666 : vector<16xf32>
          %mul3A_1668 = arith.mulf %bitcast3A_1665, %mul3A_1653 : vector<16xf32>
          %add3A_1669 = arith.addf %add3A_1651, %mul3A_1668 : vector<16xf32>
          %mul3A_1670 = arith.mulf %sub3A_1576, %sub3A_1586 : vector<16xf32>
          %mul3A_1671 = arith.mulf %mul3A_1670, %sub3A_1589 : vector<16xf32>
          %add3A_1672 = arith.constant 64 : i32
          %add3A_1673 = arith.addi %add3A_1597, %add3A_1672 : i32
          %get3A_1674 = arith.index_cast %add3A_1673 : i32 to index
          %get3A_1675 = tpu.vector_load %arg14[%get3A_1674] {strides = array<i32>} : memref<5632xi32, #tpu.memory_space<vmem>>, vector<16xi32>,
          %and3A_1676 = arith.constant -65536 : i32
          %and3A_1677 = vector.broadcast %and3A_1676 : i32 to vector<16xi32>
          %and3A_1678 = arith.andi %get3A_1675, %and3A_1677 : vector<16xi32>
          %bitcast3A_1679 = vector.bitcast %and3A_1678 : vector<16xi32> to vector<16xf32>
          %shift_left3A_1680 = arith.constant 16 : i32
          %shift_left3A_1681 = vector.broadcast %shift_left3A_1680 : i32 to vector<16xi32>
          %shift_left3A_1682 = arith.shli %get3A_1675, %shift_left3A_1681 : vector<16xi32>
          %bitcast3A_1683 = vector.bitcast %shift_left3A_1682 : vector<16xi32> to vector<16xf32>
          %mul3A_1684 = arith.mulf %bitcast3A_1679, %mul3A_1671 : vector<16xf32>
          %add3A_1685 = arith.addf %add3A_1667, %mul3A_1684 : vector<16xf32>
          %mul3A_1686 = arith.mulf %bitcast3A_1683, %mul3A_1671 : vector<16xf32>
          %add3A_1687 = arith.addf %add3A_1669, %mul3A_1686 : vector<16xf32>
          %mul3A_1688 = arith.mulf %sub3A_1576, %sub3A_1586 : vector<16xf32>
          %mul3A_1689 = arith.mulf %mul3A_1688, %sub3A_1580 : vector<16xf32>
          %add3A_1690 = arith.constant 80 : i32
          %add3A_1691 = arith.addi %add3A_1597, %add3A_1690 : i32
          %get3A_1692 = arith.index_cast %add3A_1691 : i32 to index
          %get3A_1693 = tpu.vector_load %arg14[%get3A_1692] {strides = array<i32>} : memref<5632xi32, #tpu.memory_space<vmem>>, vector<16xi32>,
          %and3A_1694 = arith.constant -65536 : i32
          %and3A_1695 = vector.broadcast %and3A_1694 : i32 to vector<16xi32>
          %and3A_1696 = arith.andi %get3A_1693, %and3A_1695 : vector<16xi32>
          %bitcast3A_1697 = vector.bitcast %and3A_1696 : vector<16xi32> to vector<16xf32>
          %shift_left3A_1698 = arith.constant 16 : i32
          %shift_left3A_1699 = vector.broadcast %shift_left3A_1698 : i32 to vector<16xi32>
          %shift_left3A_1700 = arith.shli %get3A_1693, %shift_left3A_1699 : vector<16xi32>
          %bitcast3A_1701 = vector.bitcast %shift_left3A_1700 : vector<16xi32> to vector<16xf32>
          %mul3A_1702 = arith.mulf %bitcast3A_1697, %mul3A_1689 : vector<16xf32>
          %add3A_1703 = arith.addf %add3A_1685, %mul3A_1702 : vector<16xf32>
          %mul3A_1704 = arith.mulf %bitcast3A_1701, %mul3A_1689 : vector<16xf32>
          %add3A_1705 = arith.addf %add3A_1687, %mul3A_1704 : vector<16xf32>
          %mul3A_1706 = arith.mulf %sub3A_1576, %sub3A_1578 : vector<16xf32>
          %mul3A_1707 = arith.mulf %mul3A_1706, %sub3A_1589 : vector<16xf32>
          %add3A_1708 = arith.constant 96 : i32
          %add3A_1709 = arith.addi %add3A_1597, %add3A_1708 : i32
          %get3A_1710 = arith.index_cast %add3A_1709 : i32 to index
          %get3A_1711 = tpu.vector_load %arg14[%get3A_1710] {strides = array<i32>} : memref<5632xi32, #tpu.memory_space<vmem>>, vector<16xi32>,
          %and3A_1712 = arith.constant -65536 : i32
          %and3A_1713 = vector.broadcast %and3A_1712 : i32 to vector<16xi32>
          %and3A_1714 = arith.andi %get3A_1711, %and3A_1713 : vector<16xi32>
          %bitcast3A_1715 = vector.bitcast %and3A_1714 : vector<16xi32> to vector<16xf32>
          %shift_left3A_1716 = arith.constant 16 : i32
          %shift_left3A_1717 = vector.broadcast %shift_left3A_1716 : i32 to vector<16xi32>
          %shift_left3A_1718 = arith.shli %get3A_1711, %shift_left3A_1717 : vector<16xi32>
          %bitcast3A_1719 = vector.bitcast %shift_left3A_1718 : vector<16xi32> to vector<16xf32>
          %mul3A_1720 = arith.mulf %bitcast3A_1715, %mul3A_1707 : vector<16xf32>
          %add3A_1721 = arith.addf %add3A_1703, %mul3A_1720 : vector<16xf32>
          %mul3A_1722 = arith.mulf %bitcast3A_1719, %mul3A_1707 : vector<16xf32>
          %add3A_1723 = arith.addf %add3A_1705, %mul3A_1722 : vector<16xf32>
          %mul3A_1724 = arith.mulf %sub3A_1576, %sub3A_1578 : vector<16xf32>
          %mul3A_1725 = arith.mulf %mul3A_1724, %sub3A_1580 : vector<16xf32>
          %add3A_1726 = arith.constant 112 : i32
          %add3A_1727 = arith.addi %add3A_1597, %add3A_1726 : i32
          %get3A_1728 = arith.index_cast %add3A_1727 : i32 to index
          %get3A_1729 = tpu.vector_load %arg14[%get3A_1728] {strides = array<i32>} : memref<5632xi32, #tpu.memory_space<vmem>>, vector<16xi32>,
          %and3A_1730 = arith.constant -65536 : i32
          %and3A_1731 = vector.broadcast %and3A_1730 : i32 to vector<16xi32>
          %and3A_1732 = arith.andi %get3A_1729, %and3A_1731 : vector<16xi32>
          %bitcast3A_1733 = vector.bitcast %and3A_1732 : vector<16xi32> to vector<16xf32>
          %shift_left3A_1734 = arith.constant 16 : i32
          %shift_left3A_1735 = vector.broadcast %shift_left3A_1734 : i32 to vector<16xi32>
          %shift_left3A_1736 = arith.shli %get3A_1729, %shift_left3A_1735 : vector<16xi32>
          %bitcast3A_1737 = vector.bitcast %shift_left3A_1736 : vector<16xi32> to vector<16xf32>
          %mul3A_1738 = arith.mulf %bitcast3A_1733, %mul3A_1725 : vector<16xf32>
          %add3A_1739 = arith.addf %add3A_1721, %mul3A_1738 : vector<16xf32>
          %mul3A_1740 = arith.mulf %bitcast3A_1737, %mul3A_1725 : vector<16xf32>
          %add3A_1741 = arith.addf %add3A_1723, %mul3A_1740 : vector<16xf32>
          %add3A_1742 = arith.constant 16 : i32
          %add3A_1743 = vector.broadcast %add3A_1742 : i32 to vector<16xi32>
          %add3A_1744 = arith.addi %mul3A_52, %add3A_1743 : vector<16xi32>
          tpu.vector_store_idx %arg15[%add3A_1744], %add3A_1739 : memref<32768xf32, #tpu.memory_space<vmem>>[vector<16xi32>], vector<16xf32>,
          %add3A_1745 = arith.constant 17 : i32
          %add3A_1746 = vector.broadcast %add3A_1745 : i32 to vector<16xi32>
          %add3A_1747 = arith.addi %mul3A_52, %add3A_1746 : vector<16xi32>
          tpu.vector_store_idx %arg15[%add3A_1747], %add3A_1741 : memref<32768xf32, #tpu.memory_space<vmem>>[vector<16xi32>], vector<16xf32>,
          %mul3A_1748 = arith.constant 1.024000e+03 : f32
          %mul3A_1749 = vector.broadcast %mul3A_1748 : f32 to vector<16xf32>
          %mul3A_1750 = arith.mulf %mul3A_41, %mul3A_1749 : vector<16xf32>
          %mul3A_1751 = arith.constant 1.024000e+03 : f32
          %mul3A_1752 = vector.broadcast %mul3A_1751 : f32 to vector<16xf32>
          %mul3A_1753 = arith.mulf %mul3A_44, %mul3A_1752 : vector<16xf32>
          %mul3A_1754 = arith.constant 1.024000e+03 : f32
          %mul3A_1755 = vector.broadcast %mul3A_1754 : f32 to vector<16xf32>
          %mul3A_1756 = arith.mulf %mul3A_47, %mul3A_1755 : vector<16xf32>
          %convert_element_type3A_1757 = arith.fptosi %mul3A_1750 : vector<16xf32> to vector<16xi32>
          %convert_element_type3A_1758 = arith.fptosi %mul3A_1753 : vector<16xf32> to vector<16xi32>
          %convert_element_type3A_1759 = arith.fptosi %mul3A_1756 : vector<16xf32> to vector<16xi32>
          %convert_element_type3A_1760 = arith.sitofp %convert_element_type3A_1757 : vector<16xi32> to vector<16xf32>
          %sub3A_1761 = arith.subf %mul3A_1750, %convert_element_type3A_1760 : vector<16xf32>
          %convert_element_type3A_1762 = arith.sitofp %convert_element_type3A_1758 : vector<16xi32> to vector<16xf32>
          %sub3A_1763 = arith.subf %mul3A_1753, %convert_element_type3A_1762 : vector<16xf32>
          %convert_element_type3A_1764 = arith.sitofp %convert_element_type3A_1759 : vector<16xi32> to vector<16xf32>
          %sub3A_1765 = arith.subf %mul3A_1756, %convert_element_type3A_1764 : vector<16xf32>
          %sub3A_1766 = arith.constant 1.000000e+00 : f32
          %sub3A_1767 = vector.broadcast %sub3A_1766 : f32 to vector<16xf32>
          %sub3A_1768 = arith.subf %sub3A_1767, %sub3A_1761 : vector<16xf32>
          %sub3A_1769 = arith.constant 1.000000e+00 : f32
          %sub3A_1770 = vector.broadcast %sub3A_1769 : f32 to vector<16xf32>
          %sub3A_1771 = arith.subf %sub3A_1770, %sub3A_1763 : vector<16xf32>
          %sub3A_1772 = arith.constant 1.000000e+00 : f32
          %sub3A_1773 = vector.broadcast %sub3A_1772 : f32 to vector<16xf32>
          %sub3A_1774 = arith.subf %sub3A_1773, %sub3A_1765 : vector<16xf32>
          %broadcast_in_dim3A_1775 = arith.constant 0.000000e+00 : f32
          %broadcast_in_dim3A_1776 = vector.broadcast %broadcast_in_dim3A_1775 : f32 to vector<16xf32>
          %broadcast_in_dim3A_1777 = arith.constant 0.000000e+00 : f32
          %broadcast_in_dim3A_1778 = vector.broadcast %broadcast_in_dim3A_1777 : f32 to vector<16xf32>
          %mul3A_1779 = arith.constant 1408 : i32
          %mul3A_1780 = arith.muli %rem3A_21, %mul3A_1779 : i32
          %add3A_1781 = arith.constant 512 : i32
          %add3A_1782 = arith.addi %mul3A_1780, %add3A_1781 : i32
          %mul3A_1783 = arith.mulf %sub3A_1768, %sub3A_1771 : vector<16xf32>
          %mul3A_1784 = arith.mulf %mul3A_1783, %sub3A_1774 : vector<16xf32>
          %add3A_1785 = arith.constant 0 : i32
          %add3A_1786 = arith.addi %add3A_1782, %add3A_1785 : i32
          %get3A_1787 = arith.index_cast %add3A_1786 : i32 to index
          %get3A_1788 = tpu.vector_load %arg14[%get3A_1787] {strides = array<i32>} : memref<5632xi32, #tpu.memory_space<vmem>>, vector<16xi32>,
          %and3A_1789 = arith.constant -65536 : i32
          %and3A_1790 = vector.broadcast %and3A_1789 : i32 to vector<16xi32>
          %and3A_1791 = arith.andi %get3A_1788, %and3A_1790 : vector<16xi32>
          %bitcast3A_1792 = vector.bitcast %and3A_1791 : vector<16xi32> to vector<16xf32>
          %shift_left3A_1793 = arith.constant 16 : i32
          %shift_left3A_1794 = vector.broadcast %shift_left3A_1793 : i32 to vector<16xi32>
          %shift_left3A_1795 = arith.shli %get3A_1788, %shift_left3A_1794 : vector<16xi32>
          %bitcast3A_1796 = vector.bitcast %shift_left3A_1795 : vector<16xi32> to vector<16xf32>
          %mul3A_1797 = arith.mulf %bitcast3A_1792, %mul3A_1784 : vector<16xf32>
          %add3A_1798 = arith.addf %broadcast_in_dim3A_1776, %mul3A_1797 : vector<16xf32>
          %mul3A_1799 = arith.mulf %bitcast3A_1796, %mul3A_1784 : vector<16xf32>
          %add3A_1800 = arith.addf %broadcast_in_dim3A_1778, %mul3A_1799 : vector<16xf32>
          %mul3A_1801 = arith.mulf %sub3A_1768, %sub3A_1771 : vector<16xf32>
          %mul3A_1802 = arith.mulf %mul3A_1801, %sub3A_1765 : vector<16xf32>
          %add3A_1803 = arith.constant 16 : i32
          %add3A_1804 = arith.addi %add3A_1782, %add3A_1803 : i32
          %get3A_1805 = arith.index_cast %add3A_1804 : i32 to index
          %get3A_1806 = tpu.vector_load %arg14[%get3A_1805] {strides = array<i32>} : memref<5632xi32, #tpu.memory_space<vmem>>, vector<16xi32>,
          %and3A_1807 = arith.constant -65536 : i32
          %and3A_1808 = vector.broadcast %and3A_1807 : i32 to vector<16xi32>
          %and3A_1809 = arith.andi %get3A_1806, %and3A_1808 : vector<16xi32>
          %bitcast3A_1810 = vector.bitcast %and3A_1809 : vector<16xi32> to vector<16xf32>
          %shift_left3A_1811 = arith.constant 16 : i32
          %shift_left3A_1812 = vector.broadcast %shift_left3A_1811 : i32 to vector<16xi32>
          %shift_left3A_1813 = arith.shli %get3A_1806, %shift_left3A_1812 : vector<16xi32>
          %bitcast3A_1814 = vector.bitcast %shift_left3A_1813 : vector<16xi32> to vector<16xf32>
          %mul3A_1815 = arith.mulf %bitcast3A_1810, %mul3A_1802 : vector<16xf32>
          %add3A_1816 = arith.addf %add3A_1798, %mul3A_1815 : vector<16xf32>
          %mul3A_1817 = arith.mulf %bitcast3A_1814, %mul3A_1802 : vector<16xf32>
          %add3A_1818 = arith.addf %add3A_1800, %mul3A_1817 : vector<16xf32>
          %mul3A_1819 = arith.mulf %sub3A_1768, %sub3A_1763 : vector<16xf32>
          %mul3A_1820 = arith.mulf %mul3A_1819, %sub3A_1774 : vector<16xf32>
          %add3A_1821 = arith.constant 32 : i32
          %add3A_1822 = arith.addi %add3A_1782, %add3A_1821 : i32
          %get3A_1823 = arith.index_cast %add3A_1822 : i32 to index
          %get3A_1824 = tpu.vector_load %arg14[%get3A_1823] {strides = array<i32>} : memref<5632xi32, #tpu.memory_space<vmem>>, vector<16xi32>,
          %and3A_1825 = arith.constant -65536 : i32
          %and3A_1826 = vector.broadcast %and3A_1825 : i32 to vector<16xi32>
          %and3A_1827 = arith.andi %get3A_1824, %and3A_1826 : vector<16xi32>
          %bitcast3A_1828 = vector.bitcast %and3A_1827 : vector<16xi32> to vector<16xf32>
          %shift_left3A_1829 = arith.constant 16 : i32
          %shift_left3A_1830 = vector.broadcast %shift_left3A_1829 : i32 to vector<16xi32>
          %shift_left3A_1831 = arith.shli %get3A_1824, %shift_left3A_1830 : vector<16xi32>
          %bitcast3A_1832 = vector.bitcast %shift_left3A_1831 : vector<16xi32> to vector<16xf32>
          %mul3A_1833 = arith.mulf %bitcast3A_1828, %mul3A_1820 : vector<16xf32>
          %add3A_1834 = arith.addf %add3A_1816, %mul3A_1833 : vector<16xf32>
          %mul3A_1835 = arith.mulf %bitcast3A_1832, %mul3A_1820 : vector<16xf32>
          %add3A_1836 = arith.addf %add3A_1818, %mul3A_1835 : vector<16xf32>
          %mul3A_1837 = arith.mulf %sub3A_1768, %sub3A_1763 : vector<16xf32>
          %mul3A_1838 = arith.mulf %mul3A_1837, %sub3A_1765 : vector<16xf32>
          %add3A_1839 = arith.constant 48 : i32
          %add3A_1840 = arith.addi %add3A_1782, %add3A_1839 : i32
          %get3A_1841 = arith.index_cast %add3A_1840 : i32 to index
          %get3A_1842 = tpu.vector_load %arg14[%get3A_1841] {strides = array<i32>} : memref<5632xi32, #tpu.memory_space<vmem>>, vector<16xi32>,
          %and3A_1843 = arith.constant -65536 : i32
          %and3A_1844 = vector.broadcast %and3A_1843 : i32 to vector<16xi32>
          %and3A_1845 = arith.andi %get3A_1842, %and3A_1844 : vector<16xi32>
          %bitcast3A_1846 = vector.bitcast %and3A_1845 : vector<16xi32> to vector<16xf32>
          %shift_left3A_1847 = arith.constant 16 : i32
          %shift_left3A_1848 = vector.broadcast %shift_left3A_1847 : i32 to vector<16xi32>
          %shift_left3A_1849 = arith.shli %get3A_1842, %shift_left3A_1848 : vector<16xi32>
          %bitcast3A_1850 = vector.bitcast %shift_left3A_1849 : vector<16xi32> to vector<16xf32>
          %mul3A_1851 = arith.mulf %bitcast3A_1846, %mul3A_1838 : vector<16xf32>
          %add3A_1852 = arith.addf %add3A_1834, %mul3A_1851 : vector<16xf32>
          %mul3A_1853 = arith.mulf %bitcast3A_1850, %mul3A_1838 : vector<16xf32>
          %add3A_1854 = arith.addf %add3A_1836, %mul3A_1853 : vector<16xf32>
          %mul3A_1855 = arith.mulf %sub3A_1761, %sub3A_1771 : vector<16xf32>
          %mul3A_1856 = arith.mulf %mul3A_1855, %sub3A_1774 : vector<16xf32>
          %add3A_1857 = arith.constant 64 : i32
          %add3A_1858 = arith.addi %add3A_1782, %add3A_1857 : i32
          %get3A_1859 = arith.index_cast %add3A_1858 : i32 to index
          %get3A_1860 = tpu.vector_load %arg14[%get3A_1859] {strides = array<i32>} : memref<5632xi32, #tpu.memory_space<vmem>>, vector<16xi32>,
          %and3A_1861 = arith.constant -65536 : i32
          %and3A_1862 = vector.broadcast %and3A_1861 : i32 to vector<16xi32>
          %and3A_1863 = arith.andi %get3A_1860, %and3A_1862 : vector<16xi32>
          %bitcast3A_1864 = vector.bitcast %and3A_1863 : vector<16xi32> to vector<16xf32>
          %shift_left3A_1865 = arith.constant 16 : i32
          %shift_left3A_1866 = vector.broadcast %shift_left3A_1865 : i32 to vector<16xi32>
          %shift_left3A_1867 = arith.shli %get3A_1860, %shift_left3A_1866 : vector<16xi32>
          %bitcast3A_1868 = vector.bitcast %shift_left3A_1867 : vector<16xi32> to vector<16xf32>
          %mul3A_1869 = arith.mulf %bitcast3A_1864, %mul3A_1856 : vector<16xf32>
          %add3A_1870 = arith.addf %add3A_1852, %mul3A_1869 : vector<16xf32>
          %mul3A_1871 = arith.mulf %bitcast3A_1868, %mul3A_1856 : vector<16xf32>
          %add3A_1872 = arith.addf %add3A_1854, %mul3A_1871 : vector<16xf32>
          %mul3A_1873 = arith.mulf %sub3A_1761, %sub3A_1771 : vector<16xf32>
          %mul3A_1874 = arith.mulf %mul3A_1873, %sub3A_1765 : vector<16xf32>
          %add3A_1875 = arith.constant 80 : i32
          %add3A_1876 = arith.addi %add3A_1782, %add3A_1875 : i32
          %get3A_1877 = arith.index_cast %add3A_1876 : i32 to index
          %get3A_1878 = tpu.vector_load %arg14[%get3A_1877] {strides = array<i32>} : memref<5632xi32, #tpu.memory_space<vmem>>, vector<16xi32>,
          %and3A_1879 = arith.constant -65536 : i32
          %and3A_1880 = vector.broadcast %and3A_1879 : i32 to vector<16xi32>
          %and3A_1881 = arith.andi %get3A_1878, %and3A_1880 : vector<16xi32>
          %bitcast3A_1882 = vector.bitcast %and3A_1881 : vector<16xi32> to vector<16xf32>
          %shift_left3A_1883 = arith.constant 16 : i32
          %shift_left3A_1884 = vector.broadcast %shift_left3A_1883 : i32 to vector<16xi32>
          %shift_left3A_1885 = arith.shli %get3A_1878, %shift_left3A_1884 : vector<16xi32>
          %bitcast3A_1886 = vector.bitcast %shift_left3A_1885 : vector<16xi32> to vector<16xf32>
          %mul3A_1887 = arith.mulf %bitcast3A_1882, %mul3A_1874 : vector<16xf32>
          %add3A_1888 = arith.addf %add3A_1870, %mul3A_1887 : vector<16xf32>
          %mul3A_1889 = arith.mulf %bitcast3A_1886, %mul3A_1874 : vector<16xf32>
          %add3A_1890 = arith.addf %add3A_1872, %mul3A_1889 : vector<16xf32>
          %mul3A_1891 = arith.mulf %sub3A_1761, %sub3A_1763 : vector<16xf32>
          %mul3A_1892 = arith.mulf %mul3A_1891, %sub3A_1774 : vector<16xf32>
          %add3A_1893 = arith.constant 96 : i32
          %add3A_1894 = arith.addi %add3A_1782, %add3A_1893 : i32
          %get3A_1895 = arith.index_cast %add3A_1894 : i32 to index
          %get3A_1896 = tpu.vector_load %arg14[%get3A_1895] {strides = array<i32>} : memref<5632xi32, #tpu.memory_space<vmem>>, vector<16xi32>,
          %and3A_1897 = arith.constant -65536 : i32
          %and3A_1898 = vector.broadcast %and3A_1897 : i32 to vector<16xi32>
          %and3A_1899 = arith.andi %get3A_1896, %and3A_1898 : vector<16xi32>
          %bitcast3A_1900 = vector.bitcast %and3A_1899 : vector<16xi32> to vector<16xf32>
          %shift_left3A_1901 = arith.constant 16 : i32
          %shift_left3A_1902 = vector.broadcast %shift_left3A_1901 : i32 to vector<16xi32>
          %shift_left3A_1903 = arith.shli %get3A_1896, %shift_left3A_1902 : vector<16xi32>
          %bitcast3A_1904 = vector.bitcast %shift_left3A_1903 : vector<16xi32> to vector<16xf32>
          %mul3A_1905 = arith.mulf %bitcast3A_1900, %mul3A_1892 : vector<16xf32>
          %add3A_1906 = arith.addf %add3A_1888, %mul3A_1905 : vector<16xf32>
          %mul3A_1907 = arith.mulf %bitcast3A_1904, %mul3A_1892 : vector<16xf32>
          %add3A_1908 = arith.addf %add3A_1890, %mul3A_1907 : vector<16xf32>
          %mul3A_1909 = arith.mulf %sub3A_1761, %sub3A_1763 : vector<16xf32>
          %mul3A_1910 = arith.mulf %mul3A_1909, %sub3A_1765 : vector<16xf32>
          %add3A_1911 = arith.constant 112 : i32
          %add3A_1912 = arith.addi %add3A_1782, %add3A_1911 : i32
          %get3A_1913 = arith.index_cast %add3A_1912 : i32 to index
          %get3A_1914 = tpu.vector_load %arg14[%get3A_1913] {strides = array<i32>} : memref<5632xi32, #tpu.memory_space<vmem>>, vector<16xi32>,
          %and3A_1915 = arith.constant -65536 : i32
          %and3A_1916 = vector.broadcast %and3A_1915 : i32 to vector<16xi32>
          %and3A_1917 = arith.andi %get3A_1914, %and3A_1916 : vector<16xi32>
          %bitcast3A_1918 = vector.bitcast %and3A_1917 : vector<16xi32> to vector<16xf32>
          %shift_left3A_1919 = arith.constant 16 : i32
          %shift_left3A_1920 = vector.broadcast %shift_left3A_1919 : i32 to vector<16xi32>
          %shift_left3A_1921 = arith.shli %get3A_1914, %shift_left3A_1920 : vector<16xi32>
          %bitcast3A_1922 = vector.bitcast %shift_left3A_1921 : vector<16xi32> to vector<16xf32>
          %mul3A_1923 = arith.mulf %bitcast3A_1918, %mul3A_1910 : vector<16xf32>
          %add3A_1924 = arith.addf %add3A_1906, %mul3A_1923 : vector<16xf32>
          %mul3A_1925 = arith.mulf %bitcast3A_1922, %mul3A_1910 : vector<16xf32>
          %add3A_1926 = arith.addf %add3A_1908, %mul3A_1925 : vector<16xf32>
          %add3A_1927 = arith.constant 18 : i32
          %add3A_1928 = vector.broadcast %add3A_1927 : i32 to vector<16xi32>
          %add3A_1929 = arith.addi %mul3A_52, %add3A_1928 : vector<16xi32>
          tpu.vector_store_idx %arg15[%add3A_1929], %add3A_1924 : memref<32768xf32, #tpu.memory_space<vmem>>[vector<16xi32>], vector<16xf32>,
          %add3A_1930 = arith.constant 19 : i32
          %add3A_1931 = vector.broadcast %add3A_1930 : i32 to vector<16xi32>
          %add3A_1932 = arith.addi %mul3A_52, %add3A_1931 : vector<16xi32>
          tpu.vector_store_idx %arg15[%add3A_1932], %add3A_1926 : memref<32768xf32, #tpu.memory_space<vmem>>[vector<16xi32>], vector<16xf32>,
          %mul3A_1933 = arith.constant 2.048000e+03 : f32
          %mul3A_1934 = vector.broadcast %mul3A_1933 : f32 to vector<16xf32>
          %mul3A_1935 = arith.mulf %mul3A_41, %mul3A_1934 : vector<16xf32>
          %mul3A_1936 = arith.constant 2.048000e+03 : f32
          %mul3A_1937 = vector.broadcast %mul3A_1936 : f32 to vector<16xf32>
          %mul3A_1938 = arith.mulf %mul3A_44, %mul3A_1937 : vector<16xf32>
          %mul3A_1939 = arith.constant 2.048000e+03 : f32
          %mul3A_1940 = vector.broadcast %mul3A_1939 : f32 to vector<16xf32>
          %mul3A_1941 = arith.mulf %mul3A_47, %mul3A_1940 : vector<16xf32>
          %convert_element_type3A_1942 = arith.fptosi %mul3A_1935 : vector<16xf32> to vector<16xi32>
          %convert_element_type3A_1943 = arith.fptosi %mul3A_1938 : vector<16xf32> to vector<16xi32>
          %convert_element_type3A_1944 = arith.fptosi %mul3A_1941 : vector<16xf32> to vector<16xi32>
          %convert_element_type3A_1945 = arith.sitofp %convert_element_type3A_1942 : vector<16xi32> to vector<16xf32>
          %sub3A_1946 = arith.subf %mul3A_1935, %convert_element_type3A_1945 : vector<16xf32>
          %convert_element_type3A_1947 = arith.sitofp %convert_element_type3A_1943 : vector<16xi32> to vector<16xf32>
          %sub3A_1948 = arith.subf %mul3A_1938, %convert_element_type3A_1947 : vector<16xf32>
          %convert_element_type3A_1949 = arith.sitofp %convert_element_type3A_1944 : vector<16xi32> to vector<16xf32>
          %sub3A_1950 = arith.subf %mul3A_1941, %convert_element_type3A_1949 : vector<16xf32>
          %sub3A_1951 = arith.constant 1.000000e+00 : f32
          %sub3A_1952 = vector.broadcast %sub3A_1951 : f32 to vector<16xf32>
          %sub3A_1953 = arith.subf %sub3A_1952, %sub3A_1946 : vector<16xf32>
          %sub3A_1954 = arith.constant 1.000000e+00 : f32
          %sub3A_1955 = vector.broadcast %sub3A_1954 : f32 to vector<16xf32>
          %sub3A_1956 = arith.subf %sub3A_1955, %sub3A_1948 : vector<16xf32>
          %sub3A_1957 = arith.constant 1.000000e+00 : f32
          %sub3A_1958 = vector.broadcast %sub3A_1957 : f32 to vector<16xf32>
          %sub3A_1959 = arith.subf %sub3A_1958, %sub3A_1950 : vector<16xf32>
          %broadcast_in_dim3A_1960 = arith.constant 0.000000e+00 : f32
          %broadcast_in_dim3A_1961 = vector.broadcast %broadcast_in_dim3A_1960 : f32 to vector<16xf32>
          %broadcast_in_dim3A_1962 = arith.constant 0.000000e+00 : f32
          %broadcast_in_dim3A_1963 = vector.broadcast %broadcast_in_dim3A_1962 : f32 to vector<16xf32>
          %mul3A_1964 = arith.constant 1408 : i32
          %mul3A_1965 = arith.muli %rem3A_21, %mul3A_1964 : i32
          %add3A_1966 = arith.constant 640 : i32
          %add3A_1967 = arith.addi %mul3A_1965, %add3A_1966 : i32
          %mul3A_1968 = arith.mulf %sub3A_1953, %sub3A_1956 : vector<16xf32>
          %mul3A_1969 = arith.mulf %mul3A_1968, %sub3A_1959 : vector<16xf32>
          %add3A_1970 = arith.constant 0 : i32
          %add3A_1971 = arith.addi %add3A_1967, %add3A_1970 : i32
          %get3A_1972 = arith.index_cast %add3A_1971 : i32 to index
          %get3A_1973 = tpu.vector_load %arg14[%get3A_1972] {strides = array<i32>} : memref<5632xi32, #tpu.memory_space<vmem>>, vector<16xi32>,
          %and3A_1974 = arith.constant -65536 : i32
          %and3A_1975 = vector.broadcast %and3A_1974 : i32 to vector<16xi32>
          %and3A_1976 = arith.andi %get3A_1973, %and3A_1975 : vector<16xi32>
          %bitcast3A_1977 = vector.bitcast %and3A_1976 : vector<16xi32> to vector<16xf32>
          %shift_left3A_1978 = arith.constant 16 : i32
          %shift_left3A_1979 = vector.broadcast %shift_left3A_1978 : i32 to vector<16xi32>
          %shift_left3A_1980 = arith.shli %get3A_1973, %shift_left3A_1979 : vector<16xi32>
          %bitcast3A_1981 = vector.bitcast %shift_left3A_1980 : vector<16xi32> to vector<16xf32>
          %mul3A_1982 = arith.mulf %bitcast3A_1977, %mul3A_1969 : vector<16xf32>
          %add3A_1983 = arith.addf %broadcast_in_dim3A_1961, %mul3A_1982 : vector<16xf32>
          %mul3A_1984 = arith.mulf %bitcast3A_1981, %mul3A_1969 : vector<16xf32>
          %add3A_1985 = arith.addf %broadcast_in_dim3A_1963, %mul3A_1984 : vector<16xf32>
          %mul3A_1986 = arith.mulf %sub3A_1953, %sub3A_1956 : vector<16xf32>
          %mul3A_1987 = arith.mulf %mul3A_1986, %sub3A_1950 : vector<16xf32>
          %add3A_1988 = arith.constant 16 : i32
          %add3A_1989 = arith.addi %add3A_1967, %add3A_1988 : i32
          %get3A_1990 = arith.index_cast %add3A_1989 : i32 to index
          %get3A_1991 = tpu.vector_load %arg14[%get3A_1990] {strides = array<i32>} : memref<5632xi32, #tpu.memory_space<vmem>>, vector<16xi32>,
          %and3A_1992 = arith.constant -65536 : i32
          %and3A_1993 = vector.broadcast %and3A_1992 : i32 to vector<16xi32>
          %and3A_1994 = arith.andi %get3A_1991, %and3A_1993 : vector<16xi32>
          %bitcast3A_1995 = vector.bitcast %and3A_1994 : vector<16xi32> to vector<16xf32>
          %shift_left3A_1996 = arith.constant 16 : i32
          %shift_left3A_1997 = vector.broadcast %shift_left3A_1996 : i32 to vector<16xi32>
          %shift_left3A_1998 = arith.shli %get3A_1991, %shift_left3A_1997 : vector<16xi32>
          %bitcast3A_1999 = vector.bitcast %shift_left3A_1998 : vector<16xi32> to vector<16xf32>
          %mul3A_2000 = arith.mulf %bitcast3A_1995, %mul3A_1987 : vector<16xf32>
          %add3A_2001 = arith.addf %add3A_1983, %mul3A_2000 : vector<16xf32>
          %mul3A_2002 = arith.mulf %bitcast3A_1999, %mul3A_1987 : vector<16xf32>
          %add3A_2003 = arith.addf %add3A_1985, %mul3A_2002 : vector<16xf32>
          %mul3A_2004 = arith.mulf %sub3A_1953, %sub3A_1948 : vector<16xf32>
          %mul3A_2005 = arith.mulf %mul3A_2004, %sub3A_1959 : vector<16xf32>
          %add3A_2006 = arith.constant 32 : i32
          %add3A_2007 = arith.addi %add3A_1967, %add3A_2006 : i32
          %get3A_2008 = arith.index_cast %add3A_2007 : i32 to index
          %get3A_2009 = tpu.vector_load %arg14[%get3A_2008] {strides = array<i32>} : memref<5632xi32, #tpu.memory_space<vmem>>, vector<16xi32>,
          %and3A_2010 = arith.constant -65536 : i32
          %and3A_2011 = vector.broadcast %and3A_2010 : i32 to vector<16xi32>
          %and3A_2012 = arith.andi %get3A_2009, %and3A_2011 : vector<16xi32>
          %bitcast3A_2013 = vector.bitcast %and3A_2012 : vector<16xi32> to vector<16xf32>
          %shift_left3A_2014 = arith.constant 16 : i32
          %shift_left3A_2015 = vector.broadcast %shift_left3A_2014 : i32 to vector<16xi32>
          %shift_left3A_2016 = arith.shli %get3A_2009, %shift_left3A_2015 : vector<16xi32>
          %bitcast3A_2017 = vector.bitcast %shift_left3A_2016 : vector<16xi32> to vector<16xf32>
          %mul3A_2018 = arith.mulf %bitcast3A_2013, %mul3A_2005 : vector<16xf32>
          %add3A_2019 = arith.addf %add3A_2001, %mul3A_2018 : vector<16xf32>
          %mul3A_2020 = arith.mulf %bitcast3A_2017, %mul3A_2005 : vector<16xf32>
          %add3A_2021 = arith.addf %add3A_2003, %mul3A_2020 : vector<16xf32>
          %mul3A_2022 = arith.mulf %sub3A_1953, %sub3A_1948 : vector<16xf32>
          %mul3A_2023 = arith.mulf %mul3A_2022, %sub3A_1950 : vector<16xf32>
          %add3A_2024 = arith.constant 48 : i32
          %add3A_2025 = arith.addi %add3A_1967, %add3A_2024 : i32
          %get3A_2026 = arith.index_cast %add3A_2025 : i32 to index
          %get3A_2027 = tpu.vector_load %arg14[%get3A_2026] {strides = array<i32>} : memref<5632xi32, #tpu.memory_space<vmem>>, vector<16xi32>,
          %and3A_2028 = arith.constant -65536 : i32
          %and3A_2029 = vector.broadcast %and3A_2028 : i32 to vector<16xi32>
          %and3A_2030 = arith.andi %get3A_2027, %and3A_2029 : vector<16xi32>
          %bitcast3A_2031 = vector.bitcast %and3A_2030 : vector<16xi32> to vector<16xf32>
          %shift_left3A_2032 = arith.constant 16 : i32
          %shift_left3A_2033 = vector.broadcast %shift_left3A_2032 : i32 to vector<16xi32>
          %shift_left3A_2034 = arith.shli %get3A_2027, %shift_left3A_2033 : vector<16xi32>
          %bitcast3A_2035 = vector.bitcast %shift_left3A_2034 : vector<16xi32> to vector<16xf32>
          %mul3A_2036 = arith.mulf %bitcast3A_2031, %mul3A_2023 : vector<16xf32>
          %add3A_2037 = arith.addf %add3A_2019, %mul3A_2036 : vector<16xf32>
          %mul3A_2038 = arith.mulf %bitcast3A_2035, %mul3A_2023 : vector<16xf32>
          %add3A_2039 = arith.addf %add3A_2021, %mul3A_2038 : vector<16xf32>
          %mul3A_2040 = arith.mulf %sub3A_1946, %sub3A_1956 : vector<16xf32>
          %mul3A_2041 = arith.mulf %mul3A_2040, %sub3A_1959 : vector<16xf32>
          %add3A_2042 = arith.constant 64 : i32
          %add3A_2043 = arith.addi %add3A_1967, %add3A_2042 : i32
          %get3A_2044 = arith.index_cast %add3A_2043 : i32 to index
          %get3A_2045 = tpu.vector_load %arg14[%get3A_2044] {strides = array<i32>} : memref<5632xi32, #tpu.memory_space<vmem>>, vector<16xi32>,
          %and3A_2046 = arith.constant -65536 : i32
          %and3A_2047 = vector.broadcast %and3A_2046 : i32 to vector<16xi32>
          %and3A_2048 = arith.andi %get3A_2045, %and3A_2047 : vector<16xi32>
          %bitcast3A_2049 = vector.bitcast %and3A_2048 : vector<16xi32> to vector<16xf32>
          %shift_left3A_2050 = arith.constant 16 : i32
          %shift_left3A_2051 = vector.broadcast %shift_left3A_2050 : i32 to vector<16xi32>
          %shift_left3A_2052 = arith.shli %get3A_2045, %shift_left3A_2051 : vector<16xi32>
          %bitcast3A_2053 = vector.bitcast %shift_left3A_2052 : vector<16xi32> to vector<16xf32>
          %mul3A_2054 = arith.mulf %bitcast3A_2049, %mul3A_2041 : vector<16xf32>
          %add3A_2055 = arith.addf %add3A_2037, %mul3A_2054 : vector<16xf32>
          %mul3A_2056 = arith.mulf %bitcast3A_2053, %mul3A_2041 : vector<16xf32>
          %add3A_2057 = arith.addf %add3A_2039, %mul3A_2056 : vector<16xf32>
          %mul3A_2058 = arith.mulf %sub3A_1946, %sub3A_1956 : vector<16xf32>
          %mul3A_2059 = arith.mulf %mul3A_2058, %sub3A_1950 : vector<16xf32>
          %add3A_2060 = arith.constant 80 : i32
          %add3A_2061 = arith.addi %add3A_1967, %add3A_2060 : i32
          %get3A_2062 = arith.index_cast %add3A_2061 : i32 to index
          %get3A_2063 = tpu.vector_load %arg14[%get3A_2062] {strides = array<i32>} : memref<5632xi32, #tpu.memory_space<vmem>>, vector<16xi32>,
          %and3A_2064 = arith.constant -65536 : i32
          %and3A_2065 = vector.broadcast %and3A_2064 : i32 to vector<16xi32>
          %and3A_2066 = arith.andi %get3A_2063, %and3A_2065 : vector<16xi32>
          %bitcast3A_2067 = vector.bitcast %and3A_2066 : vector<16xi32> to vector<16xf32>
          %shift_left3A_2068 = arith.constant 16 : i32
          %shift_left3A_2069 = vector.broadcast %shift_left3A_2068 : i32 to vector<16xi32>
          %shift_left3A_2070 = arith.shli %get3A_2063, %shift_left3A_2069 : vector<16xi32>
          %bitcast3A_2071 = vector.bitcast %shift_left3A_2070 : vector<16xi32> to vector<16xf32>
          %mul3A_2072 = arith.mulf %bitcast3A_2067, %mul3A_2059 : vector<16xf32>
          %add3A_2073 = arith.addf %add3A_2055, %mul3A_2072 : vector<16xf32>
          %mul3A_2074 = arith.mulf %bitcast3A_2071, %mul3A_2059 : vector<16xf32>
          %add3A_2075 = arith.addf %add3A_2057, %mul3A_2074 : vector<16xf32>
          %mul3A_2076 = arith.mulf %sub3A_1946, %sub3A_1948 : vector<16xf32>
          %mul3A_2077 = arith.mulf %mul3A_2076, %sub3A_1959 : vector<16xf32>
          %add3A_2078 = arith.constant 96 : i32
          %add3A_2079 = arith.addi %add3A_1967, %add3A_2078 : i32
          %get3A_2080 = arith.index_cast %add3A_2079 : i32 to index
          %get3A_2081 = tpu.vector_load %arg14[%get3A_2080] {strides = array<i32>} : memref<5632xi32, #tpu.memory_space<vmem>>, vector<16xi32>,
          %and3A_2082 = arith.constant -65536 : i32
          %and3A_2083 = vector.broadcast %and3A_2082 : i32 to vector<16xi32>
          %and3A_2084 = arith.andi %get3A_2081, %and3A_2083 : vector<16xi32>
          %bitcast3A_2085 = vector.bitcast %and3A_2084 : vector<16xi32> to vector<16xf32>
          %shift_left3A_2086 = arith.constant 16 : i32
          %shift_left3A_2087 = vector.broadcast %shift_left3A_2086 : i32 to vector<16xi32>
          %shift_left3A_2088 = arith.shli %get3A_2081, %shift_left3A_2087 : vector<16xi32>
          %bitcast3A_2089 = vector.bitcast %shift_left3A_2088 : vector<16xi32> to vector<16xf32>
          %mul3A_2090 = arith.mulf %bitcast3A_2085, %mul3A_2077 : vector<16xf32>
          %add3A_2091 = arith.addf %add3A_2073, %mul3A_2090 : vector<16xf32>
          %mul3A_2092 = arith.mulf %bitcast3A_2089, %mul3A_2077 : vector<16xf32>
          %add3A_2093 = arith.addf %add3A_2075, %mul3A_2092 : vector<16xf32>
          %mul3A_2094 = arith.mulf %sub3A_1946, %sub3A_1948 : vector<16xf32>
          %mul3A_2095 = arith.mulf %mul3A_2094, %sub3A_1950 : vector<16xf32>
          %add3A_2096 = arith.constant 112 : i32
          %add3A_2097 = arith.addi %add3A_1967, %add3A_2096 : i32
          %get3A_2098 = arith.index_cast %add3A_2097 : i32 to index
          %get3A_2099 = tpu.vector_load %arg14[%get3A_2098] {strides = array<i32>} : memref<5632xi32, #tpu.memory_space<vmem>>, vector<16xi32>,
          %and3A_2100 = arith.constant -65536 : i32
          %and3A_2101 = vector.broadcast %and3A_2100 : i32 to vector<16xi32>
          %and3A_2102 = arith.andi %get3A_2099, %and3A_2101 : vector<16xi32>
          %bitcast3A_2103 = vector.bitcast %and3A_2102 : vector<16xi32> to vector<16xf32>
          %shift_left3A_2104 = arith.constant 16 : i32
          %shift_left3A_2105 = vector.broadcast %shift_left3A_2104 : i32 to vector<16xi32>
          %shift_left3A_2106 = arith.shli %get3A_2099, %shift_left3A_2105 : vector<16xi32>
          %bitcast3A_2107 = vector.bitcast %shift_left3A_2106 : vector<16xi32> to vector<16xf32>
          %mul3A_2108 = arith.mulf %bitcast3A_2103, %mul3A_2095 : vector<16xf32>
          %add3A_2109 = arith.addf %add3A_2091, %mul3A_2108 : vector<16xf32>
          %mul3A_2110 = arith.mulf %bitcast3A_2107, %mul3A_2095 : vector<16xf32>
          %add3A_2111 = arith.addf %add3A_2093, %mul3A_2110 : vector<16xf32>
          %add3A_2112 = arith.constant 20 : i32
          %add3A_2113 = vector.broadcast %add3A_2112 : i32 to vector<16xi32>
          %add3A_2114 = arith.addi %mul3A_52, %add3A_2113 : vector<16xi32>
          tpu.vector_store_idx %arg15[%add3A_2114], %add3A_2109 : memref<32768xf32, #tpu.memory_space<vmem>>[vector<16xi32>], vector<16xf32>,
          %add3A_2115 = arith.constant 21 : i32
          %add3A_2116 = vector.broadcast %add3A_2115 : i32 to vector<16xi32>
          %add3A_2117 = arith.addi %mul3A_52, %add3A_2116 : vector<16xi32>
          tpu.vector_store_idx %arg15[%add3A_2117], %add3A_2111 : memref<32768xf32, #tpu.memory_space<vmem>>[vector<16xi32>], vector<16xf32>,
          %mul3A_2118 = arith.constant 4.096000e+03 : f32
          %mul3A_2119 = vector.broadcast %mul3A_2118 : f32 to vector<16xf32>
          %mul3A_2120 = arith.mulf %mul3A_41, %mul3A_2119 : vector<16xf32>
          %mul3A_2121 = arith.constant 4.096000e+03 : f32
          %mul3A_2122 = vector.broadcast %mul3A_2121 : f32 to vector<16xf32>
          %mul3A_2123 = arith.mulf %mul3A_44, %mul3A_2122 : vector<16xf32>
          %mul3A_2124 = arith.constant 4.096000e+03 : f32
          %mul3A_2125 = vector.broadcast %mul3A_2124 : f32 to vector<16xf32>
          %mul3A_2126 = arith.mulf %mul3A_47, %mul3A_2125 : vector<16xf32>
          %convert_element_type3A_2127 = arith.fptosi %mul3A_2120 : vector<16xf32> to vector<16xi32>
          %convert_element_type3A_2128 = arith.fptosi %mul3A_2123 : vector<16xf32> to vector<16xi32>
          %convert_element_type3A_2129 = arith.fptosi %mul3A_2126 : vector<16xf32> to vector<16xi32>
          %convert_element_type3A_2130 = arith.sitofp %convert_element_type3A_2127 : vector<16xi32> to vector<16xf32>
          %sub3A_2131 = arith.subf %mul3A_2120, %convert_element_type3A_2130 : vector<16xf32>
          %convert_element_type3A_2132 = arith.sitofp %convert_element_type3A_2128 : vector<16xi32> to vector<16xf32>
          %sub3A_2133 = arith.subf %mul3A_2123, %convert_element_type3A_2132 : vector<16xf32>
          %convert_element_type3A_2134 = arith.sitofp %convert_element_type3A_2129 : vector<16xi32> to vector<16xf32>
          %sub3A_2135 = arith.subf %mul3A_2126, %convert_element_type3A_2134 : vector<16xf32>
          %sub3A_2136 = arith.constant 1.000000e+00 : f32
          %sub3A_2137 = vector.broadcast %sub3A_2136 : f32 to vector<16xf32>
          %sub3A_2138 = arith.subf %sub3A_2137, %sub3A_2131 : vector<16xf32>
          %sub3A_2139 = arith.constant 1.000000e+00 : f32
          %sub3A_2140 = vector.broadcast %sub3A_2139 : f32 to vector<16xf32>
          %sub3A_2141 = arith.subf %sub3A_2140, %sub3A_2133 : vector<16xf32>
          %sub3A_2142 = arith.constant 1.000000e+00 : f32
          %sub3A_2143 = vector.broadcast %sub3A_2142 : f32 to vector<16xf32>
          %sub3A_2144 = arith.subf %sub3A_2143, %sub3A_2135 : vector<16xf32>
          %broadcast_in_dim3A_2145 = arith.constant 0.000000e+00 : f32
          %broadcast_in_dim3A_2146 = vector.broadcast %broadcast_in_dim3A_2145 : f32 to vector<16xf32>
          %broadcast_in_dim3A_2147 = arith.constant 0.000000e+00 : f32
          %broadcast_in_dim3A_2148 = vector.broadcast %broadcast_in_dim3A_2147 : f32 to vector<16xf32>
          %mul3A_2149 = arith.constant 1408 : i32
          %mul3A_2150 = arith.muli %rem3A_21, %mul3A_2149 : i32
          %add3A_2151 = arith.constant 768 : i32
          %add3A_2152 = arith.addi %mul3A_2150, %add3A_2151 : i32
          %mul3A_2153 = arith.mulf %sub3A_2138, %sub3A_2141 : vector<16xf32>
          %mul3A_2154 = arith.mulf %mul3A_2153, %sub3A_2144 : vector<16xf32>
          %add3A_2155 = arith.constant 0 : i32
          %add3A_2156 = arith.addi %add3A_2152, %add3A_2155 : i32
          %get3A_2157 = arith.index_cast %add3A_2156 : i32 to index
          %get3A_2158 = tpu.vector_load %arg14[%get3A_2157] {strides = array<i32>} : memref<5632xi32, #tpu.memory_space<vmem>>, vector<16xi32>,
          %and3A_2159 = arith.constant -65536 : i32
          %and3A_2160 = vector.broadcast %and3A_2159 : i32 to vector<16xi32>
          %and3A_2161 = arith.andi %get3A_2158, %and3A_2160 : vector<16xi32>
          %bitcast3A_2162 = vector.bitcast %and3A_2161 : vector<16xi32> to vector<16xf32>
          %shift_left3A_2163 = arith.constant 16 : i32
          %shift_left3A_2164 = vector.broadcast %shift_left3A_2163 : i32 to vector<16xi32>
          %shift_left3A_2165 = arith.shli %get3A_2158, %shift_left3A_2164 : vector<16xi32>
          %bitcast3A_2166 = vector.bitcast %shift_left3A_2165 : vector<16xi32> to vector<16xf32>
          %mul3A_2167 = arith.mulf %bitcast3A_2162, %mul3A_2154 : vector<16xf32>
          %add3A_2168 = arith.addf %broadcast_in_dim3A_2146, %mul3A_2167 : vector<16xf32>
          %mul3A_2169 = arith.mulf %bitcast3A_2166, %mul3A_2154 : vector<16xf32>
          %add3A_2170 = arith.addf %broadcast_in_dim3A_2148, %mul3A_2169 : vector<16xf32>
          %mul3A_2171 = arith.mulf %sub3A_2138, %sub3A_2141 : vector<16xf32>
          %mul3A_2172 = arith.mulf %mul3A_2171, %sub3A_2135 : vector<16xf32>
          %add3A_2173 = arith.constant 16 : i32
          %add3A_2174 = arith.addi %add3A_2152, %add3A_2173 : i32
          %get3A_2175 = arith.index_cast %add3A_2174 : i32 to index
          %get3A_2176 = tpu.vector_load %arg14[%get3A_2175] {strides = array<i32>} : memref<5632xi32, #tpu.memory_space<vmem>>, vector<16xi32>,
          %and3A_2177 = arith.constant -65536 : i32
          %and3A_2178 = vector.broadcast %and3A_2177 : i32 to vector<16xi32>
          %and3A_2179 = arith.andi %get3A_2176, %and3A_2178 : vector<16xi32>
          %bitcast3A_2180 = vector.bitcast %and3A_2179 : vector<16xi32> to vector<16xf32>
          %shift_left3A_2181 = arith.constant 16 : i32
          %shift_left3A_2182 = vector.broadcast %shift_left3A_2181 : i32 to vector<16xi32>
          %shift_left3A_2183 = arith.shli %get3A_2176, %shift_left3A_2182 : vector<16xi32>
          %bitcast3A_2184 = vector.bitcast %shift_left3A_2183 : vector<16xi32> to vector<16xf32>
          %mul3A_2185 = arith.mulf %bitcast3A_2180, %mul3A_2172 : vector<16xf32>
          %add3A_2186 = arith.addf %add3A_2168, %mul3A_2185 : vector<16xf32>
          %mul3A_2187 = arith.mulf %bitcast3A_2184, %mul3A_2172 : vector<16xf32>
          %add3A_2188 = arith.addf %add3A_2170, %mul3A_2187 : vector<16xf32>
          %mul3A_2189 = arith.mulf %sub3A_2138, %sub3A_2133 : vector<16xf32>
          %mul3A_2190 = arith.mulf %mul3A_2189, %sub3A_2144 : vector<16xf32>
          %add3A_2191 = arith.constant 32 : i32
          %add3A_2192 = arith.addi %add3A_2152, %add3A_2191 : i32
          %get3A_2193 = arith.index_cast %add3A_2192 : i32 to index
          %get3A_2194 = tpu.vector_load %arg14[%get3A_2193] {strides = array<i32>} : memref<5632xi32, #tpu.memory_space<vmem>>, vector<16xi32>,
          %and3A_2195 = arith.constant -65536 : i32
          %and3A_2196 = vector.broadcast %and3A_2195 : i32 to vector<16xi32>
          %and3A_2197 = arith.andi %get3A_2194, %and3A_2196 : vector<16xi32>
          %bitcast3A_2198 = vector.bitcast %and3A_2197 : vector<16xi32> to vector<16xf32>
          %shift_left3A_2199 = arith.constant 16 : i32
          %shift_left3A_2200 = vector.broadcast %shift_left3A_2199 : i32 to vector<16xi32>
          %shift_left3A_2201 = arith.shli %get3A_2194, %shift_left3A_2200 : vector<16xi32>
          %bitcast3A_2202 = vector.bitcast %shift_left3A_2201 : vector<16xi32> to vector<16xf32>
          %mul3A_2203 = arith.mulf %bitcast3A_2198, %mul3A_2190 : vector<16xf32>
          %add3A_2204 = arith.addf %add3A_2186, %mul3A_2203 : vector<16xf32>
          %mul3A_2205 = arith.mulf %bitcast3A_2202, %mul3A_2190 : vector<16xf32>
          %add3A_2206 = arith.addf %add3A_2188, %mul3A_2205 : vector<16xf32>
          %mul3A_2207 = arith.mulf %sub3A_2138, %sub3A_2133 : vector<16xf32>
          %mul3A_2208 = arith.mulf %mul3A_2207, %sub3A_2135 : vector<16xf32>
          %add3A_2209 = arith.constant 48 : i32
          %add3A_2210 = arith.addi %add3A_2152, %add3A_2209 : i32
          %get3A_2211 = arith.index_cast %add3A_2210 : i32 to index
          %get3A_2212 = tpu.vector_load %arg14[%get3A_2211] {strides = array<i32>} : memref<5632xi32, #tpu.memory_space<vmem>>, vector<16xi32>,
          %and3A_2213 = arith.constant -65536 : i32
          %and3A_2214 = vector.broadcast %and3A_2213 : i32 to vector<16xi32>
          %and3A_2215 = arith.andi %get3A_2212, %and3A_2214 : vector<16xi32>
          %bitcast3A_2216 = vector.bitcast %and3A_2215 : vector<16xi32> to vector<16xf32>
          %shift_left3A_2217 = arith.constant 16 : i32
          %shift_left3A_2218 = vector.broadcast %shift_left3A_2217 : i32 to vector<16xi32>
          %shift_left3A_2219 = arith.shli %get3A_2212, %shift_left3A_2218 : vector<16xi32>
          %bitcast3A_2220 = vector.bitcast %shift_left3A_2219 : vector<16xi32> to vector<16xf32>
          %mul3A_2221 = arith.mulf %bitcast3A_2216, %mul3A_2208 : vector<16xf32>
          %add3A_2222 = arith.addf %add3A_2204, %mul3A_2221 : vector<16xf32>
          %mul3A_2223 = arith.mulf %bitcast3A_2220, %mul3A_2208 : vector<16xf32>
          %add3A_2224 = arith.addf %add3A_2206, %mul3A_2223 : vector<16xf32>
          %mul3A_2225 = arith.mulf %sub3A_2131, %sub3A_2141 : vector<16xf32>
          %mul3A_2226 = arith.mulf %mul3A_2225, %sub3A_2144 : vector<16xf32>
          %add3A_2227 = arith.constant 64 : i32
          %add3A_2228 = arith.addi %add3A_2152, %add3A_2227 : i32
          %get3A_2229 = arith.index_cast %add3A_2228 : i32 to index
          %get3A_2230 = tpu.vector_load %arg14[%get3A_2229] {strides = array<i32>} : memref<5632xi32, #tpu.memory_space<vmem>>, vector<16xi32>,
          %and3A_2231 = arith.constant -65536 : i32
          %and3A_2232 = vector.broadcast %and3A_2231 : i32 to vector<16xi32>
          %and3A_2233 = arith.andi %get3A_2230, %and3A_2232 : vector<16xi32>
          %bitcast3A_2234 = vector.bitcast %and3A_2233 : vector<16xi32> to vector<16xf32>
          %shift_left3A_2235 = arith.constant 16 : i32
          %shift_left3A_2236 = vector.broadcast %shift_left3A_2235 : i32 to vector<16xi32>
          %shift_left3A_2237 = arith.shli %get3A_2230, %shift_left3A_2236 : vector<16xi32>
          %bitcast3A_2238 = vector.bitcast %shift_left3A_2237 : vector<16xi32> to vector<16xf32>
          %mul3A_2239 = arith.mulf %bitcast3A_2234, %mul3A_2226 : vector<16xf32>
          %add3A_2240 = arith.addf %add3A_2222, %mul3A_2239 : vector<16xf32>
          %mul3A_2241 = arith.mulf %bitcast3A_2238, %mul3A_2226 : vector<16xf32>
          %add3A_2242 = arith.addf %add3A_2224, %mul3A_2241 : vector<16xf32>
          %mul3A_2243 = arith.mulf %sub3A_2131, %sub3A_2141 : vector<16xf32>
          %mul3A_2244 = arith.mulf %mul3A_2243, %sub3A_2135 : vector<16xf32>
          %add3A_2245 = arith.constant 80 : i32
          %add3A_2246 = arith.addi %add3A_2152, %add3A_2245 : i32
          %get3A_2247 = arith.index_cast %add3A_2246 : i32 to index
          %get3A_2248 = tpu.vector_load %arg14[%get3A_2247] {strides = array<i32>} : memref<5632xi32, #tpu.memory_space<vmem>>, vector<16xi32>,
          %and3A_2249 = arith.constant -65536 : i32
          %and3A_2250 = vector.broadcast %and3A_2249 : i32 to vector<16xi32>
          %and3A_2251 = arith.andi %get3A_2248, %and3A_2250 : vector<16xi32>
          %bitcast3A_2252 = vector.bitcast %and3A_2251 : vector<16xi32> to vector<16xf32>
          %shift_left3A_2253 = arith.constant 16 : i32
          %shift_left3A_2254 = vector.broadcast %shift_left3A_2253 : i32 to vector<16xi32>
          %shift_left3A_2255 = arith.shli %get3A_2248, %shift_left3A_2254 : vector<16xi32>
          %bitcast3A_2256 = vector.bitcast %shift_left3A_2255 : vector<16xi32> to vector<16xf32>
          %mul3A_2257 = arith.mulf %bitcast3A_2252, %mul3A_2244 : vector<16xf32>
          %add3A_2258 = arith.addf %add3A_2240, %mul3A_2257 : vector<16xf32>
          %mul3A_2259 = arith.mulf %bitcast3A_2256, %mul3A_2244 : vector<16xf32>
          %add3A_2260 = arith.addf %add3A_2242, %mul3A_2259 : vector<16xf32>
          %mul3A_2261 = arith.mulf %sub3A_2131, %sub3A_2133 : vector<16xf32>
          %mul3A_2262 = arith.mulf %mul3A_2261, %sub3A_2144 : vector<16xf32>
          %add3A_2263 = arith.constant 96 : i32
          %add3A_2264 = arith.addi %add3A_2152, %add3A_2263 : i32
          %get3A_2265 = arith.index_cast %add3A_2264 : i32 to index
          %get3A_2266 = tpu.vector_load %arg14[%get3A_2265] {strides = array<i32>} : memref<5632xi32, #tpu.memory_space<vmem>>, vector<16xi32>,
          %and3A_2267 = arith.constant -65536 : i32
          %and3A_2268 = vector.broadcast %and3A_2267 : i32 to vector<16xi32>
          %and3A_2269 = arith.andi %get3A_2266, %and3A_2268 : vector<16xi32>
          %bitcast3A_2270 = vector.bitcast %and3A_2269 : vector<16xi32> to vector<16xf32>
          %shift_left3A_2271 = arith.constant 16 : i32
          %shift_left3A_2272 = vector.broadcast %shift_left3A_2271 : i32 to vector<16xi32>
          %shift_left3A_2273 = arith.shli %get3A_2266, %shift_left3A_2272 : vector<16xi32>
          %bitcast3A_2274 = vector.bitcast %shift_left3A_2273 : vector<16xi32> to vector<16xf32>
          %mul3A_2275 = arith.mulf %bitcast3A_2270, %mul3A_2262 : vector<16xf32>
          %add3A_2276 = arith.addf %add3A_2258, %mul3A_2275 : vector<16xf32>
          %mul3A_2277 = arith.mulf %bitcast3A_2274, %mul3A_2262 : vector<16xf32>
          %add3A_2278 = arith.addf %add3A_2260, %mul3A_2277 : vector<16xf32>
          %mul3A_2279 = arith.mulf %sub3A_2131, %sub3A_2133 : vector<16xf32>
          %mul3A_2280 = arith.mulf %mul3A_2279, %sub3A_2135 : vector<16xf32>
          %add3A_2281 = arith.constant 112 : i32
          %add3A_2282 = arith.addi %add3A_2152, %add3A_2281 : i32
          %get3A_2283 = arith.index_cast %add3A_2282 : i32 to index
          %get3A_2284 = tpu.vector_load %arg14[%get3A_2283] {strides = array<i32>} : memref<5632xi32, #tpu.memory_space<vmem>>, vector<16xi32>,
          %and3A_2285 = arith.constant -65536 : i32
          %and3A_2286 = vector.broadcast %and3A_2285 : i32 to vector<16xi32>
          %and3A_2287 = arith.andi %get3A_2284, %and3A_2286 : vector<16xi32>
          %bitcast3A_2288 = vector.bitcast %and3A_2287 : vector<16xi32> to vector<16xf32>
          %shift_left3A_2289 = arith.constant 16 : i32
          %shift_left3A_2290 = vector.broadcast %shift_left3A_2289 : i32 to vector<16xi32>
          %shift_left3A_2291 = arith.shli %get3A_2284, %shift_left3A_2290 : vector<16xi32>
          %bitcast3A_2292 = vector.bitcast %shift_left3A_2291 : vector<16xi32> to vector<16xf32>
          %mul3A_2293 = arith.mulf %bitcast3A_2288, %mul3A_2280 : vector<16xf32>
          %add3A_2294 = arith.addf %add3A_2276, %mul3A_2293 : vector<16xf32>
          %mul3A_2295 = arith.mulf %bitcast3A_2292, %mul3A_2280 : vector<16xf32>
          %add3A_2296 = arith.addf %add3A_2278, %mul3A_2295 : vector<16xf32>
          %add3A_2297 = arith.constant 22 : i32
          %add3A_2298 = vector.broadcast %add3A_2297 : i32 to vector<16xi32>
          %add3A_2299 = arith.addi %mul3A_52, %add3A_2298 : vector<16xi32>
          tpu.vector_store_idx %arg15[%add3A_2299], %add3A_2294 : memref<32768xf32, #tpu.memory_space<vmem>>[vector<16xi32>], vector<16xf32>,
          %add3A_2300 = arith.constant 23 : i32
          %add3A_2301 = vector.broadcast %add3A_2300 : i32 to vector<16xi32>
          %add3A_2302 = arith.addi %mul3A_52, %add3A_2301 : vector<16xi32>
          tpu.vector_store_idx %arg15[%add3A_2302], %add3A_2296 : memref<32768xf32, #tpu.memory_space<vmem>>[vector<16xi32>], vector<16xf32>,
          %mul3A_2303 = arith.constant 8.192000e+03 : f32
          %mul3A_2304 = vector.broadcast %mul3A_2303 : f32 to vector<16xf32>
          %mul3A_2305 = arith.mulf %mul3A_41, %mul3A_2304 : vector<16xf32>
          %mul3A_2306 = arith.constant 8.192000e+03 : f32
          %mul3A_2307 = vector.broadcast %mul3A_2306 : f32 to vector<16xf32>
          %mul3A_2308 = arith.mulf %mul3A_44, %mul3A_2307 : vector<16xf32>
          %mul3A_2309 = arith.constant 8.192000e+03 : f32
          %mul3A_2310 = vector.broadcast %mul3A_2309 : f32 to vector<16xf32>
          %mul3A_2311 = arith.mulf %mul3A_47, %mul3A_2310 : vector<16xf32>
          %convert_element_type3A_2312 = arith.fptosi %mul3A_2305 : vector<16xf32> to vector<16xi32>
          %convert_element_type3A_2313 = arith.fptosi %mul3A_2308 : vector<16xf32> to vector<16xi32>
          %convert_element_type3A_2314 = arith.fptosi %mul3A_2311 : vector<16xf32> to vector<16xi32>
          %convert_element_type3A_2315 = arith.sitofp %convert_element_type3A_2312 : vector<16xi32> to vector<16xf32>
          %sub3A_2316 = arith.subf %mul3A_2305, %convert_element_type3A_2315 : vector<16xf32>
          %convert_element_type3A_2317 = arith.sitofp %convert_element_type3A_2313 : vector<16xi32> to vector<16xf32>
          %sub3A_2318 = arith.subf %mul3A_2308, %convert_element_type3A_2317 : vector<16xf32>
          %convert_element_type3A_2319 = arith.sitofp %convert_element_type3A_2314 : vector<16xi32> to vector<16xf32>
          %sub3A_2320 = arith.subf %mul3A_2311, %convert_element_type3A_2319 : vector<16xf32>
          %sub3A_2321 = arith.constant 1.000000e+00 : f32
          %sub3A_2322 = vector.broadcast %sub3A_2321 : f32 to vector<16xf32>
          %sub3A_2323 = arith.subf %sub3A_2322, %sub3A_2316 : vector<16xf32>
          %sub3A_2324 = arith.constant 1.000000e+00 : f32
          %sub3A_2325 = vector.broadcast %sub3A_2324 : f32 to vector<16xf32>
          %sub3A_2326 = arith.subf %sub3A_2325, %sub3A_2318 : vector<16xf32>
          %sub3A_2327 = arith.constant 1.000000e+00 : f32
          %sub3A_2328 = vector.broadcast %sub3A_2327 : f32 to vector<16xf32>
          %sub3A_2329 = arith.subf %sub3A_2328, %sub3A_2320 : vector<16xf32>
          %broadcast_in_dim3A_2330 = arith.constant 0.000000e+00 : f32
          %broadcast_in_dim3A_2331 = vector.broadcast %broadcast_in_dim3A_2330 : f32 to vector<16xf32>
          %broadcast_in_dim3A_2332 = arith.constant 0.000000e+00 : f32
          %broadcast_in_dim3A_2333 = vector.broadcast %broadcast_in_dim3A_2332 : f32 to vector<16xf32>
          %mul3A_2334 = arith.constant 1408 : i32
          %mul3A_2335 = arith.muli %rem3A_21, %mul3A_2334 : i32
          %add3A_2336 = arith.constant 896 : i32
          %add3A_2337 = arith.addi %mul3A_2335, %add3A_2336 : i32
          %mul3A_2338 = arith.mulf %sub3A_2323, %sub3A_2326 : vector<16xf32>
          %mul3A_2339 = arith.mulf %mul3A_2338, %sub3A_2329 : vector<16xf32>
          %add3A_2340 = arith.constant 0 : i32
          %add3A_2341 = arith.addi %add3A_2337, %add3A_2340 : i32
          %get3A_2342 = arith.index_cast %add3A_2341 : i32 to index
          %get3A_2343 = tpu.vector_load %arg14[%get3A_2342] {strides = array<i32>} : memref<5632xi32, #tpu.memory_space<vmem>>, vector<16xi32>,
          %and3A_2344 = arith.constant -65536 : i32
          %and3A_2345 = vector.broadcast %and3A_2344 : i32 to vector<16xi32>
          %and3A_2346 = arith.andi %get3A_2343, %and3A_2345 : vector<16xi32>
          %bitcast3A_2347 = vector.bitcast %and3A_2346 : vector<16xi32> to vector<16xf32>
          %shift_left3A_2348 = arith.constant 16 : i32
          %shift_left3A_2349 = vector.broadcast %shift_left3A_2348 : i32 to vector<16xi32>
          %shift_left3A_2350 = arith.shli %get3A_2343, %shift_left3A_2349 : vector<16xi32>
          %bitcast3A_2351 = vector.bitcast %shift_left3A_2350 : vector<16xi32> to vector<16xf32>
          %mul3A_2352 = arith.mulf %bitcast3A_2347, %mul3A_2339 : vector<16xf32>
          %add3A_2353 = arith.addf %broadcast_in_dim3A_2331, %mul3A_2352 : vector<16xf32>
          %mul3A_2354 = arith.mulf %bitcast3A_2351, %mul3A_2339 : vector<16xf32>
          %add3A_2355 = arith.addf %broadcast_in_dim3A_2333, %mul3A_2354 : vector<16xf32>
          %mul3A_2356 = arith.mulf %sub3A_2323, %sub3A_2326 : vector<16xf32>
          %mul3A_2357 = arith.mulf %mul3A_2356, %sub3A_2320 : vector<16xf32>
          %add3A_2358 = arith.constant 16 : i32
          %add3A_2359 = arith.addi %add3A_2337, %add3A_2358 : i32
          %get3A_2360 = arith.index_cast %add3A_2359 : i32 to index
          %get3A_2361 = tpu.vector_load %arg14[%get3A_2360] {strides = array<i32>} : memref<5632xi32, #tpu.memory_space<vmem>>, vector<16xi32>,
          %and3A_2362 = arith.constant -65536 : i32
          %and3A_2363 = vector.broadcast %and3A_2362 : i32 to vector<16xi32>
          %and3A_2364 = arith.andi %get3A_2361, %and3A_2363 : vector<16xi32>
          %bitcast3A_2365 = vector.bitcast %and3A_2364 : vector<16xi32> to vector<16xf32>
          %shift_left3A_2366 = arith.constant 16 : i32
          %shift_left3A_2367 = vector.broadcast %shift_left3A_2366 : i32 to vector<16xi32>
          %shift_left3A_2368 = arith.shli %get3A_2361, %shift_left3A_2367 : vector<16xi32>
          %bitcast3A_2369 = vector.bitcast %shift_left3A_2368 : vector<16xi32> to vector<16xf32>
          %mul3A_2370 = arith.mulf %bitcast3A_2365, %mul3A_2357 : vector<16xf32>
          %add3A_2371 = arith.addf %add3A_2353, %mul3A_2370 : vector<16xf32>
          %mul3A_2372 = arith.mulf %bitcast3A_2369, %mul3A_2357 : vector<16xf32>
          %add3A_2373 = arith.addf %add3A_2355, %mul3A_2372 : vector<16xf32>
          %mul3A_2374 = arith.mulf %sub3A_2323, %sub3A_2318 : vector<16xf32>
          %mul3A_2375 = arith.mulf %mul3A_2374, %sub3A_2329 : vector<16xf32>
          %add3A_2376 = arith.constant 32 : i32
          %add3A_2377 = arith.addi %add3A_2337, %add3A_2376 : i32
          %get3A_2378 = arith.index_cast %add3A_2377 : i32 to index
          %get3A_2379 = tpu.vector_load %arg14[%get3A_2378] {strides = array<i32>} : memref<5632xi32, #tpu.memory_space<vmem>>, vector<16xi32>,
          %and3A_2380 = arith.constant -65536 : i32
          %and3A_2381 = vector.broadcast %and3A_2380 : i32 to vector<16xi32>
          %and3A_2382 = arith.andi %get3A_2379, %and3A_2381 : vector<16xi32>
          %bitcast3A_2383 = vector.bitcast %and3A_2382 : vector<16xi32> to vector<16xf32>
          %shift_left3A_2384 = arith.constant 16 : i32
          %shift_left3A_2385 = vector.broadcast %shift_left3A_2384 : i32 to vector<16xi32>
          %shift_left3A_2386 = arith.shli %get3A_2379, %shift_left3A_2385 : vector<16xi32>
          %bitcast3A_2387 = vector.bitcast %shift_left3A_2386 : vector<16xi32> to vector<16xf32>
          %mul3A_2388 = arith.mulf %bitcast3A_2383, %mul3A_2375 : vector<16xf32>
          %add3A_2389 = arith.addf %add3A_2371, %mul3A_2388 : vector<16xf32>
          %mul3A_2390 = arith.mulf %bitcast3A_2387, %mul3A_2375 : vector<16xf32>
          %add3A_2391 = arith.addf %add3A_2373, %mul3A_2390 : vector<16xf32>
          %mul3A_2392 = arith.mulf %sub3A_2323, %sub3A_2318 : vector<16xf32>
          %mul3A_2393 = arith.mulf %mul3A_2392, %sub3A_2320 : vector<16xf32>
          %add3A_2394 = arith.constant 48 : i32
          %add3A_2395 = arith.addi %add3A_2337, %add3A_2394 : i32
          %get3A_2396 = arith.index_cast %add3A_2395 : i32 to index
          %get3A_2397 = tpu.vector_load %arg14[%get3A_2396] {strides = array<i32>} : memref<5632xi32, #tpu.memory_space<vmem>>, vector<16xi32>,
          %and3A_2398 = arith.constant -65536 : i32
          %and3A_2399 = vector.broadcast %and3A_2398 : i32 to vector<16xi32>
          %and3A_2400 = arith.andi %get3A_2397, %and3A_2399 : vector<16xi32>
          %bitcast3A_2401 = vector.bitcast %and3A_2400 : vector<16xi32> to vector<16xf32>
          %shift_left3A_2402 = arith.constant 16 : i32
          %shift_left3A_2403 = vector.broadcast %shift_left3A_2402 : i32 to vector<16xi32>
          %shift_left3A_2404 = arith.shli %get3A_2397, %shift_left3A_2403 : vector<16xi32>
          %bitcast3A_2405 = vector.bitcast %shift_left3A_2404 : vector<16xi32> to vector<16xf32>
          %mul3A_2406 = arith.mulf %bitcast3A_2401, %mul3A_2393 : vector<16xf32>
          %add3A_2407 = arith.addf %add3A_2389, %mul3A_2406 : vector<16xf32>
          %mul3A_2408 = arith.mulf %bitcast3A_2405, %mul3A_2393 : vector<16xf32>
          %add3A_2409 = arith.addf %add3A_2391, %mul3A_2408 : vector<16xf32>
          %mul3A_2410 = arith.mulf %sub3A_2316, %sub3A_2326 : vector<16xf32>
          %mul3A_2411 = arith.mulf %mul3A_2410, %sub3A_2329 : vector<16xf32>
          %add3A_2412 = arith.constant 64 : i32
          %add3A_2413 = arith.addi %add3A_2337, %add3A_2412 : i32
          %get3A_2414 = arith.index_cast %add3A_2413 : i32 to index
          %get3A_2415 = tpu.vector_load %arg14[%get3A_2414] {strides = array<i32>} : memref<5632xi32, #tpu.memory_space<vmem>>, vector<16xi32>,
          %and3A_2416 = arith.constant -65536 : i32
          %and3A_2417 = vector.broadcast %and3A_2416 : i32 to vector<16xi32>
          %and3A_2418 = arith.andi %get3A_2415, %and3A_2417 : vector<16xi32>
          %bitcast3A_2419 = vector.bitcast %and3A_2418 : vector<16xi32> to vector<16xf32>
          %shift_left3A_2420 = arith.constant 16 : i32
          %shift_left3A_2421 = vector.broadcast %shift_left3A_2420 : i32 to vector<16xi32>
          %shift_left3A_2422 = arith.shli %get3A_2415, %shift_left3A_2421 : vector<16xi32>
          %bitcast3A_2423 = vector.bitcast %shift_left3A_2422 : vector<16xi32> to vector<16xf32>
          %mul3A_2424 = arith.mulf %bitcast3A_2419, %mul3A_2411 : vector<16xf32>
          %add3A_2425 = arith.addf %add3A_2407, %mul3A_2424 : vector<16xf32>
          %mul3A_2426 = arith.mulf %bitcast3A_2423, %mul3A_2411 : vector<16xf32>
          %add3A_2427 = arith.addf %add3A_2409, %mul3A_2426 : vector<16xf32>
          %mul3A_2428 = arith.mulf %sub3A_2316, %sub3A_2326 : vector<16xf32>
          %mul3A_2429 = arith.mulf %mul3A_2428, %sub3A_2320 : vector<16xf32>
          %add3A_2430 = arith.constant 80 : i32
          %add3A_2431 = arith.addi %add3A_2337, %add3A_2430 : i32
          %get3A_2432 = arith.index_cast %add3A_2431 : i32 to index
          %get3A_2433 = tpu.vector_load %arg14[%get3A_2432] {strides = array<i32>} : memref<5632xi32, #tpu.memory_space<vmem>>, vector<16xi32>,
          %and3A_2434 = arith.constant -65536 : i32
          %and3A_2435 = vector.broadcast %and3A_2434 : i32 to vector<16xi32>
          %and3A_2436 = arith.andi %get3A_2433, %and3A_2435 : vector<16xi32>
          %bitcast3A_2437 = vector.bitcast %and3A_2436 : vector<16xi32> to vector<16xf32>
          %shift_left3A_2438 = arith.constant 16 : i32
          %shift_left3A_2439 = vector.broadcast %shift_left3A_2438 : i32 to vector<16xi32>
          %shift_left3A_2440 = arith.shli %get3A_2433, %shift_left3A_2439 : vector<16xi32>
          %bitcast3A_2441 = vector.bitcast %shift_left3A_2440 : vector<16xi32> to vector<16xf32>
          %mul3A_2442 = arith.mulf %bitcast3A_2437, %mul3A_2429 : vector<16xf32>
          %add3A_2443 = arith.addf %add3A_2425, %mul3A_2442 : vector<16xf32>
          %mul3A_2444 = arith.mulf %bitcast3A_2441, %mul3A_2429 : vector<16xf32>
          %add3A_2445 = arith.addf %add3A_2427, %mul3A_2444 : vector<16xf32>
          %mul3A_2446 = arith.mulf %sub3A_2316, %sub3A_2318 : vector<16xf32>
          %mul3A_2447 = arith.mulf %mul3A_2446, %sub3A_2329 : vector<16xf32>
          %add3A_2448 = arith.constant 96 : i32
          %add3A_2449 = arith.addi %add3A_2337, %add3A_2448 : i32
          %get3A_2450 = arith.index_cast %add3A_2449 : i32 to index
          %get3A_2451 = tpu.vector_load %arg14[%get3A_2450] {strides = array<i32>} : memref<5632xi32, #tpu.memory_space<vmem>>, vector<16xi32>,
          %and3A_2452 = arith.constant -65536 : i32
          %and3A_2453 = vector.broadcast %and3A_2452 : i32 to vector<16xi32>
          %and3A_2454 = arith.andi %get3A_2451, %and3A_2453 : vector<16xi32>
          %bitcast3A_2455 = vector.bitcast %and3A_2454 : vector<16xi32> to vector<16xf32>
          %shift_left3A_2456 = arith.constant 16 : i32
          %shift_left3A_2457 = vector.broadcast %shift_left3A_2456 : i32 to vector<16xi32>
          %shift_left3A_2458 = arith.shli %get3A_2451, %shift_left3A_2457 : vector<16xi32>
          %bitcast3A_2459 = vector.bitcast %shift_left3A_2458 : vector<16xi32> to vector<16xf32>
          %mul3A_2460 = arith.mulf %bitcast3A_2455, %mul3A_2447 : vector<16xf32>
          %add3A_2461 = arith.addf %add3A_2443, %mul3A_2460 : vector<16xf32>
          %mul3A_2462 = arith.mulf %bitcast3A_2459, %mul3A_2447 : vector<16xf32>
          %add3A_2463 = arith.addf %add3A_2445, %mul3A_2462 : vector<16xf32>
          %mul3A_2464 = arith.mulf %sub3A_2316, %sub3A_2318 : vector<16xf32>
          %mul3A_2465 = arith.mulf %mul3A_2464, %sub3A_2320 : vector<16xf32>
          %add3A_2466 = arith.constant 112 : i32
          %add3A_2467 = arith.addi %add3A_2337, %add3A_2466 : i32
          %get3A_2468 = arith.index_cast %add3A_2467 : i32 to index
          %get3A_2469 = tpu.vector_load %arg14[%get3A_2468] {strides = array<i32>} : memref<5632xi32, #tpu.memory_space<vmem>>, vector<16xi32>,
          %and3A_2470 = arith.constant -65536 : i32
          %and3A_2471 = vector.broadcast %and3A_2470 : i32 to vector<16xi32>
          %and3A_2472 = arith.andi %get3A_2469, %and3A_2471 : vector<16xi32>
          %bitcast3A_2473 = vector.bitcast %and3A_2472 : vector<16xi32> to vector<16xf32>
          %shift_left3A_2474 = arith.constant 16 : i32
          %shift_left3A_2475 = vector.broadcast %shift_left3A_2474 : i32 to vector<16xi32>
          %shift_left3A_2476 = arith.shli %get3A_2469, %shift_left3A_2475 : vector<16xi32>
          %bitcast3A_2477 = vector.bitcast %shift_left3A_2476 : vector<16xi32> to vector<16xf32>
          %mul3A_2478 = arith.mulf %bitcast3A_2473, %mul3A_2465 : vector<16xf32>
          %add3A_2479 = arith.addf %add3A_2461, %mul3A_2478 : vector<16xf32>
          %mul3A_2480 = arith.mulf %bitcast3A_2477, %mul3A_2465 : vector<16xf32>
          %add3A_2481 = arith.addf %add3A_2463, %mul3A_2480 : vector<16xf32>
          %add3A_2482 = arith.constant 24 : i32
          %add3A_2483 = vector.broadcast %add3A_2482 : i32 to vector<16xi32>
          %add3A_2484 = arith.addi %mul3A_52, %add3A_2483 : vector<16xi32>
          tpu.vector_store_idx %arg15[%add3A_2484], %add3A_2479 : memref<32768xf32, #tpu.memory_space<vmem>>[vector<16xi32>], vector<16xf32>,
          %add3A_2485 = arith.constant 25 : i32
          %add3A_2486 = vector.broadcast %add3A_2485 : i32 to vector<16xi32>
          %add3A_2487 = arith.addi %mul3A_52, %add3A_2486 : vector<16xi32>
          tpu.vector_store_idx %arg15[%add3A_2487], %add3A_2481 : memref<32768xf32, #tpu.memory_space<vmem>>[vector<16xi32>], vector<16xf32>,
          %mul3A_2488 = arith.constant 1.638400e+04 : f32
          %mul3A_2489 = vector.broadcast %mul3A_2488 : f32 to vector<16xf32>
          %mul3A_2490 = arith.mulf %mul3A_41, %mul3A_2489 : vector<16xf32>
          %mul3A_2491 = arith.constant 1.638400e+04 : f32
          %mul3A_2492 = vector.broadcast %mul3A_2491 : f32 to vector<16xf32>
          %mul3A_2493 = arith.mulf %mul3A_44, %mul3A_2492 : vector<16xf32>
          %mul3A_2494 = arith.constant 1.638400e+04 : f32
          %mul3A_2495 = vector.broadcast %mul3A_2494 : f32 to vector<16xf32>
          %mul3A_2496 = arith.mulf %mul3A_47, %mul3A_2495 : vector<16xf32>
          %convert_element_type3A_2497 = arith.fptosi %mul3A_2490 : vector<16xf32> to vector<16xi32>
          %convert_element_type3A_2498 = arith.fptosi %mul3A_2493 : vector<16xf32> to vector<16xi32>
          %convert_element_type3A_2499 = arith.fptosi %mul3A_2496 : vector<16xf32> to vector<16xi32>
          %convert_element_type3A_2500 = arith.sitofp %convert_element_type3A_2497 : vector<16xi32> to vector<16xf32>
          %sub3A_2501 = arith.subf %mul3A_2490, %convert_element_type3A_2500 : vector<16xf32>
          %convert_element_type3A_2502 = arith.sitofp %convert_element_type3A_2498 : vector<16xi32> to vector<16xf32>
          %sub3A_2503 = arith.subf %mul3A_2493, %convert_element_type3A_2502 : vector<16xf32>
          %convert_element_type3A_2504 = arith.sitofp %convert_element_type3A_2499 : vector<16xi32> to vector<16xf32>
          %sub3A_2505 = arith.subf %mul3A_2496, %convert_element_type3A_2504 : vector<16xf32>
          %sub3A_2506 = arith.constant 1.000000e+00 : f32
          %sub3A_2507 = vector.broadcast %sub3A_2506 : f32 to vector<16xf32>
          %sub3A_2508 = arith.subf %sub3A_2507, %sub3A_2501 : vector<16xf32>
          %sub3A_2509 = arith.constant 1.000000e+00 : f32
          %sub3A_2510 = vector.broadcast %sub3A_2509 : f32 to vector<16xf32>
          %sub3A_2511 = arith.subf %sub3A_2510, %sub3A_2503 : vector<16xf32>
          %sub3A_2512 = arith.constant 1.000000e+00 : f32
          %sub3A_2513 = vector.broadcast %sub3A_2512 : f32 to vector<16xf32>
          %sub3A_2514 = arith.subf %sub3A_2513, %sub3A_2505 : vector<16xf32>
          %broadcast_in_dim3A_2515 = arith.constant 0.000000e+00 : f32
          %broadcast_in_dim3A_2516 = vector.broadcast %broadcast_in_dim3A_2515 : f32 to vector<16xf32>
          %broadcast_in_dim3A_2517 = arith.constant 0.000000e+00 : f32
          %broadcast_in_dim3A_2518 = vector.broadcast %broadcast_in_dim3A_2517 : f32 to vector<16xf32>
          %mul3A_2519 = arith.constant 1408 : i32
          %mul3A_2520 = arith.muli %rem3A_21, %mul3A_2519 : i32
          %add3A_2521 = arith.constant 1024 : i32
          %add3A_2522 = arith.addi %mul3A_2520, %add3A_2521 : i32
          %mul3A_2523 = arith.mulf %sub3A_2508, %sub3A_2511 : vector<16xf32>
          %mul3A_2524 = arith.mulf %mul3A_2523, %sub3A_2514 : vector<16xf32>
          %add3A_2525 = arith.constant 0 : i32
          %add3A_2526 = arith.addi %add3A_2522, %add3A_2525 : i32
          %get3A_2527 = arith.index_cast %add3A_2526 : i32 to index
          %get3A_2528 = tpu.vector_load %arg14[%get3A_2527] {strides = array<i32>} : memref<5632xi32, #tpu.memory_space<vmem>>, vector<16xi32>,
          %and3A_2529 = arith.constant -65536 : i32
          %and3A_2530 = vector.broadcast %and3A_2529 : i32 to vector<16xi32>
          %and3A_2531 = arith.andi %get3A_2528, %and3A_2530 : vector<16xi32>
          %bitcast3A_2532 = vector.bitcast %and3A_2531 : vector<16xi32> to vector<16xf32>
          %shift_left3A_2533 = arith.constant 16 : i32
          %shift_left3A_2534 = vector.broadcast %shift_left3A_2533 : i32 to vector<16xi32>
          %shift_left3A_2535 = arith.shli %get3A_2528, %shift_left3A_2534 : vector<16xi32>
          %bitcast3A_2536 = vector.bitcast %shift_left3A_2535 : vector<16xi32> to vector<16xf32>
          %mul3A_2537 = arith.mulf %bitcast3A_2532, %mul3A_2524 : vector<16xf32>
          %add3A_2538 = arith.addf %broadcast_in_dim3A_2516, %mul3A_2537 : vector<16xf32>
          %mul3A_2539 = arith.mulf %bitcast3A_2536, %mul3A_2524 : vector<16xf32>
          %add3A_2540 = arith.addf %broadcast_in_dim3A_2518, %mul3A_2539 : vector<16xf32>
          %mul3A_2541 = arith.mulf %sub3A_2508, %sub3A_2511 : vector<16xf32>
          %mul3A_2542 = arith.mulf %mul3A_2541, %sub3A_2505 : vector<16xf32>
          %add3A_2543 = arith.constant 16 : i32
          %add3A_2544 = arith.addi %add3A_2522, %add3A_2543 : i32
          %get3A_2545 = arith.index_cast %add3A_2544 : i32 to index
          %get3A_2546 = tpu.vector_load %arg14[%get3A_2545] {strides = array<i32>} : memref<5632xi32, #tpu.memory_space<vmem>>, vector<16xi32>,
          %and3A_2547 = arith.constant -65536 : i32
          %and3A_2548 = vector.broadcast %and3A_2547 : i32 to vector<16xi32>
          %and3A_2549 = arith.andi %get3A_2546, %and3A_2548 : vector<16xi32>
          %bitcast3A_2550 = vector.bitcast %and3A_2549 : vector<16xi32> to vector<16xf32>
          %shift_left3A_2551 = arith.constant 16 : i32
          %shift_left3A_2552 = vector.broadcast %shift_left3A_2551 : i32 to vector<16xi32>
          %shift_left3A_2553 = arith.shli %get3A_2546, %shift_left3A_2552 : vector<16xi32>
          %bitcast3A_2554 = vector.bitcast %shift_left3A_2553 : vector<16xi32> to vector<16xf32>
          %mul3A_2555 = arith.mulf %bitcast3A_2550, %mul3A_2542 : vector<16xf32>
          %add3A_2556 = arith.addf %add3A_2538, %mul3A_2555 : vector<16xf32>
          %mul3A_2557 = arith.mulf %bitcast3A_2554, %mul3A_2542 : vector<16xf32>
          %add3A_2558 = arith.addf %add3A_2540, %mul3A_2557 : vector<16xf32>
          %mul3A_2559 = arith.mulf %sub3A_2508, %sub3A_2503 : vector<16xf32>
          %mul3A_2560 = arith.mulf %mul3A_2559, %sub3A_2514 : vector<16xf32>
          %add3A_2561 = arith.constant 32 : i32
          %add3A_2562 = arith.addi %add3A_2522, %add3A_2561 : i32
          %get3A_2563 = arith.index_cast %add3A_2562 : i32 to index
          %get3A_2564 = tpu.vector_load %arg14[%get3A_2563] {strides = array<i32>} : memref<5632xi32, #tpu.memory_space<vmem>>, vector<16xi32>,
          %and3A_2565 = arith.constant -65536 : i32
          %and3A_2566 = vector.broadcast %and3A_2565 : i32 to vector<16xi32>
          %and3A_2567 = arith.andi %get3A_2564, %and3A_2566 : vector<16xi32>
          %bitcast3A_2568 = vector.bitcast %and3A_2567 : vector<16xi32> to vector<16xf32>
          %shift_left3A_2569 = arith.constant 16 : i32
          %shift_left3A_2570 = vector.broadcast %shift_left3A_2569 : i32 to vector<16xi32>
          %shift_left3A_2571 = arith.shli %get3A_2564, %shift_left3A_2570 : vector<16xi32>
          %bitcast3A_2572 = vector.bitcast %shift_left3A_2571 : vector<16xi32> to vector<16xf32>
          %mul3A_2573 = arith.mulf %bitcast3A_2568, %mul3A_2560 : vector<16xf32>
          %add3A_2574 = arith.addf %add3A_2556, %mul3A_2573 : vector<16xf32>
          %mul3A_2575 = arith.mulf %bitcast3A_2572, %mul3A_2560 : vector<16xf32>
          %add3A_2576 = arith.addf %add3A_2558, %mul3A_2575 : vector<16xf32>
          %mul3A_2577 = arith.mulf %sub3A_2508, %sub3A_2503 : vector<16xf32>
          %mul3A_2578 = arith.mulf %mul3A_2577, %sub3A_2505 : vector<16xf32>
          %add3A_2579 = arith.constant 48 : i32
          %add3A_2580 = arith.addi %add3A_2522, %add3A_2579 : i32
          %get3A_2581 = arith.index_cast %add3A_2580 : i32 to index
          %get3A_2582 = tpu.vector_load %arg14[%get3A_2581] {strides = array<i32>} : memref<5632xi32, #tpu.memory_space<vmem>>, vector<16xi32>,
          %and3A_2583 = arith.constant -65536 : i32
          %and3A_2584 = vector.broadcast %and3A_2583 : i32 to vector<16xi32>
          %and3A_2585 = arith.andi %get3A_2582, %and3A_2584 : vector<16xi32>
          %bitcast3A_2586 = vector.bitcast %and3A_2585 : vector<16xi32> to vector<16xf32>
          %shift_left3A_2587 = arith.constant 16 : i32
          %shift_left3A_2588 = vector.broadcast %shift_left3A_2587 : i32 to vector<16xi32>
          %shift_left3A_2589 = arith.shli %get3A_2582, %shift_left3A_2588 : vector<16xi32>
          %bitcast3A_2590 = vector.bitcast %shift_left3A_2589 : vector<16xi32> to vector<16xf32>
          %mul3A_2591 = arith.mulf %bitcast3A_2586, %mul3A_2578 : vector<16xf32>
          %add3A_2592 = arith.addf %add3A_2574, %mul3A_2591 : vector<16xf32>
          %mul3A_2593 = arith.mulf %bitcast3A_2590, %mul3A_2578 : vector<16xf32>
          %add3A_2594 = arith.addf %add3A_2576, %mul3A_2593 : vector<16xf32>
          %mul3A_2595 = arith.mulf %sub3A_2501, %sub3A_2511 : vector<16xf32>
          %mul3A_2596 = arith.mulf %mul3A_2595, %sub3A_2514 : vector<16xf32>
          %add3A_2597 = arith.constant 64 : i32
          %add3A_2598 = arith.addi %add3A_2522, %add3A_2597 : i32
          %get3A_2599 = arith.index_cast %add3A_2598 : i32 to index
          %get3A_2600 = tpu.vector_load %arg14[%get3A_2599] {strides = array<i32>} : memref<5632xi32, #tpu.memory_space<vmem>>, vector<16xi32>,
          %and3A_2601 = arith.constant -65536 : i32
          %and3A_2602 = vector.broadcast %and3A_2601 : i32 to vector<16xi32>
          %and3A_2603 = arith.andi %get3A_2600, %and3A_2602 : vector<16xi32>
          %bitcast3A_2604 = vector.bitcast %and3A_2603 : vector<16xi32> to vector<16xf32>
          %shift_left3A_2605 = arith.constant 16 : i32
          %shift_left3A_2606 = vector.broadcast %shift_left3A_2605 : i32 to vector<16xi32>
          %shift_left3A_2607 = arith.shli %get3A_2600, %shift_left3A_2606 : vector<16xi32>
          %bitcast3A_2608 = vector.bitcast %shift_left3A_2607 : vector<16xi32> to vector<16xf32>
          %mul3A_2609 = arith.mulf %bitcast3A_2604, %mul3A_2596 : vector<16xf32>
          %add3A_2610 = arith.addf %add3A_2592, %mul3A_2609 : vector<16xf32>
          %mul3A_2611 = arith.mulf %bitcast3A_2608, %mul3A_2596 : vector<16xf32>
          %add3A_2612 = arith.addf %add3A_2594, %mul3A_2611 : vector<16xf32>
          %mul3A_2613 = arith.mulf %sub3A_2501, %sub3A_2511 : vector<16xf32>
          %mul3A_2614 = arith.mulf %mul3A_2613, %sub3A_2505 : vector<16xf32>
          %add3A_2615 = arith.constant 80 : i32
          %add3A_2616 = arith.addi %add3A_2522, %add3A_2615 : i32
          %get3A_2617 = arith.index_cast %add3A_2616 : i32 to index
          %get3A_2618 = tpu.vector_load %arg14[%get3A_2617] {strides = array<i32>} : memref<5632xi32, #tpu.memory_space<vmem>>, vector<16xi32>,
          %and3A_2619 = arith.constant -65536 : i32
          %and3A_2620 = vector.broadcast %and3A_2619 : i32 to vector<16xi32>
          %and3A_2621 = arith.andi %get3A_2618, %and3A_2620 : vector<16xi32>
          %bitcast3A_2622 = vector.bitcast %and3A_2621 : vector<16xi32> to vector<16xf32>
          %shift_left3A_2623 = arith.constant 16 : i32
          %shift_left3A_2624 = vector.broadcast %shift_left3A_2623 : i32 to vector<16xi32>
          %shift_left3A_2625 = arith.shli %get3A_2618, %shift_left3A_2624 : vector<16xi32>
          %bitcast3A_2626 = vector.bitcast %shift_left3A_2625 : vector<16xi32> to vector<16xf32>
          %mul3A_2627 = arith.mulf %bitcast3A_2622, %mul3A_2614 : vector<16xf32>
          %add3A_2628 = arith.addf %add3A_2610, %mul3A_2627 : vector<16xf32>
          %mul3A_2629 = arith.mulf %bitcast3A_2626, %mul3A_2614 : vector<16xf32>
          %add3A_2630 = arith.addf %add3A_2612, %mul3A_2629 : vector<16xf32>
          %mul3A_2631 = arith.mulf %sub3A_2501, %sub3A_2503 : vector<16xf32>
          %mul3A_2632 = arith.mulf %mul3A_2631, %sub3A_2514 : vector<16xf32>
          %add3A_2633 = arith.constant 96 : i32
          %add3A_2634 = arith.addi %add3A_2522, %add3A_2633 : i32
          %get3A_2635 = arith.index_cast %add3A_2634 : i32 to index
          %get3A_2636 = tpu.vector_load %arg14[%get3A_2635] {strides = array<i32>} : memref<5632xi32, #tpu.memory_space<vmem>>, vector<16xi32>,
          %and3A_2637 = arith.constant -65536 : i32
          %and3A_2638 = vector.broadcast %and3A_2637 : i32 to vector<16xi32>
          %and3A_2639 = arith.andi %get3A_2636, %and3A_2638 : vector<16xi32>
          %bitcast3A_2640 = vector.bitcast %and3A_2639 : vector<16xi32> to vector<16xf32>
          %shift_left3A_2641 = arith.constant 16 : i32
          %shift_left3A_2642 = vector.broadcast %shift_left3A_2641 : i32 to vector<16xi32>
          %shift_left3A_2643 = arith.shli %get3A_2636, %shift_left3A_2642 : vector<16xi32>
          %bitcast3A_2644 = vector.bitcast %shift_left3A_2643 : vector<16xi32> to vector<16xf32>
          %mul3A_2645 = arith.mulf %bitcast3A_2640, %mul3A_2632 : vector<16xf32>
          %add3A_2646 = arith.addf %add3A_2628, %mul3A_2645 : vector<16xf32>
          %mul3A_2647 = arith.mulf %bitcast3A_2644, %mul3A_2632 : vector<16xf32>
          %add3A_2648 = arith.addf %add3A_2630, %mul3A_2647 : vector<16xf32>
          %mul3A_2649 = arith.mulf %sub3A_2501, %sub3A_2503 : vector<16xf32>
          %mul3A_2650 = arith.mulf %mul3A_2649, %sub3A_2505 : vector<16xf32>
          %add3A_2651 = arith.constant 112 : i32
          %add3A_2652 = arith.addi %add3A_2522, %add3A_2651 : i32
          %get3A_2653 = arith.index_cast %add3A_2652 : i32 to index
          %get3A_2654 = tpu.vector_load %arg14[%get3A_2653] {strides = array<i32>} : memref<5632xi32, #tpu.memory_space<vmem>>, vector<16xi32>,
          %and3A_2655 = arith.constant -65536 : i32
          %and3A_2656 = vector.broadcast %and3A_2655 : i32 to vector<16xi32>
          %and3A_2657 = arith.andi %get3A_2654, %and3A_2656 : vector<16xi32>
          %bitcast3A_2658 = vector.bitcast %and3A_2657 : vector<16xi32> to vector<16xf32>
          %shift_left3A_2659 = arith.constant 16 : i32
          %shift_left3A_2660 = vector.broadcast %shift_left3A_2659 : i32 to vector<16xi32>
          %shift_left3A_2661 = arith.shli %get3A_2654, %shift_left3A_2660 : vector<16xi32>
          %bitcast3A_2662 = vector.bitcast %shift_left3A_2661 : vector<16xi32> to vector<16xf32>
          %mul3A_2663 = arith.mulf %bitcast3A_2658, %mul3A_2650 : vector<16xf32>
          %add3A_2664 = arith.addf %add3A_2646, %mul3A_2663 : vector<16xf32>
          %mul3A_2665 = arith.mulf %bitcast3A_2662, %mul3A_2650 : vector<16xf32>
          %add3A_2666 = arith.addf %add3A_2648, %mul3A_2665 : vector<16xf32>
          %add3A_2667 = arith.constant 26 : i32
          %add3A_2668 = vector.broadcast %add3A_2667 : i32 to vector<16xi32>
          %add3A_2669 = arith.addi %mul3A_52, %add3A_2668 : vector<16xi32>
          tpu.vector_store_idx %arg15[%add3A_2669], %add3A_2664 : memref<32768xf32, #tpu.memory_space<vmem>>[vector<16xi32>], vector<16xf32>,
          %add3A_2670 = arith.constant 27 : i32
          %add3A_2671 = vector.broadcast %add3A_2670 : i32 to vector<16xi32>
          %add3A_2672 = arith.addi %mul3A_52, %add3A_2671 : vector<16xi32>
          tpu.vector_store_idx %arg15[%add3A_2672], %add3A_2666 : memref<32768xf32, #tpu.memory_space<vmem>>[vector<16xi32>], vector<16xf32>,
          %mul3A_2673 = arith.constant 3.276800e+04 : f32
          %mul3A_2674 = vector.broadcast %mul3A_2673 : f32 to vector<16xf32>
          %mul3A_2675 = arith.mulf %mul3A_41, %mul3A_2674 : vector<16xf32>
          %mul3A_2676 = arith.constant 3.276800e+04 : f32
          %mul3A_2677 = vector.broadcast %mul3A_2676 : f32 to vector<16xf32>
          %mul3A_2678 = arith.mulf %mul3A_44, %mul3A_2677 : vector<16xf32>
          %mul3A_2679 = arith.constant 3.276800e+04 : f32
          %mul3A_2680 = vector.broadcast %mul3A_2679 : f32 to vector<16xf32>
          %mul3A_2681 = arith.mulf %mul3A_47, %mul3A_2680 : vector<16xf32>
          %convert_element_type3A_2682 = arith.fptosi %mul3A_2675 : vector<16xf32> to vector<16xi32>
          %convert_element_type3A_2683 = arith.fptosi %mul3A_2678 : vector<16xf32> to vector<16xi32>
          %convert_element_type3A_2684 = arith.fptosi %mul3A_2681 : vector<16xf32> to vector<16xi32>
          %convert_element_type3A_2685 = arith.sitofp %convert_element_type3A_2682 : vector<16xi32> to vector<16xf32>
          %sub3A_2686 = arith.subf %mul3A_2675, %convert_element_type3A_2685 : vector<16xf32>
          %convert_element_type3A_2687 = arith.sitofp %convert_element_type3A_2683 : vector<16xi32> to vector<16xf32>
          %sub3A_2688 = arith.subf %mul3A_2678, %convert_element_type3A_2687 : vector<16xf32>
          %convert_element_type3A_2689 = arith.sitofp %convert_element_type3A_2684 : vector<16xi32> to vector<16xf32>
          %sub3A_2690 = arith.subf %mul3A_2681, %convert_element_type3A_2689 : vector<16xf32>
          %sub3A_2691 = arith.constant 1.000000e+00 : f32
          %sub3A_2692 = vector.broadcast %sub3A_2691 : f32 to vector<16xf32>
          %sub3A_2693 = arith.subf %sub3A_2692, %sub3A_2686 : vector<16xf32>
          %sub3A_2694 = arith.constant 1.000000e+00 : f32
          %sub3A_2695 = vector.broadcast %sub3A_2694 : f32 to vector<16xf32>
          %sub3A_2696 = arith.subf %sub3A_2695, %sub3A_2688 : vector<16xf32>
          %sub3A_2697 = arith.constant 1.000000e+00 : f32
          %sub3A_2698 = vector.broadcast %sub3A_2697 : f32 to vector<16xf32>
          %sub3A_2699 = arith.subf %sub3A_2698, %sub3A_2690 : vector<16xf32>
          %broadcast_in_dim3A_2700 = arith.constant 0.000000e+00 : f32
          %broadcast_in_dim3A_2701 = vector.broadcast %broadcast_in_dim3A_2700 : f32 to vector<16xf32>
          %broadcast_in_dim3A_2702 = arith.constant 0.000000e+00 : f32
          %broadcast_in_dim3A_2703 = vector.broadcast %broadcast_in_dim3A_2702 : f32 to vector<16xf32>
          %mul3A_2704 = arith.constant 1408 : i32
          %mul3A_2705 = arith.muli %rem3A_21, %mul3A_2704 : i32
          %add3A_2706 = arith.constant 1152 : i32
          %add3A_2707 = arith.addi %mul3A_2705, %add3A_2706 : i32
          %mul3A_2708 = arith.mulf %sub3A_2693, %sub3A_2696 : vector<16xf32>
          %mul3A_2709 = arith.mulf %mul3A_2708, %sub3A_2699 : vector<16xf32>
          %add3A_2710 = arith.constant 0 : i32
          %add3A_2711 = arith.addi %add3A_2707, %add3A_2710 : i32
          %get3A_2712 = arith.index_cast %add3A_2711 : i32 to index
          %get3A_2713 = tpu.vector_load %arg14[%get3A_2712] {strides = array<i32>} : memref<5632xi32, #tpu.memory_space<vmem>>, vector<16xi32>,
          %and3A_2714 = arith.constant -65536 : i32
          %and3A_2715 = vector.broadcast %and3A_2714 : i32 to vector<16xi32>
          %and3A_2716 = arith.andi %get3A_2713, %and3A_2715 : vector<16xi32>
          %bitcast3A_2717 = vector.bitcast %and3A_2716 : vector<16xi32> to vector<16xf32>
          %shift_left3A_2718 = arith.constant 16 : i32
          %shift_left3A_2719 = vector.broadcast %shift_left3A_2718 : i32 to vector<16xi32>
          %shift_left3A_2720 = arith.shli %get3A_2713, %shift_left3A_2719 : vector<16xi32>
          %bitcast3A_2721 = vector.bitcast %shift_left3A_2720 : vector<16xi32> to vector<16xf32>
          %mul3A_2722 = arith.mulf %bitcast3A_2717, %mul3A_2709 : vector<16xf32>
          %add3A_2723 = arith.addf %broadcast_in_dim3A_2701, %mul3A_2722 : vector<16xf32>
          %mul3A_2724 = arith.mulf %bitcast3A_2721, %mul3A_2709 : vector<16xf32>
          %add3A_2725 = arith.addf %broadcast_in_dim3A_2703, %mul3A_2724 : vector<16xf32>
          %mul3A_2726 = arith.mulf %sub3A_2693, %sub3A_2696 : vector<16xf32>
          %mul3A_2727 = arith.mulf %mul3A_2726, %sub3A_2690 : vector<16xf32>
          %add3A_2728 = arith.constant 16 : i32
          %add3A_2729 = arith.addi %add3A_2707, %add3A_2728 : i32
          %get3A_2730 = arith.index_cast %add3A_2729 : i32 to index
          %get3A_2731 = tpu.vector_load %arg14[%get3A_2730] {strides = array<i32>} : memref<5632xi32, #tpu.memory_space<vmem>>, vector<16xi32>,
          %and3A_2732 = arith.constant -65536 : i32
          %and3A_2733 = vector.broadcast %and3A_2732 : i32 to vector<16xi32>
          %and3A_2734 = arith.andi %get3A_2731, %and3A_2733 : vector<16xi32>
          %bitcast3A_2735 = vector.bitcast %and3A_2734 : vector<16xi32> to vector<16xf32>
          %shift_left3A_2736 = arith.constant 16 : i32
          %shift_left3A_2737 = vector.broadcast %shift_left3A_2736 : i32 to vector<16xi32>
          %shift_left3A_2738 = arith.shli %get3A_2731, %shift_left3A_2737 : vector<16xi32>
          %bitcast3A_2739 = vector.bitcast %shift_left3A_2738 : vector<16xi32> to vector<16xf32>
          %mul3A_2740 = arith.mulf %bitcast3A_2735, %mul3A_2727 : vector<16xf32>
          %add3A_2741 = arith.addf %add3A_2723, %mul3A_2740 : vector<16xf32>
          %mul3A_2742 = arith.mulf %bitcast3A_2739, %mul3A_2727 : vector<16xf32>
          %add3A_2743 = arith.addf %add3A_2725, %mul3A_2742 : vector<16xf32>
          %mul3A_2744 = arith.mulf %sub3A_2693, %sub3A_2688 : vector<16xf32>
          %mul3A_2745 = arith.mulf %mul3A_2744, %sub3A_2699 : vector<16xf32>
          %add3A_2746 = arith.constant 32 : i32
          %add3A_2747 = arith.addi %add3A_2707, %add3A_2746 : i32
          %get3A_2748 = arith.index_cast %add3A_2747 : i32 to index
          %get3A_2749 = tpu.vector_load %arg14[%get3A_2748] {strides = array<i32>} : memref<5632xi32, #tpu.memory_space<vmem>>, vector<16xi32>,
          %and3A_2750 = arith.constant -65536 : i32
          %and3A_2751 = vector.broadcast %and3A_2750 : i32 to vector<16xi32>
          %and3A_2752 = arith.andi %get3A_2749, %and3A_2751 : vector<16xi32>
          %bitcast3A_2753 = vector.bitcast %and3A_2752 : vector<16xi32> to vector<16xf32>
          %shift_left3A_2754 = arith.constant 16 : i32
          %shift_left3A_2755 = vector.broadcast %shift_left3A_2754 : i32 to vector<16xi32>
          %shift_left3A_2756 = arith.shli %get3A_2749, %shift_left3A_2755 : vector<16xi32>
          %bitcast3A_2757 = vector.bitcast %shift_left3A_2756 : vector<16xi32> to vector<16xf32>
          %mul3A_2758 = arith.mulf %bitcast3A_2753, %mul3A_2745 : vector<16xf32>
          %add3A_2759 = arith.addf %add3A_2741, %mul3A_2758 : vector<16xf32>
          %mul3A_2760 = arith.mulf %bitcast3A_2757, %mul3A_2745 : vector<16xf32>
          %add3A_2761 = arith.addf %add3A_2743, %mul3A_2760 : vector<16xf32>
          %mul3A_2762 = arith.mulf %sub3A_2693, %sub3A_2688 : vector<16xf32>
          %mul3A_2763 = arith.mulf %mul3A_2762, %sub3A_2690 : vector<16xf32>
          %add3A_2764 = arith.constant 48 : i32
          %add3A_2765 = arith.addi %add3A_2707, %add3A_2764 : i32
          %get3A_2766 = arith.index_cast %add3A_2765 : i32 to index
          %get3A_2767 = tpu.vector_load %arg14[%get3A_2766] {strides = array<i32>} : memref<5632xi32, #tpu.memory_space<vmem>>, vector<16xi32>,
          %and3A_2768 = arith.constant -65536 : i32
          %and3A_2769 = vector.broadcast %and3A_2768 : i32 to vector<16xi32>
          %and3A_2770 = arith.andi %get3A_2767, %and3A_2769 : vector<16xi32>
          %bitcast3A_2771 = vector.bitcast %and3A_2770 : vector<16xi32> to vector<16xf32>
          %shift_left3A_2772 = arith.constant 16 : i32
          %shift_left3A_2773 = vector.broadcast %shift_left3A_2772 : i32 to vector<16xi32>
          %shift_left3A_2774 = arith.shli %get3A_2767, %shift_left3A_2773 : vector<16xi32>
          %bitcast3A_2775 = vector.bitcast %shift_left3A_2774 : vector<16xi32> to vector<16xf32>
          %mul3A_2776 = arith.mulf %bitcast3A_2771, %mul3A_2763 : vector<16xf32>
          %add3A_2777 = arith.addf %add3A_2759, %mul3A_2776 : vector<16xf32>
          %mul3A_2778 = arith.mulf %bitcast3A_2775, %mul3A_2763 : vector<16xf32>
          %add3A_2779 = arith.addf %add3A_2761, %mul3A_2778 : vector<16xf32>
          %mul3A_2780 = arith.mulf %sub3A_2686, %sub3A_2696 : vector<16xf32>
          %mul3A_2781 = arith.mulf %mul3A_2780, %sub3A_2699 : vector<16xf32>
          %add3A_2782 = arith.constant 64 : i32
          %add3A_2783 = arith.addi %add3A_2707, %add3A_2782 : i32
          %get3A_2784 = arith.index_cast %add3A_2783 : i32 to index
          %get3A_2785 = tpu.vector_load %arg14[%get3A_2784] {strides = array<i32>} : memref<5632xi32, #tpu.memory_space<vmem>>, vector<16xi32>,
          %and3A_2786 = arith.constant -65536 : i32
          %and3A_2787 = vector.broadcast %and3A_2786 : i32 to vector<16xi32>
          %and3A_2788 = arith.andi %get3A_2785, %and3A_2787 : vector<16xi32>
          %bitcast3A_2789 = vector.bitcast %and3A_2788 : vector<16xi32> to vector<16xf32>
          %shift_left3A_2790 = arith.constant 16 : i32
          %shift_left3A_2791 = vector.broadcast %shift_left3A_2790 : i32 to vector<16xi32>
          %shift_left3A_2792 = arith.shli %get3A_2785, %shift_left3A_2791 : vector<16xi32>
          %bitcast3A_2793 = vector.bitcast %shift_left3A_2792 : vector<16xi32> to vector<16xf32>
          %mul3A_2794 = arith.mulf %bitcast3A_2789, %mul3A_2781 : vector<16xf32>
          %add3A_2795 = arith.addf %add3A_2777, %mul3A_2794 : vector<16xf32>
          %mul3A_2796 = arith.mulf %bitcast3A_2793, %mul3A_2781 : vector<16xf32>
          %add3A_2797 = arith.addf %add3A_2779, %mul3A_2796 : vector<16xf32>
          %mul3A_2798 = arith.mulf %sub3A_2686, %sub3A_2696 : vector<16xf32>
          %mul3A_2799 = arith.mulf %mul3A_2798, %sub3A_2690 : vector<16xf32>
          %add3A_2800 = arith.constant 80 : i32
          %add3A_2801 = arith.addi %add3A_2707, %add3A_2800 : i32
          %get3A_2802 = arith.index_cast %add3A_2801 : i32 to index
          %get3A_2803 = tpu.vector_load %arg14[%get3A_2802] {strides = array<i32>} : memref<5632xi32, #tpu.memory_space<vmem>>, vector<16xi32>,
          %and3A_2804 = arith.constant -65536 : i32
          %and3A_2805 = vector.broadcast %and3A_2804 : i32 to vector<16xi32>
          %and3A_2806 = arith.andi %get3A_2803, %and3A_2805 : vector<16xi32>
          %bitcast3A_2807 = vector.bitcast %and3A_2806 : vector<16xi32> to vector<16xf32>
          %shift_left3A_2808 = arith.constant 16 : i32
          %shift_left3A_2809 = vector.broadcast %shift_left3A_2808 : i32 to vector<16xi32>
          %shift_left3A_2810 = arith.shli %get3A_2803, %shift_left3A_2809 : vector<16xi32>
          %bitcast3A_2811 = vector.bitcast %shift_left3A_2810 : vector<16xi32> to vector<16xf32>
          %mul3A_2812 = arith.mulf %bitcast3A_2807, %mul3A_2799 : vector<16xf32>
          %add3A_2813 = arith.addf %add3A_2795, %mul3A_2812 : vector<16xf32>
          %mul3A_2814 = arith.mulf %bitcast3A_2811, %mul3A_2799 : vector<16xf32>
          %add3A_2815 = arith.addf %add3A_2797, %mul3A_2814 : vector<16xf32>
          %mul3A_2816 = arith.mulf %sub3A_2686, %sub3A_2688 : vector<16xf32>
          %mul3A_2817 = arith.mulf %mul3A_2816, %sub3A_2699 : vector<16xf32>
          %add3A_2818 = arith.constant 96 : i32
          %add3A_2819 = arith.addi %add3A_2707, %add3A_2818 : i32
          %get3A_2820 = arith.index_cast %add3A_2819 : i32 to index
          %get3A_2821 = tpu.vector_load %arg14[%get3A_2820] {strides = array<i32>} : memref<5632xi32, #tpu.memory_space<vmem>>, vector<16xi32>,
          %and3A_2822 = arith.constant -65536 : i32
          %and3A_2823 = vector.broadcast %and3A_2822 : i32 to vector<16xi32>
          %and3A_2824 = arith.andi %get3A_2821, %and3A_2823 : vector<16xi32>
          %bitcast3A_2825 = vector.bitcast %and3A_2824 : vector<16xi32> to vector<16xf32>
          %shift_left3A_2826 = arith.constant 16 : i32
          %shift_left3A_2827 = vector.broadcast %shift_left3A_2826 : i32 to vector<16xi32>
          %shift_left3A_2828 = arith.shli %get3A_2821, %shift_left3A_2827 : vector<16xi32>
          %bitcast3A_2829 = vector.bitcast %shift_left3A_2828 : vector<16xi32> to vector<16xf32>
          %mul3A_2830 = arith.mulf %bitcast3A_2825, %mul3A_2817 : vector<16xf32>
          %add3A_2831 = arith.addf %add3A_2813, %mul3A_2830 : vector<16xf32>
          %mul3A_2832 = arith.mulf %bitcast3A_2829, %mul3A_2817 : vector<16xf32>
          %add3A_2833 = arith.addf %add3A_2815, %mul3A_2832 : vector<16xf32>
          %mul3A_2834 = arith.mulf %sub3A_2686, %sub3A_2688 : vector<16xf32>
          %mul3A_2835 = arith.mulf %mul3A_2834, %sub3A_2690 : vector<16xf32>
          %add3A_2836 = arith.constant 112 : i32
          %add3A_2837 = arith.addi %add3A_2707, %add3A_2836 : i32
          %get3A_2838 = arith.index_cast %add3A_2837 : i32 to index
          %get3A_2839 = tpu.vector_load %arg14[%get3A_2838] {strides = array<i32>} : memref<5632xi32, #tpu.memory_space<vmem>>, vector<16xi32>,
          %and3A_2840 = arith.constant -65536 : i32
          %and3A_2841 = vector.broadcast %and3A_2840 : i32 to vector<16xi32>
          %and3A_2842 = arith.andi %get3A_2839, %and3A_2841 : vector<16xi32>
          %bitcast3A_2843 = vector.bitcast %and3A_2842 : vector<16xi32> to vector<16xf32>
          %shift_left3A_2844 = arith.constant 16 : i32
          %shift_left3A_2845 = vector.broadcast %shift_left3A_2844 : i32 to vector<16xi32>
          %shift_left3A_2846 = arith.shli %get3A_2839, %shift_left3A_2845 : vector<16xi32>
          %bitcast3A_2847 = vector.bitcast %shift_left3A_2846 : vector<16xi32> to vector<16xf32>
          %mul3A_2848 = arith.mulf %bitcast3A_2843, %mul3A_2835 : vector<16xf32>
          %add3A_2849 = arith.addf %add3A_2831, %mul3A_2848 : vector<16xf32>
          %mul3A_2850 = arith.mulf %bitcast3A_2847, %mul3A_2835 : vector<16xf32>
          %add3A_2851 = arith.addf %add3A_2833, %mul3A_2850 : vector<16xf32>
          %add3A_2852 = arith.constant 28 : i32
          %add3A_2853 = vector.broadcast %add3A_2852 : i32 to vector<16xi32>
          %add3A_2854 = arith.addi %mul3A_52, %add3A_2853 : vector<16xi32>
          tpu.vector_store_idx %arg15[%add3A_2854], %add3A_2849 : memref<32768xf32, #tpu.memory_space<vmem>>[vector<16xi32>], vector<16xf32>,
          %add3A_2855 = arith.constant 29 : i32
          %add3A_2856 = vector.broadcast %add3A_2855 : i32 to vector<16xi32>
          %add3A_2857 = arith.addi %mul3A_52, %add3A_2856 : vector<16xi32>
          tpu.vector_store_idx %arg15[%add3A_2857], %add3A_2851 : memref<32768xf32, #tpu.memory_space<vmem>>[vector<16xi32>], vector<16xf32>,
          %mul3A_2858 = arith.constant 6.553600e+04 : f32
          %mul3A_2859 = vector.broadcast %mul3A_2858 : f32 to vector<16xf32>
          %mul3A_2860 = arith.mulf %mul3A_41, %mul3A_2859 : vector<16xf32>
          %mul3A_2861 = arith.constant 6.553600e+04 : f32
          %mul3A_2862 = vector.broadcast %mul3A_2861 : f32 to vector<16xf32>
          %mul3A_2863 = arith.mulf %mul3A_44, %mul3A_2862 : vector<16xf32>
          %mul3A_2864 = arith.constant 6.553600e+04 : f32
          %mul3A_2865 = vector.broadcast %mul3A_2864 : f32 to vector<16xf32>
          %mul3A_2866 = arith.mulf %mul3A_47, %mul3A_2865 : vector<16xf32>
          %convert_element_type3A_2867 = arith.fptosi %mul3A_2860 : vector<16xf32> to vector<16xi32>
          %convert_element_type3A_2868 = arith.fptosi %mul3A_2863 : vector<16xf32> to vector<16xi32>
          %convert_element_type3A_2869 = arith.fptosi %mul3A_2866 : vector<16xf32> to vector<16xi32>
          %convert_element_type3A_2870 = arith.sitofp %convert_element_type3A_2867 : vector<16xi32> to vector<16xf32>
          %sub3A_2871 = arith.subf %mul3A_2860, %convert_element_type3A_2870 : vector<16xf32>
          %convert_element_type3A_2872 = arith.sitofp %convert_element_type3A_2868 : vector<16xi32> to vector<16xf32>
          %sub3A_2873 = arith.subf %mul3A_2863, %convert_element_type3A_2872 : vector<16xf32>
          %convert_element_type3A_2874 = arith.sitofp %convert_element_type3A_2869 : vector<16xi32> to vector<16xf32>
          %sub3A_2875 = arith.subf %mul3A_2866, %convert_element_type3A_2874 : vector<16xf32>
          %sub3A_2876 = arith.constant 1.000000e+00 : f32
          %sub3A_2877 = vector.broadcast %sub3A_2876 : f32 to vector<16xf32>
          %sub3A_2878 = arith.subf %sub3A_2877, %sub3A_2871 : vector<16xf32>
          %sub3A_2879 = arith.constant 1.000000e+00 : f32
          %sub3A_2880 = vector.broadcast %sub3A_2879 : f32 to vector<16xf32>
          %sub3A_2881 = arith.subf %sub3A_2880, %sub3A_2873 : vector<16xf32>
          %sub3A_2882 = arith.constant 1.000000e+00 : f32
          %sub3A_2883 = vector.broadcast %sub3A_2882 : f32 to vector<16xf32>
          %sub3A_2884 = arith.subf %sub3A_2883, %sub3A_2875 : vector<16xf32>
          %broadcast_in_dim3A_2885 = arith.constant 0.000000e+00 : f32
          %broadcast_in_dim3A_2886 = vector.broadcast %broadcast_in_dim3A_2885 : f32 to vector<16xf32>
          %broadcast_in_dim3A_2887 = arith.constant 0.000000e+00 : f32
          %broadcast_in_dim3A_2888 = vector.broadcast %broadcast_in_dim3A_2887 : f32 to vector<16xf32>
          %mul3A_2889 = arith.constant 1408 : i32
          %mul3A_2890 = arith.muli %rem3A_21, %mul3A_2889 : i32
          %add3A_2891 = arith.constant 1280 : i32
          %add3A_2892 = arith.addi %mul3A_2890, %add3A_2891 : i32
          %mul3A_2893 = arith.mulf %sub3A_2878, %sub3A_2881 : vector<16xf32>
          %mul3A_2894 = arith.mulf %mul3A_2893, %sub3A_2884 : vector<16xf32>
          %add3A_2895 = arith.constant 0 : i32
          %add3A_2896 = arith.addi %add3A_2892, %add3A_2895 : i32
          %get3A_2897 = arith.index_cast %add3A_2896 : i32 to index
          %get3A_2898 = tpu.vector_load %arg14[%get3A_2897] {strides = array<i32>} : memref<5632xi32, #tpu.memory_space<vmem>>, vector<16xi32>,
          %and3A_2899 = arith.constant -65536 : i32
          %and3A_2900 = vector.broadcast %and3A_2899 : i32 to vector<16xi32>
          %and3A_2901 = arith.andi %get3A_2898, %and3A_2900 : vector<16xi32>
          %bitcast3A_2902 = vector.bitcast %and3A_2901 : vector<16xi32> to vector<16xf32>
          %shift_left3A_2903 = arith.constant 16 : i32
          %shift_left3A_2904 = vector.broadcast %shift_left3A_2903 : i32 to vector<16xi32>
          %shift_left3A_2905 = arith.shli %get3A_2898, %shift_left3A_2904 : vector<16xi32>
          %bitcast3A_2906 = vector.bitcast %shift_left3A_2905 : vector<16xi32> to vector<16xf32>
          %mul3A_2907 = arith.mulf %bitcast3A_2902, %mul3A_2894 : vector<16xf32>
          %add3A_2908 = arith.addf %broadcast_in_dim3A_2886, %mul3A_2907 : vector<16xf32>
          %mul3A_2909 = arith.mulf %bitcast3A_2906, %mul3A_2894 : vector<16xf32>
          %add3A_2910 = arith.addf %broadcast_in_dim3A_2888, %mul3A_2909 : vector<16xf32>
          %mul3A_2911 = arith.mulf %sub3A_2878, %sub3A_2881 : vector<16xf32>
          %mul3A_2912 = arith.mulf %mul3A_2911, %sub3A_2875 : vector<16xf32>
          %add3A_2913 = arith.constant 16 : i32
          %add3A_2914 = arith.addi %add3A_2892, %add3A_2913 : i32
          %get3A_2915 = arith.index_cast %add3A_2914 : i32 to index
          %get3A_2916 = tpu.vector_load %arg14[%get3A_2915] {strides = array<i32>} : memref<5632xi32, #tpu.memory_space<vmem>>, vector<16xi32>,
          %and3A_2917 = arith.constant -65536 : i32
          %and3A_2918 = vector.broadcast %and3A_2917 : i32 to vector<16xi32>
          %and3A_2919 = arith.andi %get3A_2916, %and3A_2918 : vector<16xi32>
          %bitcast3A_2920 = vector.bitcast %and3A_2919 : vector<16xi32> to vector<16xf32>
          %shift_left3A_2921 = arith.constant 16 : i32
          %shift_left3A_2922 = vector.broadcast %shift_left3A_2921 : i32 to vector<16xi32>
          %shift_left3A_2923 = arith.shli %get3A_2916, %shift_left3A_2922 : vector<16xi32>
          %bitcast3A_2924 = vector.bitcast %shift_left3A_2923 : vector<16xi32> to vector<16xf32>
          %mul3A_2925 = arith.mulf %bitcast3A_2920, %mul3A_2912 : vector<16xf32>
          %add3A_2926 = arith.addf %add3A_2908, %mul3A_2925 : vector<16xf32>
          %mul3A_2927 = arith.mulf %bitcast3A_2924, %mul3A_2912 : vector<16xf32>
          %add3A_2928 = arith.addf %add3A_2910, %mul3A_2927 : vector<16xf32>
          %mul3A_2929 = arith.mulf %sub3A_2878, %sub3A_2873 : vector<16xf32>
          %mul3A_2930 = arith.mulf %mul3A_2929, %sub3A_2884 : vector<16xf32>
          %add3A_2931 = arith.constant 32 : i32
          %add3A_2932 = arith.addi %add3A_2892, %add3A_2931 : i32
          %get3A_2933 = arith.index_cast %add3A_2932 : i32 to index
          %get3A_2934 = tpu.vector_load %arg14[%get3A_2933] {strides = array<i32>} : memref<5632xi32, #tpu.memory_space<vmem>>, vector<16xi32>,
          %and3A_2935 = arith.constant -65536 : i32
          %and3A_2936 = vector.broadcast %and3A_2935 : i32 to vector<16xi32>
          %and3A_2937 = arith.andi %get3A_2934, %and3A_2936 : vector<16xi32>
          %bitcast3A_2938 = vector.bitcast %and3A_2937 : vector<16xi32> to vector<16xf32>
          %shift_left3A_2939 = arith.constant 16 : i32
          %shift_left3A_2940 = vector.broadcast %shift_left3A_2939 : i32 to vector<16xi32>
          %shift_left3A_2941 = arith.shli %get3A_2934, %shift_left3A_2940 : vector<16xi32>
          %bitcast3A_2942 = vector.bitcast %shift_left3A_2941 : vector<16xi32> to vector<16xf32>
          %mul3A_2943 = arith.mulf %bitcast3A_2938, %mul3A_2930 : vector<16xf32>
          %add3A_2944 = arith.addf %add3A_2926, %mul3A_2943 : vector<16xf32>
          %mul3A_2945 = arith.mulf %bitcast3A_2942, %mul3A_2930 : vector<16xf32>
          %add3A_2946 = arith.addf %add3A_2928, %mul3A_2945 : vector<16xf32>
          %mul3A_2947 = arith.mulf %sub3A_2878, %sub3A_2873 : vector<16xf32>
          %mul3A_2948 = arith.mulf %mul3A_2947, %sub3A_2875 : vector<16xf32>
          %add3A_2949 = arith.constant 48 : i32
          %add3A_2950 = arith.addi %add3A_2892, %add3A_2949 : i32
          %get3A_2951 = arith.index_cast %add3A_2950 : i32 to index
          %get3A_2952 = tpu.vector_load %arg14[%get3A_2951] {strides = array<i32>} : memref<5632xi32, #tpu.memory_space<vmem>>, vector<16xi32>,
          %and3A_2953 = arith.constant -65536 : i32
          %and3A_2954 = vector.broadcast %and3A_2953 : i32 to vector<16xi32>
          %and3A_2955 = arith.andi %get3A_2952, %and3A_2954 : vector<16xi32>
          %bitcast3A_2956 = vector.bitcast %and3A_2955 : vector<16xi32> to vector<16xf32>
          %shift_left3A_2957 = arith.constant 16 : i32
          %shift_left3A_2958 = vector.broadcast %shift_left3A_2957 : i32 to vector<16xi32>
          %shift_left3A_2959 = arith.shli %get3A_2952, %shift_left3A_2958 : vector<16xi32>
          %bitcast3A_2960 = vector.bitcast %shift_left3A_2959 : vector<16xi32> to vector<16xf32>
          %mul3A_2961 = arith.mulf %bitcast3A_2956, %mul3A_2948 : vector<16xf32>
          %add3A_2962 = arith.addf %add3A_2944, %mul3A_2961 : vector<16xf32>
          %mul3A_2963 = arith.mulf %bitcast3A_2960, %mul3A_2948 : vector<16xf32>
          %add3A_2964 = arith.addf %add3A_2946, %mul3A_2963 : vector<16xf32>
          %mul3A_2965 = arith.mulf %sub3A_2871, %sub3A_2881 : vector<16xf32>
          %mul3A_2966 = arith.mulf %mul3A_2965, %sub3A_2884 : vector<16xf32>
          %add3A_2967 = arith.constant 64 : i32
          %add3A_2968 = arith.addi %add3A_2892, %add3A_2967 : i32
          %get3A_2969 = arith.index_cast %add3A_2968 : i32 to index
          %get3A_2970 = tpu.vector_load %arg14[%get3A_2969] {strides = array<i32>} : memref<5632xi32, #tpu.memory_space<vmem>>, vector<16xi32>,
          %and3A_2971 = arith.constant -65536 : i32
          %and3A_2972 = vector.broadcast %and3A_2971 : i32 to vector<16xi32>
          %and3A_2973 = arith.andi %get3A_2970, %and3A_2972 : vector<16xi32>
          %bitcast3A_2974 = vector.bitcast %and3A_2973 : vector<16xi32> to vector<16xf32>
          %shift_left3A_2975 = arith.constant 16 : i32
          %shift_left3A_2976 = vector.broadcast %shift_left3A_2975 : i32 to vector<16xi32>
          %shift_left3A_2977 = arith.shli %get3A_2970, %shift_left3A_2976 : vector<16xi32>
          %bitcast3A_2978 = vector.bitcast %shift_left3A_2977 : vector<16xi32> to vector<16xf32>
          %mul3A_2979 = arith.mulf %bitcast3A_2974, %mul3A_2966 : vector<16xf32>
          %add3A_2980 = arith.addf %add3A_2962, %mul3A_2979 : vector<16xf32>
          %mul3A_2981 = arith.mulf %bitcast3A_2978, %mul3A_2966 : vector<16xf32>
          %add3A_2982 = arith.addf %add3A_2964, %mul3A_2981 : vector<16xf32>
          %mul3A_2983 = arith.mulf %sub3A_2871, %sub3A_2881 : vector<16xf32>
          %mul3A_2984 = arith.mulf %mul3A_2983, %sub3A_2875 : vector<16xf32>
          %add3A_2985 = arith.constant 80 : i32
          %add3A_2986 = arith.addi %add3A_2892, %add3A_2985 : i32
          %get3A_2987 = arith.index_cast %add3A_2986 : i32 to index
          %get3A_2988 = tpu.vector_load %arg14[%get3A_2987] {strides = array<i32>} : memref<5632xi32, #tpu.memory_space<vmem>>, vector<16xi32>,
          %and3A_2989 = arith.constant -65536 : i32
          %and3A_2990 = vector.broadcast %and3A_2989 : i32 to vector<16xi32>
          %and3A_2991 = arith.andi %get3A_2988, %and3A_2990 : vector<16xi32>
          %bitcast3A_2992 = vector.bitcast %and3A_2991 : vector<16xi32> to vector<16xf32>
          %shift_left3A_2993 = arith.constant 16 : i32
          %shift_left3A_2994 = vector.broadcast %shift_left3A_2993 : i32 to vector<16xi32>
          %shift_left3A_2995 = arith.shli %get3A_2988, %shift_left3A_2994 : vector<16xi32>
          %bitcast3A_2996 = vector.bitcast %shift_left3A_2995 : vector<16xi32> to vector<16xf32>
          %mul3A_2997 = arith.mulf %bitcast3A_2992, %mul3A_2984 : vector<16xf32>
          %add3A_2998 = arith.addf %add3A_2980, %mul3A_2997 : vector<16xf32>
          %mul3A_2999 = arith.mulf %bitcast3A_2996, %mul3A_2984 : vector<16xf32>
          %add3A_3000 = arith.addf %add3A_2982, %mul3A_2999 : vector<16xf32>
          %mul3A_3001 = arith.mulf %sub3A_2871, %sub3A_2873 : vector<16xf32>
          %mul3A_3002 = arith.mulf %mul3A_3001, %sub3A_2884 : vector<16xf32>
          %add3A_3003 = arith.constant 96 : i32
          %add3A_3004 = arith.addi %add3A_2892, %add3A_3003 : i32
          %get3A_3005 = arith.index_cast %add3A_3004 : i32 to index
          %get3A_3006 = tpu.vector_load %arg14[%get3A_3005] {strides = array<i32>} : memref<5632xi32, #tpu.memory_space<vmem>>, vector<16xi32>,
          %and3A_3007 = arith.constant -65536 : i32
          %and3A_3008 = vector.broadcast %and3A_3007 : i32 to vector<16xi32>
          %and3A_3009 = arith.andi %get3A_3006, %and3A_3008 : vector<16xi32>
          %bitcast3A_3010 = vector.bitcast %and3A_3009 : vector<16xi32> to vector<16xf32>
          %shift_left3A_3011 = arith.constant 16 : i32
          %shift_left3A_3012 = vector.broadcast %shift_left3A_3011 : i32 to vector<16xi32>
          %shift_left3A_3013 = arith.shli %get3A_3006, %shift_left3A_3012 : vector<16xi32>
          %bitcast3A_3014 = vector.bitcast %shift_left3A_3013 : vector<16xi32> to vector<16xf32>
          %mul3A_3015 = arith.mulf %bitcast3A_3010, %mul3A_3002 : vector<16xf32>
          %add3A_3016 = arith.addf %add3A_2998, %mul3A_3015 : vector<16xf32>
          %mul3A_3017 = arith.mulf %bitcast3A_3014, %mul3A_3002 : vector<16xf32>
          %add3A_3018 = arith.addf %add3A_3000, %mul3A_3017 : vector<16xf32>
          %mul3A_3019 = arith.mulf %sub3A_2871, %sub3A_2873 : vector<16xf32>
          %mul3A_3020 = arith.mulf %mul3A_3019, %sub3A_2875 : vector<16xf32>
          %add3A_3021 = arith.constant 112 : i32
          %add3A_3022 = arith.addi %add3A_2892, %add3A_3021 : i32
          %get3A_3023 = arith.index_cast %add3A_3022 : i32 to index
          %get3A_3024 = tpu.vector_load %arg14[%get3A_3023] {strides = array<i32>} : memref<5632xi32, #tpu.memory_space<vmem>>, vector<16xi32>,
          %and3A_3025 = arith.constant -65536 : i32
          %and3A_3026 = vector.broadcast %and3A_3025 : i32 to vector<16xi32>
          %and3A_3027 = arith.andi %get3A_3024, %and3A_3026 : vector<16xi32>
          %bitcast3A_3028 = vector.bitcast %and3A_3027 : vector<16xi32> to vector<16xf32>
          %shift_left3A_3029 = arith.constant 16 : i32
          %shift_left3A_3030 = vector.broadcast %shift_left3A_3029 : i32 to vector<16xi32>
          %shift_left3A_3031 = arith.shli %get3A_3024, %shift_left3A_3030 : vector<16xi32>
          %bitcast3A_3032 = vector.bitcast %shift_left3A_3031 : vector<16xi32> to vector<16xf32>
          %mul3A_3033 = arith.mulf %bitcast3A_3028, %mul3A_3020 : vector<16xf32>
          %add3A_3034 = arith.addf %add3A_3016, %mul3A_3033 : vector<16xf32>
          %mul3A_3035 = arith.mulf %bitcast3A_3032, %mul3A_3020 : vector<16xf32>
          %add3A_3036 = arith.addf %add3A_3018, %mul3A_3035 : vector<16xf32>
          %add3A_3037 = arith.constant 30 : i32
          %add3A_3038 = vector.broadcast %add3A_3037 : i32 to vector<16xi32>
          %add3A_3039 = arith.addi %mul3A_52, %add3A_3038 : vector<16xi32>
          tpu.vector_store_idx %arg15[%add3A_3039], %add3A_3034 : memref<32768xf32, #tpu.memory_space<vmem>>[vector<16xi32>], vector<16xf32>,
          %add3A_3040 = arith.constant 31 : i32
          %add3A_3041 = vector.broadcast %add3A_3040 : i32 to vector<16xi32>
          %add3A_3042 = arith.addi %mul3A_52, %add3A_3041 : vector<16xi32>
          tpu.vector_store_idx %arg15[%add3A_3042], %add3A_3036 : memref<32768xf32, #tpu.memory_space<vmem>>[vector<16xi32>], vector<16xf32>,
        } else {
        }
        %lt3A = arith.constant 64 : i32
        %lt3A_24 = arith.cmpi slt, %scan3A_20, %lt3A : i32
        %convert_element_type3A_25 = arith.extui %lt3A_24 : i1 to i32
        %cond3A_26 = arith.constant 0 : i32
        %cond3A_27 = arith.cmpi ne, %convert_element_type3A_25, %cond3A_26 : i32
        scf.if %cond3A_27 {
          %mul3A_28 = arith.constant 16 : i32
          %mul3A_29 = arith.muli %scan3A_20, %mul3A_28 : i32
          %get3A = arith.index_cast %mul3A_29 : i32 to index
          %get3A_30 = tpu.vector_load %arg12[%get3A] {strides = array<i32>} : memref<1024xf32, #tpu.memory_space<vmem>>, vector<16xf32>,
          %get3A_31 = arith.index_cast %mul3A_29 : i32 to index
          %get3A_32 = tpu.vector_load %arg9[%get3A_31] {strides = array<i32>} : memref<1024xf32, #tpu.memory_space<vmem>>, vector<16xf32>,
          %mul3A_33 = arith.mulf %get3A_32, %get3A_30 : vector<16xf32>
          %get3A_34 = arith.index_cast %mul3A_29 : i32 to index
          %get3A_35 = tpu.vector_load %arg10[%get3A_34] {strides = array<i32>} : memref<1024xf32, #tpu.memory_space<vmem>>, vector<16xf32>,
          %mul3A_36 = arith.mulf %get3A_35, %get3A_30 : vector<16xf32>
          %get3A_37 = arith.index_cast %mul3A_29 : i32 to index
          %get3A_38 = tpu.vector_load %arg11[%get3A_37] {strides = array<i32>} : memref<1024xf32, #tpu.memory_space<vmem>>, vector<16xf32>,
          %mul3A_39 = arith.mulf %get3A_38, %get3A_30 : vector<16xf32>
          %mul3A_40 = arith.constant 6.400000e+01 : f32
          %mul3A_41 = vector.broadcast %mul3A_40 : f32 to vector<16xf32>
          %mul3A_42 = arith.mulf %mul3A_33, %mul3A_41 : vector<16xf32>
          %mul3A_43 = arith.constant 6.400000e+01 : f32
          %mul3A_44 = vector.broadcast %mul3A_43 : f32 to vector<16xf32>
          %mul3A_45 = arith.mulf %mul3A_36, %mul3A_44 : vector<16xf32>
          %mul3A_46 = arith.constant 6.400000e+01 : f32
          %mul3A_47 = vector.broadcast %mul3A_46 : f32 to vector<16xf32>
          %mul3A_48 = arith.mulf %mul3A_39, %mul3A_47 : vector<16xf32>
          %convert_element_type3A_49 = arith.fptosi %mul3A_42 : vector<16xf32> to vector<16xi32>
          %convert_element_type3A_50 = arith.fptosi %mul3A_45 : vector<16xf32> to vector<16xi32>
          %convert_element_type3A_51 = arith.fptosi %mul3A_48 : vector<16xf32> to vector<16xi32>
          %add3A_52 = arith.constant 1 : i32
          %add3A_53 = vector.broadcast %add3A_52 : i32 to vector<16xi32>
          %add3A_54 = arith.addi %convert_element_type3A_49, %add3A_53 : vector<16xi32>
          %mul3A_55 = arith.constant -1640531535 : i32
          %mul3A_56 = vector.broadcast %mul3A_55 : i32 to vector<16xi32>
          %mul3A_57 = arith.muli %convert_element_type3A_50, %mul3A_56 : vector<16xi32>
          %add3A_58 = arith.constant -1640531535 : i32
          %add3A_59 = vector.broadcast %add3A_58 : i32 to vector<16xi32>
          %add3A_60 = arith.addi %mul3A_57, %add3A_59 : vector<16xi32>
          %mul3A_61 = arith.constant 805459861 : i32
          %mul3A_62 = vector.broadcast %mul3A_61 : i32 to vector<16xi32>
          %mul3A_63 = arith.muli %convert_element_type3A_51, %mul3A_62 : vector<16xi32>
          %add3A_64 = arith.constant 805459861 : i32
          %add3A_65 = vector.broadcast %add3A_64 : i32 to vector<16xi32>
          %add3A_66 = arith.addi %mul3A_63, %add3A_65 : vector<16xi32>
          %xor3A = arith.xori %convert_element_type3A_49, %mul3A_57 : vector<16xi32>
          %xor3A_67 = arith.xori %xor3A, %mul3A_63 : vector<16xi32>
          %and3A = arith.constant 524287 : i32
          %and3A_68 = vector.broadcast %and3A : i32 to vector<16xi32>
          %and3A_69 = arith.andi %xor3A_67, %and3A_68 : vector<16xi32>
          %add3A_70 = arith.constant 2621440 : i32
          %add3A_71 = vector.broadcast %add3A_70 : i32 to vector<16xi32>
          %add3A_72 = arith.addi %and3A_69, %add3A_71 : vector<16xi32>
          %mul3A_73 = arith.constant 1408 : i32
          %mul3A_74 = arith.muli %rem3A_21, %mul3A_73 : i32
          %add3A_75 = arith.constant 0 : i32
          %add3A_76 = arith.addi %mul3A_74, %add3A_75 : i32
          %swap3A = arith.index_cast %add3A_76 : i32 to index
          %swap3A_77 = tpu.vector_load %arg13[%swap3A] {strides = array<i32>} : memref<5632xi32, #tpu.memory_space<vmem>>, vector<16xi32>,
          tpu.vector_store %arg13[%swap3A], %add3A_72 {strides = array<i32>} : memref<5632xi32, #tpu.memory_space<vmem>>, vector<16xi32>,
          %xor3A_78 = arith.xori %convert_element_type3A_49, %mul3A_57 : vector<16xi32>
          %xor3A_79 = arith.xori %xor3A_78, %add3A_66 : vector<16xi32>
          %and3A_80 = arith.constant 524287 : i32
          %and3A_81 = vector.broadcast %and3A_80 : i32 to vector<16xi32>
          %and3A_82 = arith.andi %xor3A_79, %and3A_81 : vector<16xi32>
          %add3A_83 = arith.constant 2621440 : i32
          %add3A_84 = vector.broadcast %add3A_83 : i32 to vector<16xi32>
          %add3A_85 = arith.addi %and3A_82, %add3A_84 : vector<16xi32>
          %mul3A_86 = arith.constant 1408 : i32
          %mul3A_87 = arith.muli %rem3A_21, %mul3A_86 : i32
          %add3A_88 = arith.constant 16 : i32
          %add3A_89 = arith.addi %mul3A_87, %add3A_88 : i32
          %swap3A_90 = arith.index_cast %add3A_89 : i32 to index
          %swap3A_91 = tpu.vector_load %arg13[%swap3A_90] {strides = array<i32>} : memref<5632xi32, #tpu.memory_space<vmem>>, vector<16xi32>,
          tpu.vector_store %arg13[%swap3A_90], %add3A_85 {strides = array<i32>} : memref<5632xi32, #tpu.memory_space<vmem>>, vector<16xi32>,
          %xor3A_92 = arith.xori %convert_element_type3A_49, %add3A_60 : vector<16xi32>
          %xor3A_93 = arith.xori %xor3A_92, %mul3A_63 : vector<16xi32>
          %and3A_94 = arith.constant 524287 : i32
          %and3A_95 = vector.broadcast %and3A_94 : i32 to vector<16xi32>
          %and3A_96 = arith.andi %xor3A_93, %and3A_95 : vector<16xi32>
          %add3A_97 = arith.constant 2621440 : i32
          %add3A_98 = vector.broadcast %add3A_97 : i32 to vector<16xi32>
          %add3A_99 = arith.addi %and3A_96, %add3A_98 : vector<16xi32>
          %mul3A_100 = arith.constant 1408 : i32
          %mul3A_101 = arith.muli %rem3A_21, %mul3A_100 : i32
          %add3A_102 = arith.constant 32 : i32
          %add3A_103 = arith.addi %mul3A_101, %add3A_102 : i32
          %swap3A_104 = arith.index_cast %add3A_103 : i32 to index
          %swap3A_105 = tpu.vector_load %arg13[%swap3A_104] {strides = array<i32>} : memref<5632xi32, #tpu.memory_space<vmem>>, vector<16xi32>,
          tpu.vector_store %arg13[%swap3A_104], %add3A_99 {strides = array<i32>} : memref<5632xi32, #tpu.memory_space<vmem>>, vector<16xi32>,
          %xor3A_106 = arith.xori %convert_element_type3A_49, %add3A_60 : vector<16xi32>
          %xor3A_107 = arith.xori %xor3A_106, %add3A_66 : vector<16xi32>
          %and3A_108 = arith.constant 524287 : i32
          %and3A_109 = vector.broadcast %and3A_108 : i32 to vector<16xi32>
          %and3A_110 = arith.andi %xor3A_107, %and3A_109 : vector<16xi32>
          %add3A_111 = arith.constant 2621440 : i32
          %add3A_112 = vector.broadcast %add3A_111 : i32 to vector<16xi32>
          %add3A_113 = arith.addi %and3A_110, %add3A_112 : vector<16xi32>
          %mul3A_114 = arith.constant 1408 : i32
          %mul3A_115 = arith.muli %rem3A_21, %mul3A_114 : i32
          %add3A_116 = arith.constant 48 : i32
          %add3A_117 = arith.addi %mul3A_115, %add3A_116 : i32
          %swap3A_118 = arith.index_cast %add3A_117 : i32 to index
          %swap3A_119 = tpu.vector_load %arg13[%swap3A_118] {strides = array<i32>} : memref<5632xi32, #tpu.memory_space<vmem>>, vector<16xi32>,
          tpu.vector_store %arg13[%swap3A_118], %add3A_113 {strides = array<i32>} : memref<5632xi32, #tpu.memory_space<vmem>>, vector<16xi32>,
          %xor3A_120 = arith.xori %add3A_54, %mul3A_57 : vector<16xi32>
          %xor3A_121 = arith.xori %xor3A_120, %mul3A_63 : vector<16xi32>
          %and3A_122 = arith.constant 524287 : i32
          %and3A_123 = vector.broadcast %and3A_122 : i32 to vector<16xi32>
          %and3A_124 = arith.andi %xor3A_121, %and3A_123 : vector<16xi32>
          %add3A_125 = arith.constant 2621440 : i32
          %add3A_126 = vector.broadcast %add3A_125 : i32 to vector<16xi32>
          %add3A_127 = arith.addi %and3A_124, %add3A_126 : vector<16xi32>
          %mul3A_128 = arith.constant 1408 : i32
          %mul3A_129 = arith.muli %rem3A_21, %mul3A_128 : i32
          %add3A_130 = arith.constant 64 : i32
          %add3A_131 = arith.addi %mul3A_129, %add3A_130 : i32
          %swap3A_132 = arith.index_cast %add3A_131 : i32 to index
          %swap3A_133 = tpu.vector_load %arg13[%swap3A_132] {strides = array<i32>} : memref<5632xi32, #tpu.memory_space<vmem>>, vector<16xi32>,
          tpu.vector_store %arg13[%swap3A_132], %add3A_127 {strides = array<i32>} : memref<5632xi32, #tpu.memory_space<vmem>>, vector<16xi32>,
          %xor3A_134 = arith.xori %add3A_54, %mul3A_57 : vector<16xi32>
          %xor3A_135 = arith.xori %xor3A_134, %add3A_66 : vector<16xi32>
          %and3A_136 = arith.constant 524287 : i32
          %and3A_137 = vector.broadcast %and3A_136 : i32 to vector<16xi32>
          %and3A_138 = arith.andi %xor3A_135, %and3A_137 : vector<16xi32>
          %add3A_139 = arith.constant 2621440 : i32
          %add3A_140 = vector.broadcast %add3A_139 : i32 to vector<16xi32>
          %add3A_141 = arith.addi %and3A_138, %add3A_140 : vector<16xi32>
          %mul3A_142 = arith.constant 1408 : i32
          %mul3A_143 = arith.muli %rem3A_21, %mul3A_142 : i32
          %add3A_144 = arith.constant 80 : i32
          %add3A_145 = arith.addi %mul3A_143, %add3A_144 : i32
          %swap3A_146 = arith.index_cast %add3A_145 : i32 to index
          %swap3A_147 = tpu.vector_load %arg13[%swap3A_146] {strides = array<i32>} : memref<5632xi32, #tpu.memory_space<vmem>>, vector<16xi32>,
          tpu.vector_store %arg13[%swap3A_146], %add3A_141 {strides = array<i32>} : memref<5632xi32, #tpu.memory_space<vmem>>, vector<16xi32>,
          %xor3A_148 = arith.xori %add3A_54, %add3A_60 : vector<16xi32>
          %xor3A_149 = arith.xori %xor3A_148, %mul3A_63 : vector<16xi32>
          %and3A_150 = arith.constant 524287 : i32
          %and3A_151 = vector.broadcast %and3A_150 : i32 to vector<16xi32>
          %and3A_152 = arith.andi %xor3A_149, %and3A_151 : vector<16xi32>
          %add3A_153 = arith.constant 2621440 : i32
          %add3A_154 = vector.broadcast %add3A_153 : i32 to vector<16xi32>
          %add3A_155 = arith.addi %and3A_152, %add3A_154 : vector<16xi32>
          %mul3A_156 = arith.constant 1408 : i32
          %mul3A_157 = arith.muli %rem3A_21, %mul3A_156 : i32
          %add3A_158 = arith.constant 96 : i32
          %add3A_159 = arith.addi %mul3A_157, %add3A_158 : i32
          %swap3A_160 = arith.index_cast %add3A_159 : i32 to index
          %swap3A_161 = tpu.vector_load %arg13[%swap3A_160] {strides = array<i32>} : memref<5632xi32, #tpu.memory_space<vmem>>, vector<16xi32>,
          tpu.vector_store %arg13[%swap3A_160], %add3A_155 {strides = array<i32>} : memref<5632xi32, #tpu.memory_space<vmem>>, vector<16xi32>,
          %xor3A_162 = arith.xori %add3A_54, %add3A_60 : vector<16xi32>
          %xor3A_163 = arith.xori %xor3A_162, %add3A_66 : vector<16xi32>
          %and3A_164 = arith.constant 524287 : i32
          %and3A_165 = vector.broadcast %and3A_164 : i32 to vector<16xi32>
          %and3A_166 = arith.andi %xor3A_163, %and3A_165 : vector<16xi32>
          %add3A_167 = arith.constant 2621440 : i32
          %add3A_168 = vector.broadcast %add3A_167 : i32 to vector<16xi32>
          %add3A_169 = arith.addi %and3A_166, %add3A_168 : vector<16xi32>
          %mul3A_170 = arith.constant 1408 : i32
          %mul3A_171 = arith.muli %rem3A_21, %mul3A_170 : i32
          %add3A_172 = arith.constant 112 : i32
          %add3A_173 = arith.addi %mul3A_171, %add3A_172 : i32
          %swap3A_174 = arith.index_cast %add3A_173 : i32 to index
          %swap3A_175 = tpu.vector_load %arg13[%swap3A_174] {strides = array<i32>} : memref<5632xi32, #tpu.memory_space<vmem>>, vector<16xi32>,
          tpu.vector_store %arg13[%swap3A_174], %add3A_169 {strides = array<i32>} : memref<5632xi32, #tpu.memory_space<vmem>>, vector<16xi32>,
          %mul3A_176 = arith.constant 1.280000e+02 : f32
          %mul3A_177 = vector.broadcast %mul3A_176 : f32 to vector<16xf32>
          %mul3A_178 = arith.mulf %mul3A_33, %mul3A_177 : vector<16xf32>
          %mul3A_179 = arith.constant 1.280000e+02 : f32
          %mul3A_180 = vector.broadcast %mul3A_179 : f32 to vector<16xf32>
          %mul3A_181 = arith.mulf %mul3A_36, %mul3A_180 : vector<16xf32>
          %mul3A_182 = arith.constant 1.280000e+02 : f32
          %mul3A_183 = vector.broadcast %mul3A_182 : f32 to vector<16xf32>
          %mul3A_184 = arith.mulf %mul3A_39, %mul3A_183 : vector<16xf32>
          %convert_element_type3A_185 = arith.fptosi %mul3A_178 : vector<16xf32> to vector<16xi32>
          %convert_element_type3A_186 = arith.fptosi %mul3A_181 : vector<16xf32> to vector<16xi32>
          %convert_element_type3A_187 = arith.fptosi %mul3A_184 : vector<16xf32> to vector<16xi32>
          %add3A_188 = arith.constant 1 : i32
          %add3A_189 = vector.broadcast %add3A_188 : i32 to vector<16xi32>
          %add3A_190 = arith.addi %convert_element_type3A_185, %add3A_189 : vector<16xi32>
          %mul3A_191 = arith.constant -1640531535 : i32
          %mul3A_192 = vector.broadcast %mul3A_191 : i32 to vector<16xi32>
          %mul3A_193 = arith.muli %convert_element_type3A_186, %mul3A_192 : vector<16xi32>
          %add3A_194 = arith.constant -1640531535 : i32
          %add3A_195 = vector.broadcast %add3A_194 : i32 to vector<16xi32>
          %add3A_196 = arith.addi %mul3A_193, %add3A_195 : vector<16xi32>
          %mul3A_197 = arith.constant 805459861 : i32
          %mul3A_198 = vector.broadcast %mul3A_197 : i32 to vector<16xi32>
          %mul3A_199 = arith.muli %convert_element_type3A_187, %mul3A_198 : vector<16xi32>
          %add3A_200 = arith.constant 805459861 : i32
          %add3A_201 = vector.broadcast %add3A_200 : i32 to vector<16xi32>
          %add3A_202 = arith.addi %mul3A_199, %add3A_201 : vector<16xi32>
          %xor3A_203 = arith.xori %convert_element_type3A_185, %mul3A_193 : vector<16xi32>
          %xor3A_204 = arith.xori %xor3A_203, %mul3A_199 : vector<16xi32>
          %and3A_205 = arith.constant 524287 : i32
          %and3A_206 = vector.broadcast %and3A_205 : i32 to vector<16xi32>
          %and3A_207 = arith.andi %xor3A_204, %and3A_206 : vector<16xi32>
          %add3A_208 = arith.constant 3145728 : i32
          %add3A_209 = vector.broadcast %add3A_208 : i32 to vector<16xi32>
          %add3A_210 = arith.addi %and3A_207, %add3A_209 : vector<16xi32>
          %mul3A_211 = arith.constant 1408 : i32
          %mul3A_212 = arith.muli %rem3A_21, %mul3A_211 : i32
          %add3A_213 = arith.constant 128 : i32
          %add3A_214 = arith.addi %mul3A_212, %add3A_213 : i32
          %swap3A_215 = arith.index_cast %add3A_214 : i32 to index
          %swap3A_216 = tpu.vector_load %arg13[%swap3A_215] {strides = array<i32>} : memref<5632xi32, #tpu.memory_space<vmem>>, vector<16xi32>,
          tpu.vector_store %arg13[%swap3A_215], %add3A_210 {strides = array<i32>} : memref<5632xi32, #tpu.memory_space<vmem>>, vector<16xi32>,
          %xor3A_217 = arith.xori %convert_element_type3A_185, %mul3A_193 : vector<16xi32>
          %xor3A_218 = arith.xori %xor3A_217, %add3A_202 : vector<16xi32>
          %and3A_219 = arith.constant 524287 : i32
          %and3A_220 = vector.broadcast %and3A_219 : i32 to vector<16xi32>
          %and3A_221 = arith.andi %xor3A_218, %and3A_220 : vector<16xi32>
          %add3A_222 = arith.constant 3145728 : i32
          %add3A_223 = vector.broadcast %add3A_222 : i32 to vector<16xi32>
          %add3A_224 = arith.addi %and3A_221, %add3A_223 : vector<16xi32>
          %mul3A_225 = arith.constant 1408 : i32
          %mul3A_226 = arith.muli %rem3A_21, %mul3A_225 : i32
          %add3A_227 = arith.constant 144 : i32
          %add3A_228 = arith.addi %mul3A_226, %add3A_227 : i32
          %swap3A_229 = arith.index_cast %add3A_228 : i32 to index
          %swap3A_230 = tpu.vector_load %arg13[%swap3A_229] {strides = array<i32>} : memref<5632xi32, #tpu.memory_space<vmem>>, vector<16xi32>,
          tpu.vector_store %arg13[%swap3A_229], %add3A_224 {strides = array<i32>} : memref<5632xi32, #tpu.memory_space<vmem>>, vector<16xi32>,
          %xor3A_231 = arith.xori %convert_element_type3A_185, %add3A_196 : vector<16xi32>
          %xor3A_232 = arith.xori %xor3A_231, %mul3A_199 : vector<16xi32>
          %and3A_233 = arith.constant 524287 : i32
          %and3A_234 = vector.broadcast %and3A_233 : i32 to vector<16xi32>
          %and3A_235 = arith.andi %xor3A_232, %and3A_234 : vector<16xi32>
          %add3A_236 = arith.constant 3145728 : i32
          %add3A_237 = vector.broadcast %add3A_236 : i32 to vector<16xi32>
          %add3A_238 = arith.addi %and3A_235, %add3A_237 : vector<16xi32>
          %mul3A_239 = arith.constant 1408 : i32
          %mul3A_240 = arith.muli %rem3A_21, %mul3A_239 : i32
          %add3A_241 = arith.constant 160 : i32
          %add3A_242 = arith.addi %mul3A_240, %add3A_241 : i32
          %swap3A_243 = arith.index_cast %add3A_242 : i32 to index
          %swap3A_244 = tpu.vector_load %arg13[%swap3A_243] {strides = array<i32>} : memref<5632xi32, #tpu.memory_space<vmem>>, vector<16xi32>,
          tpu.vector_store %arg13[%swap3A_243], %add3A_238 {strides = array<i32>} : memref<5632xi32, #tpu.memory_space<vmem>>, vector<16xi32>,
          %xor3A_245 = arith.xori %convert_element_type3A_185, %add3A_196 : vector<16xi32>
          %xor3A_246 = arith.xori %xor3A_245, %add3A_202 : vector<16xi32>
          %and3A_247 = arith.constant 524287 : i32
          %and3A_248 = vector.broadcast %and3A_247 : i32 to vector<16xi32>
          %and3A_249 = arith.andi %xor3A_246, %and3A_248 : vector<16xi32>
          %add3A_250 = arith.constant 3145728 : i32
          %add3A_251 = vector.broadcast %add3A_250 : i32 to vector<16xi32>
          %add3A_252 = arith.addi %and3A_249, %add3A_251 : vector<16xi32>
          %mul3A_253 = arith.constant 1408 : i32
          %mul3A_254 = arith.muli %rem3A_21, %mul3A_253 : i32
          %add3A_255 = arith.constant 176 : i32
          %add3A_256 = arith.addi %mul3A_254, %add3A_255 : i32
          %swap3A_257 = arith.index_cast %add3A_256 : i32 to index
          %swap3A_258 = tpu.vector_load %arg13[%swap3A_257] {strides = array<i32>} : memref<5632xi32, #tpu.memory_space<vmem>>, vector<16xi32>,
          tpu.vector_store %arg13[%swap3A_257], %add3A_252 {strides = array<i32>} : memref<5632xi32, #tpu.memory_space<vmem>>, vector<16xi32>,
          %xor3A_259 = arith.xori %add3A_190, %mul3A_193 : vector<16xi32>
          %xor3A_260 = arith.xori %xor3A_259, %mul3A_199 : vector<16xi32>
          %and3A_261 = arith.constant 524287 : i32
          %and3A_262 = vector.broadcast %and3A_261 : i32 to vector<16xi32>
          %and3A_263 = arith.andi %xor3A_260, %and3A_262 : vector<16xi32>
          %add3A_264 = arith.constant 3145728 : i32
          %add3A_265 = vector.broadcast %add3A_264 : i32 to vector<16xi32>
          %add3A_266 = arith.addi %and3A_263, %add3A_265 : vector<16xi32>
          %mul3A_267 = arith.constant 1408 : i32
          %mul3A_268 = arith.muli %rem3A_21, %mul3A_267 : i32
          %add3A_269 = arith.constant 192 : i32
          %add3A_270 = arith.addi %mul3A_268, %add3A_269 : i32
          %swap3A_271 = arith.index_cast %add3A_270 : i32 to index
          %swap3A_272 = tpu.vector_load %arg13[%swap3A_271] {strides = array<i32>} : memref<5632xi32, #tpu.memory_space<vmem>>, vector<16xi32>,
          tpu.vector_store %arg13[%swap3A_271], %add3A_266 {strides = array<i32>} : memref<5632xi32, #tpu.memory_space<vmem>>, vector<16xi32>,
          %xor3A_273 = arith.xori %add3A_190, %mul3A_193 : vector<16xi32>
          %xor3A_274 = arith.xori %xor3A_273, %add3A_202 : vector<16xi32>
          %and3A_275 = arith.constant 524287 : i32
          %and3A_276 = vector.broadcast %and3A_275 : i32 to vector<16xi32>
          %and3A_277 = arith.andi %xor3A_274, %and3A_276 : vector<16xi32>
          %add3A_278 = arith.constant 3145728 : i32
          %add3A_279 = vector.broadcast %add3A_278 : i32 to vector<16xi32>
          %add3A_280 = arith.addi %and3A_277, %add3A_279 : vector<16xi32>
          %mul3A_281 = arith.constant 1408 : i32
          %mul3A_282 = arith.muli %rem3A_21, %mul3A_281 : i32
          %add3A_283 = arith.constant 208 : i32
          %add3A_284 = arith.addi %mul3A_282, %add3A_283 : i32
          %swap3A_285 = arith.index_cast %add3A_284 : i32 to index
          %swap3A_286 = tpu.vector_load %arg13[%swap3A_285] {strides = array<i32>} : memref<5632xi32, #tpu.memory_space<vmem>>, vector<16xi32>,
          tpu.vector_store %arg13[%swap3A_285], %add3A_280 {strides = array<i32>} : memref<5632xi32, #tpu.memory_space<vmem>>, vector<16xi32>,
          %xor3A_287 = arith.xori %add3A_190, %add3A_196 : vector<16xi32>
          %xor3A_288 = arith.xori %xor3A_287, %mul3A_199 : vector<16xi32>
          %and3A_289 = arith.constant 524287 : i32
          %and3A_290 = vector.broadcast %and3A_289 : i32 to vector<16xi32>
          %and3A_291 = arith.andi %xor3A_288, %and3A_290 : vector<16xi32>
          %add3A_292 = arith.constant 3145728 : i32
          %add3A_293 = vector.broadcast %add3A_292 : i32 to vector<16xi32>
          %add3A_294 = arith.addi %and3A_291, %add3A_293 : vector<16xi32>
          %mul3A_295 = arith.constant 1408 : i32
          %mul3A_296 = arith.muli %rem3A_21, %mul3A_295 : i32
          %add3A_297 = arith.constant 224 : i32
          %add3A_298 = arith.addi %mul3A_296, %add3A_297 : i32
          %swap3A_299 = arith.index_cast %add3A_298 : i32 to index
          %swap3A_300 = tpu.vector_load %arg13[%swap3A_299] {strides = array<i32>} : memref<5632xi32, #tpu.memory_space<vmem>>, vector<16xi32>,
          tpu.vector_store %arg13[%swap3A_299], %add3A_294 {strides = array<i32>} : memref<5632xi32, #tpu.memory_space<vmem>>, vector<16xi32>,
          %xor3A_301 = arith.xori %add3A_190, %add3A_196 : vector<16xi32>
          %xor3A_302 = arith.xori %xor3A_301, %add3A_202 : vector<16xi32>
          %and3A_303 = arith.constant 524287 : i32
          %and3A_304 = vector.broadcast %and3A_303 : i32 to vector<16xi32>
          %and3A_305 = arith.andi %xor3A_302, %and3A_304 : vector<16xi32>
          %add3A_306 = arith.constant 3145728 : i32
          %add3A_307 = vector.broadcast %add3A_306 : i32 to vector<16xi32>
          %add3A_308 = arith.addi %and3A_305, %add3A_307 : vector<16xi32>
          %mul3A_309 = arith.constant 1408 : i32
          %mul3A_310 = arith.muli %rem3A_21, %mul3A_309 : i32
          %add3A_311 = arith.constant 240 : i32
          %add3A_312 = arith.addi %mul3A_310, %add3A_311 : i32
          %swap3A_313 = arith.index_cast %add3A_312 : i32 to index
          %swap3A_314 = tpu.vector_load %arg13[%swap3A_313] {strides = array<i32>} : memref<5632xi32, #tpu.memory_space<vmem>>, vector<16xi32>,
          tpu.vector_store %arg13[%swap3A_313], %add3A_308 {strides = array<i32>} : memref<5632xi32, #tpu.memory_space<vmem>>, vector<16xi32>,
          %mul3A_315 = arith.constant 2.560000e+02 : f32
          %mul3A_316 = vector.broadcast %mul3A_315 : f32 to vector<16xf32>
          %mul3A_317 = arith.mulf %mul3A_33, %mul3A_316 : vector<16xf32>
          %mul3A_318 = arith.constant 2.560000e+02 : f32
          %mul3A_319 = vector.broadcast %mul3A_318 : f32 to vector<16xf32>
          %mul3A_320 = arith.mulf %mul3A_36, %mul3A_319 : vector<16xf32>
          %mul3A_321 = arith.constant 2.560000e+02 : f32
          %mul3A_322 = vector.broadcast %mul3A_321 : f32 to vector<16xf32>
          %mul3A_323 = arith.mulf %mul3A_39, %mul3A_322 : vector<16xf32>
          %convert_element_type3A_324 = arith.fptosi %mul3A_317 : vector<16xf32> to vector<16xi32>
          %convert_element_type3A_325 = arith.fptosi %mul3A_320 : vector<16xf32> to vector<16xi32>
          %convert_element_type3A_326 = arith.fptosi %mul3A_323 : vector<16xf32> to vector<16xi32>
          %add3A_327 = arith.constant 1 : i32
          %add3A_328 = vector.broadcast %add3A_327 : i32 to vector<16xi32>
          %add3A_329 = arith.addi %convert_element_type3A_324, %add3A_328 : vector<16xi32>
          %mul3A_330 = arith.constant -1640531535 : i32
          %mul3A_331 = vector.broadcast %mul3A_330 : i32 to vector<16xi32>
          %mul3A_332 = arith.muli %convert_element_type3A_325, %mul3A_331 : vector<16xi32>
          %add3A_333 = arith.constant -1640531535 : i32
          %add3A_334 = vector.broadcast %add3A_333 : i32 to vector<16xi32>
          %add3A_335 = arith.addi %mul3A_332, %add3A_334 : vector<16xi32>
          %mul3A_336 = arith.constant 805459861 : i32
          %mul3A_337 = vector.broadcast %mul3A_336 : i32 to vector<16xi32>
          %mul3A_338 = arith.muli %convert_element_type3A_326, %mul3A_337 : vector<16xi32>
          %add3A_339 = arith.constant 805459861 : i32
          %add3A_340 = vector.broadcast %add3A_339 : i32 to vector<16xi32>
          %add3A_341 = arith.addi %mul3A_338, %add3A_340 : vector<16xi32>
          %xor3A_342 = arith.xori %convert_element_type3A_324, %mul3A_332 : vector<16xi32>
          %xor3A_343 = arith.xori %xor3A_342, %mul3A_338 : vector<16xi32>
          %and3A_344 = arith.constant 524287 : i32
          %and3A_345 = vector.broadcast %and3A_344 : i32 to vector<16xi32>
          %and3A_346 = arith.andi %xor3A_343, %and3A_345 : vector<16xi32>
          %add3A_347 = arith.constant 3670016 : i32
          %add3A_348 = vector.broadcast %add3A_347 : i32 to vector<16xi32>
          %add3A_349 = arith.addi %and3A_346, %add3A_348 : vector<16xi32>
          %mul3A_350 = arith.constant 1408 : i32
          %mul3A_351 = arith.muli %rem3A_21, %mul3A_350 : i32
          %add3A_352 = arith.constant 256 : i32
          %add3A_353 = arith.addi %mul3A_351, %add3A_352 : i32
          %swap3A_354 = arith.index_cast %add3A_353 : i32 to index
          %swap3A_355 = tpu.vector_load %arg13[%swap3A_354] {strides = array<i32>} : memref<5632xi32, #tpu.memory_space<vmem>>, vector<16xi32>,
          tpu.vector_store %arg13[%swap3A_354], %add3A_349 {strides = array<i32>} : memref<5632xi32, #tpu.memory_space<vmem>>, vector<16xi32>,
          %xor3A_356 = arith.xori %convert_element_type3A_324, %mul3A_332 : vector<16xi32>
          %xor3A_357 = arith.xori %xor3A_356, %add3A_341 : vector<16xi32>
          %and3A_358 = arith.constant 524287 : i32
          %and3A_359 = vector.broadcast %and3A_358 : i32 to vector<16xi32>
          %and3A_360 = arith.andi %xor3A_357, %and3A_359 : vector<16xi32>
          %add3A_361 = arith.constant 3670016 : i32
          %add3A_362 = vector.broadcast %add3A_361 : i32 to vector<16xi32>
          %add3A_363 = arith.addi %and3A_360, %add3A_362 : vector<16xi32>
          %mul3A_364 = arith.constant 1408 : i32
          %mul3A_365 = arith.muli %rem3A_21, %mul3A_364 : i32
          %add3A_366 = arith.constant 272 : i32
          %add3A_367 = arith.addi %mul3A_365, %add3A_366 : i32
          %swap3A_368 = arith.index_cast %add3A_367 : i32 to index
          %swap3A_369 = tpu.vector_load %arg13[%swap3A_368] {strides = array<i32>} : memref<5632xi32, #tpu.memory_space<vmem>>, vector<16xi32>,
          tpu.vector_store %arg13[%swap3A_368], %add3A_363 {strides = array<i32>} : memref<5632xi32, #tpu.memory_space<vmem>>, vector<16xi32>,
          %xor3A_370 = arith.xori %convert_element_type3A_324, %add3A_335 : vector<16xi32>
          %xor3A_371 = arith.xori %xor3A_370, %mul3A_338 : vector<16xi32>
          %and3A_372 = arith.constant 524287 : i32
          %and3A_373 = vector.broadcast %and3A_372 : i32 to vector<16xi32>
          %and3A_374 = arith.andi %xor3A_371, %and3A_373 : vector<16xi32>
          %add3A_375 = arith.constant 3670016 : i32
          %add3A_376 = vector.broadcast %add3A_375 : i32 to vector<16xi32>
          %add3A_377 = arith.addi %and3A_374, %add3A_376 : vector<16xi32>
          %mul3A_378 = arith.constant 1408 : i32
          %mul3A_379 = arith.muli %rem3A_21, %mul3A_378 : i32
          %add3A_380 = arith.constant 288 : i32
          %add3A_381 = arith.addi %mul3A_379, %add3A_380 : i32
          %swap3A_382 = arith.index_cast %add3A_381 : i32 to index
          %swap3A_383 = tpu.vector_load %arg13[%swap3A_382] {strides = array<i32>} : memref<5632xi32, #tpu.memory_space<vmem>>, vector<16xi32>,
          tpu.vector_store %arg13[%swap3A_382], %add3A_377 {strides = array<i32>} : memref<5632xi32, #tpu.memory_space<vmem>>, vector<16xi32>,
          %xor3A_384 = arith.xori %convert_element_type3A_324, %add3A_335 : vector<16xi32>
          %xor3A_385 = arith.xori %xor3A_384, %add3A_341 : vector<16xi32>
          %and3A_386 = arith.constant 524287 : i32
          %and3A_387 = vector.broadcast %and3A_386 : i32 to vector<16xi32>
          %and3A_388 = arith.andi %xor3A_385, %and3A_387 : vector<16xi32>
          %add3A_389 = arith.constant 3670016 : i32
          %add3A_390 = vector.broadcast %add3A_389 : i32 to vector<16xi32>
          %add3A_391 = arith.addi %and3A_388, %add3A_390 : vector<16xi32>
          %mul3A_392 = arith.constant 1408 : i32
          %mul3A_393 = arith.muli %rem3A_21, %mul3A_392 : i32
          %add3A_394 = arith.constant 304 : i32
          %add3A_395 = arith.addi %mul3A_393, %add3A_394 : i32
          %swap3A_396 = arith.index_cast %add3A_395 : i32 to index
          %swap3A_397 = tpu.vector_load %arg13[%swap3A_396] {strides = array<i32>} : memref<5632xi32, #tpu.memory_space<vmem>>, vector<16xi32>,
          tpu.vector_store %arg13[%swap3A_396], %add3A_391 {strides = array<i32>} : memref<5632xi32, #tpu.memory_space<vmem>>, vector<16xi32>,
          %xor3A_398 = arith.xori %add3A_329, %mul3A_332 : vector<16xi32>
          %xor3A_399 = arith.xori %xor3A_398, %mul3A_338 : vector<16xi32>
          %and3A_400 = arith.constant 524287 : i32
          %and3A_401 = vector.broadcast %and3A_400 : i32 to vector<16xi32>
          %and3A_402 = arith.andi %xor3A_399, %and3A_401 : vector<16xi32>
          %add3A_403 = arith.constant 3670016 : i32
          %add3A_404 = vector.broadcast %add3A_403 : i32 to vector<16xi32>
          %add3A_405 = arith.addi %and3A_402, %add3A_404 : vector<16xi32>
          %mul3A_406 = arith.constant 1408 : i32
          %mul3A_407 = arith.muli %rem3A_21, %mul3A_406 : i32
          %add3A_408 = arith.constant 320 : i32
          %add3A_409 = arith.addi %mul3A_407, %add3A_408 : i32
          %swap3A_410 = arith.index_cast %add3A_409 : i32 to index
          %swap3A_411 = tpu.vector_load %arg13[%swap3A_410] {strides = array<i32>} : memref<5632xi32, #tpu.memory_space<vmem>>, vector<16xi32>,
          tpu.vector_store %arg13[%swap3A_410], %add3A_405 {strides = array<i32>} : memref<5632xi32, #tpu.memory_space<vmem>>, vector<16xi32>,
          %xor3A_412 = arith.xori %add3A_329, %mul3A_332 : vector<16xi32>
          %xor3A_413 = arith.xori %xor3A_412, %add3A_341 : vector<16xi32>
          %and3A_414 = arith.constant 524287 : i32
          %and3A_415 = vector.broadcast %and3A_414 : i32 to vector<16xi32>
          %and3A_416 = arith.andi %xor3A_413, %and3A_415 : vector<16xi32>
          %add3A_417 = arith.constant 3670016 : i32
          %add3A_418 = vector.broadcast %add3A_417 : i32 to vector<16xi32>
          %add3A_419 = arith.addi %and3A_416, %add3A_418 : vector<16xi32>
          %mul3A_420 = arith.constant 1408 : i32
          %mul3A_421 = arith.muli %rem3A_21, %mul3A_420 : i32
          %add3A_422 = arith.constant 336 : i32
          %add3A_423 = arith.addi %mul3A_421, %add3A_422 : i32
          %swap3A_424 = arith.index_cast %add3A_423 : i32 to index
          %swap3A_425 = tpu.vector_load %arg13[%swap3A_424] {strides = array<i32>} : memref<5632xi32, #tpu.memory_space<vmem>>, vector<16xi32>,
          tpu.vector_store %arg13[%swap3A_424], %add3A_419 {strides = array<i32>} : memref<5632xi32, #tpu.memory_space<vmem>>, vector<16xi32>,
          %xor3A_426 = arith.xori %add3A_329, %add3A_335 : vector<16xi32>
          %xor3A_427 = arith.xori %xor3A_426, %mul3A_338 : vector<16xi32>
          %and3A_428 = arith.constant 524287 : i32
          %and3A_429 = vector.broadcast %and3A_428 : i32 to vector<16xi32>
          %and3A_430 = arith.andi %xor3A_427, %and3A_429 : vector<16xi32>
          %add3A_431 = arith.constant 3670016 : i32
          %add3A_432 = vector.broadcast %add3A_431 : i32 to vector<16xi32>
          %add3A_433 = arith.addi %and3A_430, %add3A_432 : vector<16xi32>
          %mul3A_434 = arith.constant 1408 : i32
          %mul3A_435 = arith.muli %rem3A_21, %mul3A_434 : i32
          %add3A_436 = arith.constant 352 : i32
          %add3A_437 = arith.addi %mul3A_435, %add3A_436 : i32
          %swap3A_438 = arith.index_cast %add3A_437 : i32 to index
          %swap3A_439 = tpu.vector_load %arg13[%swap3A_438] {strides = array<i32>} : memref<5632xi32, #tpu.memory_space<vmem>>, vector<16xi32>,
          tpu.vector_store %arg13[%swap3A_438], %add3A_433 {strides = array<i32>} : memref<5632xi32, #tpu.memory_space<vmem>>, vector<16xi32>,
          %xor3A_440 = arith.xori %add3A_329, %add3A_335 : vector<16xi32>
          %xor3A_441 = arith.xori %xor3A_440, %add3A_341 : vector<16xi32>
          %and3A_442 = arith.constant 524287 : i32
          %and3A_443 = vector.broadcast %and3A_442 : i32 to vector<16xi32>
          %and3A_444 = arith.andi %xor3A_441, %and3A_443 : vector<16xi32>
          %add3A_445 = arith.constant 3670016 : i32
          %add3A_446 = vector.broadcast %add3A_445 : i32 to vector<16xi32>
          %add3A_447 = arith.addi %and3A_444, %add3A_446 : vector<16xi32>
          %mul3A_448 = arith.constant 1408 : i32
          %mul3A_449 = arith.muli %rem3A_21, %mul3A_448 : i32
          %add3A_450 = arith.constant 368 : i32
          %add3A_451 = arith.addi %mul3A_449, %add3A_450 : i32
          %swap3A_452 = arith.index_cast %add3A_451 : i32 to index
          %swap3A_453 = tpu.vector_load %arg13[%swap3A_452] {strides = array<i32>} : memref<5632xi32, #tpu.memory_space<vmem>>, vector<16xi32>,
          tpu.vector_store %arg13[%swap3A_452], %add3A_447 {strides = array<i32>} : memref<5632xi32, #tpu.memory_space<vmem>>, vector<16xi32>,
          %mul3A_454 = arith.constant 5.120000e+02 : f32
          %mul3A_455 = vector.broadcast %mul3A_454 : f32 to vector<16xf32>
          %mul3A_456 = arith.mulf %mul3A_33, %mul3A_455 : vector<16xf32>
          %mul3A_457 = arith.constant 5.120000e+02 : f32
          %mul3A_458 = vector.broadcast %mul3A_457 : f32 to vector<16xf32>
          %mul3A_459 = arith.mulf %mul3A_36, %mul3A_458 : vector<16xf32>
          %mul3A_460 = arith.constant 5.120000e+02 : f32
          %mul3A_461 = vector.broadcast %mul3A_460 : f32 to vector<16xf32>
          %mul3A_462 = arith.mulf %mul3A_39, %mul3A_461 : vector<16xf32>
          %convert_element_type3A_463 = arith.fptosi %mul3A_456 : vector<16xf32> to vector<16xi32>
          %convert_element_type3A_464 = arith.fptosi %mul3A_459 : vector<16xf32> to vector<16xi32>
          %convert_element_type3A_465 = arith.fptosi %mul3A_462 : vector<16xf32> to vector<16xi32>
          %add3A_466 = arith.constant 1 : i32
          %add3A_467 = vector.broadcast %add3A_466 : i32 to vector<16xi32>
          %add3A_468 = arith.addi %convert_element_type3A_463, %add3A_467 : vector<16xi32>
          %mul3A_469 = arith.constant -1640531535 : i32
          %mul3A_470 = vector.broadcast %mul3A_469 : i32 to vector<16xi32>
          %mul3A_471 = arith.muli %convert_element_type3A_464, %mul3A_470 : vector<16xi32>
          %add3A_472 = arith.constant -1640531535 : i32
          %add3A_473 = vector.broadcast %add3A_472 : i32 to vector<16xi32>
          %add3A_474 = arith.addi %mul3A_471, %add3A_473 : vector<16xi32>
          %mul3A_475 = arith.constant 805459861 : i32
          %mul3A_476 = vector.broadcast %mul3A_475 : i32 to vector<16xi32>
          %mul3A_477 = arith.muli %convert_element_type3A_465, %mul3A_476 : vector<16xi32>
          %add3A_478 = arith.constant 805459861 : i32
          %add3A_479 = vector.broadcast %add3A_478 : i32 to vector<16xi32>
          %add3A_480 = arith.addi %mul3A_477, %add3A_479 : vector<16xi32>
          %xor3A_481 = arith.xori %convert_element_type3A_463, %mul3A_471 : vector<16xi32>
          %xor3A_482 = arith.xori %xor3A_481, %mul3A_477 : vector<16xi32>
          %and3A_483 = arith.constant 524287 : i32
          %and3A_484 = vector.broadcast %and3A_483 : i32 to vector<16xi32>
          %and3A_485 = arith.andi %xor3A_482, %and3A_484 : vector<16xi32>
          %add3A_486 = arith.constant 4194304 : i32
          %add3A_487 = vector.broadcast %add3A_486 : i32 to vector<16xi32>
          %add3A_488 = arith.addi %and3A_485, %add3A_487 : vector<16xi32>
          %mul3A_489 = arith.constant 1408 : i32
          %mul3A_490 = arith.muli %rem3A_21, %mul3A_489 : i32
          %add3A_491 = arith.constant 384 : i32
          %add3A_492 = arith.addi %mul3A_490, %add3A_491 : i32
          %swap3A_493 = arith.index_cast %add3A_492 : i32 to index
          %swap3A_494 = tpu.vector_load %arg13[%swap3A_493] {strides = array<i32>} : memref<5632xi32, #tpu.memory_space<vmem>>, vector<16xi32>,
          tpu.vector_store %arg13[%swap3A_493], %add3A_488 {strides = array<i32>} : memref<5632xi32, #tpu.memory_space<vmem>>, vector<16xi32>,
          %xor3A_495 = arith.xori %convert_element_type3A_463, %mul3A_471 : vector<16xi32>
          %xor3A_496 = arith.xori %xor3A_495, %add3A_480 : vector<16xi32>
          %and3A_497 = arith.constant 524287 : i32
          %and3A_498 = vector.broadcast %and3A_497 : i32 to vector<16xi32>
          %and3A_499 = arith.andi %xor3A_496, %and3A_498 : vector<16xi32>
          %add3A_500 = arith.constant 4194304 : i32
          %add3A_501 = vector.broadcast %add3A_500 : i32 to vector<16xi32>
          %add3A_502 = arith.addi %and3A_499, %add3A_501 : vector<16xi32>
          %mul3A_503 = arith.constant 1408 : i32
          %mul3A_504 = arith.muli %rem3A_21, %mul3A_503 : i32
          %add3A_505 = arith.constant 400 : i32
          %add3A_506 = arith.addi %mul3A_504, %add3A_505 : i32
          %swap3A_507 = arith.index_cast %add3A_506 : i32 to index
          %swap3A_508 = tpu.vector_load %arg13[%swap3A_507] {strides = array<i32>} : memref<5632xi32, #tpu.memory_space<vmem>>, vector<16xi32>,
          tpu.vector_store %arg13[%swap3A_507], %add3A_502 {strides = array<i32>} : memref<5632xi32, #tpu.memory_space<vmem>>, vector<16xi32>,
          %xor3A_509 = arith.xori %convert_element_type3A_463, %add3A_474 : vector<16xi32>
          %xor3A_510 = arith.xori %xor3A_509, %mul3A_477 : vector<16xi32>
          %and3A_511 = arith.constant 524287 : i32
          %and3A_512 = vector.broadcast %and3A_511 : i32 to vector<16xi32>
          %and3A_513 = arith.andi %xor3A_510, %and3A_512 : vector<16xi32>
          %add3A_514 = arith.constant 4194304 : i32
          %add3A_515 = vector.broadcast %add3A_514 : i32 to vector<16xi32>
          %add3A_516 = arith.addi %and3A_513, %add3A_515 : vector<16xi32>
          %mul3A_517 = arith.constant 1408 : i32
          %mul3A_518 = arith.muli %rem3A_21, %mul3A_517 : i32
          %add3A_519 = arith.constant 416 : i32
          %add3A_520 = arith.addi %mul3A_518, %add3A_519 : i32
          %swap3A_521 = arith.index_cast %add3A_520 : i32 to index
          %swap3A_522 = tpu.vector_load %arg13[%swap3A_521] {strides = array<i32>} : memref<5632xi32, #tpu.memory_space<vmem>>, vector<16xi32>,
          tpu.vector_store %arg13[%swap3A_521], %add3A_516 {strides = array<i32>} : memref<5632xi32, #tpu.memory_space<vmem>>, vector<16xi32>,
          %xor3A_523 = arith.xori %convert_element_type3A_463, %add3A_474 : vector<16xi32>
          %xor3A_524 = arith.xori %xor3A_523, %add3A_480 : vector<16xi32>
          %and3A_525 = arith.constant 524287 : i32
          %and3A_526 = vector.broadcast %and3A_525 : i32 to vector<16xi32>
          %and3A_527 = arith.andi %xor3A_524, %and3A_526 : vector<16xi32>
          %add3A_528 = arith.constant 4194304 : i32
          %add3A_529 = vector.broadcast %add3A_528 : i32 to vector<16xi32>
          %add3A_530 = arith.addi %and3A_527, %add3A_529 : vector<16xi32>
          %mul3A_531 = arith.constant 1408 : i32
          %mul3A_532 = arith.muli %rem3A_21, %mul3A_531 : i32
          %add3A_533 = arith.constant 432 : i32
          %add3A_534 = arith.addi %mul3A_532, %add3A_533 : i32
          %swap3A_535 = arith.index_cast %add3A_534 : i32 to index
          %swap3A_536 = tpu.vector_load %arg13[%swap3A_535] {strides = array<i32>} : memref<5632xi32, #tpu.memory_space<vmem>>, vector<16xi32>,
          tpu.vector_store %arg13[%swap3A_535], %add3A_530 {strides = array<i32>} : memref<5632xi32, #tpu.memory_space<vmem>>, vector<16xi32>,
          %xor3A_537 = arith.xori %add3A_468, %mul3A_471 : vector<16xi32>
          %xor3A_538 = arith.xori %xor3A_537, %mul3A_477 : vector<16xi32>
          %and3A_539 = arith.constant 524287 : i32
          %and3A_540 = vector.broadcast %and3A_539 : i32 to vector<16xi32>
          %and3A_541 = arith.andi %xor3A_538, %and3A_540 : vector<16xi32>
          %add3A_542 = arith.constant 4194304 : i32
          %add3A_543 = vector.broadcast %add3A_542 : i32 to vector<16xi32>
          %add3A_544 = arith.addi %and3A_541, %add3A_543 : vector<16xi32>
          %mul3A_545 = arith.constant 1408 : i32
          %mul3A_546 = arith.muli %rem3A_21, %mul3A_545 : i32
          %add3A_547 = arith.constant 448 : i32
          %add3A_548 = arith.addi %mul3A_546, %add3A_547 : i32
          %swap3A_549 = arith.index_cast %add3A_548 : i32 to index
          %swap3A_550 = tpu.vector_load %arg13[%swap3A_549] {strides = array<i32>} : memref<5632xi32, #tpu.memory_space<vmem>>, vector<16xi32>,
          tpu.vector_store %arg13[%swap3A_549], %add3A_544 {strides = array<i32>} : memref<5632xi32, #tpu.memory_space<vmem>>, vector<16xi32>,
          %xor3A_551 = arith.xori %add3A_468, %mul3A_471 : vector<16xi32>
          %xor3A_552 = arith.xori %xor3A_551, %add3A_480 : vector<16xi32>
          %and3A_553 = arith.constant 524287 : i32
          %and3A_554 = vector.broadcast %and3A_553 : i32 to vector<16xi32>
          %and3A_555 = arith.andi %xor3A_552, %and3A_554 : vector<16xi32>
          %add3A_556 = arith.constant 4194304 : i32
          %add3A_557 = vector.broadcast %add3A_556 : i32 to vector<16xi32>
          %add3A_558 = arith.addi %and3A_555, %add3A_557 : vector<16xi32>
          %mul3A_559 = arith.constant 1408 : i32
          %mul3A_560 = arith.muli %rem3A_21, %mul3A_559 : i32
          %add3A_561 = arith.constant 464 : i32
          %add3A_562 = arith.addi %mul3A_560, %add3A_561 : i32
          %swap3A_563 = arith.index_cast %add3A_562 : i32 to index
          %swap3A_564 = tpu.vector_load %arg13[%swap3A_563] {strides = array<i32>} : memref<5632xi32, #tpu.memory_space<vmem>>, vector<16xi32>,
          tpu.vector_store %arg13[%swap3A_563], %add3A_558 {strides = array<i32>} : memref<5632xi32, #tpu.memory_space<vmem>>, vector<16xi32>,
          %xor3A_565 = arith.xori %add3A_468, %add3A_474 : vector<16xi32>
          %xor3A_566 = arith.xori %xor3A_565, %mul3A_477 : vector<16xi32>
          %and3A_567 = arith.constant 524287 : i32
          %and3A_568 = vector.broadcast %and3A_567 : i32 to vector<16xi32>
          %and3A_569 = arith.andi %xor3A_566, %and3A_568 : vector<16xi32>
          %add3A_570 = arith.constant 4194304 : i32
          %add3A_571 = vector.broadcast %add3A_570 : i32 to vector<16xi32>
          %add3A_572 = arith.addi %and3A_569, %add3A_571 : vector<16xi32>
          %mul3A_573 = arith.constant 1408 : i32
          %mul3A_574 = arith.muli %rem3A_21, %mul3A_573 : i32
          %add3A_575 = arith.constant 480 : i32
          %add3A_576 = arith.addi %mul3A_574, %add3A_575 : i32
          %swap3A_577 = arith.index_cast %add3A_576 : i32 to index
          %swap3A_578 = tpu.vector_load %arg13[%swap3A_577] {strides = array<i32>} : memref<5632xi32, #tpu.memory_space<vmem>>, vector<16xi32>,
          tpu.vector_store %arg13[%swap3A_577], %add3A_572 {strides = array<i32>} : memref<5632xi32, #tpu.memory_space<vmem>>, vector<16xi32>,
          %xor3A_579 = arith.xori %add3A_468, %add3A_474 : vector<16xi32>
          %xor3A_580 = arith.xori %xor3A_579, %add3A_480 : vector<16xi32>
          %and3A_581 = arith.constant 524287 : i32
          %and3A_582 = vector.broadcast %and3A_581 : i32 to vector<16xi32>
          %and3A_583 = arith.andi %xor3A_580, %and3A_582 : vector<16xi32>
          %add3A_584 = arith.constant 4194304 : i32
          %add3A_585 = vector.broadcast %add3A_584 : i32 to vector<16xi32>
          %add3A_586 = arith.addi %and3A_583, %add3A_585 : vector<16xi32>
          %mul3A_587 = arith.constant 1408 : i32
          %mul3A_588 = arith.muli %rem3A_21, %mul3A_587 : i32
          %add3A_589 = arith.constant 496 : i32
          %add3A_590 = arith.addi %mul3A_588, %add3A_589 : i32
          %swap3A_591 = arith.index_cast %add3A_590 : i32 to index
          %swap3A_592 = tpu.vector_load %arg13[%swap3A_591] {strides = array<i32>} : memref<5632xi32, #tpu.memory_space<vmem>>, vector<16xi32>,
          tpu.vector_store %arg13[%swap3A_591], %add3A_586 {strides = array<i32>} : memref<5632xi32, #tpu.memory_space<vmem>>, vector<16xi32>,
          %mul3A_593 = arith.constant 1.024000e+03 : f32
          %mul3A_594 = vector.broadcast %mul3A_593 : f32 to vector<16xf32>
          %mul3A_595 = arith.mulf %mul3A_33, %mul3A_594 : vector<16xf32>
          %mul3A_596 = arith.constant 1.024000e+03 : f32
          %mul3A_597 = vector.broadcast %mul3A_596 : f32 to vector<16xf32>
          %mul3A_598 = arith.mulf %mul3A_36, %mul3A_597 : vector<16xf32>
          %mul3A_599 = arith.constant 1.024000e+03 : f32
          %mul3A_600 = vector.broadcast %mul3A_599 : f32 to vector<16xf32>
          %mul3A_601 = arith.mulf %mul3A_39, %mul3A_600 : vector<16xf32>
          %convert_element_type3A_602 = arith.fptosi %mul3A_595 : vector<16xf32> to vector<16xi32>
          %convert_element_type3A_603 = arith.fptosi %mul3A_598 : vector<16xf32> to vector<16xi32>
          %convert_element_type3A_604 = arith.fptosi %mul3A_601 : vector<16xf32> to vector<16xi32>
          %add3A_605 = arith.constant 1 : i32
          %add3A_606 = vector.broadcast %add3A_605 : i32 to vector<16xi32>
          %add3A_607 = arith.addi %convert_element_type3A_602, %add3A_606 : vector<16xi32>
          %mul3A_608 = arith.constant -1640531535 : i32
          %mul3A_609 = vector.broadcast %mul3A_608 : i32 to vector<16xi32>
          %mul3A_610 = arith.muli %convert_element_type3A_603, %mul3A_609 : vector<16xi32>
          %add3A_611 = arith.constant -1640531535 : i32
          %add3A_612 = vector.broadcast %add3A_611 : i32 to vector<16xi32>
          %add3A_613 = arith.addi %mul3A_610, %add3A_612 : vector<16xi32>
          %mul3A_614 = arith.constant 805459861 : i32
          %mul3A_615 = vector.broadcast %mul3A_614 : i32 to vector<16xi32>
          %mul3A_616 = arith.muli %convert_element_type3A_604, %mul3A_615 : vector<16xi32>
          %add3A_617 = arith.constant 805459861 : i32
          %add3A_618 = vector.broadcast %add3A_617 : i32 to vector<16xi32>
          %add3A_619 = arith.addi %mul3A_616, %add3A_618 : vector<16xi32>
          %xor3A_620 = arith.xori %convert_element_type3A_602, %mul3A_610 : vector<16xi32>
          %xor3A_621 = arith.xori %xor3A_620, %mul3A_616 : vector<16xi32>
          %and3A_622 = arith.constant 524287 : i32
          %and3A_623 = vector.broadcast %and3A_622 : i32 to vector<16xi32>
          %and3A_624 = arith.andi %xor3A_621, %and3A_623 : vector<16xi32>
          %add3A_625 = arith.constant 4718592 : i32
          %add3A_626 = vector.broadcast %add3A_625 : i32 to vector<16xi32>
          %add3A_627 = arith.addi %and3A_624, %add3A_626 : vector<16xi32>
          %mul3A_628 = arith.constant 1408 : i32
          %mul3A_629 = arith.muli %rem3A_21, %mul3A_628 : i32
          %add3A_630 = arith.constant 512 : i32
          %add3A_631 = arith.addi %mul3A_629, %add3A_630 : i32
          %swap3A_632 = arith.index_cast %add3A_631 : i32 to index
          %swap3A_633 = tpu.vector_load %arg13[%swap3A_632] {strides = array<i32>} : memref<5632xi32, #tpu.memory_space<vmem>>, vector<16xi32>,
          tpu.vector_store %arg13[%swap3A_632], %add3A_627 {strides = array<i32>} : memref<5632xi32, #tpu.memory_space<vmem>>, vector<16xi32>,
          %xor3A_634 = arith.xori %convert_element_type3A_602, %mul3A_610 : vector<16xi32>
          %xor3A_635 = arith.xori %xor3A_634, %add3A_619 : vector<16xi32>
          %and3A_636 = arith.constant 524287 : i32
          %and3A_637 = vector.broadcast %and3A_636 : i32 to vector<16xi32>
          %and3A_638 = arith.andi %xor3A_635, %and3A_637 : vector<16xi32>
          %add3A_639 = arith.constant 4718592 : i32
          %add3A_640 = vector.broadcast %add3A_639 : i32 to vector<16xi32>
          %add3A_641 = arith.addi %and3A_638, %add3A_640 : vector<16xi32>
          %mul3A_642 = arith.constant 1408 : i32
          %mul3A_643 = arith.muli %rem3A_21, %mul3A_642 : i32
          %add3A_644 = arith.constant 528 : i32
          %add3A_645 = arith.addi %mul3A_643, %add3A_644 : i32
          %swap3A_646 = arith.index_cast %add3A_645 : i32 to index
          %swap3A_647 = tpu.vector_load %arg13[%swap3A_646] {strides = array<i32>} : memref<5632xi32, #tpu.memory_space<vmem>>, vector<16xi32>,
          tpu.vector_store %arg13[%swap3A_646], %add3A_641 {strides = array<i32>} : memref<5632xi32, #tpu.memory_space<vmem>>, vector<16xi32>,
          %xor3A_648 = arith.xori %convert_element_type3A_602, %add3A_613 : vector<16xi32>
          %xor3A_649 = arith.xori %xor3A_648, %mul3A_616 : vector<16xi32>
          %and3A_650 = arith.constant 524287 : i32
          %and3A_651 = vector.broadcast %and3A_650 : i32 to vector<16xi32>
          %and3A_652 = arith.andi %xor3A_649, %and3A_651 : vector<16xi32>
          %add3A_653 = arith.constant 4718592 : i32
          %add3A_654 = vector.broadcast %add3A_653 : i32 to vector<16xi32>
          %add3A_655 = arith.addi %and3A_652, %add3A_654 : vector<16xi32>
          %mul3A_656 = arith.constant 1408 : i32
          %mul3A_657 = arith.muli %rem3A_21, %mul3A_656 : i32
          %add3A_658 = arith.constant 544 : i32
          %add3A_659 = arith.addi %mul3A_657, %add3A_658 : i32
          %swap3A_660 = arith.index_cast %add3A_659 : i32 to index
          %swap3A_661 = tpu.vector_load %arg13[%swap3A_660] {strides = array<i32>} : memref<5632xi32, #tpu.memory_space<vmem>>, vector<16xi32>,
          tpu.vector_store %arg13[%swap3A_660], %add3A_655 {strides = array<i32>} : memref<5632xi32, #tpu.memory_space<vmem>>, vector<16xi32>,
          %xor3A_662 = arith.xori %convert_element_type3A_602, %add3A_613 : vector<16xi32>
          %xor3A_663 = arith.xori %xor3A_662, %add3A_619 : vector<16xi32>
          %and3A_664 = arith.constant 524287 : i32
          %and3A_665 = vector.broadcast %and3A_664 : i32 to vector<16xi32>
          %and3A_666 = arith.andi %xor3A_663, %and3A_665 : vector<16xi32>
          %add3A_667 = arith.constant 4718592 : i32
          %add3A_668 = vector.broadcast %add3A_667 : i32 to vector<16xi32>
          %add3A_669 = arith.addi %and3A_666, %add3A_668 : vector<16xi32>
          %mul3A_670 = arith.constant 1408 : i32
          %mul3A_671 = arith.muli %rem3A_21, %mul3A_670 : i32
          %add3A_672 = arith.constant 560 : i32
          %add3A_673 = arith.addi %mul3A_671, %add3A_672 : i32
          %swap3A_674 = arith.index_cast %add3A_673 : i32 to index
          %swap3A_675 = tpu.vector_load %arg13[%swap3A_674] {strides = array<i32>} : memref<5632xi32, #tpu.memory_space<vmem>>, vector<16xi32>,
          tpu.vector_store %arg13[%swap3A_674], %add3A_669 {strides = array<i32>} : memref<5632xi32, #tpu.memory_space<vmem>>, vector<16xi32>,
          %xor3A_676 = arith.xori %add3A_607, %mul3A_610 : vector<16xi32>
          %xor3A_677 = arith.xori %xor3A_676, %mul3A_616 : vector<16xi32>
          %and3A_678 = arith.constant 524287 : i32
          %and3A_679 = vector.broadcast %and3A_678 : i32 to vector<16xi32>
          %and3A_680 = arith.andi %xor3A_677, %and3A_679 : vector<16xi32>
          %add3A_681 = arith.constant 4718592 : i32
          %add3A_682 = vector.broadcast %add3A_681 : i32 to vector<16xi32>
          %add3A_683 = arith.addi %and3A_680, %add3A_682 : vector<16xi32>
          %mul3A_684 = arith.constant 1408 : i32
          %mul3A_685 = arith.muli %rem3A_21, %mul3A_684 : i32
          %add3A_686 = arith.constant 576 : i32
          %add3A_687 = arith.addi %mul3A_685, %add3A_686 : i32
          %swap3A_688 = arith.index_cast %add3A_687 : i32 to index
          %swap3A_689 = tpu.vector_load %arg13[%swap3A_688] {strides = array<i32>} : memref<5632xi32, #tpu.memory_space<vmem>>, vector<16xi32>,
          tpu.vector_store %arg13[%swap3A_688], %add3A_683 {strides = array<i32>} : memref<5632xi32, #tpu.memory_space<vmem>>, vector<16xi32>,
          %xor3A_690 = arith.xori %add3A_607, %mul3A_610 : vector<16xi32>
          %xor3A_691 = arith.xori %xor3A_690, %add3A_619 : vector<16xi32>
          %and3A_692 = arith.constant 524287 : i32
          %and3A_693 = vector.broadcast %and3A_692 : i32 to vector<16xi32>
          %and3A_694 = arith.andi %xor3A_691, %and3A_693 : vector<16xi32>
          %add3A_695 = arith.constant 4718592 : i32
          %add3A_696 = vector.broadcast %add3A_695 : i32 to vector<16xi32>
          %add3A_697 = arith.addi %and3A_694, %add3A_696 : vector<16xi32>
          %mul3A_698 = arith.constant 1408 : i32
          %mul3A_699 = arith.muli %rem3A_21, %mul3A_698 : i32
          %add3A_700 = arith.constant 592 : i32
          %add3A_701 = arith.addi %mul3A_699, %add3A_700 : i32
          %swap3A_702 = arith.index_cast %add3A_701 : i32 to index
          %swap3A_703 = tpu.vector_load %arg13[%swap3A_702] {strides = array<i32>} : memref<5632xi32, #tpu.memory_space<vmem>>, vector<16xi32>,
          tpu.vector_store %arg13[%swap3A_702], %add3A_697 {strides = array<i32>} : memref<5632xi32, #tpu.memory_space<vmem>>, vector<16xi32>,
          %xor3A_704 = arith.xori %add3A_607, %add3A_613 : vector<16xi32>
          %xor3A_705 = arith.xori %xor3A_704, %mul3A_616 : vector<16xi32>
          %and3A_706 = arith.constant 524287 : i32
          %and3A_707 = vector.broadcast %and3A_706 : i32 to vector<16xi32>
          %and3A_708 = arith.andi %xor3A_705, %and3A_707 : vector<16xi32>
          %add3A_709 = arith.constant 4718592 : i32
          %add3A_710 = vector.broadcast %add3A_709 : i32 to vector<16xi32>
          %add3A_711 = arith.addi %and3A_708, %add3A_710 : vector<16xi32>
          %mul3A_712 = arith.constant 1408 : i32
          %mul3A_713 = arith.muli %rem3A_21, %mul3A_712 : i32
          %add3A_714 = arith.constant 608 : i32
          %add3A_715 = arith.addi %mul3A_713, %add3A_714 : i32
          %swap3A_716 = arith.index_cast %add3A_715 : i32 to index
          %swap3A_717 = tpu.vector_load %arg13[%swap3A_716] {strides = array<i32>} : memref<5632xi32, #tpu.memory_space<vmem>>, vector<16xi32>,
          tpu.vector_store %arg13[%swap3A_716], %add3A_711 {strides = array<i32>} : memref<5632xi32, #tpu.memory_space<vmem>>, vector<16xi32>,
          %xor3A_718 = arith.xori %add3A_607, %add3A_613 : vector<16xi32>
          %xor3A_719 = arith.xori %xor3A_718, %add3A_619 : vector<16xi32>
          %and3A_720 = arith.constant 524287 : i32
          %and3A_721 = vector.broadcast %and3A_720 : i32 to vector<16xi32>
          %and3A_722 = arith.andi %xor3A_719, %and3A_721 : vector<16xi32>
          %add3A_723 = arith.constant 4718592 : i32
          %add3A_724 = vector.broadcast %add3A_723 : i32 to vector<16xi32>
          %add3A_725 = arith.addi %and3A_722, %add3A_724 : vector<16xi32>
          %mul3A_726 = arith.constant 1408 : i32
          %mul3A_727 = arith.muli %rem3A_21, %mul3A_726 : i32
          %add3A_728 = arith.constant 624 : i32
          %add3A_729 = arith.addi %mul3A_727, %add3A_728 : i32
          %swap3A_730 = arith.index_cast %add3A_729 : i32 to index
          %swap3A_731 = tpu.vector_load %arg13[%swap3A_730] {strides = array<i32>} : memref<5632xi32, #tpu.memory_space<vmem>>, vector<16xi32>,
          tpu.vector_store %arg13[%swap3A_730], %add3A_725 {strides = array<i32>} : memref<5632xi32, #tpu.memory_space<vmem>>, vector<16xi32>,
          %mul3A_732 = arith.constant 2.048000e+03 : f32
          %mul3A_733 = vector.broadcast %mul3A_732 : f32 to vector<16xf32>
          %mul3A_734 = arith.mulf %mul3A_33, %mul3A_733 : vector<16xf32>
          %mul3A_735 = arith.constant 2.048000e+03 : f32
          %mul3A_736 = vector.broadcast %mul3A_735 : f32 to vector<16xf32>
          %mul3A_737 = arith.mulf %mul3A_36, %mul3A_736 : vector<16xf32>
          %mul3A_738 = arith.constant 2.048000e+03 : f32
          %mul3A_739 = vector.broadcast %mul3A_738 : f32 to vector<16xf32>
          %mul3A_740 = arith.mulf %mul3A_39, %mul3A_739 : vector<16xf32>
          %convert_element_type3A_741 = arith.fptosi %mul3A_734 : vector<16xf32> to vector<16xi32>
          %convert_element_type3A_742 = arith.fptosi %mul3A_737 : vector<16xf32> to vector<16xi32>
          %convert_element_type3A_743 = arith.fptosi %mul3A_740 : vector<16xf32> to vector<16xi32>
          %add3A_744 = arith.constant 1 : i32
          %add3A_745 = vector.broadcast %add3A_744 : i32 to vector<16xi32>
          %add3A_746 = arith.addi %convert_element_type3A_741, %add3A_745 : vector<16xi32>
          %mul3A_747 = arith.constant -1640531535 : i32
          %mul3A_748 = vector.broadcast %mul3A_747 : i32 to vector<16xi32>
          %mul3A_749 = arith.muli %convert_element_type3A_742, %mul3A_748 : vector<16xi32>
          %add3A_750 = arith.constant -1640531535 : i32
          %add3A_751 = vector.broadcast %add3A_750 : i32 to vector<16xi32>
          %add3A_752 = arith.addi %mul3A_749, %add3A_751 : vector<16xi32>
          %mul3A_753 = arith.constant 805459861 : i32
          %mul3A_754 = vector.broadcast %mul3A_753 : i32 to vector<16xi32>
          %mul3A_755 = arith.muli %convert_element_type3A_743, %mul3A_754 : vector<16xi32>
          %add3A_756 = arith.constant 805459861 : i32
          %add3A_757 = vector.broadcast %add3A_756 : i32 to vector<16xi32>
          %add3A_758 = arith.addi %mul3A_755, %add3A_757 : vector<16xi32>
          %xor3A_759 = arith.xori %convert_element_type3A_741, %mul3A_749 : vector<16xi32>
          %xor3A_760 = arith.xori %xor3A_759, %mul3A_755 : vector<16xi32>
          %and3A_761 = arith.constant 524287 : i32
          %and3A_762 = vector.broadcast %and3A_761 : i32 to vector<16xi32>
          %and3A_763 = arith.andi %xor3A_760, %and3A_762 : vector<16xi32>
          %add3A_764 = arith.constant 5242880 : i32
          %add3A_765 = vector.broadcast %add3A_764 : i32 to vector<16xi32>
          %add3A_766 = arith.addi %and3A_763, %add3A_765 : vector<16xi32>
          %mul3A_767 = arith.constant 1408 : i32
          %mul3A_768 = arith.muli %rem3A_21, %mul3A_767 : i32
          %add3A_769 = arith.constant 640 : i32
          %add3A_770 = arith.addi %mul3A_768, %add3A_769 : i32
          %swap3A_771 = arith.index_cast %add3A_770 : i32 to index
          %swap3A_772 = tpu.vector_load %arg13[%swap3A_771] {strides = array<i32>} : memref<5632xi32, #tpu.memory_space<vmem>>, vector<16xi32>,
          tpu.vector_store %arg13[%swap3A_771], %add3A_766 {strides = array<i32>} : memref<5632xi32, #tpu.memory_space<vmem>>, vector<16xi32>,
          %xor3A_773 = arith.xori %convert_element_type3A_741, %mul3A_749 : vector<16xi32>
          %xor3A_774 = arith.xori %xor3A_773, %add3A_758 : vector<16xi32>
          %and3A_775 = arith.constant 524287 : i32
          %and3A_776 = vector.broadcast %and3A_775 : i32 to vector<16xi32>
          %and3A_777 = arith.andi %xor3A_774, %and3A_776 : vector<16xi32>
          %add3A_778 = arith.constant 5242880 : i32
          %add3A_779 = vector.broadcast %add3A_778 : i32 to vector<16xi32>
          %add3A_780 = arith.addi %and3A_777, %add3A_779 : vector<16xi32>
          %mul3A_781 = arith.constant 1408 : i32
          %mul3A_782 = arith.muli %rem3A_21, %mul3A_781 : i32
          %add3A_783 = arith.constant 656 : i32
          %add3A_784 = arith.addi %mul3A_782, %add3A_783 : i32
          %swap3A_785 = arith.index_cast %add3A_784 : i32 to index
          %swap3A_786 = tpu.vector_load %arg13[%swap3A_785] {strides = array<i32>} : memref<5632xi32, #tpu.memory_space<vmem>>, vector<16xi32>,
          tpu.vector_store %arg13[%swap3A_785], %add3A_780 {strides = array<i32>} : memref<5632xi32, #tpu.memory_space<vmem>>, vector<16xi32>,
          %xor3A_787 = arith.xori %convert_element_type3A_741, %add3A_752 : vector<16xi32>
          %xor3A_788 = arith.xori %xor3A_787, %mul3A_755 : vector<16xi32>
          %and3A_789 = arith.constant 524287 : i32
          %and3A_790 = vector.broadcast %and3A_789 : i32 to vector<16xi32>
          %and3A_791 = arith.andi %xor3A_788, %and3A_790 : vector<16xi32>
          %add3A_792 = arith.constant 5242880 : i32
          %add3A_793 = vector.broadcast %add3A_792 : i32 to vector<16xi32>
          %add3A_794 = arith.addi %and3A_791, %add3A_793 : vector<16xi32>
          %mul3A_795 = arith.constant 1408 : i32
          %mul3A_796 = arith.muli %rem3A_21, %mul3A_795 : i32
          %add3A_797 = arith.constant 672 : i32
          %add3A_798 = arith.addi %mul3A_796, %add3A_797 : i32
          %swap3A_799 = arith.index_cast %add3A_798 : i32 to index
          %swap3A_800 = tpu.vector_load %arg13[%swap3A_799] {strides = array<i32>} : memref<5632xi32, #tpu.memory_space<vmem>>, vector<16xi32>,
          tpu.vector_store %arg13[%swap3A_799], %add3A_794 {strides = array<i32>} : memref<5632xi32, #tpu.memory_space<vmem>>, vector<16xi32>,
          %xor3A_801 = arith.xori %convert_element_type3A_741, %add3A_752 : vector<16xi32>
          %xor3A_802 = arith.xori %xor3A_801, %add3A_758 : vector<16xi32>
          %and3A_803 = arith.constant 524287 : i32
          %and3A_804 = vector.broadcast %and3A_803 : i32 to vector<16xi32>
          %and3A_805 = arith.andi %xor3A_802, %and3A_804 : vector<16xi32>
          %add3A_806 = arith.constant 5242880 : i32
          %add3A_807 = vector.broadcast %add3A_806 : i32 to vector<16xi32>
          %add3A_808 = arith.addi %and3A_805, %add3A_807 : vector<16xi32>
          %mul3A_809 = arith.constant 1408 : i32
          %mul3A_810 = arith.muli %rem3A_21, %mul3A_809 : i32
          %add3A_811 = arith.constant 688 : i32
          %add3A_812 = arith.addi %mul3A_810, %add3A_811 : i32
          %swap3A_813 = arith.index_cast %add3A_812 : i32 to index
          %swap3A_814 = tpu.vector_load %arg13[%swap3A_813] {strides = array<i32>} : memref<5632xi32, #tpu.memory_space<vmem>>, vector<16xi32>,
          tpu.vector_store %arg13[%swap3A_813], %add3A_808 {strides = array<i32>} : memref<5632xi32, #tpu.memory_space<vmem>>, vector<16xi32>,
          %xor3A_815 = arith.xori %add3A_746, %mul3A_749 : vector<16xi32>
          %xor3A_816 = arith.xori %xor3A_815, %mul3A_755 : vector<16xi32>
          %and3A_817 = arith.constant 524287 : i32
          %and3A_818 = vector.broadcast %and3A_817 : i32 to vector<16xi32>
          %and3A_819 = arith.andi %xor3A_816, %and3A_818 : vector<16xi32>
          %add3A_820 = arith.constant 5242880 : i32
          %add3A_821 = vector.broadcast %add3A_820 : i32 to vector<16xi32>
          %add3A_822 = arith.addi %and3A_819, %add3A_821 : vector<16xi32>
          %mul3A_823 = arith.constant 1408 : i32
          %mul3A_824 = arith.muli %rem3A_21, %mul3A_823 : i32
          %add3A_825 = arith.constant 704 : i32
          %add3A_826 = arith.addi %mul3A_824, %add3A_825 : i32
          %swap3A_827 = arith.index_cast %add3A_826 : i32 to index
          %swap3A_828 = tpu.vector_load %arg13[%swap3A_827] {strides = array<i32>} : memref<5632xi32, #tpu.memory_space<vmem>>, vector<16xi32>,
          tpu.vector_store %arg13[%swap3A_827], %add3A_822 {strides = array<i32>} : memref<5632xi32, #tpu.memory_space<vmem>>, vector<16xi32>,
          %xor3A_829 = arith.xori %add3A_746, %mul3A_749 : vector<16xi32>
          %xor3A_830 = arith.xori %xor3A_829, %add3A_758 : vector<16xi32>
          %and3A_831 = arith.constant 524287 : i32
          %and3A_832 = vector.broadcast %and3A_831 : i32 to vector<16xi32>
          %and3A_833 = arith.andi %xor3A_830, %and3A_832 : vector<16xi32>
          %add3A_834 = arith.constant 5242880 : i32
          %add3A_835 = vector.broadcast %add3A_834 : i32 to vector<16xi32>
          %add3A_836 = arith.addi %and3A_833, %add3A_835 : vector<16xi32>
          %mul3A_837 = arith.constant 1408 : i32
          %mul3A_838 = arith.muli %rem3A_21, %mul3A_837 : i32
          %add3A_839 = arith.constant 720 : i32
          %add3A_840 = arith.addi %mul3A_838, %add3A_839 : i32
          %swap3A_841 = arith.index_cast %add3A_840 : i32 to index
          %swap3A_842 = tpu.vector_load %arg13[%swap3A_841] {strides = array<i32>} : memref<5632xi32, #tpu.memory_space<vmem>>, vector<16xi32>,
          tpu.vector_store %arg13[%swap3A_841], %add3A_836 {strides = array<i32>} : memref<5632xi32, #tpu.memory_space<vmem>>, vector<16xi32>,
          %xor3A_843 = arith.xori %add3A_746, %add3A_752 : vector<16xi32>
          %xor3A_844 = arith.xori %xor3A_843, %mul3A_755 : vector<16xi32>
          %and3A_845 = arith.constant 524287 : i32
          %and3A_846 = vector.broadcast %and3A_845 : i32 to vector<16xi32>
          %and3A_847 = arith.andi %xor3A_844, %and3A_846 : vector<16xi32>
          %add3A_848 = arith.constant 5242880 : i32
          %add3A_849 = vector.broadcast %add3A_848 : i32 to vector<16xi32>
          %add3A_850 = arith.addi %and3A_847, %add3A_849 : vector<16xi32>
          %mul3A_851 = arith.constant 1408 : i32
          %mul3A_852 = arith.muli %rem3A_21, %mul3A_851 : i32
          %add3A_853 = arith.constant 736 : i32
          %add3A_854 = arith.addi %mul3A_852, %add3A_853 : i32
          %swap3A_855 = arith.index_cast %add3A_854 : i32 to index
          %swap3A_856 = tpu.vector_load %arg13[%swap3A_855] {strides = array<i32>} : memref<5632xi32, #tpu.memory_space<vmem>>, vector<16xi32>,
          tpu.vector_store %arg13[%swap3A_855], %add3A_850 {strides = array<i32>} : memref<5632xi32, #tpu.memory_space<vmem>>, vector<16xi32>,
          %xor3A_857 = arith.xori %add3A_746, %add3A_752 : vector<16xi32>
          %xor3A_858 = arith.xori %xor3A_857, %add3A_758 : vector<16xi32>
          %and3A_859 = arith.constant 524287 : i32
          %and3A_860 = vector.broadcast %and3A_859 : i32 to vector<16xi32>
          %and3A_861 = arith.andi %xor3A_858, %and3A_860 : vector<16xi32>
          %add3A_862 = arith.constant 5242880 : i32
          %add3A_863 = vector.broadcast %add3A_862 : i32 to vector<16xi32>
          %add3A_864 = arith.addi %and3A_861, %add3A_863 : vector<16xi32>
          %mul3A_865 = arith.constant 1408 : i32
          %mul3A_866 = arith.muli %rem3A_21, %mul3A_865 : i32
          %add3A_867 = arith.constant 752 : i32
          %add3A_868 = arith.addi %mul3A_866, %add3A_867 : i32
          %swap3A_869 = arith.index_cast %add3A_868 : i32 to index
          %swap3A_870 = tpu.vector_load %arg13[%swap3A_869] {strides = array<i32>} : memref<5632xi32, #tpu.memory_space<vmem>>, vector<16xi32>,
          tpu.vector_store %arg13[%swap3A_869], %add3A_864 {strides = array<i32>} : memref<5632xi32, #tpu.memory_space<vmem>>, vector<16xi32>,
          %mul3A_871 = arith.constant 4.096000e+03 : f32
          %mul3A_872 = vector.broadcast %mul3A_871 : f32 to vector<16xf32>
          %mul3A_873 = arith.mulf %mul3A_33, %mul3A_872 : vector<16xf32>
          %mul3A_874 = arith.constant 4.096000e+03 : f32
          %mul3A_875 = vector.broadcast %mul3A_874 : f32 to vector<16xf32>
          %mul3A_876 = arith.mulf %mul3A_36, %mul3A_875 : vector<16xf32>
          %mul3A_877 = arith.constant 4.096000e+03 : f32
          %mul3A_878 = vector.broadcast %mul3A_877 : f32 to vector<16xf32>
          %mul3A_879 = arith.mulf %mul3A_39, %mul3A_878 : vector<16xf32>
          %convert_element_type3A_880 = arith.fptosi %mul3A_873 : vector<16xf32> to vector<16xi32>
          %convert_element_type3A_881 = arith.fptosi %mul3A_876 : vector<16xf32> to vector<16xi32>
          %convert_element_type3A_882 = arith.fptosi %mul3A_879 : vector<16xf32> to vector<16xi32>
          %add3A_883 = arith.constant 1 : i32
          %add3A_884 = vector.broadcast %add3A_883 : i32 to vector<16xi32>
          %add3A_885 = arith.addi %convert_element_type3A_880, %add3A_884 : vector<16xi32>
          %mul3A_886 = arith.constant -1640531535 : i32
          %mul3A_887 = vector.broadcast %mul3A_886 : i32 to vector<16xi32>
          %mul3A_888 = arith.muli %convert_element_type3A_881, %mul3A_887 : vector<16xi32>
          %add3A_889 = arith.constant -1640531535 : i32
          %add3A_890 = vector.broadcast %add3A_889 : i32 to vector<16xi32>
          %add3A_891 = arith.addi %mul3A_888, %add3A_890 : vector<16xi32>
          %mul3A_892 = arith.constant 805459861 : i32
          %mul3A_893 = vector.broadcast %mul3A_892 : i32 to vector<16xi32>
          %mul3A_894 = arith.muli %convert_element_type3A_882, %mul3A_893 : vector<16xi32>
          %add3A_895 = arith.constant 805459861 : i32
          %add3A_896 = vector.broadcast %add3A_895 : i32 to vector<16xi32>
          %add3A_897 = arith.addi %mul3A_894, %add3A_896 : vector<16xi32>
          %xor3A_898 = arith.xori %convert_element_type3A_880, %mul3A_888 : vector<16xi32>
          %xor3A_899 = arith.xori %xor3A_898, %mul3A_894 : vector<16xi32>
          %and3A_900 = arith.constant 524287 : i32
          %and3A_901 = vector.broadcast %and3A_900 : i32 to vector<16xi32>
          %and3A_902 = arith.andi %xor3A_899, %and3A_901 : vector<16xi32>
          %add3A_903 = arith.constant 5767168 : i32
          %add3A_904 = vector.broadcast %add3A_903 : i32 to vector<16xi32>
          %add3A_905 = arith.addi %and3A_902, %add3A_904 : vector<16xi32>
          %mul3A_906 = arith.constant 1408 : i32
          %mul3A_907 = arith.muli %rem3A_21, %mul3A_906 : i32
          %add3A_908 = arith.constant 768 : i32
          %add3A_909 = arith.addi %mul3A_907, %add3A_908 : i32
          %swap3A_910 = arith.index_cast %add3A_909 : i32 to index
          %swap3A_911 = tpu.vector_load %arg13[%swap3A_910] {strides = array<i32>} : memref<5632xi32, #tpu.memory_space<vmem>>, vector<16xi32>,
          tpu.vector_store %arg13[%swap3A_910], %add3A_905 {strides = array<i32>} : memref<5632xi32, #tpu.memory_space<vmem>>, vector<16xi32>,
          %xor3A_912 = arith.xori %convert_element_type3A_880, %mul3A_888 : vector<16xi32>
          %xor3A_913 = arith.xori %xor3A_912, %add3A_897 : vector<16xi32>
          %and3A_914 = arith.constant 524287 : i32
          %and3A_915 = vector.broadcast %and3A_914 : i32 to vector<16xi32>
          %and3A_916 = arith.andi %xor3A_913, %and3A_915 : vector<16xi32>
          %add3A_917 = arith.constant 5767168 : i32
          %add3A_918 = vector.broadcast %add3A_917 : i32 to vector<16xi32>
          %add3A_919 = arith.addi %and3A_916, %add3A_918 : vector<16xi32>
          %mul3A_920 = arith.constant 1408 : i32
          %mul3A_921 = arith.muli %rem3A_21, %mul3A_920 : i32
          %add3A_922 = arith.constant 784 : i32
          %add3A_923 = arith.addi %mul3A_921, %add3A_922 : i32
          %swap3A_924 = arith.index_cast %add3A_923 : i32 to index
          %swap3A_925 = tpu.vector_load %arg13[%swap3A_924] {strides = array<i32>} : memref<5632xi32, #tpu.memory_space<vmem>>, vector<16xi32>,
          tpu.vector_store %arg13[%swap3A_924], %add3A_919 {strides = array<i32>} : memref<5632xi32, #tpu.memory_space<vmem>>, vector<16xi32>,
          %xor3A_926 = arith.xori %convert_element_type3A_880, %add3A_891 : vector<16xi32>
          %xor3A_927 = arith.xori %xor3A_926, %mul3A_894 : vector<16xi32>
          %and3A_928 = arith.constant 524287 : i32
          %and3A_929 = vector.broadcast %and3A_928 : i32 to vector<16xi32>
          %and3A_930 = arith.andi %xor3A_927, %and3A_929 : vector<16xi32>
          %add3A_931 = arith.constant 5767168 : i32
          %add3A_932 = vector.broadcast %add3A_931 : i32 to vector<16xi32>
          %add3A_933 = arith.addi %and3A_930, %add3A_932 : vector<16xi32>
          %mul3A_934 = arith.constant 1408 : i32
          %mul3A_935 = arith.muli %rem3A_21, %mul3A_934 : i32
          %add3A_936 = arith.constant 800 : i32
          %add3A_937 = arith.addi %mul3A_935, %add3A_936 : i32
          %swap3A_938 = arith.index_cast %add3A_937 : i32 to index
          %swap3A_939 = tpu.vector_load %arg13[%swap3A_938] {strides = array<i32>} : memref<5632xi32, #tpu.memory_space<vmem>>, vector<16xi32>,
          tpu.vector_store %arg13[%swap3A_938], %add3A_933 {strides = array<i32>} : memref<5632xi32, #tpu.memory_space<vmem>>, vector<16xi32>,
          %xor3A_940 = arith.xori %convert_element_type3A_880, %add3A_891 : vector<16xi32>
          %xor3A_941 = arith.xori %xor3A_940, %add3A_897 : vector<16xi32>
          %and3A_942 = arith.constant 524287 : i32
          %and3A_943 = vector.broadcast %and3A_942 : i32 to vector<16xi32>
          %and3A_944 = arith.andi %xor3A_941, %and3A_943 : vector<16xi32>
          %add3A_945 = arith.constant 5767168 : i32
          %add3A_946 = vector.broadcast %add3A_945 : i32 to vector<16xi32>
          %add3A_947 = arith.addi %and3A_944, %add3A_946 : vector<16xi32>
          %mul3A_948 = arith.constant 1408 : i32
          %mul3A_949 = arith.muli %rem3A_21, %mul3A_948 : i32
          %add3A_950 = arith.constant 816 : i32
          %add3A_951 = arith.addi %mul3A_949, %add3A_950 : i32
          %swap3A_952 = arith.index_cast %add3A_951 : i32 to index
          %swap3A_953 = tpu.vector_load %arg13[%swap3A_952] {strides = array<i32>} : memref<5632xi32, #tpu.memory_space<vmem>>, vector<16xi32>,
          tpu.vector_store %arg13[%swap3A_952], %add3A_947 {strides = array<i32>} : memref<5632xi32, #tpu.memory_space<vmem>>, vector<16xi32>,
          %xor3A_954 = arith.xori %add3A_885, %mul3A_888 : vector<16xi32>
          %xor3A_955 = arith.xori %xor3A_954, %mul3A_894 : vector<16xi32>
          %and3A_956 = arith.constant 524287 : i32
          %and3A_957 = vector.broadcast %and3A_956 : i32 to vector<16xi32>
          %and3A_958 = arith.andi %xor3A_955, %and3A_957 : vector<16xi32>
          %add3A_959 = arith.constant 5767168 : i32
          %add3A_960 = vector.broadcast %add3A_959 : i32 to vector<16xi32>
          %add3A_961 = arith.addi %and3A_958, %add3A_960 : vector<16xi32>
          %mul3A_962 = arith.constant 1408 : i32
          %mul3A_963 = arith.muli %rem3A_21, %mul3A_962 : i32
          %add3A_964 = arith.constant 832 : i32
          %add3A_965 = arith.addi %mul3A_963, %add3A_964 : i32
          %swap3A_966 = arith.index_cast %add3A_965 : i32 to index
          %swap3A_967 = tpu.vector_load %arg13[%swap3A_966] {strides = array<i32>} : memref<5632xi32, #tpu.memory_space<vmem>>, vector<16xi32>,
          tpu.vector_store %arg13[%swap3A_966], %add3A_961 {strides = array<i32>} : memref<5632xi32, #tpu.memory_space<vmem>>, vector<16xi32>,
          %xor3A_968 = arith.xori %add3A_885, %mul3A_888 : vector<16xi32>
          %xor3A_969 = arith.xori %xor3A_968, %add3A_897 : vector<16xi32>
          %and3A_970 = arith.constant 524287 : i32
          %and3A_971 = vector.broadcast %and3A_970 : i32 to vector<16xi32>
          %and3A_972 = arith.andi %xor3A_969, %and3A_971 : vector<16xi32>
          %add3A_973 = arith.constant 5767168 : i32
          %add3A_974 = vector.broadcast %add3A_973 : i32 to vector<16xi32>
          %add3A_975 = arith.addi %and3A_972, %add3A_974 : vector<16xi32>
          %mul3A_976 = arith.constant 1408 : i32
          %mul3A_977 = arith.muli %rem3A_21, %mul3A_976 : i32
          %add3A_978 = arith.constant 848 : i32
          %add3A_979 = arith.addi %mul3A_977, %add3A_978 : i32
          %swap3A_980 = arith.index_cast %add3A_979 : i32 to index
          %swap3A_981 = tpu.vector_load %arg13[%swap3A_980] {strides = array<i32>} : memref<5632xi32, #tpu.memory_space<vmem>>, vector<16xi32>,
          tpu.vector_store %arg13[%swap3A_980], %add3A_975 {strides = array<i32>} : memref<5632xi32, #tpu.memory_space<vmem>>, vector<16xi32>,
          %xor3A_982 = arith.xori %add3A_885, %add3A_891 : vector<16xi32>
          %xor3A_983 = arith.xori %xor3A_982, %mul3A_894 : vector<16xi32>
          %and3A_984 = arith.constant 524287 : i32
          %and3A_985 = vector.broadcast %and3A_984 : i32 to vector<16xi32>
          %and3A_986 = arith.andi %xor3A_983, %and3A_985 : vector<16xi32>
          %add3A_987 = arith.constant 5767168 : i32
          %add3A_988 = vector.broadcast %add3A_987 : i32 to vector<16xi32>
          %add3A_989 = arith.addi %and3A_986, %add3A_988 : vector<16xi32>
          %mul3A_990 = arith.constant 1408 : i32
          %mul3A_991 = arith.muli %rem3A_21, %mul3A_990 : i32
          %add3A_992 = arith.constant 864 : i32
          %add3A_993 = arith.addi %mul3A_991, %add3A_992 : i32
          %swap3A_994 = arith.index_cast %add3A_993 : i32 to index
          %swap3A_995 = tpu.vector_load %arg13[%swap3A_994] {strides = array<i32>} : memref<5632xi32, #tpu.memory_space<vmem>>, vector<16xi32>,
          tpu.vector_store %arg13[%swap3A_994], %add3A_989 {strides = array<i32>} : memref<5632xi32, #tpu.memory_space<vmem>>, vector<16xi32>,
          %xor3A_996 = arith.xori %add3A_885, %add3A_891 : vector<16xi32>
          %xor3A_997 = arith.xori %xor3A_996, %add3A_897 : vector<16xi32>
          %and3A_998 = arith.constant 524287 : i32
          %and3A_999 = vector.broadcast %and3A_998 : i32 to vector<16xi32>
          %and3A_1000 = arith.andi %xor3A_997, %and3A_999 : vector<16xi32>
          %add3A_1001 = arith.constant 5767168 : i32
          %add3A_1002 = vector.broadcast %add3A_1001 : i32 to vector<16xi32>
          %add3A_1003 = arith.addi %and3A_1000, %add3A_1002 : vector<16xi32>
          %mul3A_1004 = arith.constant 1408 : i32
          %mul3A_1005 = arith.muli %rem3A_21, %mul3A_1004 : i32
          %add3A_1006 = arith.constant 880 : i32
          %add3A_1007 = arith.addi %mul3A_1005, %add3A_1006 : i32
          %swap3A_1008 = arith.index_cast %add3A_1007 : i32 to index
          %swap3A_1009 = tpu.vector_load %arg13[%swap3A_1008] {strides = array<i32>} : memref<5632xi32, #tpu.memory_space<vmem>>, vector<16xi32>,
          tpu.vector_store %arg13[%swap3A_1008], %add3A_1003 {strides = array<i32>} : memref<5632xi32, #tpu.memory_space<vmem>>, vector<16xi32>,
          %mul3A_1010 = arith.constant 8.192000e+03 : f32
          %mul3A_1011 = vector.broadcast %mul3A_1010 : f32 to vector<16xf32>
          %mul3A_1012 = arith.mulf %mul3A_33, %mul3A_1011 : vector<16xf32>
          %mul3A_1013 = arith.constant 8.192000e+03 : f32
          %mul3A_1014 = vector.broadcast %mul3A_1013 : f32 to vector<16xf32>
          %mul3A_1015 = arith.mulf %mul3A_36, %mul3A_1014 : vector<16xf32>
          %mul3A_1016 = arith.constant 8.192000e+03 : f32
          %mul3A_1017 = vector.broadcast %mul3A_1016 : f32 to vector<16xf32>
          %mul3A_1018 = arith.mulf %mul3A_39, %mul3A_1017 : vector<16xf32>
          %convert_element_type3A_1019 = arith.fptosi %mul3A_1012 : vector<16xf32> to vector<16xi32>
          %convert_element_type3A_1020 = arith.fptosi %mul3A_1015 : vector<16xf32> to vector<16xi32>
          %convert_element_type3A_1021 = arith.fptosi %mul3A_1018 : vector<16xf32> to vector<16xi32>
          %add3A_1022 = arith.constant 1 : i32
          %add3A_1023 = vector.broadcast %add3A_1022 : i32 to vector<16xi32>
          %add3A_1024 = arith.addi %convert_element_type3A_1019, %add3A_1023 : vector<16xi32>
          %mul3A_1025 = arith.constant -1640531535 : i32
          %mul3A_1026 = vector.broadcast %mul3A_1025 : i32 to vector<16xi32>
          %mul3A_1027 = arith.muli %convert_element_type3A_1020, %mul3A_1026 : vector<16xi32>
          %add3A_1028 = arith.constant -1640531535 : i32
          %add3A_1029 = vector.broadcast %add3A_1028 : i32 to vector<16xi32>
          %add3A_1030 = arith.addi %mul3A_1027, %add3A_1029 : vector<16xi32>
          %mul3A_1031 = arith.constant 805459861 : i32
          %mul3A_1032 = vector.broadcast %mul3A_1031 : i32 to vector<16xi32>
          %mul3A_1033 = arith.muli %convert_element_type3A_1021, %mul3A_1032 : vector<16xi32>
          %add3A_1034 = arith.constant 805459861 : i32
          %add3A_1035 = vector.broadcast %add3A_1034 : i32 to vector<16xi32>
          %add3A_1036 = arith.addi %mul3A_1033, %add3A_1035 : vector<16xi32>
          %xor3A_1037 = arith.xori %convert_element_type3A_1019, %mul3A_1027 : vector<16xi32>
          %xor3A_1038 = arith.xori %xor3A_1037, %mul3A_1033 : vector<16xi32>
          %and3A_1039 = arith.constant 524287 : i32
          %and3A_1040 = vector.broadcast %and3A_1039 : i32 to vector<16xi32>
          %and3A_1041 = arith.andi %xor3A_1038, %and3A_1040 : vector<16xi32>
          %add3A_1042 = arith.constant 6291456 : i32
          %add3A_1043 = vector.broadcast %add3A_1042 : i32 to vector<16xi32>
          %add3A_1044 = arith.addi %and3A_1041, %add3A_1043 : vector<16xi32>
          %mul3A_1045 = arith.constant 1408 : i32
          %mul3A_1046 = arith.muli %rem3A_21, %mul3A_1045 : i32
          %add3A_1047 = arith.constant 896 : i32
          %add3A_1048 = arith.addi %mul3A_1046, %add3A_1047 : i32
          %swap3A_1049 = arith.index_cast %add3A_1048 : i32 to index
          %swap3A_1050 = tpu.vector_load %arg13[%swap3A_1049] {strides = array<i32>} : memref<5632xi32, #tpu.memory_space<vmem>>, vector<16xi32>,
          tpu.vector_store %arg13[%swap3A_1049], %add3A_1044 {strides = array<i32>} : memref<5632xi32, #tpu.memory_space<vmem>>, vector<16xi32>,
          %xor3A_1051 = arith.xori %convert_element_type3A_1019, %mul3A_1027 : vector<16xi32>
          %xor3A_1052 = arith.xori %xor3A_1051, %add3A_1036 : vector<16xi32>
          %and3A_1053 = arith.constant 524287 : i32
          %and3A_1054 = vector.broadcast %and3A_1053 : i32 to vector<16xi32>
          %and3A_1055 = arith.andi %xor3A_1052, %and3A_1054 : vector<16xi32>
          %add3A_1056 = arith.constant 6291456 : i32
          %add3A_1057 = vector.broadcast %add3A_1056 : i32 to vector<16xi32>
          %add3A_1058 = arith.addi %and3A_1055, %add3A_1057 : vector<16xi32>
          %mul3A_1059 = arith.constant 1408 : i32
          %mul3A_1060 = arith.muli %rem3A_21, %mul3A_1059 : i32
          %add3A_1061 = arith.constant 912 : i32
          %add3A_1062 = arith.addi %mul3A_1060, %add3A_1061 : i32
          %swap3A_1063 = arith.index_cast %add3A_1062 : i32 to index
          %swap3A_1064 = tpu.vector_load %arg13[%swap3A_1063] {strides = array<i32>} : memref<5632xi32, #tpu.memory_space<vmem>>, vector<16xi32>,
          tpu.vector_store %arg13[%swap3A_1063], %add3A_1058 {strides = array<i32>} : memref<5632xi32, #tpu.memory_space<vmem>>, vector<16xi32>,
          %xor3A_1065 = arith.xori %convert_element_type3A_1019, %add3A_1030 : vector<16xi32>
          %xor3A_1066 = arith.xori %xor3A_1065, %mul3A_1033 : vector<16xi32>
          %and3A_1067 = arith.constant 524287 : i32
          %and3A_1068 = vector.broadcast %and3A_1067 : i32 to vector<16xi32>
          %and3A_1069 = arith.andi %xor3A_1066, %and3A_1068 : vector<16xi32>
          %add3A_1070 = arith.constant 6291456 : i32
          %add3A_1071 = vector.broadcast %add3A_1070 : i32 to vector<16xi32>
          %add3A_1072 = arith.addi %and3A_1069, %add3A_1071 : vector<16xi32>
          %mul3A_1073 = arith.constant 1408 : i32
          %mul3A_1074 = arith.muli %rem3A_21, %mul3A_1073 : i32
          %add3A_1075 = arith.constant 928 : i32
          %add3A_1076 = arith.addi %mul3A_1074, %add3A_1075 : i32
          %swap3A_1077 = arith.index_cast %add3A_1076 : i32 to index
          %swap3A_1078 = tpu.vector_load %arg13[%swap3A_1077] {strides = array<i32>} : memref<5632xi32, #tpu.memory_space<vmem>>, vector<16xi32>,
          tpu.vector_store %arg13[%swap3A_1077], %add3A_1072 {strides = array<i32>} : memref<5632xi32, #tpu.memory_space<vmem>>, vector<16xi32>,
          %xor3A_1079 = arith.xori %convert_element_type3A_1019, %add3A_1030 : vector<16xi32>
          %xor3A_1080 = arith.xori %xor3A_1079, %add3A_1036 : vector<16xi32>
          %and3A_1081 = arith.constant 524287 : i32
          %and3A_1082 = vector.broadcast %and3A_1081 : i32 to vector<16xi32>
          %and3A_1083 = arith.andi %xor3A_1080, %and3A_1082 : vector<16xi32>
          %add3A_1084 = arith.constant 6291456 : i32
          %add3A_1085 = vector.broadcast %add3A_1084 : i32 to vector<16xi32>
          %add3A_1086 = arith.addi %and3A_1083, %add3A_1085 : vector<16xi32>
          %mul3A_1087 = arith.constant 1408 : i32
          %mul3A_1088 = arith.muli %rem3A_21, %mul3A_1087 : i32
          %add3A_1089 = arith.constant 944 : i32
          %add3A_1090 = arith.addi %mul3A_1088, %add3A_1089 : i32
          %swap3A_1091 = arith.index_cast %add3A_1090 : i32 to index
          %swap3A_1092 = tpu.vector_load %arg13[%swap3A_1091] {strides = array<i32>} : memref<5632xi32, #tpu.memory_space<vmem>>, vector<16xi32>,
          tpu.vector_store %arg13[%swap3A_1091], %add3A_1086 {strides = array<i32>} : memref<5632xi32, #tpu.memory_space<vmem>>, vector<16xi32>,
          %xor3A_1093 = arith.xori %add3A_1024, %mul3A_1027 : vector<16xi32>
          %xor3A_1094 = arith.xori %xor3A_1093, %mul3A_1033 : vector<16xi32>
          %and3A_1095 = arith.constant 524287 : i32
          %and3A_1096 = vector.broadcast %and3A_1095 : i32 to vector<16xi32>
          %and3A_1097 = arith.andi %xor3A_1094, %and3A_1096 : vector<16xi32>
          %add3A_1098 = arith.constant 6291456 : i32
          %add3A_1099 = vector.broadcast %add3A_1098 : i32 to vector<16xi32>
          %add3A_1100 = arith.addi %and3A_1097, %add3A_1099 : vector<16xi32>
          %mul3A_1101 = arith.constant 1408 : i32
          %mul3A_1102 = arith.muli %rem3A_21, %mul3A_1101 : i32
          %add3A_1103 = arith.constant 960 : i32
          %add3A_1104 = arith.addi %mul3A_1102, %add3A_1103 : i32
          %swap3A_1105 = arith.index_cast %add3A_1104 : i32 to index
          %swap3A_1106 = tpu.vector_load %arg13[%swap3A_1105] {strides = array<i32>} : memref<5632xi32, #tpu.memory_space<vmem>>, vector<16xi32>,
          tpu.vector_store %arg13[%swap3A_1105], %add3A_1100 {strides = array<i32>} : memref<5632xi32, #tpu.memory_space<vmem>>, vector<16xi32>,
          %xor3A_1107 = arith.xori %add3A_1024, %mul3A_1027 : vector<16xi32>
          %xor3A_1108 = arith.xori %xor3A_1107, %add3A_1036 : vector<16xi32>
          %and3A_1109 = arith.constant 524287 : i32
          %and3A_1110 = vector.broadcast %and3A_1109 : i32 to vector<16xi32>
          %and3A_1111 = arith.andi %xor3A_1108, %and3A_1110 : vector<16xi32>
          %add3A_1112 = arith.constant 6291456 : i32
          %add3A_1113 = vector.broadcast %add3A_1112 : i32 to vector<16xi32>
          %add3A_1114 = arith.addi %and3A_1111, %add3A_1113 : vector<16xi32>
          %mul3A_1115 = arith.constant 1408 : i32
          %mul3A_1116 = arith.muli %rem3A_21, %mul3A_1115 : i32
          %add3A_1117 = arith.constant 976 : i32
          %add3A_1118 = arith.addi %mul3A_1116, %add3A_1117 : i32
          %swap3A_1119 = arith.index_cast %add3A_1118 : i32 to index
          %swap3A_1120 = tpu.vector_load %arg13[%swap3A_1119] {strides = array<i32>} : memref<5632xi32, #tpu.memory_space<vmem>>, vector<16xi32>,
          tpu.vector_store %arg13[%swap3A_1119], %add3A_1114 {strides = array<i32>} : memref<5632xi32, #tpu.memory_space<vmem>>, vector<16xi32>,
          %xor3A_1121 = arith.xori %add3A_1024, %add3A_1030 : vector<16xi32>
          %xor3A_1122 = arith.xori %xor3A_1121, %mul3A_1033 : vector<16xi32>
          %and3A_1123 = arith.constant 524287 : i32
          %and3A_1124 = vector.broadcast %and3A_1123 : i32 to vector<16xi32>
          %and3A_1125 = arith.andi %xor3A_1122, %and3A_1124 : vector<16xi32>
          %add3A_1126 = arith.constant 6291456 : i32
          %add3A_1127 = vector.broadcast %add3A_1126 : i32 to vector<16xi32>
          %add3A_1128 = arith.addi %and3A_1125, %add3A_1127 : vector<16xi32>
          %mul3A_1129 = arith.constant 1408 : i32
          %mul3A_1130 = arith.muli %rem3A_21, %mul3A_1129 : i32
          %add3A_1131 = arith.constant 992 : i32
          %add3A_1132 = arith.addi %mul3A_1130, %add3A_1131 : i32
          %swap3A_1133 = arith.index_cast %add3A_1132 : i32 to index
          %swap3A_1134 = tpu.vector_load %arg13[%swap3A_1133] {strides = array<i32>} : memref<5632xi32, #tpu.memory_space<vmem>>, vector<16xi32>,
          tpu.vector_store %arg13[%swap3A_1133], %add3A_1128 {strides = array<i32>} : memref<5632xi32, #tpu.memory_space<vmem>>, vector<16xi32>,
          %xor3A_1135 = arith.xori %add3A_1024, %add3A_1030 : vector<16xi32>
          %xor3A_1136 = arith.xori %xor3A_1135, %add3A_1036 : vector<16xi32>
          %and3A_1137 = arith.constant 524287 : i32
          %and3A_1138 = vector.broadcast %and3A_1137 : i32 to vector<16xi32>
          %and3A_1139 = arith.andi %xor3A_1136, %and3A_1138 : vector<16xi32>
          %add3A_1140 = arith.constant 6291456 : i32
          %add3A_1141 = vector.broadcast %add3A_1140 : i32 to vector<16xi32>
          %add3A_1142 = arith.addi %and3A_1139, %add3A_1141 : vector<16xi32>
          %mul3A_1143 = arith.constant 1408 : i32
          %mul3A_1144 = arith.muli %rem3A_21, %mul3A_1143 : i32
          %add3A_1145 = arith.constant 1008 : i32
          %add3A_1146 = arith.addi %mul3A_1144, %add3A_1145 : i32
          %swap3A_1147 = arith.index_cast %add3A_1146 : i32 to index
          %swap3A_1148 = tpu.vector_load %arg13[%swap3A_1147] {strides = array<i32>} : memref<5632xi32, #tpu.memory_space<vmem>>, vector<16xi32>,
          tpu.vector_store %arg13[%swap3A_1147], %add3A_1142 {strides = array<i32>} : memref<5632xi32, #tpu.memory_space<vmem>>, vector<16xi32>,
          %mul3A_1149 = arith.constant 1.638400e+04 : f32
          %mul3A_1150 = vector.broadcast %mul3A_1149 : f32 to vector<16xf32>
          %mul3A_1151 = arith.mulf %mul3A_33, %mul3A_1150 : vector<16xf32>
          %mul3A_1152 = arith.constant 1.638400e+04 : f32
          %mul3A_1153 = vector.broadcast %mul3A_1152 : f32 to vector<16xf32>
          %mul3A_1154 = arith.mulf %mul3A_36, %mul3A_1153 : vector<16xf32>
          %mul3A_1155 = arith.constant 1.638400e+04 : f32
          %mul3A_1156 = vector.broadcast %mul3A_1155 : f32 to vector<16xf32>
          %mul3A_1157 = arith.mulf %mul3A_39, %mul3A_1156 : vector<16xf32>
          %convert_element_type3A_1158 = arith.fptosi %mul3A_1151 : vector<16xf32> to vector<16xi32>
          %convert_element_type3A_1159 = arith.fptosi %mul3A_1154 : vector<16xf32> to vector<16xi32>
          %convert_element_type3A_1160 = arith.fptosi %mul3A_1157 : vector<16xf32> to vector<16xi32>
          %add3A_1161 = arith.constant 1 : i32
          %add3A_1162 = vector.broadcast %add3A_1161 : i32 to vector<16xi32>
          %add3A_1163 = arith.addi %convert_element_type3A_1158, %add3A_1162 : vector<16xi32>
          %mul3A_1164 = arith.constant -1640531535 : i32
          %mul3A_1165 = vector.broadcast %mul3A_1164 : i32 to vector<16xi32>
          %mul3A_1166 = arith.muli %convert_element_type3A_1159, %mul3A_1165 : vector<16xi32>
          %add3A_1167 = arith.constant -1640531535 : i32
          %add3A_1168 = vector.broadcast %add3A_1167 : i32 to vector<16xi32>
          %add3A_1169 = arith.addi %mul3A_1166, %add3A_1168 : vector<16xi32>
          %mul3A_1170 = arith.constant 805459861 : i32
          %mul3A_1171 = vector.broadcast %mul3A_1170 : i32 to vector<16xi32>
          %mul3A_1172 = arith.muli %convert_element_type3A_1160, %mul3A_1171 : vector<16xi32>
          %add3A_1173 = arith.constant 805459861 : i32
          %add3A_1174 = vector.broadcast %add3A_1173 : i32 to vector<16xi32>
          %add3A_1175 = arith.addi %mul3A_1172, %add3A_1174 : vector<16xi32>
          %xor3A_1176 = arith.xori %convert_element_type3A_1158, %mul3A_1166 : vector<16xi32>
          %xor3A_1177 = arith.xori %xor3A_1176, %mul3A_1172 : vector<16xi32>
          %and3A_1178 = arith.constant 524287 : i32
          %and3A_1179 = vector.broadcast %and3A_1178 : i32 to vector<16xi32>
          %and3A_1180 = arith.andi %xor3A_1177, %and3A_1179 : vector<16xi32>
          %add3A_1181 = arith.constant 6815744 : i32
          %add3A_1182 = vector.broadcast %add3A_1181 : i32 to vector<16xi32>
          %add3A_1183 = arith.addi %and3A_1180, %add3A_1182 : vector<16xi32>
          %mul3A_1184 = arith.constant 1408 : i32
          %mul3A_1185 = arith.muli %rem3A_21, %mul3A_1184 : i32
          %add3A_1186 = arith.constant 1024 : i32
          %add3A_1187 = arith.addi %mul3A_1185, %add3A_1186 : i32
          %swap3A_1188 = arith.index_cast %add3A_1187 : i32 to index
          %swap3A_1189 = tpu.vector_load %arg13[%swap3A_1188] {strides = array<i32>} : memref<5632xi32, #tpu.memory_space<vmem>>, vector<16xi32>,
          tpu.vector_store %arg13[%swap3A_1188], %add3A_1183 {strides = array<i32>} : memref<5632xi32, #tpu.memory_space<vmem>>, vector<16xi32>,
          %xor3A_1190 = arith.xori %convert_element_type3A_1158, %mul3A_1166 : vector<16xi32>
          %xor3A_1191 = arith.xori %xor3A_1190, %add3A_1175 : vector<16xi32>
          %and3A_1192 = arith.constant 524287 : i32
          %and3A_1193 = vector.broadcast %and3A_1192 : i32 to vector<16xi32>
          %and3A_1194 = arith.andi %xor3A_1191, %and3A_1193 : vector<16xi32>
          %add3A_1195 = arith.constant 6815744 : i32
          %add3A_1196 = vector.broadcast %add3A_1195 : i32 to vector<16xi32>
          %add3A_1197 = arith.addi %and3A_1194, %add3A_1196 : vector<16xi32>
          %mul3A_1198 = arith.constant 1408 : i32
          %mul3A_1199 = arith.muli %rem3A_21, %mul3A_1198 : i32
          %add3A_1200 = arith.constant 1040 : i32
          %add3A_1201 = arith.addi %mul3A_1199, %add3A_1200 : i32
          %swap3A_1202 = arith.index_cast %add3A_1201 : i32 to index
          %swap3A_1203 = tpu.vector_load %arg13[%swap3A_1202] {strides = array<i32>} : memref<5632xi32, #tpu.memory_space<vmem>>, vector<16xi32>,
          tpu.vector_store %arg13[%swap3A_1202], %add3A_1197 {strides = array<i32>} : memref<5632xi32, #tpu.memory_space<vmem>>, vector<16xi32>,
          %xor3A_1204 = arith.xori %convert_element_type3A_1158, %add3A_1169 : vector<16xi32>
          %xor3A_1205 = arith.xori %xor3A_1204, %mul3A_1172 : vector<16xi32>
          %and3A_1206 = arith.constant 524287 : i32
          %and3A_1207 = vector.broadcast %and3A_1206 : i32 to vector<16xi32>
          %and3A_1208 = arith.andi %xor3A_1205, %and3A_1207 : vector<16xi32>
          %add3A_1209 = arith.constant 6815744 : i32
          %add3A_1210 = vector.broadcast %add3A_1209 : i32 to vector<16xi32>
          %add3A_1211 = arith.addi %and3A_1208, %add3A_1210 : vector<16xi32>
          %mul3A_1212 = arith.constant 1408 : i32
          %mul3A_1213 = arith.muli %rem3A_21, %mul3A_1212 : i32
          %add3A_1214 = arith.constant 1056 : i32
          %add3A_1215 = arith.addi %mul3A_1213, %add3A_1214 : i32
          %swap3A_1216 = arith.index_cast %add3A_1215 : i32 to index
          %swap3A_1217 = tpu.vector_load %arg13[%swap3A_1216] {strides = array<i32>} : memref<5632xi32, #tpu.memory_space<vmem>>, vector<16xi32>,
          tpu.vector_store %arg13[%swap3A_1216], %add3A_1211 {strides = array<i32>} : memref<5632xi32, #tpu.memory_space<vmem>>, vector<16xi32>,
          %xor3A_1218 = arith.xori %convert_element_type3A_1158, %add3A_1169 : vector<16xi32>
          %xor3A_1219 = arith.xori %xor3A_1218, %add3A_1175 : vector<16xi32>
          %and3A_1220 = arith.constant 524287 : i32
          %and3A_1221 = vector.broadcast %and3A_1220 : i32 to vector<16xi32>
          %and3A_1222 = arith.andi %xor3A_1219, %and3A_1221 : vector<16xi32>
          %add3A_1223 = arith.constant 6815744 : i32
          %add3A_1224 = vector.broadcast %add3A_1223 : i32 to vector<16xi32>
          %add3A_1225 = arith.addi %and3A_1222, %add3A_1224 : vector<16xi32>
          %mul3A_1226 = arith.constant 1408 : i32
          %mul3A_1227 = arith.muli %rem3A_21, %mul3A_1226 : i32
          %add3A_1228 = arith.constant 1072 : i32
          %add3A_1229 = arith.addi %mul3A_1227, %add3A_1228 : i32
          %swap3A_1230 = arith.index_cast %add3A_1229 : i32 to index
          %swap3A_1231 = tpu.vector_load %arg13[%swap3A_1230] {strides = array<i32>} : memref<5632xi32, #tpu.memory_space<vmem>>, vector<16xi32>,
          tpu.vector_store %arg13[%swap3A_1230], %add3A_1225 {strides = array<i32>} : memref<5632xi32, #tpu.memory_space<vmem>>, vector<16xi32>,
          %xor3A_1232 = arith.xori %add3A_1163, %mul3A_1166 : vector<16xi32>
          %xor3A_1233 = arith.xori %xor3A_1232, %mul3A_1172 : vector<16xi32>
          %and3A_1234 = arith.constant 524287 : i32
          %and3A_1235 = vector.broadcast %and3A_1234 : i32 to vector<16xi32>
          %and3A_1236 = arith.andi %xor3A_1233, %and3A_1235 : vector<16xi32>
          %add3A_1237 = arith.constant 6815744 : i32
          %add3A_1238 = vector.broadcast %add3A_1237 : i32 to vector<16xi32>
          %add3A_1239 = arith.addi %and3A_1236, %add3A_1238 : vector<16xi32>
          %mul3A_1240 = arith.constant 1408 : i32
          %mul3A_1241 = arith.muli %rem3A_21, %mul3A_1240 : i32
          %add3A_1242 = arith.constant 1088 : i32
          %add3A_1243 = arith.addi %mul3A_1241, %add3A_1242 : i32
          %swap3A_1244 = arith.index_cast %add3A_1243 : i32 to index
          %swap3A_1245 = tpu.vector_load %arg13[%swap3A_1244] {strides = array<i32>} : memref<5632xi32, #tpu.memory_space<vmem>>, vector<16xi32>,
          tpu.vector_store %arg13[%swap3A_1244], %add3A_1239 {strides = array<i32>} : memref<5632xi32, #tpu.memory_space<vmem>>, vector<16xi32>,
          %xor3A_1246 = arith.xori %add3A_1163, %mul3A_1166 : vector<16xi32>
          %xor3A_1247 = arith.xori %xor3A_1246, %add3A_1175 : vector<16xi32>
          %and3A_1248 = arith.constant 524287 : i32
          %and3A_1249 = vector.broadcast %and3A_1248 : i32 to vector<16xi32>
          %and3A_1250 = arith.andi %xor3A_1247, %and3A_1249 : vector<16xi32>
          %add3A_1251 = arith.constant 6815744 : i32
          %add3A_1252 = vector.broadcast %add3A_1251 : i32 to vector<16xi32>
          %add3A_1253 = arith.addi %and3A_1250, %add3A_1252 : vector<16xi32>
          %mul3A_1254 = arith.constant 1408 : i32
          %mul3A_1255 = arith.muli %rem3A_21, %mul3A_1254 : i32
          %add3A_1256 = arith.constant 1104 : i32
          %add3A_1257 = arith.addi %mul3A_1255, %add3A_1256 : i32
          %swap3A_1258 = arith.index_cast %add3A_1257 : i32 to index
          %swap3A_1259 = tpu.vector_load %arg13[%swap3A_1258] {strides = array<i32>} : memref<5632xi32, #tpu.memory_space<vmem>>, vector<16xi32>,
          tpu.vector_store %arg13[%swap3A_1258], %add3A_1253 {strides = array<i32>} : memref<5632xi32, #tpu.memory_space<vmem>>, vector<16xi32>,
          %xor3A_1260 = arith.xori %add3A_1163, %add3A_1169 : vector<16xi32>
          %xor3A_1261 = arith.xori %xor3A_1260, %mul3A_1172 : vector<16xi32>
          %and3A_1262 = arith.constant 524287 : i32
          %and3A_1263 = vector.broadcast %and3A_1262 : i32 to vector<16xi32>
          %and3A_1264 = arith.andi %xor3A_1261, %and3A_1263 : vector<16xi32>
          %add3A_1265 = arith.constant 6815744 : i32
          %add3A_1266 = vector.broadcast %add3A_1265 : i32 to vector<16xi32>
          %add3A_1267 = arith.addi %and3A_1264, %add3A_1266 : vector<16xi32>
          %mul3A_1268 = arith.constant 1408 : i32
          %mul3A_1269 = arith.muli %rem3A_21, %mul3A_1268 : i32
          %add3A_1270 = arith.constant 1120 : i32
          %add3A_1271 = arith.addi %mul3A_1269, %add3A_1270 : i32
          %swap3A_1272 = arith.index_cast %add3A_1271 : i32 to index
          %swap3A_1273 = tpu.vector_load %arg13[%swap3A_1272] {strides = array<i32>} : memref<5632xi32, #tpu.memory_space<vmem>>, vector<16xi32>,
          tpu.vector_store %arg13[%swap3A_1272], %add3A_1267 {strides = array<i32>} : memref<5632xi32, #tpu.memory_space<vmem>>, vector<16xi32>,
          %xor3A_1274 = arith.xori %add3A_1163, %add3A_1169 : vector<16xi32>
          %xor3A_1275 = arith.xori %xor3A_1274, %add3A_1175 : vector<16xi32>
          %and3A_1276 = arith.constant 524287 : i32
          %and3A_1277 = vector.broadcast %and3A_1276 : i32 to vector<16xi32>
          %and3A_1278 = arith.andi %xor3A_1275, %and3A_1277 : vector<16xi32>
          %add3A_1279 = arith.constant 6815744 : i32
          %add3A_1280 = vector.broadcast %add3A_1279 : i32 to vector<16xi32>
          %add3A_1281 = arith.addi %and3A_1278, %add3A_1280 : vector<16xi32>
          %mul3A_1282 = arith.constant 1408 : i32
          %mul3A_1283 = arith.muli %rem3A_21, %mul3A_1282 : i32
          %add3A_1284 = arith.constant 1136 : i32
          %add3A_1285 = arith.addi %mul3A_1283, %add3A_1284 : i32
          %swap3A_1286 = arith.index_cast %add3A_1285 : i32 to index
          %swap3A_1287 = tpu.vector_load %arg13[%swap3A_1286] {strides = array<i32>} : memref<5632xi32, #tpu.memory_space<vmem>>, vector<16xi32>,
          tpu.vector_store %arg13[%swap3A_1286], %add3A_1281 {strides = array<i32>} : memref<5632xi32, #tpu.memory_space<vmem>>, vector<16xi32>,
          %mul3A_1288 = arith.constant 3.276800e+04 : f32
          %mul3A_1289 = vector.broadcast %mul3A_1288 : f32 to vector<16xf32>
          %mul3A_1290 = arith.mulf %mul3A_33, %mul3A_1289 : vector<16xf32>
          %mul3A_1291 = arith.constant 3.276800e+04 : f32
          %mul3A_1292 = vector.broadcast %mul3A_1291 : f32 to vector<16xf32>
          %mul3A_1293 = arith.mulf %mul3A_36, %mul3A_1292 : vector<16xf32>
          %mul3A_1294 = arith.constant 3.276800e+04 : f32
          %mul3A_1295 = vector.broadcast %mul3A_1294 : f32 to vector<16xf32>
          %mul3A_1296 = arith.mulf %mul3A_39, %mul3A_1295 : vector<16xf32>
          %convert_element_type3A_1297 = arith.fptosi %mul3A_1290 : vector<16xf32> to vector<16xi32>
          %convert_element_type3A_1298 = arith.fptosi %mul3A_1293 : vector<16xf32> to vector<16xi32>
          %convert_element_type3A_1299 = arith.fptosi %mul3A_1296 : vector<16xf32> to vector<16xi32>
          %add3A_1300 = arith.constant 1 : i32
          %add3A_1301 = vector.broadcast %add3A_1300 : i32 to vector<16xi32>
          %add3A_1302 = arith.addi %convert_element_type3A_1297, %add3A_1301 : vector<16xi32>
          %mul3A_1303 = arith.constant -1640531535 : i32
          %mul3A_1304 = vector.broadcast %mul3A_1303 : i32 to vector<16xi32>
          %mul3A_1305 = arith.muli %convert_element_type3A_1298, %mul3A_1304 : vector<16xi32>
          %add3A_1306 = arith.constant -1640531535 : i32
          %add3A_1307 = vector.broadcast %add3A_1306 : i32 to vector<16xi32>
          %add3A_1308 = arith.addi %mul3A_1305, %add3A_1307 : vector<16xi32>
          %mul3A_1309 = arith.constant 805459861 : i32
          %mul3A_1310 = vector.broadcast %mul3A_1309 : i32 to vector<16xi32>
          %mul3A_1311 = arith.muli %convert_element_type3A_1299, %mul3A_1310 : vector<16xi32>
          %add3A_1312 = arith.constant 805459861 : i32
          %add3A_1313 = vector.broadcast %add3A_1312 : i32 to vector<16xi32>
          %add3A_1314 = arith.addi %mul3A_1311, %add3A_1313 : vector<16xi32>
          %xor3A_1315 = arith.xori %convert_element_type3A_1297, %mul3A_1305 : vector<16xi32>
          %xor3A_1316 = arith.xori %xor3A_1315, %mul3A_1311 : vector<16xi32>
          %and3A_1317 = arith.constant 524287 : i32
          %and3A_1318 = vector.broadcast %and3A_1317 : i32 to vector<16xi32>
          %and3A_1319 = arith.andi %xor3A_1316, %and3A_1318 : vector<16xi32>
          %add3A_1320 = arith.constant 7340032 : i32
          %add3A_1321 = vector.broadcast %add3A_1320 : i32 to vector<16xi32>
          %add3A_1322 = arith.addi %and3A_1319, %add3A_1321 : vector<16xi32>
          %mul3A_1323 = arith.constant 1408 : i32
          %mul3A_1324 = arith.muli %rem3A_21, %mul3A_1323 : i32
          %add3A_1325 = arith.constant 1152 : i32
          %add3A_1326 = arith.addi %mul3A_1324, %add3A_1325 : i32
          %swap3A_1327 = arith.index_cast %add3A_1326 : i32 to index
          %swap3A_1328 = tpu.vector_load %arg13[%swap3A_1327] {strides = array<i32>} : memref<5632xi32, #tpu.memory_space<vmem>>, vector<16xi32>,
          tpu.vector_store %arg13[%swap3A_1327], %add3A_1322 {strides = array<i32>} : memref<5632xi32, #tpu.memory_space<vmem>>, vector<16xi32>,
          %xor3A_1329 = arith.xori %convert_element_type3A_1297, %mul3A_1305 : vector<16xi32>
          %xor3A_1330 = arith.xori %xor3A_1329, %add3A_1314 : vector<16xi32>
          %and3A_1331 = arith.constant 524287 : i32
          %and3A_1332 = vector.broadcast %and3A_1331 : i32 to vector<16xi32>
          %and3A_1333 = arith.andi %xor3A_1330, %and3A_1332 : vector<16xi32>
          %add3A_1334 = arith.constant 7340032 : i32
          %add3A_1335 = vector.broadcast %add3A_1334 : i32 to vector<16xi32>
          %add3A_1336 = arith.addi %and3A_1333, %add3A_1335 : vector<16xi32>
          %mul3A_1337 = arith.constant 1408 : i32
          %mul3A_1338 = arith.muli %rem3A_21, %mul3A_1337 : i32
          %add3A_1339 = arith.constant 1168 : i32
          %add3A_1340 = arith.addi %mul3A_1338, %add3A_1339 : i32
          %swap3A_1341 = arith.index_cast %add3A_1340 : i32 to index
          %swap3A_1342 = tpu.vector_load %arg13[%swap3A_1341] {strides = array<i32>} : memref<5632xi32, #tpu.memory_space<vmem>>, vector<16xi32>,
          tpu.vector_store %arg13[%swap3A_1341], %add3A_1336 {strides = array<i32>} : memref<5632xi32, #tpu.memory_space<vmem>>, vector<16xi32>,
          %xor3A_1343 = arith.xori %convert_element_type3A_1297, %add3A_1308 : vector<16xi32>
          %xor3A_1344 = arith.xori %xor3A_1343, %mul3A_1311 : vector<16xi32>
          %and3A_1345 = arith.constant 524287 : i32
          %and3A_1346 = vector.broadcast %and3A_1345 : i32 to vector<16xi32>
          %and3A_1347 = arith.andi %xor3A_1344, %and3A_1346 : vector<16xi32>
          %add3A_1348 = arith.constant 7340032 : i32
          %add3A_1349 = vector.broadcast %add3A_1348 : i32 to vector<16xi32>
          %add3A_1350 = arith.addi %and3A_1347, %add3A_1349 : vector<16xi32>
          %mul3A_1351 = arith.constant 1408 : i32
          %mul3A_1352 = arith.muli %rem3A_21, %mul3A_1351 : i32
          %add3A_1353 = arith.constant 1184 : i32
          %add3A_1354 = arith.addi %mul3A_1352, %add3A_1353 : i32
          %swap3A_1355 = arith.index_cast %add3A_1354 : i32 to index
          %swap3A_1356 = tpu.vector_load %arg13[%swap3A_1355] {strides = array<i32>} : memref<5632xi32, #tpu.memory_space<vmem>>, vector<16xi32>,
          tpu.vector_store %arg13[%swap3A_1355], %add3A_1350 {strides = array<i32>} : memref<5632xi32, #tpu.memory_space<vmem>>, vector<16xi32>,
          %xor3A_1357 = arith.xori %convert_element_type3A_1297, %add3A_1308 : vector<16xi32>
          %xor3A_1358 = arith.xori %xor3A_1357, %add3A_1314 : vector<16xi32>
          %and3A_1359 = arith.constant 524287 : i32
          %and3A_1360 = vector.broadcast %and3A_1359 : i32 to vector<16xi32>
          %and3A_1361 = arith.andi %xor3A_1358, %and3A_1360 : vector<16xi32>
          %add3A_1362 = arith.constant 7340032 : i32
          %add3A_1363 = vector.broadcast %add3A_1362 : i32 to vector<16xi32>
          %add3A_1364 = arith.addi %and3A_1361, %add3A_1363 : vector<16xi32>
          %mul3A_1365 = arith.constant 1408 : i32
          %mul3A_1366 = arith.muli %rem3A_21, %mul3A_1365 : i32
          %add3A_1367 = arith.constant 1200 : i32
          %add3A_1368 = arith.addi %mul3A_1366, %add3A_1367 : i32
          %swap3A_1369 = arith.index_cast %add3A_1368 : i32 to index
          %swap3A_1370 = tpu.vector_load %arg13[%swap3A_1369] {strides = array<i32>} : memref<5632xi32, #tpu.memory_space<vmem>>, vector<16xi32>,
          tpu.vector_store %arg13[%swap3A_1369], %add3A_1364 {strides = array<i32>} : memref<5632xi32, #tpu.memory_space<vmem>>, vector<16xi32>,
          %xor3A_1371 = arith.xori %add3A_1302, %mul3A_1305 : vector<16xi32>
          %xor3A_1372 = arith.xori %xor3A_1371, %mul3A_1311 : vector<16xi32>
          %and3A_1373 = arith.constant 524287 : i32
          %and3A_1374 = vector.broadcast %and3A_1373 : i32 to vector<16xi32>
          %and3A_1375 = arith.andi %xor3A_1372, %and3A_1374 : vector<16xi32>
          %add3A_1376 = arith.constant 7340032 : i32
          %add3A_1377 = vector.broadcast %add3A_1376 : i32 to vector<16xi32>
          %add3A_1378 = arith.addi %and3A_1375, %add3A_1377 : vector<16xi32>
          %mul3A_1379 = arith.constant 1408 : i32
          %mul3A_1380 = arith.muli %rem3A_21, %mul3A_1379 : i32
          %add3A_1381 = arith.constant 1216 : i32
          %add3A_1382 = arith.addi %mul3A_1380, %add3A_1381 : i32
          %swap3A_1383 = arith.index_cast %add3A_1382 : i32 to index
          %swap3A_1384 = tpu.vector_load %arg13[%swap3A_1383] {strides = array<i32>} : memref<5632xi32, #tpu.memory_space<vmem>>, vector<16xi32>,
          tpu.vector_store %arg13[%swap3A_1383], %add3A_1378 {strides = array<i32>} : memref<5632xi32, #tpu.memory_space<vmem>>, vector<16xi32>,
          %xor3A_1385 = arith.xori %add3A_1302, %mul3A_1305 : vector<16xi32>
          %xor3A_1386 = arith.xori %xor3A_1385, %add3A_1314 : vector<16xi32>
          %and3A_1387 = arith.constant 524287 : i32
          %and3A_1388 = vector.broadcast %and3A_1387 : i32 to vector<16xi32>
          %and3A_1389 = arith.andi %xor3A_1386, %and3A_1388 : vector<16xi32>
          %add3A_1390 = arith.constant 7340032 : i32
          %add3A_1391 = vector.broadcast %add3A_1390 : i32 to vector<16xi32>
          %add3A_1392 = arith.addi %and3A_1389, %add3A_1391 : vector<16xi32>
          %mul3A_1393 = arith.constant 1408 : i32
          %mul3A_1394 = arith.muli %rem3A_21, %mul3A_1393 : i32
          %add3A_1395 = arith.constant 1232 : i32
          %add3A_1396 = arith.addi %mul3A_1394, %add3A_1395 : i32
          %swap3A_1397 = arith.index_cast %add3A_1396 : i32 to index
          %swap3A_1398 = tpu.vector_load %arg13[%swap3A_1397] {strides = array<i32>} : memref<5632xi32, #tpu.memory_space<vmem>>, vector<16xi32>,
          tpu.vector_store %arg13[%swap3A_1397], %add3A_1392 {strides = array<i32>} : memref<5632xi32, #tpu.memory_space<vmem>>, vector<16xi32>,
          %xor3A_1399 = arith.xori %add3A_1302, %add3A_1308 : vector<16xi32>
          %xor3A_1400 = arith.xori %xor3A_1399, %mul3A_1311 : vector<16xi32>
          %and3A_1401 = arith.constant 524287 : i32
          %and3A_1402 = vector.broadcast %and3A_1401 : i32 to vector<16xi32>
          %and3A_1403 = arith.andi %xor3A_1400, %and3A_1402 : vector<16xi32>
          %add3A_1404 = arith.constant 7340032 : i32
          %add3A_1405 = vector.broadcast %add3A_1404 : i32 to vector<16xi32>
          %add3A_1406 = arith.addi %and3A_1403, %add3A_1405 : vector<16xi32>
          %mul3A_1407 = arith.constant 1408 : i32
          %mul3A_1408 = arith.muli %rem3A_21, %mul3A_1407 : i32
          %add3A_1409 = arith.constant 1248 : i32
          %add3A_1410 = arith.addi %mul3A_1408, %add3A_1409 : i32
          %swap3A_1411 = arith.index_cast %add3A_1410 : i32 to index
          %swap3A_1412 = tpu.vector_load %arg13[%swap3A_1411] {strides = array<i32>} : memref<5632xi32, #tpu.memory_space<vmem>>, vector<16xi32>,
          tpu.vector_store %arg13[%swap3A_1411], %add3A_1406 {strides = array<i32>} : memref<5632xi32, #tpu.memory_space<vmem>>, vector<16xi32>,
          %xor3A_1413 = arith.xori %add3A_1302, %add3A_1308 : vector<16xi32>
          %xor3A_1414 = arith.xori %xor3A_1413, %add3A_1314 : vector<16xi32>
          %and3A_1415 = arith.constant 524287 : i32
          %and3A_1416 = vector.broadcast %and3A_1415 : i32 to vector<16xi32>
          %and3A_1417 = arith.andi %xor3A_1414, %and3A_1416 : vector<16xi32>
          %add3A_1418 = arith.constant 7340032 : i32
          %add3A_1419 = vector.broadcast %add3A_1418 : i32 to vector<16xi32>
          %add3A_1420 = arith.addi %and3A_1417, %add3A_1419 : vector<16xi32>
          %mul3A_1421 = arith.constant 1408 : i32
          %mul3A_1422 = arith.muli %rem3A_21, %mul3A_1421 : i32
          %add3A_1423 = arith.constant 1264 : i32
          %add3A_1424 = arith.addi %mul3A_1422, %add3A_1423 : i32
          %swap3A_1425 = arith.index_cast %add3A_1424 : i32 to index
          %swap3A_1426 = tpu.vector_load %arg13[%swap3A_1425] {strides = array<i32>} : memref<5632xi32, #tpu.memory_space<vmem>>, vector<16xi32>,
          tpu.vector_store %arg13[%swap3A_1425], %add3A_1420 {strides = array<i32>} : memref<5632xi32, #tpu.memory_space<vmem>>, vector<16xi32>,
          %mul3A_1427 = arith.constant 6.553600e+04 : f32
          %mul3A_1428 = vector.broadcast %mul3A_1427 : f32 to vector<16xf32>
          %mul3A_1429 = arith.mulf %mul3A_33, %mul3A_1428 : vector<16xf32>
          %mul3A_1430 = arith.constant 6.553600e+04 : f32
          %mul3A_1431 = vector.broadcast %mul3A_1430 : f32 to vector<16xf32>
          %mul3A_1432 = arith.mulf %mul3A_36, %mul3A_1431 : vector<16xf32>
          %mul3A_1433 = arith.constant 6.553600e+04 : f32
          %mul3A_1434 = vector.broadcast %mul3A_1433 : f32 to vector<16xf32>
          %mul3A_1435 = arith.mulf %mul3A_39, %mul3A_1434 : vector<16xf32>
          %convert_element_type3A_1436 = arith.fptosi %mul3A_1429 : vector<16xf32> to vector<16xi32>
          %convert_element_type3A_1437 = arith.fptosi %mul3A_1432 : vector<16xf32> to vector<16xi32>
          %convert_element_type3A_1438 = arith.fptosi %mul3A_1435 : vector<16xf32> to vector<16xi32>
          %add3A_1439 = arith.constant 1 : i32
          %add3A_1440 = vector.broadcast %add3A_1439 : i32 to vector<16xi32>
          %add3A_1441 = arith.addi %convert_element_type3A_1436, %add3A_1440 : vector<16xi32>
          %mul3A_1442 = arith.constant -1640531535 : i32
          %mul3A_1443 = vector.broadcast %mul3A_1442 : i32 to vector<16xi32>
          %mul3A_1444 = arith.muli %convert_element_type3A_1437, %mul3A_1443 : vector<16xi32>
          %add3A_1445 = arith.constant -1640531535 : i32
          %add3A_1446 = vector.broadcast %add3A_1445 : i32 to vector<16xi32>
          %add3A_1447 = arith.addi %mul3A_1444, %add3A_1446 : vector<16xi32>
          %mul3A_1448 = arith.constant 805459861 : i32
          %mul3A_1449 = vector.broadcast %mul3A_1448 : i32 to vector<16xi32>
          %mul3A_1450 = arith.muli %convert_element_type3A_1438, %mul3A_1449 : vector<16xi32>
          %add3A_1451 = arith.constant 805459861 : i32
          %add3A_1452 = vector.broadcast %add3A_1451 : i32 to vector<16xi32>
          %add3A_1453 = arith.addi %mul3A_1450, %add3A_1452 : vector<16xi32>
          %xor3A_1454 = arith.xori %convert_element_type3A_1436, %mul3A_1444 : vector<16xi32>
          %xor3A_1455 = arith.xori %xor3A_1454, %mul3A_1450 : vector<16xi32>
          %and3A_1456 = arith.constant 524287 : i32
          %and3A_1457 = vector.broadcast %and3A_1456 : i32 to vector<16xi32>
          %and3A_1458 = arith.andi %xor3A_1455, %and3A_1457 : vector<16xi32>
          %add3A_1459 = arith.constant 7864320 : i32
          %add3A_1460 = vector.broadcast %add3A_1459 : i32 to vector<16xi32>
          %add3A_1461 = arith.addi %and3A_1458, %add3A_1460 : vector<16xi32>
          %mul3A_1462 = arith.constant 1408 : i32
          %mul3A_1463 = arith.muli %rem3A_21, %mul3A_1462 : i32
          %add3A_1464 = arith.constant 1280 : i32
          %add3A_1465 = arith.addi %mul3A_1463, %add3A_1464 : i32
          %swap3A_1466 = arith.index_cast %add3A_1465 : i32 to index
          %swap3A_1467 = tpu.vector_load %arg13[%swap3A_1466] {strides = array<i32>} : memref<5632xi32, #tpu.memory_space<vmem>>, vector<16xi32>,
          tpu.vector_store %arg13[%swap3A_1466], %add3A_1461 {strides = array<i32>} : memref<5632xi32, #tpu.memory_space<vmem>>, vector<16xi32>,
          %xor3A_1468 = arith.xori %convert_element_type3A_1436, %mul3A_1444 : vector<16xi32>
          %xor3A_1469 = arith.xori %xor3A_1468, %add3A_1453 : vector<16xi32>
          %and3A_1470 = arith.constant 524287 : i32
          %and3A_1471 = vector.broadcast %and3A_1470 : i32 to vector<16xi32>
          %and3A_1472 = arith.andi %xor3A_1469, %and3A_1471 : vector<16xi32>
          %add3A_1473 = arith.constant 7864320 : i32
          %add3A_1474 = vector.broadcast %add3A_1473 : i32 to vector<16xi32>
          %add3A_1475 = arith.addi %and3A_1472, %add3A_1474 : vector<16xi32>
          %mul3A_1476 = arith.constant 1408 : i32
          %mul3A_1477 = arith.muli %rem3A_21, %mul3A_1476 : i32
          %add3A_1478 = arith.constant 1296 : i32
          %add3A_1479 = arith.addi %mul3A_1477, %add3A_1478 : i32
          %swap3A_1480 = arith.index_cast %add3A_1479 : i32 to index
          %swap3A_1481 = tpu.vector_load %arg13[%swap3A_1480] {strides = array<i32>} : memref<5632xi32, #tpu.memory_space<vmem>>, vector<16xi32>,
          tpu.vector_store %arg13[%swap3A_1480], %add3A_1475 {strides = array<i32>} : memref<5632xi32, #tpu.memory_space<vmem>>, vector<16xi32>,
          %xor3A_1482 = arith.xori %convert_element_type3A_1436, %add3A_1447 : vector<16xi32>
          %xor3A_1483 = arith.xori %xor3A_1482, %mul3A_1450 : vector<16xi32>
          %and3A_1484 = arith.constant 524287 : i32
          %and3A_1485 = vector.broadcast %and3A_1484 : i32 to vector<16xi32>
          %and3A_1486 = arith.andi %xor3A_1483, %and3A_1485 : vector<16xi32>
          %add3A_1487 = arith.constant 7864320 : i32
          %add3A_1488 = vector.broadcast %add3A_1487 : i32 to vector<16xi32>
          %add3A_1489 = arith.addi %and3A_1486, %add3A_1488 : vector<16xi32>
          %mul3A_1490 = arith.constant 1408 : i32
          %mul3A_1491 = arith.muli %rem3A_21, %mul3A_1490 : i32
          %add3A_1492 = arith.constant 1312 : i32
          %add3A_1493 = arith.addi %mul3A_1491, %add3A_1492 : i32
          %swap3A_1494 = arith.index_cast %add3A_1493 : i32 to index
          %swap3A_1495 = tpu.vector_load %arg13[%swap3A_1494] {strides = array<i32>} : memref<5632xi32, #tpu.memory_space<vmem>>, vector<16xi32>,
          tpu.vector_store %arg13[%swap3A_1494], %add3A_1489 {strides = array<i32>} : memref<5632xi32, #tpu.memory_space<vmem>>, vector<16xi32>,
          %xor3A_1496 = arith.xori %convert_element_type3A_1436, %add3A_1447 : vector<16xi32>
          %xor3A_1497 = arith.xori %xor3A_1496, %add3A_1453 : vector<16xi32>
          %and3A_1498 = arith.constant 524287 : i32
          %and3A_1499 = vector.broadcast %and3A_1498 : i32 to vector<16xi32>
          %and3A_1500 = arith.andi %xor3A_1497, %and3A_1499 : vector<16xi32>
          %add3A_1501 = arith.constant 7864320 : i32
          %add3A_1502 = vector.broadcast %add3A_1501 : i32 to vector<16xi32>
          %add3A_1503 = arith.addi %and3A_1500, %add3A_1502 : vector<16xi32>
          %mul3A_1504 = arith.constant 1408 : i32
          %mul3A_1505 = arith.muli %rem3A_21, %mul3A_1504 : i32
          %add3A_1506 = arith.constant 1328 : i32
          %add3A_1507 = arith.addi %mul3A_1505, %add3A_1506 : i32
          %swap3A_1508 = arith.index_cast %add3A_1507 : i32 to index
          %swap3A_1509 = tpu.vector_load %arg13[%swap3A_1508] {strides = array<i32>} : memref<5632xi32, #tpu.memory_space<vmem>>, vector<16xi32>,
          tpu.vector_store %arg13[%swap3A_1508], %add3A_1503 {strides = array<i32>} : memref<5632xi32, #tpu.memory_space<vmem>>, vector<16xi32>,
          %xor3A_1510 = arith.xori %add3A_1441, %mul3A_1444 : vector<16xi32>
          %xor3A_1511 = arith.xori %xor3A_1510, %mul3A_1450 : vector<16xi32>
          %and3A_1512 = arith.constant 524287 : i32
          %and3A_1513 = vector.broadcast %and3A_1512 : i32 to vector<16xi32>
          %and3A_1514 = arith.andi %xor3A_1511, %and3A_1513 : vector<16xi32>
          %add3A_1515 = arith.constant 7864320 : i32
          %add3A_1516 = vector.broadcast %add3A_1515 : i32 to vector<16xi32>
          %add3A_1517 = arith.addi %and3A_1514, %add3A_1516 : vector<16xi32>
          %mul3A_1518 = arith.constant 1408 : i32
          %mul3A_1519 = arith.muli %rem3A_21, %mul3A_1518 : i32
          %add3A_1520 = arith.constant 1344 : i32
          %add3A_1521 = arith.addi %mul3A_1519, %add3A_1520 : i32
          %swap3A_1522 = arith.index_cast %add3A_1521 : i32 to index
          %swap3A_1523 = tpu.vector_load %arg13[%swap3A_1522] {strides = array<i32>} : memref<5632xi32, #tpu.memory_space<vmem>>, vector<16xi32>,
          tpu.vector_store %arg13[%swap3A_1522], %add3A_1517 {strides = array<i32>} : memref<5632xi32, #tpu.memory_space<vmem>>, vector<16xi32>,
          %xor3A_1524 = arith.xori %add3A_1441, %mul3A_1444 : vector<16xi32>
          %xor3A_1525 = arith.xori %xor3A_1524, %add3A_1453 : vector<16xi32>
          %and3A_1526 = arith.constant 524287 : i32
          %and3A_1527 = vector.broadcast %and3A_1526 : i32 to vector<16xi32>
          %and3A_1528 = arith.andi %xor3A_1525, %and3A_1527 : vector<16xi32>
          %add3A_1529 = arith.constant 7864320 : i32
          %add3A_1530 = vector.broadcast %add3A_1529 : i32 to vector<16xi32>
          %add3A_1531 = arith.addi %and3A_1528, %add3A_1530 : vector<16xi32>
          %mul3A_1532 = arith.constant 1408 : i32
          %mul3A_1533 = arith.muli %rem3A_21, %mul3A_1532 : i32
          %add3A_1534 = arith.constant 1360 : i32
          %add3A_1535 = arith.addi %mul3A_1533, %add3A_1534 : i32
          %swap3A_1536 = arith.index_cast %add3A_1535 : i32 to index
          %swap3A_1537 = tpu.vector_load %arg13[%swap3A_1536] {strides = array<i32>} : memref<5632xi32, #tpu.memory_space<vmem>>, vector<16xi32>,
          tpu.vector_store %arg13[%swap3A_1536], %add3A_1531 {strides = array<i32>} : memref<5632xi32, #tpu.memory_space<vmem>>, vector<16xi32>,
          %xor3A_1538 = arith.xori %add3A_1441, %add3A_1447 : vector<16xi32>
          %xor3A_1539 = arith.xori %xor3A_1538, %mul3A_1450 : vector<16xi32>
          %and3A_1540 = arith.constant 524287 : i32
          %and3A_1541 = vector.broadcast %and3A_1540 : i32 to vector<16xi32>
          %and3A_1542 = arith.andi %xor3A_1539, %and3A_1541 : vector<16xi32>
          %add3A_1543 = arith.constant 7864320 : i32
          %add3A_1544 = vector.broadcast %add3A_1543 : i32 to vector<16xi32>
          %add3A_1545 = arith.addi %and3A_1542, %add3A_1544 : vector<16xi32>
          %mul3A_1546 = arith.constant 1408 : i32
          %mul3A_1547 = arith.muli %rem3A_21, %mul3A_1546 : i32
          %add3A_1548 = arith.constant 1376 : i32
          %add3A_1549 = arith.addi %mul3A_1547, %add3A_1548 : i32
          %swap3A_1550 = arith.index_cast %add3A_1549 : i32 to index
          %swap3A_1551 = tpu.vector_load %arg13[%swap3A_1550] {strides = array<i32>} : memref<5632xi32, #tpu.memory_space<vmem>>, vector<16xi32>,
          tpu.vector_store %arg13[%swap3A_1550], %add3A_1545 {strides = array<i32>} : memref<5632xi32, #tpu.memory_space<vmem>>, vector<16xi32>,
          %xor3A_1552 = arith.xori %add3A_1441, %add3A_1447 : vector<16xi32>
          %xor3A_1553 = arith.xori %xor3A_1552, %add3A_1453 : vector<16xi32>
          %and3A_1554 = arith.constant 524287 : i32
          %and3A_1555 = vector.broadcast %and3A_1554 : i32 to vector<16xi32>
          %and3A_1556 = arith.andi %xor3A_1553, %and3A_1555 : vector<16xi32>
          %add3A_1557 = arith.constant 7864320 : i32
          %add3A_1558 = vector.broadcast %add3A_1557 : i32 to vector<16xi32>
          %add3A_1559 = arith.addi %and3A_1556, %add3A_1558 : vector<16xi32>
          %mul3A_1560 = arith.constant 1408 : i32
          %mul3A_1561 = arith.muli %rem3A_21, %mul3A_1560 : i32
          %add3A_1562 = arith.constant 1392 : i32
          %add3A_1563 = arith.addi %mul3A_1561, %add3A_1562 : i32
          %swap3A_1564 = arith.index_cast %add3A_1563 : i32 to index
          %swap3A_1565 = tpu.vector_load %arg13[%swap3A_1564] {strides = array<i32>} : memref<5632xi32, #tpu.memory_space<vmem>>, vector<16xi32>,
          tpu.vector_store %arg13[%swap3A_1564], %add3A_1559 {strides = array<i32>} : memref<5632xi32, #tpu.memory_space<vmem>>, vector<16xi32>,
          %mul3A_1566 = arith.constant 1408 : i32
          %mul3A_1567 = arith.muli %rem3A_21, %mul3A_1566 : i32
          %mul3A_1568 = arith.constant 1408 : i32
          %mul3A_1569 = arith.muli %rem3A_21, %mul3A_1568 : i32
          %dma_start3A = tpu.memref_slice %arg14[%mul3A_1569] : memref<5632xi32, #tpu.memory_space<vmem>> -> memref<1408xi32, #tpu.memory_space<vmem>>
          %dma_start3A_1570 = tpu.memref_slice %arg13[%mul3A_1567] : memref<5632xi32, #tpu.memory_space<vmem>> -> memref<1408xi32, #tpu.memory_space<vmem>>
          %dma_start3A_1571 = arith.constant 0 : i32
          %dma_start3A_1572 = tpu.memref_slice %arg6[%dma_start3A_1571] : memref<8388608xi32, #tpu.memory_space<hbm>> -> memref<8388608xi32, #tpu.memory_space<hbm>>
          tpu.enqueue_indirect_dma source(%dma_start3A_1572 : memref<8388608xi32, #tpu.memory_space<hbm>>) target(%dma_start3A : memref<1408xi32, #tpu.memory_space<vmem>>) offsets(%dma_start3A_1570 : memref<1408xi32, #tpu.memory_space<vmem>>) semaphore(%arg17 : memref<!tpu.dma_semaphore, #tpu.memory_space<semaphore_mem>>)
        } else {
        }
      }
      %scan3A_17 = arith.constant 68 : i32
      %mul3A_18 = arith.constant 32 : i32
      %mul3A_19 = arith.muli %add3A_11, %mul3A_18 : i32
      "tpu.region"() ({
        %run_scoped3A = tpu.sem_alloc : memref<!tpu.dma_semaphore, #tpu.memory_space<semaphore_mem>>
        %dma_start3A = tpu.memref_slice %arg8[%mul3A_19] : memref<8388608xf32, #tpu.memory_space<hbm>> -> memref<32768xf32, #tpu.memory_space<hbm>>
        %dma_start3A_20 = tpu.memref_slice %arg8[%mul3A_19] : memref<8388608xf32, #tpu.memory_space<hbm>> -> memref<32768xf32, #tpu.memory_space<hbm>>
        tpu.enqueue_dma source(%arg15 : memref<32768xf32, #tpu.memory_space<vmem>>) target(%dma_start3A_20 : memref<32768xf32, #tpu.memory_space<hbm>>) target_semaphore(%run_scoped3A : memref<!tpu.dma_semaphore, #tpu.memory_space<semaphore_mem>>)
        %dma_wait3A = tpu.memref_slice %arg8[%mul3A_19] : memref<8388608xf32, #tpu.memory_space<hbm>> -> memref<32768xf32, #tpu.memory_space<hbm>>
        %dma_wait3A_21 = tpu.memref_slice %arg8[%mul3A_19] : memref<8388608xf32, #tpu.memory_space<hbm>> -> memref<32768xf32, #tpu.memory_space<hbm>>
        tpu.wait_dma2 semaphore(%run_scoped3A : memref<!tpu.dma_semaphore, #tpu.memory_space<semaphore_mem>>) src(%arg15 : memref<32768xf32, #tpu.memory_space<vmem>>) dst(%dma_wait3A_21 : memref<32768xf32, #tpu.memory_space<hbm>>)
        tpu.yield
      }) : () -> ()
    }
    %scan3A_5 = arith.constant 8 : i32
    return
  }
}

</mosaic_0001>

<sc_bundles>
// kernel: _encode.3.cloned.1.call-start
scs
__scs_entry_jumppad:
0x0: {  	(pc) =	sbr.rel $0x88, $3  }
0x1: {  	(tag) =	ssettag $0x0;
	lr =	simm.s32 $0x1  }
0x2: {  	[smem:$0x3F9B] =	sst lr;
	_ =	strace $0xD0000000  }
0x3: {  	_ = 	snop  }
0x4: {  	_ = 	snop  }
0x5: {  	_ = 	snop  }
0x6: {  	_ = 	snop  }
0x7: {  	_ = 	snop  }
__scs_overlays_trampoline_lowered:
0x8: {  	[smem:$0x3FAA] =	sst s0  }
0x9: {  	[smem:$0x3FAB] =	sst s1  }
0xa: {  	[smem:$0x3FAC] =	sst s2  }
0xb: {  	[smem:$0x3FAD] =	sst s3  }
0xc: {  	[smem:$0x3FAE] =	sst s4  }
0xd: {  	[smem:$0x3FAF] =	sst s5  }
0xe: {  	[smem:$0x3FB0] =	sst s6  }
0xf: {  	[smem:$0x3FB1] =	sst s7  }
0x10: {  	[smem:$0x3FB2] =	sst s8  }
0x11: {  	[smem:$0x3FB3] =	sst s9;
	s0 =	simm.s32 @!p0 $0x0  }
0x12: {  	s1 =	sld [smem:$0x3F99];
	s0 =	simm.s32 @p0 $0x1  }
0x13: {  	[smem:$0x3FB4] =	sst s0;
	s0 =	simm.s32 @!p1 $0x0  }
0x14: {  	s2 =	sld [smem:$0x3F98];
	s0 =	simm.s32 @p1 $0x1  }
0x15: {  	[smem:$0x3FB5] =	sst s0;
	s0 =	simm.s32 @!p2 $0x0  }
0x16: {  	s3 =	sld [smem:$0x3FDB];
	s0 =	simm.s32 @p2 $0x1  }
0x17: {  	s4 =	simm.s32 $0x1BF5;
	[smem:$0x3FB7] =	sst s0  }
0x18: {  	s0 =	sld [smem:$0x3F9A];
	_ =	swait.ge [sflag:s4], $0x0  }
0x19: {  	s7 =	sld [smem:$0x3F9B]  }
0x1a: {  	s8 =	sadd.s32 $0xFFFFE003, lr  }
0x1b: {  	s9 =	sadd.s32 $0xFFFFFEF7, lr;
	s5 =	simm.s32 $0xFFFFFFFF;
	p2 =	slt.u32 s8, $0xFFFFF086  }
0x1c: {  	p1 =	slt.u32 s9, $0xF7A;
	s5 =	simm.s32 @!p2 $0x0  }
0x1d: {  	s5 =	simm.s32 @p1 $0x1;
	p0 =	seq.s32 s7, s2  }
0x1e: {  	s7 =	smul.u32 @!p0 $0xF7A, s2;
	p2 =	seq.s32 @!p0 s5, $0x0  }
0x1f: {  	s9 =	smul.u32 $0xF7A, s1;
	s8 =	simm.s32 @!p0 $0x1BF5;
	p2 =	por !p2, p0  }
0x20: {  	[sflag:s8] =	ssyncset.s32 @!p0 $0xFFFFF086;
	s6 =	sadd.s32 @!p0 s3, s7;
	s7 =	simm.s32 @!p0 $0x108  }
0x21: {  	s3 =	sadd.s32 s3, s9;
	s6 =	sadd.s32 @!p0 $0x88, s6;
	s7 =	simm.s32 @p2 $0x1082  }
0x22: {  	[simem:s7], [sflag:s8] =	dma.local @!p0 [hbm:s6], $0xF7A  }
0x23: {  	s9 =	sor.u32 $0xD0000000, s2;
	s6 =	simm.s32 $0x108;
	_ =	swait.ge @!p0 [sflag:s8], $0x0  }
0x24: {  	s3 =	sadd.s32 $0x88, s3;
	s6 =	simm.s32 @!p1 $0x1082;
	[sflag:s4] =	ssyncset.s32 $0xFFFFF086  }
0x25: {  	[simem:s6], [sflag:s4] =	dma.local [hbm:s3], $0xF7A  }
0x26: {  	[smem:$0x3F9B] =	sst s1;
	(tag) =	ssettag s2;
	_ =	strace s9  }
0x27: {  	s1 =	sld [smem:$0x3FAB]  }
0x28: {  	s2 =	sld [smem:$0x3FAC]  }
0x29: {  	s4 =	sld [smem:$0x3FAE]  }
0x2a: {  	p0 =	seq.s32 s5, $0x0;
	s5 =	sld [smem:$0x3FAF]  }
0x2b: {  	s6 =	sld [smem:$0x3FB0]  }
0x2c: {  	s7 =	sld [smem:$0x3FB1]  }
0x2d: {  	s3 =	simm.s32 $0x108;
	s8 =	sld [smem:$0x3FB2]  }
0x2e: {  	s3 =	simm.s32 @!p0 $0x1082;
	s9 =	sld [smem:$0x3FB3]  }
0x2f: {  	lr =	sadd.s32 s0, s3;
	s0 =	sld [smem:$0x3FAA]  }
0x30: {  	s3 =	sld [smem:$0x3FAD]  }
0x31: {  	[smem:$0x3FB6] =	sst s10  }
0x32: {  	s10 =	sld [smem:$0x3FB4];
	_ =	sdelay $0x3  }
0x33: {  	p0 =	seq.s32 s10, $0x1;
	s10 =	sld [smem:$0x3FB6];
	_ =	sdelay $0x3  }
0x34: {  	[smem:$0x3FB6] =	sst s10  }
0x35: {  	s10 =	sld [smem:$0x3FB5];
	_ =	sdelay $0x3  }
0x36: {  	p1 =	seq.s32 s10, $0x1;
	s10 =	sld [smem:$0x3FB6];
	_ =	sdelay $0x3  }
0x37: {  	[smem:$0x3FB6] =	sst s10  }
0x38: {  	s10 =	sld [smem:$0x3FB7]  }
0x39: {  	_ = 	snop;
	(pc) =	sbr.ind lr, $3  }
0x3a: {  	_ = 	snop  }
0x3b: {  	_ = 	snop  }
0x3c: {  	p2 =	seq.s32 s10, $0x1;
	s10 =	sld [smem:$0x3FB6]  }
0x3d: {  	_ =	shalt  }
0x3e: {  	_ =	shalt  }
0x3f: {  	_ =	shalt  }
0x40: {  	_ =	shalt  }
0x41: {  	_ =	shalt  }
0x42: {  	_ =	shalt  }
0x43: {  	_ =	shalt  }
0x44: {  	_ =	shalt  }
0x45: {  	_ =	shalt  }
0x46: {  	_ =	shalt  }
0x47: {  	_ =	shalt  }
0x48: {  	_ =	shalt  }
0x49: {  	_ =	shalt  }
0x4a: {  	_ =	shalt  }
0x4b: {  	_ =	shalt  }
0x4c: {  	_ =	shalt  }
0x4d: {  	_ =	shalt  }
0x4e: {  	_ =	shalt  }
0x4f: {  	_ =	shalt  }
0x50: {  	_ =	shalt  }
0x51: {  	_ =	shalt  }
0x52: {  	_ =	shalt  }
0x53: {  	_ =	shalt  }
0x54: {  	_ =	shalt  }
0x55: {  	_ =	shalt  }
0x56: {  	_ =	shalt  }
0x57: {  	_ =	shalt  }
0x58: {  	_ =	shalt  }
0x59: {  	_ =	shalt  }
0x5a: {  	_ =	shalt  }
0x5b: {  	_ =	shalt  }
0x5c: {  	_ =	shalt  }
0x5d: {  	_ =	shalt  }
0x5e: {  	_ =	shalt  }
0x5f: {  	_ =	shalt  }
0x60: {  	_ =	shalt  }
0x61: {  	_ =	shalt  }
0x62: {  	_ =	shalt  }
0x63: {  	_ =	shalt  }
0x64: {  	_ =	shalt  }
0x65: {  	_ =	shalt  }
0x66: {  	_ =	shalt  }
0x67: {  	_ =	shalt  }
0x68: {  	_ =	shalt  }
0x69: {  	_ =	shalt  }
0x6a: {  	_ =	shalt  }
0x6b: {  	_ =	shalt  }
0x6c: {  	_ =	shalt  }
0x6d: {  	_ =	shalt  }
0x6e: {  	_ =	shalt  }
0x6f: {  	_ =	shalt  }
0x70: {  	_ =	shalt  }
0x71: {  	_ =	shalt  }
0x72: {  	_ =	shalt  }
0x73: {  	_ =	shalt  }
0x74: {  	_ =	shalt  }
0x75: {  	_ =	shalt  }
0x76: {  	_ =	shalt  }
0x77: {  	_ =	shalt  }
0x78: {  	_ =	shalt  }
0x79: {  	_ =	shalt  }
0x7a: {  	_ =	shalt  }
0x7b: {  	_ =	shalt  }
0x7c: {  	_ =	shalt  }
0x7d: {  	_ =	shalt  }
0x7e: {  	_ =	shalt  }
0x7f: {  	_ =	shalt  }
0x80: {  	_ =	shalt  }
0x81: {  	_ =	shalt  }
0x82: {  	_ =	shalt  }
0x83: {  	_ =	shalt  }
0x84: {  	_ =	shalt  }
0x85: {  	_ =	shalt  }
0x86: {  	_ =	shalt  }
0x87: {  	_ =	shalt  }
.Lfunc_end0:
.L_simem_size_0:
called_computation.1_lowered:
.L_overlay_start_0:
0x88: {  	s2 =	sld [smem:$0x3FD9]  }
0x89: {  	s3 =	sld [smem:$0x3FFE];
	_ =	sdelay $0x1  }
0x8a: {  	s1 =	srdreg.scid  }
0x8b: {  	s0 =	sand.u32 $0x1, s1  }
0x8c: {  	s18 =	sshll.u32 s0, $0xA;
	s2 =	sadd.s32 s3, s2  }
0x8d: {  	s2 =	sadd.s32 s2, s18  }
0x8e: {  	[smem:$0x3FC2] =	sst s2  }
0x8f: {  	_ = 	snop  }
0x90: {  	s2 =	sld [smem:$0x3FC9]  }
0x91: {  	s19 =	sld [smem:$0x3FC8]  }
0x92: {  	s4 =	sld [smem:$0x3FC7]  }
0x93: {  	s5 =	sld [smem:$0x3FC6]  }
0x94: {  	s6 =	sld [smem:$0x3FC5]  }
0x95: {  	s7 =	sld [smem:$0x3FC4]  }
0x96: {  	s8 =	sld [smem:$0x3FD0];
	(tm) =	ssettm $0x1  }
0x97: {  	s9 =	sld [smem:$0x3FFB];
	_ =	sdelay $0x3  }
0x98: {  	_ =	strace s9  }
0x99: {  	s9 =	sld [smem:$0x3FFC];
	_ =	sdelay $0x3  }
0x9a: {  	_ =	strace s9  }
0x9b: {  	s9 =	sld [smem:$0x3FFD];
	_ =	sdelay $0x3  }
0x9c: {  	_ =	strace s9  }
0x9d: {  	_ =	strace $0x8FFFFFFF  }
0x9e: {  	s20 =	sld [smem:$0x3FDB];
	_ =	sdelay $0x1  }
0x9f: {  	s10 =	simm.s32 $_scs_section_size  }
0xa0: {  	s11 =	simm.s32 $_size__tile_overlayer_lowered;
	s12 =	simm.s32 $_tile_overlayer_lowered  }
0xa1: {  	s23 =	simm.s32 $0x1BFF;
	s22 =	sshll.u32 s12, $0x1;
	s9 =	sadd.s32 s10, s20  }
0xa2: {  	s13 =	simm.s32 $0x0;
	s21 =	sshll.u32 s11, $0x1;
	s11 =	sadd.s32 s22, s9  }
0xa3: {  	[timem:s13], [sflag:s23] =	dma.local [hbm:s11], s21  }
0xa4: {  	_ =	swait.ge [sflag:s23], s21  }
0xa5: {  	s10 =	ssub.s32 $0x0, s21;
	[sflag:s23] =	ssyncset.done $0x0  }
0xa6: {  	[sflag:s23] =	ssyncadd.s32 s10;
	_ =	sdelay $0x1  }
0xa7: {  	s24 =	simm.s32 $0x1B8B  }
0xa8: {  	_ =	swait.ge [sflag:s24], $0x1  }
0xa9: {  	[sflag:s24] =	ssyncset.done $0x0  }
0xaa: {  	s25 =	simm.s32 $0x1B8E;
	[sflag:s24] =	ssyncadd.s32 $0xFFFFFFFF  }
0xab: {  	s26 =	simm.s32 $execute0_lowered;
	[smem:$0x3FD2] =	sst s25  }
0xac: {  	s10 =	sshll.u32 s26, $0x1;
	_ =	strace $0x80000046;
	[dreg:$0x1] =	wrdreg $0xFFFFFFFF  }
0xad: {  	s28 =	simm.s32 $_size_execute0_lowered;
	s9 =	sadd.s32 s9, s10;
	[dreg:$0x0] =	wrdreg $0x0  }
0xae: {  	s10 =	sshll.u32 s28, $0x1;
	[dreg:$0x2] =	wrdreg s9  }
0xaf: {  	[dreg:$0x3] =	wrdreg s10  }
0xb0: {  	[dreg:$0x4] =	wrdreg $0xC0  }
0xb1: {  	_ =	task [dreg:s13], $0x5FFFF  }
0xb2: {  	[dreg:$0x1] =	wrdreg $0xFFFFFFFF  }
0xb3: {  	[dreg:$0x0] =	wrdreg $0x60  }
0xb4: {  	[dreg:$0x2] =	wrdreg s2  }
0xb5: {  	[dreg:$0x3] =	wrdreg s19  }
0xb6: {  	[dreg:$0x4] =	wrdreg s4  }
0xb7: {  	[dreg:$0x5] =	wrdreg s5  }
0xb8: {  	[dreg:$0x6] =	wrdreg s6  }
0xb9: {  	[dreg:$0x7] =	wrdreg s7  }
0xba: {  	[dreg:$0x8] =	wrdreg s8  }
0xbb: {  	[dreg:$0x9] =	wrdreg $0x9  }
0xbc: {  	_ =	task.clear_ibuf [dreg:s13], $0xAFFFF;
	_ =	strace $0x90000046  }
0xbd: {  	s29 =	simm.s32 $0x9;
	_ =	strace $0x80000048  }
0xbe: {  	_ =	swait.ge [sflag:s29], $0x1  }
0xbf: {  	[sflag:s29] =	ssyncadd.s32 $0xFFFFFFFF  }
0xc0: {  	_ =	strace $0x90000048  }
0xc1: {  	_ =	sfence  }
0xc2: {  	s30 =	sld [smem:$0x0];
	_ =	sdelay $0x2  }
0xc3: {  	s31 =	sshll.u32 s1, $0xD;
	s1 =	sshrl.u32 s1, $0x2  }
0xc4: {  	s3 =	sand.u32 $0x4000, s31;
	s1 =	sadd.s32 s1, s30  }
0xc5: {  	s0 =	sor.u32 s3, s0;
	s1 =	sshll.u32 s1, $0x11  }
0xc6: {  	s0 =	sor.u32 s1, s0  }
0xc7: {  	s0 =	sadd.s32 $0x8F2B, s0  }
0xc8: {  	[sflag:s0] =	ssyncadd.remote.s32 $0x1  }
0xc9: {  	_ =	sfence.sel $0xFFFF  }
0xca: {  	[dreg:$0x0] =	wrdreg $0xFFFFFFFF;
	(pc) =	sbr.abs _section_cstart, $3  }
0xcb: {  	[dreg:$0x1] =	wrdreg $0xFFFFFFFF  }
0xcc: {  	_ =	task.clear_ibuf [dreg:s13], $0x2FFFF;
	_ =	strace $0x9FFFFFFF  }
0xcd: {  	(tm) =	ssettm $0x7FFFFFFF  }
tec
execute0_lowered:
.L_overlay_start_1:
0x0: {  	(tag) =	ssettag $0x1  }
0x1: {  	s0 =	rddreg [dreg:$0x0]  }
0x2: {  	s1 =	rddreg [dreg:$0x1]  }
0x3: {  	s3 =	rddreg [dreg:$0x2]  }
0x4: {  	s4 =	rddreg [dreg:$0x3]  }
0x5: {  	s5 =	rddreg [dreg:$0x4]  }
0x6: {  	s6 =	rddreg [dreg:$0x5]  }
0x7: {  	s7 =	rddreg [dreg:$0x6]  }
0x8: {  	s8 =	srdreg.scid;
	s2 =	rddreg [dreg:$0x7]  }
0x9: {  	s9 =	simm.s32 $0x0;
	s14 =	simm.s32 $0x580;
	s15 =	simm.s32 $0x3C00  }
.Ltmp0:
0xa: {  	s16 =	simm.s32 $0x0;
	s10 =	sand.u32 $0x1, s8;
	(pc) =	sbr.rel .LBB2_1-.Ltmp0, $4  }
0xb: {  	[smem:$0x7FF] =	sst s9;
	s8 =	stileid.u32;
	s11 =	ssub.s32 $0x2, s10  }
0xc: {  	s13 =	sshll.u32 s8, $0xE;
	s10 =	sshll.u32 s10, $0xD;
	s12 =	sshrl.u32 s11, $0x1  }
0xd: {  	_ =	strace $0x80000047;
	s10 =	sor.u32 s10, s13;
	s11 =	ssub.s32 s11, s12  }
0xe: {  	s13 =	simm.s32 $0x2;
	s12 =	simm.s32 $0xBC00;
	s11 =	smax.u32 s11, $0x1  }
.LBB2_7:
0xf: {  	s16 =	sadd.s32 $0x1, s16  }
0x10: {  	p0 =	sne.s32 s16, s11  }
.Ltmp1:
0x11: {  	_ = 	snop;
	(pc) =	sbr.rel @!p0 .LBB2_8-.Ltmp1, $1  }
0x12: {  	_ =	sdelay $0x3  }
.LBB2_1:
.Ltmp2:
0x13: {  	(pc) =	sbr.rel .LBB2_2-.Ltmp2, $4  }
0x14: {  	[tilespmem:s12], [sflag:$0x2] =	stream.linear.gather [hbm4b:s6+s9], $0xB000, $0x38;
	[tilespmem:$0x16C00] =	vst v63  }
0x15: {  	_ =	swait.ge [sflag:s13], $0xB000  }
0x16: {  	[sflag:s13] =	ssyncset.done $0x0  }
0x17: {  	s17 =	simm.s32 $0x0;
	[sflag:s13] =	ssyncadd.s32 $0xFFFF5000  }
.LBB2_6:
0x18: {  	s17 =	sadd.s32 $0x1, s17  }
0x19: {  	s18 =	sshll.u32 s18, $0x2;
	p0 =	sne.s32 s17, $0x8  }
.Ltmp3:
0x1a: {  	s18 =	sadd.s32 s7, s18;
	(pc) =	sbr.rel @!p0 .LBB2_7-.Ltmp3, $4  }
0x1b: {  	[hbm4b:s18+s9] =	stream.linear.scatter [tilespmem:s15], [sflag:$0x2], $0x8000, $0x38;
	[tilespmem:$0x16C00] =	vst v63  }
0x1c: {  	_ =	swait.ge [sflag:s13], $0x8000  }
0x1d: {  	[sflag:s13] =	ssyncset.done $0x0  }
0x1e: {  	[sflag:s13] =	ssyncadd.s32 $0xFFFF8000  }
.LBB2_2:
0x1f: {  	s18 =	sshll.u32 s17, $0xA  }
0x20: {  	s18 =	sadd.s32 s10, s18  }
0x21: {  	s22 =	sshrl.u32 s18, $0x3  }
0x22: {  	s19 =	simm.s32 $0x0;
	s20 =	sadd.s32 s0, s22  }
0x23: {  	[tilespmem:s19], [sflag:$0x2] =	stream.linear.gather [hbm4b:s20+s19], $0x400, $0x38;
	[tilespmem:$0x16C00] =	vst v63  }
0x24: {  	_ =	swait.ge [sflag:s13], $0x400  }
0x25: {  	[sflag:s13] =	ssyncset.done $0x0  }
0x26: {  	s21 =	sadd.s32 s1, s22;
	s20 =	simm.s32 $0x400;
	[sflag:s13] =	ssyncadd.s32 $0xFFFFFC00  }
0x27: {  	[tilespmem:s20], [sflag:$0x2] =	stream.linear.gather [hbm4b:s21+s19], $0x400, $0x38;
	[tilespmem:$0x16C00] =	vst v63  }
0x28: {  	_ =	swait.ge [sflag:s13], $0x400  }
0x29: {  	[sflag:s13] =	ssyncset.done $0x0  }
0x2a: {  	s23 =	sadd.s32 s3, s22;
	s21 =	simm.s32 $0x800;
	[sflag:s13] =	ssyncadd.s32 $0xFFFFFC00  }
0x2b: {  	[tilespmem:s21], [sflag:$0x2] =	stream.linear.gather [hbm4b:s23+s19], $0x400, $0x38;
	[tilespmem:$0x16C00] =	vst v63  }
0x2c: {  	_ =	swait.ge [sflag:s13], $0x400  }
0x2d: {  	s31 =	sadd.s32 s4, s22;
	[sflag:s13] =	ssyncset.done $0x0  }
.Ltmp4:
0x2e: {  	s22 =	simm.s32 $0xC00;
	[sflag:s13] =	ssyncadd.s32 $0xFFFFFC00;
	(pc) =	sbr.rel .LBB2_3-.Ltmp4, $4  }
0x2f: {  	[tilespmem:s22], [sflag:$0x2] =	stream.linear.gather [hbm4b:s31+s19], $0x400, $0x38;
	[tilespmem:$0x16C00] =	vst v63  }
0x30: {  	_ =	swait.ge [sflag:s13], $0x400  }
0x31: {  	[sflag:s13] =	ssyncset.done $0x0  }
0x32: {  	s24 =	simm.s32 $0x0;
	s23 =	simm.s32 $0xFFFFFFC0;
	[sflag:s13] =	ssyncadd.s32 $0xFFFFFC00  }
.LBB2_5:
0x33: {  	s23 =	sadd.s32 $0x10, s23  }
0x34: {  	p0 =	sne.s32 s23, $0x400  }
.Ltmp5:
0x35: {  	_ = 	snop;
	(pc) =	sbr.rel @!p0 .LBB2_6-.Ltmp5, $3  }
0x36: {  	_ =	sdelay $0x1  }
0x37: {  	s24 =	sadd.s32 $0x1, s24;
	s21 =	sadd.s32 $0x10, s21  }
0x38: {  	s22 =	sadd.s32 $0x10, s22;
	s19 =	sadd.s32 $0x10, s19;
	s20 =	sadd.s32 $0x10, s20  }
.LBB2_3:
0x39: {  	p0 =	slt.u32 s24, $0x4  }
0x3a: {  	s25 =	simm.s32 @!p0 $0x1  }
0x3b: {  	_ =	swait.ge @!p0 [sflag:s25], $0x580  }
0x3c: {  	[sflag:s25] =	ssyncset.done @!p0 $0x0  }
0x3d: {  	[sflag:s25] =	ssyncadd.s32 @!p0 $0xFFFFFA80  }
0x3e: {  	v0 =	vld @!p0 [tilespmem:s22+$0xFFFFFFC0]  }
0x3f: {  	v1 =	vld @!p0 [tilespmem:s19+$0xFFFFFFC0]  }
0x40: {  	v2 =	vld @!p0 [tilespmem:s20+$0xFFFFFFC0];
	_ =	sdelay $0x2  }
0x41: {  	v4 =	vld @!p0 [tilespmem:s21+$0xFFFFFFC0];
	_ =	sdelay $0x1  }
0x42: {  	v3 =	vmul.f32 @!p0 v1, v0;
	v1 =	vmul.f32 @!p0 v2, v0;
	_ =	sdelay $0x1  }
0x43: {  	v5 =	vadd.f32 @!p0 v3, v3;
	v6 =	vadd.f32 @!p0 v1, v1  }
0x44: {  	v2 =	vmul.f32 @!p0 v4, v0  }
0x45: {  	v0 =	vtrunc.f32 @!p0 v5;
	v4 =	vtrunc.f32 @!p0 v6  }
0x46: {  	v7 =	vadd.f32 @!p0 v2, v2;
	v0 =	vcvt.f32.s32 @!p0 v0;
	v4 =	vcvt.f32.s32 @!p0 v4;
	_ =	sdelay $0x1  }
0x47: {  	v8 =	vtrunc.f32 @!p0 v7;
	v9 =	vmul.u32 @!p0 $0x9, v0;
	v10 =	vmul.u32 @!p0 $0x3, v4  }
0x48: {  	v8 =	vcvt.f32.s32 @!p0 v8  }
0x49: {  	v9 =	vadd.s32 @!p0 v9, v10  }
0x4a: {  	v0 =	vcvt.s32.f32 @!p0 v0;
	v9 =	vadd.s32 @!p0 v8, v9  }
0x4b: {  	v4 =	vcvt.s32.f32 @!p0 v4  }
0x4c: {  	v5 =	vsub.f32 @!p0 v5, v0;
	v10 =	vadd.s32 @!p0 $0x1, v9  }
0x4d: {  	v4 =	vsub.f32 @!p0 v6, v4;
	v8 =	vcvt.s32.f32 @!p0 v8  }
0x4e: {  	s26 =	simm.s32 @!p0 $0xBC00;
	v0 =	vsub.f32 @!p0 $1.000000000e+00, v5  }
0x4f: {  	v6 =	vsub.f32 @!p0 v7, v8;
	v7 =	vsub.f32 @!p0 $1.000000000e+00, v4;
	v8 =	vld.idx.msk @!p0 [tilespmem:v9+s26+$0x0], $0xffff  }
0x50: {  	v11 =	vadd.s32 @!p0 $0x3, v9  }
0x51: {  	v12 =	vsub.f32 @!p0 $1.000000000e+00, v6;
	v13 =	vmul.f32 @!p0 v7, v0;
	v10 =	vld.idx.msk @!p0 [tilespmem:v10+s26+$0x0], $0xffff  }
0x52: {  	v15 =	vadd.s32 @!p0 $0x4, v9  }
0x53: {  	v14 =	vmul.f32 @!p0 v12, v13  }
0x54: {  	v17 =	vmov @!p0 s23;
	v0 =	vmul.f32 @!p0 v4, v0;
	v16 =	vand.u32 @!p0 $0xFFFF0000, v8  }
0x55: {  	v13 =	vmul.f32 @!p0 v13, v6;
	v11 =	vld.idx.msk @!p0 [tilespmem:v11+s26+$0x0], $0xffff;
	v8 =	vshll.u32 @!p0 v8, $0x10;
	v16 =	vmul.f32 @!p0 v16, v14  }
0x56: {  	v19 =	vand.u32 @!p0 $0xFFFF0000, v10;
	v8 =	vmul.f32 @!p0 v8, v14;
	v10 =	vshll.u32 @!p0 v10, $0x10  }
0x57: {  	v14 =	vld.idx.msk @!p0 [tilespmem:v15+s26+$0x0], $0xffff;
	v15 =	vadd.s32 @!p0 $0x9, v9;
	v19 =	vmul.f32 @!p0 v19, v13;
	v16 =	vadd.f32 @!p0 $0.0e+00, v16  }
0x58: {  	v18 =	vlaneseq.u32 @!p0;
	v20 =	vadd.s32 @!p0 $0xA, v9;
	v10 =	vmul.f32 @!p0 v10, v13  }
0x59: {  	v8 =	vadd.f32 @!p0 $0.0e+00, v8;
	v16 =	vadd.f32 @!p0 v16, v19;
	v19 =	vmul.f32 @!p0 v12, v0  }
0x5a: {  	v17 =	vshll.u32 @!p0 v17, $0x5;
	v18 =	vmul.u32 @!p0 $0x20, v18;
	v13 =	vand.u32 @!p0 $0xFFFF0000, v11  }
0x5b: {  	v8 =	vadd.f32 @!p0 v8, v10;
	v10 =	vshll.u32 @!p0 v11, $0x10;
	v13 =	vmul.f32 @!p0 v13, v19  }
0x5c: {  	v0 =	vmul.f32 @!p0 v6, v0;
	v15 =	vld.idx.msk @!p0 [tilespmem:v15+s26+$0x0], $0xffff;
	v10 =	vmul.f32 @!p0 v10, v19;
	v19 =	vadd.s32 @!p0 $0xC, v9  }
0x5d: {  	v11 =	vadd.f32 @!p0 v16, v13;
	v13 =	vand.u32 @!p0 $0xFFFF0000, v14;
	v14 =	vshll.u32 @!p0 v14, $0x10  }
0x5e: {  	v7 =	vmul.f32 @!p0 v7, v5;
	v16 =	vld.idx.msk @!p0 [tilespmem:v20+s26+$0x0], $0xffff;
	v8 =	vadd.f32 @!p0 v8, v10;
	v10 =	vmul.f32 @!p0 v14, v0  }
0x5f: {  	v4 =	vmul.f32 @!p0 v4, v5;
	v9 =	vadd.s32 @!p0 $0xD, v9;
	v13 =	vmul.f32 @!p0 v13, v0  }
0x60: {  	v0 =	vor.u32 @!p0 v18, v17;
	v8 =	vadd.f32 @!p0 v8, v10;
	v10 =	vmul.f32 @!p0 v12, v7  }
0x61: {  	v11 =	vadd.f32 @!p0 v11, v13;
	v13 =	vand.u32 @!p0 $0xFFFF0000, v15;
	v7 =	vmul.f32 @!p0 v7, v6;
	v17 =	vld.idx.msk @!p0 [tilespmem:v19+s26+$0x0], $0xffff  }
0x62: {  	v14 =	vshll.u32 @!p0 v15, $0x10;
	v12 =	vmul.f32 @!p0 v12, v4;
	v13 =	vmul.f32 @!p0 v13, v10  }
0x63: {  	v4 =	vmul.f32 @!p0 v6, v4;
	v15 =	vand.u32 @!p0 $0xFFFF0000, v16;
	v10 =	vmul.f32 @!p0 v14, v10  }
0x64: {  	v14 =	vshll.u32 @!p0 v16, $0x10;
	v15 =	vmul.f32 @!p0 v15, v7;
	v11 =	vadd.f32 @!p0 v11, v13  }
0x65: {  	v5 =	vadd.f32 @!p0 v8, v10;
	v8 =	vmul.f32 @!p0 $4.000000000e+00, v3;
	v10 =	vmul.f32 @!p0 $4.000000000e+00, v1  }
0x66: {  	v7 =	vmul.f32 @!p0 v14, v7;
	v13 =	vmul.f32 @!p0 $4.000000000e+00, v2;
	v14 =	vand.u32 @!p0 $0xFFFF0000, v17  }
0x67: {  	v9 =	vld.idx.msk @!p0 [tilespmem:v9+s26+$0x0], $0xffff;
	v11 =	vadd.f32 @!p0 v11, v15;
	v15 =	vtrunc.f32 @!p0 v8;
	v16 =	vtrunc.f32 @!p0 v10  }
0x68: {  	v5 =	vadd.f32 @!p0 v5, v7;
	v7 =	vmul.f32 @!p0 v14, v12;
	v14 =	vtrunc.f32 @!p0 v13  }
0x69: {  	v17 =	vshll.u32 @!p0 v17, $0x10;
	v15 =	vcvt.f32.s32 @!p0 v15;
	v16 =	vcvt.f32.s32 @!p0 v16  }
0x6a: {  	v12 =	vmul.f32 @!p0 v17, v12;
	v6 =	vcvt.f32.s32 @!p0 v14  }
0x6b: {  	v7 =	vadd.f32 @!p0 v11, v7;
	v17 =	vmul.u32 @!p0 $0x19, v15;
	v18 =	vmul.u32 @!p0 $0x5, v16  }
0x6c: {  	v11 =	vand.u32 @!p0 $0xFFFF0000, v9;
	v9 =	vshll.u32 @!p0 v9, $0x10;
	v5 =	vadd.f32 @!p0 v5, v12  }
0x6d: {  	v11 =	vmul.f32 @!p0 v11, v4;
	v4 =	vmul.f32 @!p0 v9, v4;
	v14 =	vadd.s32 @!p0 v17, v18  }
0x6e: {  	v12 =	vcvt.s32.f32 @!p0 v16;
	v17 =	vor.u32 @!p0 $0x1, v0;
	v14 =	vadd.s32 @!p0 v6, v14  }
0x6f: {  	v7 =	vadd.f32 @!p0 v7, v11;
	v11 =	vcvt.s32.f32 @!p0 v15;
	v9 =	vadd.s32 @!p0 $0x1B, v14  }
0x70: {  	s25 =	simm.s32 @!p0 $0x3C00;
	v4 =	vadd.f32 @!p0 v5, v4;
	v5 =	vcvt.s32.f32 @!p0 v6  }
0x71: {  	v6 =	vadd.s32 @!p0 $0x1C, v14;
	[tilespmem:v0+s25+$0x0] =	vst.idx.msk @!p0 $0xffff, v7;
	v7 =	vsub.f32 @!p0 v8, v11;
	v8 =	vsub.f32 @!p0 v10, v12;
	_ =	sdelay $0x1  }
0x72: {  	v10 =	vsub.f32 @!p0 $1.000000000e+00, v8;
	[tilespmem:v17+s25+$0x0] =	vst.idx.msk @!p0 $0xffff, v4  }
0x73: {  	v4 =	vsub.f32 @!p0 v13, v5;
	v5 =	vsub.f32 @!p0 $1.000000000e+00, v7;
	v9 =	vld.idx.msk @!p0 [tilespmem:v9+s26+$0x0], $0xffff  }
0x74: {  	v11 =	vadd.s32 @!p0 $0x20, v14  }
0x75: {  	v12 =	vsub.f32 @!p0 $1.000000000e+00, v4;
	v13 =	vmul.f32 @!p0 v10, v5;
	v6 =	vld.idx.msk @!p0 [tilespmem:v6+s26+$0x0], $0xffff  }
0x76: {  	v15 =	vadd.s32 @!p0 $0x21, v14  }
0x77: {  	v16 =	vmul.f32 @!p0 v12, v13  }
0x78: {  	v18 =	vadd.s32 @!p0 $0x34, v14;
	v17 =	vand.u32 @!p0 $0xFFFF0000, v9  }
0x79: {  	v11 =	vld.idx.msk @!p0 [tilespmem:v11+s26+$0x0], $0xffff;
	v13 =	vmul.f32 @!p0 v13, v4;
	v9 =	vshll.u32 @!p0 v9, $0x10;
	v17 =	vmul.f32 @!p0 v17, v16  }
0x7a: {  	v9 =	vmul.f32 @!p0 v9, v16;
	v16 =	vand.u32 @!p0 $0xFFFF0000, v6  }
0x7b: {  	v5 =	vmul.f32 @!p0 v8, v5;
	v15 =	vld.idx.msk @!p0 [tilespmem:v15+s26+$0x0], $0xffff;
	v16 =	vmul.f32 @!p0 v16, v13;
	v17 =	vadd.f32 @!p0 $0.0e+00, v17  }
0x7c: {  	v19 =	vadd.s32 @!p0 $0x35, v14;
	v20 =	vadd.s32 @!p0 $0x39, v14  }
0x7d: {  	v6 =	vshll.u32 @!p0 v6, $0x10;
	v16 =	vadd.f32 @!p0 v16, v17;
	v17 =	vmul.f32 @!p0 v12, v5  }
0x7e: {  	v18 =	vld.idx.msk @!p0 [tilespmem:v18+s26+$0x0], $0xffff;
	v6 =	vmul.f32 @!p0 v6, v13;
	v13 =	vand.u32 @!p0 $0xFFFF0000, v11;
	v9 =	vadd.f32 @!p0 $0.0e+00, v9  }
0x7f: {  	v11 =	vshll.u32 @!p0 v11, $0x10;
	v5 =	vmul.f32 @!p0 v4, v5;
	v13 =	vmul.f32 @!p0 v13, v17  }
0x80: {  	v6 =	vadd.f32 @!p0 v6, v9;
	v9 =	vmul.f32 @!p0 v11, v17;
	v11 =	vand.u32 @!p0 $0xFFFF0000, v15  }
0x81: {  	v15 =	vshll.u32 @!p0 v15, $0x10;
	v11 =	vmul.f32 @!p0 v11, v5;
	v13 =	vadd.f32 @!p0 v13, v16;
	v16 =	vld.idx.msk @!p0 [tilespmem:v19+s26+$0x0], $0xffff  }
0x82: {  	v5 =	vmul.f32 @!p0 v15, v5;
	v6 =	vadd.f32 @!p0 v9, v6;
	v9 =	vmul.f32 @!p0 v10, v7  }
0x83: {  	v14 =	vadd.s32 @!p0 $0x3A, v14;
	v15 =	vshll.u32 @!p0 v18, $0x10  }
0x84: {  	v10 =	vadd.f32 @!p0 v11, v13;
	v5 =	vadd.f32 @!p0 v5, v6;
	v6 =	vmul.f32 @!p0 v12, v9;
	v13 =	vld.idx.msk @!p0 [tilespmem:v20+s26+$0x0], $0xffff  }
0x85: {  	v7 =	vmul.f32 @!p0 v8, v7;
	v11 =	vand.u32 @!p0 $0xFFFF0000, v18;
	v9 =	vmul.f32 @!p0 v9, v4  }
0x86: {  	v11 =	vmul.f32 @!p0 v11, v6;
	v6 =	vmul.f32 @!p0 v15, v6;
	v17 =	vand.u32 @!p0 $0xFFFF0000, v16  }
0x87: {  	v8 =	vshll.u32 @!p0 v16, $0x10;
	v16 =	vmul.f32 @!p0 $8.000000000e+00, v1;
	v15 =	vmul.f32 @!p0 v17, v9  }
0x88: {  	v8 =	vmul.f32 @!p0 v8, v9;
	v9 =	vmul.f32 @!p0 v12, v7  }
0x89: {  	v10 =	vadd.f32 @!p0 v11, v10;
	v12 =	vmul.f32 @!p0 $8.000000000e+00, v3;
	v11 =	vand.u32 @!p0 $0xFFFF0000, v13  }
0x8a: {  	v5 =	vadd.f32 @!p0 v6, v5;
	v17 =	vtrunc.f32 @!p0 v16;
	v6 =	vmul.f32 @!p0 v11, v9  }
0x8b: {  	v11 =	vld.idx.msk @!p0 [tilespmem:v14+s26+$0x0], $0xffff;
	v14 =	vmul.f32 @!p0 $8.000000000e+00, v2;
	v10 =	vadd.f32 @!p0 v15, v10;
	v15 =	vtrunc.f32 @!p0 v12  }
0x8c: {  	v13 =	vshll.u32 @!p0 v13, $0x10;
	v17 =	vcvt.f32.s32 @!p0 v17;
	v15 =	vcvt.f32.s32 @!p0 v15  }
0x8d: {  	v5 =	vadd.f32 @!p0 v8, v5;
	v8 =	vmul.f32 @!p0 v13, v9;
	v6 =	vadd.f32 @!p0 v6, v10  }
0x8e: {  	v9 =	vtrunc.f32 @!p0 v14;
	v13 =	vmul.u32 @!p0 $0x9, v17;
	v10 =	vmul.u32 @!p0 $0x51, v15  }
0x8f: {  	v4 =	vmul.f32 @!p0 v4, v7;
	v18 =	vor.u32 @!p0 $0x2, v0;
	v9 =	vcvt.f32.s32 @!p0 v9  }
0x90: {  	v7 =	vand.u32 @!p0 $0xFFFF0000, v11;
	v11 =	vshll.u32 @!p0 v11, $0x10;
	v10 =	vadd.s32 @!p0 v10, v13  }
0x91: {  	v13 =	vor.u32 @!p0 $0x3, v0;
	v7 =	vmul.f32 @!p0 v7, v4;
	v10 =	vadd.s32 @!p0 v9, v10  }
0x92: {  	v5 =	vadd.f32 @!p0 v8, v5;
	v4 =	vmul.f32 @!p0 v11, v4;
	v8 =	vadd.s32 @!p0 $0x98, v10  }
0x93: {  	v11 =	vcvt.s32.f32 @!p0 v17;
	v6 =	vadd.f32 @!p0 v7, v6;
	v7 =	vcvt.s32.f32 @!p0 v15  }
0x94: {  	v4 =	vadd.f32 @!p0 v4, v5;
	v5 =	vcvt.s32.f32 @!p0 v9;
	v9 =	vadd.s32 @!p0 $0x99, v10  }
0x95: {  	[tilespmem:v18+s25+$0x0] =	vst.idx.msk @!p0 $0xffff, v6;
	v6 =	vsub.f32 @!p0 v12, v7;
	v7 =	vsub.f32 @!p0 v16, v11  }
0x96: {  	[tilespmem:v13+s25+$0x0] =	vst.idx.msk @!p0 $0xffff, v4;
	v4 =	vsub.f32 @!p0 v14, v5  }
0x97: {  	v5 =	vsub.f32 @!p0 $1.000000000e+00, v6;
	v11 =	vsub.f32 @!p0 $1.000000000e+00, v7;
	v8 =	vld.idx.msk @!p0 [tilespmem:v8+s26+$0x0], $0xffff  }
0x98: {  	v12 =	vadd.s32 @!p0 $0xA1, v10  }
0x99: {  	v13 =	vsub.f32 @!p0 $1.000000000e+00, v4;
	v9 =	vld.idx.msk @!p0 [tilespmem:v9+s26+$0x0], $0xffff;
	v14 =	vmul.f32 @!p0 v11, v5  }
0x9a: {  	v15 =	vadd.s32 @!p0 $0xA2, v10  }
0x9b: {  	v16 =	vmul.f32 @!p0 v13, v14  }
0x9c: {  	v18 =	vadd.s32 @!p0 $0xE9, v10;
	v17 =	vand.u32 @!p0 $0xFFFF0000, v8  }
0x9d: {  	v12 =	vld.idx.msk @!p0 [tilespmem:v12+s26+$0x0], $0xffff;
	v14 =	vmul.f32 @!p0 v14, v4;
	v8 =	vshll.u32 @!p0 v8, $0x10;
	v17 =	vmul.f32 @!p0 v17, v16  }
0x9e: {  	v8 =	vmul.f32 @!p0 v8, v16;
	v16 =	vand.u32 @!p0 $0xFFFF0000, v9  }
0x9f: {  	v15 =	vld.idx.msk @!p0 [tilespmem:v15+s26+$0x0], $0xffff;
	v5 =	vmul.f32 @!p0 v7, v5;
	v16 =	vmul.f32 @!p0 v16, v14;
	v17 =	vadd.f32 @!p0 $0.0e+00, v17  }
0xa0: {  	v19 =	vadd.s32 @!p0 $0xEA, v10;
	v20 =	vadd.s32 @!p0 $0xF2, v10;
	v10 =	vadd.s32 @!p0 $0xF3, v10  }
0xa1: {  	v9 =	vshll.u32 @!p0 v9, $0x10;
	v16 =	vadd.f32 @!p0 v16, v17;
	v17 =	vmul.f32 @!p0 v13, v5  }
0xa2: {  	v18 =	vld.idx.msk @!p0 [tilespmem:v18+s26+$0x0], $0xffff;
	v9 =	vmul.f32 @!p0 v9, v14;
	v8 =	vadd.f32 @!p0 $0.0e+00, v8;
	v14 =	vand.u32 @!p0 $0xFFFF0000, v12  }
0xa3: {  	v12 =	vshll.u32 @!p0 v12, $0x10;
	v5 =	vmul.f32 @!p0 v4, v5;
	v14 =	vmul.f32 @!p0 v14, v17  }
0xa4: {  	v8 =	vadd.f32 @!p0 v9, v8;
	v9 =	vmul.f32 @!p0 v12, v17;
	v12 =	vand.u32 @!p0 $0xFFFF0000, v15  }
0xa5: {  	v15 =	vshll.u32 @!p0 v15, $0x10;
	v12 =	vmul.f32 @!p0 v12, v5;
	v14 =	vadd.f32 @!p0 v14, v16;
	v16 =	vld.idx.msk @!p0 [tilespmem:v19+s26+$0x0], $0xffff  }
0xa6: {  	v5 =	vmul.f32 @!p0 v15, v5;
	v8 =	vadd.f32 @!p0 v9, v8;
	v9 =	vmul.f32 @!p0 v11, v6  }
0xa7: {  	v15 =	vshll.u32 @!p0 v18, $0x10;
	v6 =	vmul.f32 @!p0 v7, v6;
	v11 =	vadd.f32 @!p0 v12, v14  }
0xa8: {  	v5 =	vadd.f32 @!p0 v5, v8;
	v8 =	vmul.f32 @!p0 v13, v9;
	v12 =	vand.u32 @!p0 $0xFFFF0000, v18;
	v14 =	vld.idx.msk @!p0 [tilespmem:v20+s26+$0x0], $0xffff  }
0xa9: {  	v10 =	vld.idx.msk @!p0 [tilespmem:v10+s26+$0x0], $0xffff;
	v9 =	vmul.f32 @!p0 v9, v4;
	v4 =	vmul.f32 @!p0 v4, v6;
	v18 =	vor.u32 @!p0 $0x4, v0  }
0xaa: {  	v12 =	vmul.f32 @!p0 v12, v8;
	v7 =	vmul.f32 @!p0 v15, v8;
	v17 =	vand.u32 @!p0 $0xFFFF0000, v16  }
0xab: {  	v8 =	vshll.u32 @!p0 v16, $0x10;
	v16 =	vmul.f32 @!p0 $1.600000000e+01, v1;
	v15 =	vmul.f32 @!p0 v17, v9  }
0xac: {  	v11 =	vadd.f32 @!p0 v12, v11;
	v8 =	vmul.f32 @!p0 v8, v9;
	v9 =	vmul.f32 @!p0 v13, v6  }
0xad: {  	v13 =	vmul.f32 @!p0 $1.600000000e+01, v3;
	v5 =	vadd.f32 @!p0 v7, v5;
	v12 =	vand.u32 @!p0 $0xFFFF0000, v14  }
0xae: {  	v6 =	vand.u32 @!p0 $0xFFFF0000, v10;
	v17 =	vtrunc.f32 @!p0 v16;
	v7 =	vmul.f32 @!p0 v12, v9  }
0xaf: {  	v12 =	vmul.f32 @!p0 $1.600000000e+01, v2;
	v11 =	vadd.f32 @!p0 v15, v11;
	v15 =	vtrunc.f32 @!p0 v13  }
0xb0: {  	v14 =	vshll.u32 @!p0 v14, $0x10;
	v17 =	vcvt.f32.s32 @!p0 v17;
	v15 =	vcvt.f32.s32 @!p0 v15  }
0xb1: {  	v5 =	vadd.f32 @!p0 v8, v5;
	v8 =	vmul.f32 @!p0 v14, v9;
	v7 =	vadd.f32 @!p0 v7, v11  }
0xb2: {  	v9 =	vtrunc.f32 @!p0 v12;
	v14 =	vmul.u32 @!p0 $0x11, v17;
	v11 =	vmul.u32 @!p0 $0x121, v15  }
0xb3: {  	v10 =	vshll.u32 @!p0 v10, $0x10;
	v6 =	vmul.f32 @!p0 v6, v4;
	v9 =	vcvt.f32.s32 @!p0 v9  }
0xb4: {  	v4 =	vmul.f32 @!p0 v10, v4;
	v5 =	vadd.f32 @!p0 v8, v5;
	v11 =	vadd.s32 @!p0 v11, v14  }
0xb5: {  	v10 =	vcvt.s32.f32 @!p0 v17;
	v14 =	vor.u32 @!p0 $0x5, v0;
	v11 =	vadd.s32 @!p0 v9, v11  }
0xb6: {  	v6 =	vadd.f32 @!p0 v6, v7;
	v7 =	vcvt.s32.f32 @!p0 v15;
	v8 =	vadd.s32 @!p0 $0x371, v11  }
0xb7: {  	v4 =	vadd.f32 @!p0 v4, v5;
	v5 =	vcvt.s32.f32 @!p0 v9  }
0xb8: {  	[tilespmem:v18+s25+$0x0] =	vst.idx.msk @!p0 $0xffff, v6;
	v6 =	vsub.f32 @!p0 v13, v7;
	v7 =	vsub.f32 @!p0 v16, v10;
	v9 =	vadd.s32 @!p0 $0x372, v11;
	_ =	sdelay $0x1  }
0xb9: {  	v10 =	vsub.f32 @!p0 $1.000000000e+00, v7;
	[tilespmem:v14+s25+$0x0] =	vst.idx.msk @!p0 $0xffff, v4  }
0xba: {  	v4 =	vsub.f32 @!p0 v12, v5;
	v5 =	vsub.f32 @!p0 $1.000000000e+00, v6;
	v8 =	vld.idx.msk @!p0 [tilespmem:v8+s26+$0x0], $0xffff  }
0xbb: {  	v12 =	vadd.s32 @!p0 $0x382, v11  }
0xbc: {  	v13 =	vsub.f32 @!p0 $1.000000000e+00, v4;
	v14 =	vmul.f32 @!p0 v10, v5;
	v9 =	vld.idx.msk @!p0 [tilespmem:v9+s26+$0x0], $0xffff  }
0xbd: {  	v15 =	vadd.s32 @!p0 $0x383, v11  }
0xbe: {  	v16 =	vmul.f32 @!p0 v13, v14  }
0xbf: {  	v18 =	vadd.s32 @!p0 $0x492, v11;
	v17 =	vand.u32 @!p0 $0xFFFF0000, v8  }
0xc0: {  	v14 =	vmul.f32 @!p0 v14, v4;
	v12 =	vld.idx.msk @!p0 [tilespmem:v12+s26+$0x0], $0xffff;
	v8 =	vshll.u32 @!p0 v8, $0x10;
	v17 =	vmul.f32 @!p0 v17, v16  }
0xc1: {  	v8 =	vmul.f32 @!p0 v8, v16;
	v16 =	vand.u32 @!p0 $0xFFFF0000, v9  }
0xc2: {  	v5 =	vmul.f32 @!p0 v7, v5;
	v15 =	vld.idx.msk @!p0 [tilespmem:v15+s26+$0x0], $0xffff;
	v16 =	vmul.f32 @!p0 v16, v14;
	v17 =	vadd.f32 @!p0 $0.0e+00, v17  }
0xc3: {  	v19 =	vadd.s32 @!p0 $0x493, v11;
	v20 =	vadd.s32 @!p0 $0x4A3, v11;
	v11 =	vadd.s32 @!p0 $0x4A4, v11  }
0xc4: {  	v9 =	vshll.u32 @!p0 v9, $0x10;
	v16 =	vadd.f32 @!p0 v16, v17;
	v17 =	vmul.f32 @!p0 v13, v5  }
0xc5: {  	v18 =	vld.idx.msk @!p0 [tilespmem:v18+s26+$0x0], $0xffff;
	v9 =	vmul.f32 @!p0 v9, v14;
	v8 =	vadd.f32 @!p0 $0.0e+00, v8;
	v14 =	vand.u32 @!p0 $0xFFFF0000, v12  }
0xc6: {  	v12 =	vshll.u32 @!p0 v12, $0x10;
	v5 =	vmul.f32 @!p0 v4, v5;
	v14 =	vmul.f32 @!p0 v14, v17  }
0xc7: {  	v8 =	vadd.f32 @!p0 v9, v8;
	v9 =	vmul.f32 @!p0 v12, v17;
	v12 =	vand.u32 @!p0 $0xFFFF0000, v15  }
0xc8: {  	v15 =	vshll.u32 @!p0 v15, $0x10;
	v12 =	vmul.f32 @!p0 v12, v5;
	v14 =	vadd.f32 @!p0 v14, v16;
	v16 =	vld.idx.msk @!p0 [tilespmem:v19+s26+$0x0], $0xffff  }
0xc9: {  	v5 =	vmul.f32 @!p0 v15, v5;
	v8 =	vadd.f32 @!p0 v9, v8;
	v9 =	vmul.f32 @!p0 v10, v6  }
0xca: {  	v15 =	vshll.u32 @!p0 v18, $0x10;
	v6 =	vmul.f32 @!p0 v7, v6;
	v10 =	vadd.f32 @!p0 v12, v14  }
0xcb: {  	v5 =	vadd.f32 @!p0 v5, v8;
	v8 =	vmul.f32 @!p0 v13, v9;
	v12 =	vand.u32 @!p0 $0xFFFF0000, v18;
	v14 =	vld.idx.msk @!p0 [tilespmem:v20+s26+$0x0], $0xffff  }
0xcc: {  	v11 =	vld.idx.msk @!p0 [tilespmem:v11+s26+$0x0], $0xffff;
	v9 =	vmul.f32 @!p0 v9, v4;
	v4 =	vmul.f32 @!p0 v4, v6;
	v18 =	vor.u32 @!p0 $0x6, v0  }
0xcd: {  	v12 =	vmul.f32 @!p0 v12, v8;
	v7 =	vmul.f32 @!p0 v15, v8;
	v17 =	vand.u32 @!p0 $0xFFFF0000, v16  }
0xce: {  	v8 =	vshll.u32 @!p0 v16, $0x10;
	v16 =	vmul.f32 @!p0 $3.200000000e+01, v1;
	v15 =	vmul.f32 @!p0 v17, v9  }
0xcf: {  	v10 =	vadd.f32 @!p0 v12, v10;
	v8 =	vmul.f32 @!p0 v8, v9;
	v9 =	vmul.f32 @!p0 v13, v6  }
0xd0: {  	v13 =	vmul.f32 @!p0 $3.200000000e+01, v3;
	v5 =	vadd.f32 @!p0 v7, v5;
	v12 =	vand.u32 @!p0 $0xFFFF0000, v14  }
0xd1: {  	v6 =	vand.u32 @!p0 $0xFFFF0000, v11;
	v17 =	vtrunc.f32 @!p0 v16;
	v7 =	vmul.f32 @!p0 v12, v9  }
0xd2: {  	v12 =	vmul.f32 @!p0 $3.200000000e+01, v2;
	v10 =	vadd.f32 @!p0 v15, v10;
	v15 =	vtrunc.f32 @!p0 v13  }
0xd3: {  	v14 =	vshll.u32 @!p0 v14, $0x10;
	v17 =	vcvt.f32.s32 @!p0 v17;
	v15 =	vcvt.f32.s32 @!p0 v15  }
0xd4: {  	v5 =	vadd.f32 @!p0 v8, v5;
	v8 =	vmul.f32 @!p0 v14, v9;
	v7 =	vadd.f32 @!p0 v7, v10  }
0xd5: {  	v9 =	vtrunc.f32 @!p0 v12;
	v14 =	vmul.u32 @!p0 $0x21, v17;
	v10 =	vmul.u32 @!p0 $0x441, v15  }
0xd6: {  	v11 =	vshll.u32 @!p0 v11, $0x10;
	v6 =	vmul.f32 @!p0 v6, v4;
	v9 =	vcvt.f32.s32 @!p0 v9  }
0xd7: {  	v4 =	vmul.f32 @!p0 v11, v4;
	v5 =	vadd.f32 @!p0 v8, v5;
	v10 =	vadd.s32 @!p0 v10, v14  }
0xd8: {  	v11 =	vcvt.s32.f32 @!p0 v17;
	v14 =	vor.u32 @!p0 $0x7, v0;
	v10 =	vadd.s32 @!p0 v9, v10  }
0xd9: {  	v6 =	vadd.f32 @!p0 v6, v7;
	v7 =	vcvt.s32.f32 @!p0 v15;
	v8 =	vadd.s32 @!p0 $0x16A2, v10  }
0xda: {  	v4 =	vadd.f32 @!p0 v4, v5;
	v5 =	vcvt.s32.f32 @!p0 v9  }
0xdb: {  	[tilespmem:v18+s25+$0x0] =	vst.idx.msk @!p0 $0xffff, v6;
	v6 =	vsub.f32 @!p0 v13, v7;
	v7 =	vsub.f32 @!p0 v16, v11;
	v9 =	vadd.s32 @!p0 $0x16A3, v10;
	_ =	sdelay $0x1  }
0xdc: {  	v11 =	vsub.f32 @!p0 $1.000000000e+00, v7;
	[tilespmem:v14+s25+$0x0] =	vst.idx.msk @!p0 $0xffff, v4  }
0xdd: {  	v4 =	vsub.f32 @!p0 v12, v5;
	v5 =	vsub.f32 @!p0 $1.000000000e+00, v6;
	v12 =	vadd.s32 @!p0 $0x16C3, v10;
	v8 =	vld.idx.msk @!p0 [tilespmem:v8+s26+$0x0], $0xffff;
	_ =	sdelay $0x1  }
0xde: {  	v13 =	vsub.f32 @!p0 $1.000000000e+00, v4;
	v14 =	vmul.f32 @!p0 v11, v5;
	v9 =	vld.idx.msk @!p0 [tilespmem:v9+s26+$0x0], $0xffff;
	_ =	sdelay $0x1  }
0xdf: {  	v15 =	vmul.f32 @!p0 v13, v14  }
0xe0: {  	v17 =	vadd.s32 @!p0 $0x16C4, v10;
	v18 =	vadd.s32 @!p0 $0x1AE3, v10;
	v12 =	vld.idx.msk @!p0 [tilespmem:v12+s26+$0x0], $0xffff;
	v16 =	vand.u32 @!p0 $0xFFFF0000, v8  }
0xe1: {  	v14 =	vmul.f32 @!p0 v14, v4;
	v8 =	vshll.u32 @!p0 v8, $0x10;
	v16 =	vmul.f32 @!p0 v16, v15  }
0xe2: {  	v5 =	vmul.f32 @!p0 v7, v5;
	v8 =	vmul.f32 @!p0 v8, v15;
	v15 =	vand.u32 @!p0 $0xFFFF0000, v9  }
0xe3: {  	v15 =	vmul.f32 @!p0 v15, v14;
	v16 =	vadd.f32 @!p0 $0.0e+00, v16  }
0xe4: {  	v19 =	vmul.f32 @!p0 v13, v5;
	v9 =	vshll.u32 @!p0 v9, $0x10  }
0xe5: {  	v17 =	vld.idx.msk @!p0 [tilespmem:v17+s26+$0x0], $0xffff;
	v9 =	vmul.f32 @!p0 v9, v14;
	v15 =	vadd.f32 @!p0 v15, v16;
	v16 =	vand.u32 @!p0 $0xFFFF0000, v12  }
0xe6: {  	v8 =	vadd.f32 @!p0 $0.0e+00, v8;
	v14 =	vmul.f32 @!p0 v16, v19;
	v16 =	vadd.s32 @!p0 $0x1AE4, v10  }
0xe7: {  	v18 =	vld.idx.msk @!p0 [tilespmem:v18+s26+$0x0], $0xffff  }
0xe8: {  	v11 =	vmul.f32 @!p0 v11, v6;
	v8 =	vadd.f32 @!p0 v9, v8;
	v9 =	vshll.u32 @!p0 v12, $0x10  }
0xe9: {  	v9 =	vmul.f32 @!p0 v9, v19;
	v12 =	vadd.f32 @!p0 v14, v15;
	v14 =	vadd.s32 @!p0 $0x1B04, v10  }
0xea: {  	v5 =	vmul.f32 @!p0 v4, v5;
	v19 =	vmul.f32 @!p0 v13, v11;
	v15 =	vand.u32 @!p0 $0xFFFF0000, v17  }
0xeb: {  	v17 =	vshll.u32 @!p0 v17, $0x10;
	v10 =	vadd.s32 @!p0 $0x1B05, v10;
	v8 =	vadd.f32 @!p0 v9, v8;
	v16 =	vld.idx.msk @!p0 [tilespmem:v16+s26+$0x0], $0xffff  }
0xec: {  	v9 =	vand.u32 @!p0 $0xFFFF0000, v18;
	v15 =	vmul.f32 @!p0 v15, v5;
	v5 =	vmul.f32 @!p0 v17, v5  }
0xed: {  	v6 =	vmul.f32 @!p0 v7, v6;
	v9 =	vmul.f32 @!p0 v9, v19  }
0xee: {  	v12 =	vadd.f32 @!p0 v15, v12;
	v5 =	vadd.f32 @!p0 v5, v8;
	v8 =	vshll.u32 @!p0 v18, $0x10;
	v14 =	vld.idx.msk @!p0 [tilespmem:v14+s26+$0x0], $0xffff  }
0xef: {  	v11 =	vmul.f32 @!p0 v11, v4;
	v8 =	vmul.f32 @!p0 v8, v19  }
0xf0: {  	v4 =	vmul.f32 @!p0 v4, v6;
	v9 =	vadd.f32 @!p0 v9, v12;
	v7 =	vld.idx.msk @!p0 [tilespmem:v10+s26+$0x0], $0xffff;
	v12 =	vand.u32 @!p0 $0xFFFF0000, v16  }
0xf1: {  	v5 =	vadd.f32 @!p0 v8, v5;
	v15 =	vshll.u32 @!p0 v16, $0x10;
	v8 =	vmul.f32 @!p0 v12, v11  }
0xf2: {  	v10 =	vmul.f32 @!p0 v15, v11;
	v11 =	vmul.f32 @!p0 v13, v6  }
0xf3: {  	v12 =	vmul.f32 @!p0 $6.400000000e+01, v2;
	v8 =	vadd.f32 @!p0 v8, v9;
	v9 =	vand.u32 @!p0 $0xFFFF0000, v14  }
0xf4: {  	v5 =	vadd.f32 @!p0 v10, v5;
	v10 =	vshll.u32 @!p0 v14, $0x10;
	v9 =	vmul.f32 @!p0 v9, v11  }
0xf5: {  	v6 =	vmul.f32 @!p0 v10, v11;
	v10 =	vand.u32 @!p0 $0xFFFF0000, v7;
	v11 =	vmul.f32 @!p0 $6.400000000e+01, v3  }
0xf6: {  	v8 =	vadd.f32 @!p0 v9, v8;
	v9 =	vmul.f32 @!p0 v10, v4;
	v10 =	vmul.f32 @!p0 $6.400000000e+01, v1  }
0xf7: {  	v16 =	vor.u32 @!p0 $0x9, v0;
	v17 =	vtrunc.f32 @!p0 v12  }
0xf8: {  	v14 =	vor.u32 @!p0 $0x8, v0;
	v13 =	vtrunc.f32 @!p0 v11;
	v15 =	vtrunc.f32 @!p0 v10  }
0xf9: {  	v7 =	vshll.u32 @!p0 v7, $0x10;
	v13 =	vcvt.f32.s32 @!p0 v13;
	v15 =	vcvt.f32.s32 @!p0 v15  }
0xfa: {  	v5 =	vadd.f32 @!p0 v6, v5;
	v4 =	vmul.f32 @!p0 v7, v4;
	v6 =	vcvt.f32.s32 @!p0 v17  }
0xfb: {  	s26 =	sand.u32 $0x3, s24;
	v7 =	vadd.f32 @!p0 v9, v8;
	v8 =	vcvt.s32.f32 @!p0 v13;
	v9 =	vcvt.s32.f32 @!p0 v15  }
0xfc: {  	s28 =	smul.u32 @!p0 $0x1600, s26;
	v4 =	vadd.f32 @!p0 v4, v5;
	v5 =	vcvt.s32.f32 @!p0 v6  }
0xfd: {  	[tilespmem:v14+s25+$0x0] =	vst.idx.msk @!p0 $0xffff, v7;
	v6 =	vsub.f32 @!p0 v11, v8;
	v7 =	vsub.f32 @!p0 v10, v9  }
0xfe: {  	s28 =	sshrl.u32 @!p0 s28, $0x2;
	[tilespmem:v16+s25+$0x0] =	vst.idx.msk @!p0 $0xffff, v4;
	v4 =	vsub.f32 @!p0 v12, v5  }
0xff: {  	v5 =	vsub.f32 @!p0 $1.000000000e+00, v6;
	v9 =	vld @!p0 [tilespmem:s28+$0x2600];
	v8 =	vsub.f32 @!p0 $1.000000000e+00, v7;
	_ =	sdelay $0x1  }
0x100: {  	v12 =	vld @!p0 [tilespmem:s28+$0x2610];
	v10 =	vsub.f32 @!p0 $1.000000000e+00, v4;
	v11 =	vmul.f32 @!p0 v8, v5;
	_ =	sdelay $0x1  }
0x101: {  	v13 =	vmul.f32 @!p0 v10, v11  }
0x102: {  	v15 =	vld @!p0 [tilespmem:s28+$0x2620];
	v5 =	vmul.f32 @!p0 v7, v5;
	v14 =	vand.u32 @!p0 $0xFFFF0000, v9  }
0x103: {  	v9 =	vshll.u32 @!p0 v9, $0x10;
	v11 =	vmul.f32 @!p0 v11, v4;
	v14 =	vmul.f32 @!p0 v14, v13  }
0x104: {  	v9 =	vmul.f32 @!p0 v9, v13;
	v13 =	vand.u32 @!p0 $0xFFFF0000, v12;
	v12 =	vshll.u32 @!p0 v12, $0x10  }
0x105: {  	v16 =	vld @!p0 [tilespmem:s28+$0x2630];
	v13 =	vmul.f32 @!p0 v13, v11;
	v11 =	vmul.f32 @!p0 v12, v11  }
0x106: {  	v12 =	vmul.f32 @!p0 v10, v5;
	v14 =	vadd.f32 @!p0 $0.0e+00, v14;
	v9 =	vadd.f32 @!p0 $0.0e+00, v9  }
0x107: {  	v18 =	vld @!p0 [tilespmem:s28+$0x2640];
	v17 =	vand.u32 @!p0 $0xFFFF0000, v15  }
0x108: {  	v13 =	vadd.f32 @!p0 v13, v14;
	v9 =	vadd.f32 @!p0 v11, v9;
	v11 =	vmul.f32 @!p0 v17, v12  }
0x109: {  	v8 =	vmul.f32 @!p0 v8, v6;
	v5 =	vmul.f32 @!p0 v4, v5;
	v14 =	vshll.u32 @!p0 v15, $0x10  }
0x10a: {  	v12 =	vmul.f32 @!p0 v14, v12;
	v11 =	vadd.f32 @!p0 v11, v13;
	v13 =	vand.u32 @!p0 $0xFFFF0000, v16  }
0x10b: {  	v15 =	vmul.f32 @!p0 v10, v8;
	v14 =	vshll.u32 @!p0 v16, $0x10;
	v16 =	vld @!p0 [tilespmem:s28+$0x2650];
	v13 =	vmul.f32 @!p0 v13, v5  }
0x10c: {  	v9 =	vadd.f32 @!p0 v12, v9;
	v5 =	vmul.f32 @!p0 v14, v5;
	v12 =	vand.u32 @!p0 $0xFFFF0000, v18  }
0x10d: {  	v6 =	vmul.f32 @!p0 v7, v6;
	v12 =	vmul.f32 @!p0 v12, v15  }
0x10e: {  	v11 =	vadd.f32 @!p0 v13, v11;
	v5 =	vadd.f32 @!p0 v5, v9;
	v9 =	vshll.u32 @!p0 v18, $0x10;
	v13 =	vld @!p0 [tilespmem:s28+$0x2660]  }
0x10f: {  	v8 =	vmul.f32 @!p0 v8, v4;
	v9 =	vmul.f32 @!p0 v9, v15  }
0x110: {  	v7 =	vld @!p0 [tilespmem:s28+$0x2670];
	v11 =	vadd.f32 @!p0 v12, v11;
	v12 =	vand.u32 @!p0 $0xFFFF0000, v16;
	v14 =	vshll.u32 @!p0 v16, $0x10  }
0x111: {  	v5 =	vadd.f32 @!p0 v9, v5;
	v9 =	vmul.f32 @!p0 v12, v8;
	v8 =	vmul.f32 @!p0 v14, v8  }
0x112: {  	v10 =	vmul.f32 @!p0 v10, v6;
	v4 =	vmul.f32 @!p0 v4, v6  }
0x113: {  	v12 =	vmul.f32 @!p0 $1.280000000e+02, v2;
	v5 =	vadd.f32 @!p0 v8, v5;
	v8 =	vand.u32 @!p0 $0xFFFF0000, v13  }
0x114: {  	v9 =	vadd.f32 @!p0 v9, v11;
	v11 =	vshll.u32 @!p0 v13, $0x10;
	v8 =	vmul.f32 @!p0 v8, v10  }
0x115: {  	v6 =	vmul.f32 @!p0 v11, v10;
	v10 =	vand.u32 @!p0 $0xFFFF0000, v7;
	v11 =	vmul.f32 @!p0 $1.280000000e+02, v3  }
0x116: {  	v8 =	vadd.f32 @!p0 v8, v9;
	v9 =	vmul.f32 @!p0 v10, v4;
	v10 =	vmul.f32 @!p0 $1.280000000e+02, v1  }
0x117: {  	v16 =	vor.u32 @!p0 $0xB, v0;
	v17 =	vtrunc.f32 @!p0 v12  }
0x118: {  	v14 =	vor.u32 @!p0 $0xA, v0;
	v13 =	vtrunc.f32 @!p0 v11;
	v15 =	vtrunc.f32 @!p0 v10  }
0x119: {  	v7 =	vshll.u32 @!p0 v7, $0x10;
	v13 =	vcvt.f32.s32 @!p0 v13;
	v15 =	vcvt.f32.s32 @!p0 v15  }
0x11a: {  	v5 =	vadd.f32 @!p0 v6, v5;
	v4 =	vmul.f32 @!p0 v7, v4;
	v6 =	vcvt.f32.s32 @!p0 v17  }
0x11b: {  	v7 =	vadd.f32 @!p0 v9, v8;
	v8 =	vcvt.s32.f32 @!p0 v13;
	v9 =	vcvt.s32.f32 @!p0 v15  }
0x11c: {  	v4 =	vadd.f32 @!p0 v4, v5;
	v5 =	vcvt.s32.f32 @!p0 v6  }
0x11d: {  	[tilespmem:v14+s25+$0x0] =	vst.idx.msk @!p0 $0xffff, v7;
	v6 =	vsub.f32 @!p0 v11, v8;
	v7 =	vsub.f32 @!p0 v10, v9  }
0x11e: {  	[tilespmem:v16+s25+$0x0] =	vst.idx.msk @!p0 $0xffff, v4;
	v4 =	vsub.f32 @!p0 v12, v5  }
0x11f: {  	v5 =	vsub.f32 @!p0 $1.000000000e+00, v6;
	v9 =	vld @!p0 [tilespmem:s28+$0x2680];
	v8 =	vsub.f32 @!p0 $1.000000000e+00, v7;
	_ =	sdelay $0x1  }
0x120: {  	v12 =	vld @!p0 [tilespmem:s28+$0x2690];
	v10 =	vsub.f32 @!p0 $1.000000000e+00, v4;
	v11 =	vmul.f32 @!p0 v8, v5;
	_ =	sdelay $0x1  }
0x121: {  	v13 =	vmul.f32 @!p0 v10, v11  }
0x122: {  	v15 =	vld @!p0 [tilespmem:s28+$0x26A0];
	v5 =	vmul.f32 @!p0 v7, v5;
	v14 =	vand.u32 @!p0 $0xFFFF0000, v9  }
0x123: {  	v9 =	vshll.u32 @!p0 v9, $0x10;
	v11 =	vmul.f32 @!p0 v11, v4;
	v14 =	vmul.f32 @!p0 v14, v13  }
0x124: {  	v9 =	vmul.f32 @!p0 v9, v13;
	v13 =	vand.u32 @!p0 $0xFFFF0000, v12;
	v12 =	vshll.u32 @!p0 v12, $0x10  }
0x125: {  	v16 =	vld @!p0 [tilespmem:s28+$0x26B0];
	v13 =	vmul.f32 @!p0 v13, v11;
	v11 =	vmul.f32 @!p0 v12, v11  }
0x126: {  	v12 =	vmul.f32 @!p0 v10, v5;
	v14 =	vadd.f32 @!p0 $0.0e+00, v14;
	v9 =	vadd.f32 @!p0 $0.0e+00, v9  }
0x127: {  	v18 =	vld @!p0 [tilespmem:s28+$0x26C0];
	v17 =	vand.u32 @!p0 $0xFFFF0000, v15  }
0x128: {  	v13 =	vadd.f32 @!p0 v13, v14;
	v9 =	vadd.f32 @!p0 v11, v9;
	v11 =	vmul.f32 @!p0 v17, v12  }
0x129: {  	v8 =	vmul.f32 @!p0 v8, v6;
	v5 =	vmul.f32 @!p0 v4, v5;
	v14 =	vshll.u32 @!p0 v15, $0x10  }
0x12a: {  	v12 =	vmul.f32 @!p0 v14, v12;
	v11 =	vadd.f32 @!p0 v11, v13;
	v13 =	vand.u32 @!p0 $0xFFFF0000, v16  }
0x12b: {  	v15 =	vmul.f32 @!p0 v10, v8;
	v14 =	vshll.u32 @!p0 v16, $0x10;
	v16 =	vld @!p0 [tilespmem:s28+$0x26D0];
	v13 =	vmul.f32 @!p0 v13, v5  }
0x12c: {  	v9 =	vadd.f32 @!p0 v12, v9;
	v5 =	vmul.f32 @!p0 v14, v5;
	v12 =	vand.u32 @!p0 $0xFFFF0000, v18  }
0x12d: {  	v6 =	vmul.f32 @!p0 v7, v6;
	v12 =	vmul.f32 @!p0 v12, v15  }
0x12e: {  	v11 =	vadd.f32 @!p0 v13, v11;
	v5 =	vadd.f32 @!p0 v5, v9;
	v9 =	vshll.u32 @!p0 v18, $0x10;
	v13 =	vld @!p0 [tilespmem:s28+$0x26E0]  }
0x12f: {  	v8 =	vmul.f32 @!p0 v8, v4;
	v9 =	vmul.f32 @!p0 v9, v15  }
0x130: {  	v7 =	vld @!p0 [tilespmem:s28+$0x26F0];
	v11 =	vadd.f32 @!p0 v12, v11;
	v12 =	vand.u32 @!p0 $0xFFFF0000, v16;
	v14 =	vshll.u32 @!p0 v16, $0x10  }
0x131: {  	v5 =	vadd.f32 @!p0 v9, v5;
	v9 =	vmul.f32 @!p0 v12, v8;
	v8 =	vmul.f32 @!p0 v14, v8  }
0x132: {  	v10 =	vmul.f32 @!p0 v10, v6;
	v4 =	vmul.f32 @!p0 v4, v6  }
0x133: {  	v12 =	vmul.f32 @!p0 $2.560000000e+02, v2;
	v5 =	vadd.f32 @!p0 v8, v5;
	v8 =	vand.u32 @!p0 $0xFFFF0000, v13  }
0x134: {  	v9 =	vadd.f32 @!p0 v9, v11;
	v11 =	vshll.u32 @!p0 v13, $0x10;
	v8 =	vmul.f32 @!p0 v8, v10  }
0x135: {  	v6 =	vmul.f32 @!p0 v11, v10;
	v10 =	vand.u32 @!p0 $0xFFFF0000, v7;
	v11 =	vmul.f32 @!p0 $2.560000000e+02, v3  }
0x136: {  	v8 =	vadd.f32 @!p0 v8, v9;
	v9 =	vmul.f32 @!p0 v10, v4;
	v10 =	vmul.f32 @!p0 $2.560000000e+02, v1  }
0x137: {  	v16 =	vor.u32 @!p0 $0xD, v0;
	v17 =	vtrunc.f32 @!p0 v12  }
0x138: {  	v14 =	vor.u32 @!p0 $0xC, v0;
	v13 =	vtrunc.f32 @!p0 v11;
	v15 =	vtrunc.f32 @!p0 v10  }
0x139: {  	v7 =	vshll.u32 @!p0 v7, $0x10;
	v13 =	vcvt.f32.s32 @!p0 v13;
	v15 =	vcvt.f32.s32 @!p0 v15  }
0x13a: {  	v5 =	vadd.f32 @!p0 v6, v5;
	v4 =	vmul.f32 @!p0 v7, v4;
	v6 =	vcvt.f32.s32 @!p0 v17  }
0x13b: {  	v7 =	vadd.f32 @!p0 v9, v8;
	v8 =	vcvt.s32.f32 @!p0 v13;
	v9 =	vcvt.s32.f32 @!p0 v15  }
0x13c: {  	v4 =	vadd.f32 @!p0 v4, v5;
	v5 =	vcvt.s32.f32 @!p0 v6  }
0x13d: {  	[tilespmem:v14+s25+$0x0] =	vst.idx.msk @!p0 $0xffff, v7;
	v6 =	vsub.f32 @!p0 v11, v8;
	v7 =	vsub.f32 @!p0 v10, v9  }
0x13e: {  	[tilespmem:v16+s25+$0x0] =	vst.idx.msk @!p0 $0xffff, v4;
	v4 =	vsub.f32 @!p0 v12, v5  }
0x13f: {  	v5 =	vsub.f32 @!p0 $1.000000000e+00, v6;
	v9 =	vld @!p0 [tilespmem:s28+$0x2700];
	v8 =	vsub.f32 @!p0 $1.000000000e+00, v7;
	_ =	sdelay $0x1  }
0x140: {  	v12 =	vld @!p0 [tilespmem:s28+$0x2710];
	v10 =	vsub.f32 @!p0 $1.000000000e+00, v4;
	v11 =	vmul.f32 @!p0 v8, v5;
	_ =	sdelay $0x1  }
0x141: {  	v13 =	vmul.f32 @!p0 v10, v11  }
0x142: {  	v15 =	vld @!p0 [tilespmem:s28+$0x2720];
	v5 =	vmul.f32 @!p0 v7, v5;
	v14 =	vand.u32 @!p0 $0xFFFF0000, v9  }
0x143: {  	v9 =	vshll.u32 @!p0 v9, $0x10;
	v11 =	vmul.f32 @!p0 v11, v4;
	v14 =	vmul.f32 @!p0 v14, v13  }
0x144: {  	v9 =	vmul.f32 @!p0 v9, v13;
	v13 =	vand.u32 @!p0 $0xFFFF0000, v12;
	v12 =	vshll.u32 @!p0 v12, $0x10  }
0x145: {  	v16 =	vld @!p0 [tilespmem:s28+$0x2730];
	v13 =	vmul.f32 @!p0 v13, v11;
	v11 =	vmul.f32 @!p0 v12, v11  }
0x146: {  	v12 =	vmul.f32 @!p0 v10, v5;
	v14 =	vadd.f32 @!p0 $0.0e+00, v14;
	v9 =	vadd.f32 @!p0 $0.0e+00, v9  }
0x147: {  	v18 =	vld @!p0 [tilespmem:s28+$0x2740];
	v17 =	vand.u32 @!p0 $0xFFFF0000, v15  }
0x148: {  	v13 =	vadd.f32 @!p0 v13, v14;
	v9 =	vadd.f32 @!p0 v11, v9;
	v11 =	vmul.f32 @!p0 v17, v12  }
0x149: {  	v8 =	vmul.f32 @!p0 v8, v6;
	v5 =	vmul.f32 @!p0 v4, v5;
	v14 =	vshll.u32 @!p0 v15, $0x10  }
0x14a: {  	v12 =	vmul.f32 @!p0 v14, v12;
	v11 =	vadd.f32 @!p0 v11, v13;
	v13 =	vand.u32 @!p0 $0xFFFF0000, v16  }
0x14b: {  	v15 =	vmul.f32 @!p0 v10, v8;
	v14 =	vshll.u32 @!p0 v16, $0x10;
	v16 =	vld @!p0 [tilespmem:s28+$0x2750];
	v13 =	vmul.f32 @!p0 v13, v5  }
0x14c: {  	v9 =	vadd.f32 @!p0 v12, v9;
	v5 =	vmul.f32 @!p0 v14, v5;
	v12 =	vand.u32 @!p0 $0xFFFF0000, v18  }
0x14d: {  	v6 =	vmul.f32 @!p0 v7, v6;
	v12 =	vmul.f32 @!p0 v12, v15  }
0x14e: {  	v11 =	vadd.f32 @!p0 v13, v11;
	v5 =	vadd.f32 @!p0 v5, v9;
	v9 =	vshll.u32 @!p0 v18, $0x10;
	v13 =	vld @!p0 [tilespmem:s28+$0x2760]  }
0x14f: {  	v8 =	vmul.f32 @!p0 v8, v4;
	v9 =	vmul.f32 @!p0 v9, v15  }
0x150: {  	v7 =	vld @!p0 [tilespmem:s28+$0x2770];
	v11 =	vadd.f32 @!p0 v12, v11;
	v12 =	vand.u32 @!p0 $0xFFFF0000, v16;
	v14 =	vshll.u32 @!p0 v16, $0x10  }
0x151: {  	v5 =	vadd.f32 @!p0 v9, v5;
	v9 =	vmul.f32 @!p0 v12, v8;
	v8 =	vmul.f32 @!p0 v14, v8  }
0x152: {  	v10 =	vmul.f32 @!p0 v10, v6;
	v4 =	vmul.f32 @!p0 v4, v6  }
0x153: {  	v12 =	vmul.f32 @!p0 $5.120000000e+02, v2;
	v5 =	vadd.f32 @!p0 v8, v5;
	v8 =	vand.u32 @!p0 $0xFFFF0000, v13  }
0x154: {  	v9 =	vadd.f32 @!p0 v9, v11;
	v11 =	vshll.u32 @!p0 v13, $0x10;
	v8 =	vmul.f32 @!p0 v8, v10  }
0x155: {  	v6 =	vmul.f32 @!p0 v11, v10;
	v10 =	vand.u32 @!p0 $0xFFFF0000, v7;
	v11 =	vmul.f32 @!p0 $5.120000000e+02, v3  }
0x156: {  	v8 =	vadd.f32 @!p0 v8, v9;
	v9 =	vmul.f32 @!p0 v10, v4;
	v10 =	vmul.f32 @!p0 $5.120000000e+02, v1  }
0x157: {  	v16 =	vor.u32 @!p0 $0xF, v0;
	v17 =	vtrunc.f32 @!p0 v12  }
0x158: {  	v14 =	vor.u32 @!p0 $0xE, v0;
	v13 =	vtrunc.f32 @!p0 v11;
	v15 =	vtrunc.f32 @!p0 v10  }
0x159: {  	v7 =	vshll.u32 @!p0 v7, $0x10;
	v13 =	vcvt.f32.s32 @!p0 v13;
	v15 =	vcvt.f32.s32 @!p0 v15  }
0x15a: {  	v5 =	vadd.f32 @!p0 v6, v5;
	v4 =	vmul.f32 @!p0 v7, v4;
	v6 =	vcvt.f32.s32 @!p0 v17  }
0x15b: {  	v7 =	vadd.f32 @!p0 v9, v8;
	v8 =	vcvt.s32.f32 @!p0 v13;
	v9 =	vcvt.s32.f32 @!p0 v15  }
0x15c: {  	v4 =	vadd.f32 @!p0 v4, v5;
	v5 =	vcvt.s32.f32 @!p0 v6  }
0x15d: {  	[tilespmem:v14+s25+$0x0] =	vst.idx.msk @!p0 $0xffff, v7;
	v6 =	vsub.f32 @!p0 v11, v8;
	v7 =	vsub.f32 @!p0 v10, v9  }
0x15e: {  	[tilespmem:v16+s25+$0x0] =	vst.idx.msk @!p0 $0xffff, v4;
	v4 =	vsub.f32 @!p0 v12, v5  }
0x15f: {  	v5 =	vsub.f32 @!p0 $1.000000000e+00, v6;
	v9 =	vld @!p0 [tilespmem:s28+$0x2780];
	v8 =	vsub.f32 @!p0 $1.000000000e+00, v7;
	_ =	sdelay $0x1  }
0x160: {  	v12 =	vld @!p0 [tilespmem:s28+$0x2790];
	v10 =	vsub.f32 @!p0 $1.000000000e+00, v4;
	v11 =	vmul.f32 @!p0 v8, v5;
	_ =	sdelay $0x1  }
0x161: {  	v13 =	vmul.f32 @!p0 v10, v11  }
0x162: {  	v15 =	vld @!p0 [tilespmem:s28+$0x27A0];
	v5 =	vmul.f32 @!p0 v7, v5;
	v14 =	vand.u32 @!p0 $0xFFFF0000, v9  }
0x163: {  	v9 =	vshll.u32 @!p0 v9, $0x10;
	v11 =	vmul.f32 @!p0 v11, v4;
	v14 =	vmul.f32 @!p0 v14, v13  }
0x164: {  	v9 =	vmul.f32 @!p0 v9, v13;
	v13 =	vand.u32 @!p0 $0xFFFF0000, v12;
	v12 =	vshll.u32 @!p0 v12, $0x10  }
0x165: {  	v16 =	vld @!p0 [tilespmem:s28+$0x27B0];
	v13 =	vmul.f32 @!p0 v13, v11;
	v11 =	vmul.f32 @!p0 v12, v11  }
0x166: {  	v12 =	vmul.f32 @!p0 v10, v5;
	v14 =	vadd.f32 @!p0 $0.0e+00, v14;
	v9 =	vadd.f32 @!p0 $0.0e+00, v9  }
0x167: {  	v18 =	vld @!p0 [tilespmem:s28+$0x27C0];
	v17 =	vand.u32 @!p0 $0xFFFF0000, v15  }
0x168: {  	v13 =	vadd.f32 @!p0 v13, v14;
	v9 =	vadd.f32 @!p0 v11, v9;
	v11 =	vmul.f32 @!p0 v17, v12  }
0x169: {  	v8 =	vmul.f32 @!p0 v8, v6;
	v5 =	vmul.f32 @!p0 v4, v5;
	v14 =	vshll.u32 @!p0 v15, $0x10  }
0x16a: {  	v12 =	vmul.f32 @!p0 v14, v12;
	v11 =	vadd.f32 @!p0 v11, v13;
	v13 =	vand.u32 @!p0 $0xFFFF0000, v16  }
0x16b: {  	v15 =	vmul.f32 @!p0 v10, v8;
	v14 =	vshll.u32 @!p0 v16, $0x10;
	v16 =	vld @!p0 [tilespmem:s28+$0x27D0];
	v13 =	vmul.f32 @!p0 v13, v5  }
0x16c: {  	v9 =	vadd.f32 @!p0 v12, v9;
	v5 =	vmul.f32 @!p0 v14, v5;
	v12 =	vand.u32 @!p0 $0xFFFF0000, v18  }
0x16d: {  	v6 =	vmul.f32 @!p0 v7, v6;
	v12 =	vmul.f32 @!p0 v12, v15  }
0x16e: {  	v11 =	vadd.f32 @!p0 v13, v11;
	v5 =	vadd.f32 @!p0 v5, v9;
	v9 =	vshll.u32 @!p0 v18, $0x10;
	v13 =	vld @!p0 [tilespmem:s28+$0x27E0]  }
0x16f: {  	v8 =	vmul.f32 @!p0 v8, v4;
	v9 =	vmul.f32 @!p0 v9, v15  }
0x170: {  	v7 =	vld @!p0 [tilespmem:s28+$0x27F0];
	v11 =	vadd.f32 @!p0 v12, v11;
	v12 =	vand.u32 @!p0 $0xFFFF0000, v16;
	v14 =	vshll.u32 @!p0 v16, $0x10  }
0x171: {  	v5 =	vadd.f32 @!p0 v9, v5;
	v9 =	vmul.f32 @!p0 v12, v8;
	v8 =	vmul.f32 @!p0 v14, v8  }
0x172: {  	v10 =	vmul.f32 @!p0 v10, v6;
	v4 =	vmul.f32 @!p0 v4, v6  }
0x173: {  	v12 =	vmul.f32 @!p0 $1.024000000e+03, v2;
	v5 =	vadd.f32 @!p0 v8, v5;
	v8 =	vand.u32 @!p0 $0xFFFF0000, v13  }
0x174: {  	v9 =	vadd.f32 @!p0 v9, v11;
	v11 =	vshll.u32 @!p0 v13, $0x10;
	v8 =	vmul.f32 @!p0 v8, v10  }
0x175: {  	v6 =	vmul.f32 @!p0 v11, v10;
	v10 =	vand.u32 @!p0 $0xFFFF0000, v7;
	v11 =	vmul.f32 @!p0 $1.024000000e+03, v3  }
0x176: {  	v8 =	vadd.f32 @!p0 v8, v9;
	v9 =	vmul.f32 @!p0 v10, v4;
	v10 =	vmul.f32 @!p0 $1.024000000e+03, v1  }
0x177: {  	v16 =	vor.u32 @!p0 $0x11, v0;
	v17 =	vtrunc.f32 @!p0 v12  }
0x178: {  	v14 =	vor.u32 @!p0 $0x10, v0;
	v13 =	vtrunc.f32 @!p0 v11;
	v15 =	vtrunc.f32 @!p0 v10  }
0x179: {  	v7 =	vshll.u32 @!p0 v7, $0x10;
	v13 =	vcvt.f32.s32 @!p0 v13;
	v15 =	vcvt.f32.s32 @!p0 v15  }
0x17a: {  	v5 =	vadd.f32 @!p0 v6, v5;
	v4 =	vmul.f32 @!p0 v7, v4;
	v6 =	vcvt.f32.s32 @!p0 v17  }
0x17b: {  	v7 =	vadd.f32 @!p0 v9, v8;
	v8 =	vcvt.s32.f32 @!p0 v13;
	v9 =	vcvt.s32.f32 @!p0 v15  }
0x17c: {  	v4 =	vadd.f32 @!p0 v4, v5;
	v5 =	vcvt.s32.f32 @!p0 v6  }
0x17d: {  	[tilespmem:v14+s25+$0x0] =	vst.idx.msk @!p0 $0xffff, v7;
	v6 =	vsub.f32 @!p0 v11, v8;
	v7 =	vsub.f32 @!p0 v10, v9  }
0x17e: {  	[tilespmem:v16+s25+$0x0] =	vst.idx.msk @!p0 $0xffff, v4;
	v4 =	vsub.f32 @!p0 v12, v5  }
0x17f: {  	v5 =	vsub.f32 @!p0 $1.000000000e+00, v6;
	v9 =	vld @!p0 [tilespmem:s28+$0x2800];
	v8 =	vsub.f32 @!p0 $1.000000000e+00, v7;
	_ =	sdelay $0x1  }
0x180: {  	v12 =	vld @!p0 [tilespmem:s28+$0x2810];
	v10 =	vsub.f32 @!p0 $1.000000000e+00, v4;
	v11 =	vmul.f32 @!p0 v8, v5;
	_ =	sdelay $0x1  }
0x181: {  	v13 =	vmul.f32 @!p0 v10, v11  }
0x182: {  	v15 =	vld @!p0 [tilespmem:s28+$0x2820];
	v5 =	vmul.f32 @!p0 v7, v5;
	v14 =	vand.u32 @!p0 $0xFFFF0000, v9  }
0x183: {  	v9 =	vshll.u32 @!p0 v9, $0x10;
	v11 =	vmul.f32 @!p0 v11, v4;
	v14 =	vmul.f32 @!p0 v14, v13  }
0x184: {  	v9 =	vmul.f32 @!p0 v9, v13;
	v13 =	vand.u32 @!p0 $0xFFFF0000, v12;
	v12 =	vshll.u32 @!p0 v12, $0x10  }
0x185: {  	v16 =	vld @!p0 [tilespmem:s28+$0x2830];
	v13 =	vmul.f32 @!p0 v13, v11;
	v11 =	vmul.f32 @!p0 v12, v11  }
0x186: {  	v12 =	vmul.f32 @!p0 v10, v5;
	v14 =	vadd.f32 @!p0 $0.0e+00, v14;
	v9 =	vadd.f32 @!p0 $0.0e+00, v9  }
0x187: {  	v18 =	vld @!p0 [tilespmem:s28+$0x2840];
	v17 =	vand.u32 @!p0 $0xFFFF0000, v15  }
0x188: {  	v13 =	vadd.f32 @!p0 v13, v14;
	v9 =	vadd.f32 @!p0 v11, v9;
	v11 =	vmul.f32 @!p0 v17, v12  }
0x189: {  	v8 =	vmul.f32 @!p0 v8, v6;
	v5 =	vmul.f32 @!p0 v4, v5;
	v14 =	vshll.u32 @!p0 v15, $0x10  }
0x18a: {  	v12 =	vmul.f32 @!p0 v14, v12;
	v11 =	vadd.f32 @!p0 v11, v13;
	v13 =	vand.u32 @!p0 $0xFFFF0000, v16  }
0x18b: {  	v15 =	vmul.f32 @!p0 v10, v8;
	v14 =	vshll.u32 @!p0 v16, $0x10;
	v16 =	vld @!p0 [tilespmem:s28+$0x2850];
	v13 =	vmul.f32 @!p0 v13, v5  }
0x18c: {  	v9 =	vadd.f32 @!p0 v12, v9;
	v5 =	vmul.f32 @!p0 v14, v5;
	v12 =	vand.u32 @!p0 $0xFFFF0000, v18  }
0x18d: {  	v6 =	vmul.f32 @!p0 v7, v6;
	v12 =	vmul.f32 @!p0 v12, v15  }
0x18e: {  	v11 =	vadd.f32 @!p0 v13, v11;
	v5 =	vadd.f32 @!p0 v5, v9;
	v9 =	vshll.u32 @!p0 v18, $0x10;
	v13 =	vld @!p0 [tilespmem:s28+$0x2860]  }
0x18f: {  	v8 =	vmul.f32 @!p0 v8, v4;
	v9 =	vmul.f32 @!p0 v9, v15  }
0x190: {  	v7 =	vld @!p0 [tilespmem:s28+$0x2870];
	v11 =	vadd.f32 @!p0 v12, v11;
	v12 =	vand.u32 @!p0 $0xFFFF0000, v16;
	v14 =	vshll.u32 @!p0 v16, $0x10  }
0x191: {  	v5 =	vadd.f32 @!p0 v9, v5;
	v9 =	vmul.f32 @!p0 v12, v8;
	v8 =	vmul.f32 @!p0 v14, v8  }
0x192: {  	v10 =	vmul.f32 @!p0 v10, v6;
	v4 =	vmul.f32 @!p0 v4, v6  }
0x193: {  	v12 =	vmul.f32 @!p0 $2.048000000e+03, v2;
	v5 =	vadd.f32 @!p0 v8, v5;
	v8 =	vand.u32 @!p0 $0xFFFF0000, v13  }
0x194: {  	v9 =	vadd.f32 @!p0 v9, v11;
	v11 =	vshll.u32 @!p0 v13, $0x10;
	v8 =	vmul.f32 @!p0 v8, v10  }
0x195: {  	v6 =	vmul.f32 @!p0 v11, v10;
	v10 =	vand.u32 @!p0 $0xFFFF0000, v7;
	v11 =	vmul.f32 @!p0 $2.048000000e+03, v3  }
0x196: {  	v8 =	vadd.f32 @!p0 v8, v9;
	v9 =	vmul.f32 @!p0 v10, v4;
	v10 =	vmul.f32 @!p0 $2.048000000e+03, v1  }
0x197: {  	v16 =	vor.u32 @!p0 $0x13, v0;
	v17 =	vtrunc.f32 @!p0 v12  }
0x198: {  	v14 =	vor.u32 @!p0 $0x12, v0;
	v13 =	vtrunc.f32 @!p0 v11;
	v15 =	vtrunc.f32 @!p0 v10  }
0x199: {  	v7 =	vshll.u32 @!p0 v7, $0x10;
	v13 =	vcvt.f32.s32 @!p0 v13;
	v15 =	vcvt.f32.s32 @!p0 v15  }
0x19a: {  	v5 =	vadd.f32 @!p0 v6, v5;
	v4 =	vmul.f32 @!p0 v7, v4;
	v6 =	vcvt.f32.s32 @!p0 v17  }
0x19b: {  	v7 =	vadd.f32 @!p0 v9, v8;
	v8 =	vcvt.s32.f32 @!p0 v13;
	v9 =	vcvt.s32.f32 @!p0 v15  }
0x19c: {  	v4 =	vadd.f32 @!p0 v4, v5;
	v5 =	vcvt.s32.f32 @!p0 v6  }
0x19d: {  	[tilespmem:v14+s25+$0x0] =	vst.idx.msk @!p0 $0xffff, v7;
	v6 =	vsub.f32 @!p0 v11, v8;
	v7 =	vsub.f32 @!p0 v10, v9  }
0x19e: {  	[tilespmem:v16+s25+$0x0] =	vst.idx.msk @!p0 $0xffff, v4;
	v4 =	vsub.f32 @!p0 v12, v5  }
0x19f: {  	v5 =	vsub.f32 @!p0 $1.000000000e+00, v6;
	v9 =	vld @!p0 [tilespmem:s28+$0x2880];
	v8 =	vsub.f32 @!p0 $1.000000000e+00, v7;
	_ =	sdelay $0x1  }
0x1a0: {  	v12 =	vld @!p0 [tilespmem:s28+$0x2890];
	v10 =	vsub.f32 @!p0 $1.000000000e+00, v4;
	v11 =	vmul.f32 @!p0 v8, v5;
	_ =	sdelay $0x1  }
0x1a1: {  	v13 =	vmul.f32 @!p0 v10, v11  }
0x1a2: {  	v15 =	vld @!p0 [tilespmem:s28+$0x28A0];
	v5 =	vmul.f32 @!p0 v7, v5;
	v14 =	vand.u32 @!p0 $0xFFFF0000, v9  }
0x1a3: {  	v9 =	vshll.u32 @!p0 v9, $0x10;
	v11 =	vmul.f32 @!p0 v11, v4;
	v14 =	vmul.f32 @!p0 v14, v13  }
0x1a4: {  	v9 =	vmul.f32 @!p0 v9, v13;
	v13 =	vand.u32 @!p0 $0xFFFF0000, v12;
	v12 =	vshll.u32 @!p0 v12, $0x10  }
0x1a5: {  	v16 =	vld @!p0 [tilespmem:s28+$0x28B0];
	v13 =	vmul.f32 @!p0 v13, v11;
	v11 =	vmul.f32 @!p0 v12, v11  }
0x1a6: {  	v12 =	vmul.f32 @!p0 v10, v5;
	v14 =	vadd.f32 @!p0 $0.0e+00, v14;
	v9 =	vadd.f32 @!p0 $0.0e+00, v9  }
0x1a7: {  	v18 =	vld @!p0 [tilespmem:s28+$0x28C0];
	v17 =	vand.u32 @!p0 $0xFFFF0000, v15  }
0x1a8: {  	v13 =	vadd.f32 @!p0 v13, v14;
	v9 =	vadd.f32 @!p0 v11, v9;
	v11 =	vmul.f32 @!p0 v17, v12  }
0x1a9: {  	v8 =	vmul.f32 @!p0 v8, v6;
	v5 =	vmul.f32 @!p0 v4, v5;
	v14 =	vshll.u32 @!p0 v15, $0x10  }
0x1aa: {  	v12 =	vmul.f32 @!p0 v14, v12;
	v11 =	vadd.f32 @!p0 v11, v13;
	v13 =	vand.u32 @!p0 $0xFFFF0000, v16  }
0x1ab: {  	v15 =	vmul.f32 @!p0 v10, v8;
	v14 =	vshll.u32 @!p0 v16, $0x10;
	v16 =	vld @!p0 [tilespmem:s28+$0x28D0];
	v13 =	vmul.f32 @!p0 v13, v5  }
0x1ac: {  	v9 =	vadd.f32 @!p0 v12, v9;
	v5 =	vmul.f32 @!p0 v14, v5;
	v12 =	vand.u32 @!p0 $0xFFFF0000, v18  }
0x1ad: {  	v6 =	vmul.f32 @!p0 v7, v6;
	v12 =	vmul.f32 @!p0 v12, v15  }
0x1ae: {  	v11 =	vadd.f32 @!p0 v13, v11;
	v5 =	vadd.f32 @!p0 v5, v9;
	v9 =	vshll.u32 @!p0 v18, $0x10;
	v13 =	vld @!p0 [tilespmem:s28+$0x28E0]  }
0x1af: {  	v8 =	vmul.f32 @!p0 v8, v4;
	v9 =	vmul.f32 @!p0 v9, v15  }
0x1b0: {  	v7 =	vld @!p0 [tilespmem:s28+$0x28F0];
	v11 =	vadd.f32 @!p0 v12, v11;
	v12 =	vand.u32 @!p0 $0xFFFF0000, v16;
	v14 =	vshll.u32 @!p0 v16, $0x10  }
0x1b1: {  	v5 =	vadd.f32 @!p0 v9, v5;
	v9 =	vmul.f32 @!p0 v12, v8;
	v8 =	vmul.f32 @!p0 v14, v8  }
0x1b2: {  	v10 =	vmul.f32 @!p0 v10, v6;
	v4 =	vmul.f32 @!p0 v4, v6  }
0x1b3: {  	v12 =	vmul.f32 @!p0 $4.096000000e+03, v2;
	v5 =	vadd.f32 @!p0 v8, v5;
	v8 =	vand.u32 @!p0 $0xFFFF0000, v13  }
0x1b4: {  	v9 =	vadd.f32 @!p0 v9, v11;
	v11 =	vshll.u32 @!p0 v13, $0x10;
	v8 =	vmul.f32 @!p0 v8, v10  }
0x1b5: {  	v6 =	vmul.f32 @!p0 v11, v10;
	v10 =	vand.u32 @!p0 $0xFFFF0000, v7;
	v11 =	vmul.f32 @!p0 $4.096000000e+03, v3  }
0x1b6: {  	v8 =	vadd.f32 @!p0 v8, v9;
	v9 =	vmul.f32 @!p0 v10, v4;
	v10 =	vmul.f32 @!p0 $4.096000000e+03, v1  }
0x1b7: {  	v16 =	vor.u32 @!p0 $0x15, v0;
	v17 =	vtrunc.f32 @!p0 v12  }
0x1b8: {  	v14 =	vor.u32 @!p0 $0x14, v0;
	v13 =	vtrunc.f32 @!p0 v11;
	v15 =	vtrunc.f32 @!p0 v10  }
0x1b9: {  	v7 =	vshll.u32 @!p0 v7, $0x10;
	v13 =	vcvt.f32.s32 @!p0 v13;
	v15 =	vcvt.f32.s32 @!p0 v15  }
0x1ba: {  	v5 =	vadd.f32 @!p0 v6, v5;
	v4 =	vmul.f32 @!p0 v7, v4;
	v6 =	vcvt.f32.s32 @!p0 v17  }
0x1bb: {  	v7 =	vadd.f32 @!p0 v9, v8;
	v8 =	vcvt.s32.f32 @!p0 v13;
	v9 =	vcvt.s32.f32 @!p0 v15  }
0x1bc: {  	v4 =	vadd.f32 @!p0 v4, v5;
	v5 =	vcvt.s32.f32 @!p0 v6  }
0x1bd: {  	[tilespmem:v14+s25+$0x0] =	vst.idx.msk @!p0 $0xffff, v7;
	v6 =	vsub.f32 @!p0 v11, v8;
	v7 =	vsub.f32 @!p0 v10, v9  }
0x1be: {  	[tilespmem:v16+s25+$0x0] =	vst.idx.msk @!p0 $0xffff, v4;
	v4 =	vsub.f32 @!p0 v12, v5  }
0x1bf: {  	v5 =	vsub.f32 @!p0 $1.000000000e+00, v6;
	v9 =	vld @!p0 [tilespmem:s28+$0x2900];
	v8 =	vsub.f32 @!p0 $1.000000000e+00, v7;
	_ =	sdelay $0x1  }
0x1c0: {  	v12 =	vld @!p0 [tilespmem:s28+$0x2910];
	v10 =	vsub.f32 @!p0 $1.000000000e+00, v4;
	v11 =	vmul.f32 @!p0 v8, v5;
	_ =	sdelay $0x1  }
0x1c1: {  	v13 =	vmul.f32 @!p0 v10, v11  }
0x1c2: {  	v15 =	vld @!p0 [tilespmem:s28+$0x2920];
	v5 =	vmul.f32 @!p0 v7, v5;
	v14 =	vand.u32 @!p0 $0xFFFF0000, v9  }
0x1c3: {  	v9 =	vshll.u32 @!p0 v9, $0x10;
	v11 =	vmul.f32 @!p0 v11, v4;
	v14 =	vmul.f32 @!p0 v14, v13  }
0x1c4: {  	v9 =	vmul.f32 @!p0 v9, v13;
	v13 =	vand.u32 @!p0 $0xFFFF0000, v12;
	v12 =	vshll.u32 @!p0 v12, $0x10  }
0x1c5: {  	v16 =	vld @!p0 [tilespmem:s28+$0x2930];
	v13 =	vmul.f32 @!p0 v13, v11;
	v11 =	vmul.f32 @!p0 v12, v11  }
0x1c6: {  	v12 =	vmul.f32 @!p0 v10, v5;
	v14 =	vadd.f32 @!p0 $0.0e+00, v14;
	v9 =	vadd.f32 @!p0 $0.0e+00, v9  }
0x1c7: {  	v18 =	vld @!p0 [tilespmem:s28+$0x2940];
	v17 =	vand.u32 @!p0 $0xFFFF0000, v15  }
0x1c8: {  	v13 =	vadd.f32 @!p0 v13, v14;
	v9 =	vadd.f32 @!p0 v11, v9;
	v11 =	vmul.f32 @!p0 v17, v12  }
0x1c9: {  	v8 =	vmul.f32 @!p0 v8, v6;
	v5 =	vmul.f32 @!p0 v4, v5;
	v14 =	vshll.u32 @!p0 v15, $0x10  }
0x1ca: {  	v12 =	vmul.f32 @!p0 v14, v12;
	v11 =	vadd.f32 @!p0 v11, v13;
	v13 =	vand.u32 @!p0 $0xFFFF0000, v16  }
0x1cb: {  	v15 =	vmul.f32 @!p0 v10, v8;
	v14 =	vshll.u32 @!p0 v16, $0x10;
	v16 =	vld @!p0 [tilespmem:s28+$0x2950];
	v13 =	vmul.f32 @!p0 v13, v5  }
0x1cc: {  	v9 =	vadd.f32 @!p0 v12, v9;
	v5 =	vmul.f32 @!p0 v14, v5;
	v12 =	vand.u32 @!p0 $0xFFFF0000, v18  }
0x1cd: {  	v6 =	vmul.f32 @!p0 v7, v6;
	v12 =	vmul.f32 @!p0 v12, v15  }
0x1ce: {  	v11 =	vadd.f32 @!p0 v13, v11;
	v5 =	vadd.f32 @!p0 v5, v9;
	v9 =	vshll.u32 @!p0 v18, $0x10;
	v13 =	vld @!p0 [tilespmem:s28+$0x2960]  }
0x1cf: {  	v8 =	vmul.f32 @!p0 v8, v4;
	v9 =	vmul.f32 @!p0 v9, v15  }
0x1d0: {  	v7 =	vld @!p0 [tilespmem:s28+$0x2970];
	v11 =	vadd.f32 @!p0 v12, v11;
	v12 =	vand.u32 @!p0 $0xFFFF0000, v16;
	v14 =	vshll.u32 @!p0 v16, $0x10  }
0x1d1: {  	v5 =	vadd.f32 @!p0 v9, v5;
	v9 =	vmul.f32 @!p0 v12, v8;
	v8 =	vmul.f32 @!p0 v14, v8  }
0x1d2: {  	v10 =	vmul.f32 @!p0 v10, v6;
	v4 =	vmul.f32 @!p0 v4, v6  }
0x1d3: {  	v12 =	vmul.f32 @!p0 $8.192000000e+03, v2;
	v5 =	vadd.f32 @!p0 v8, v5;
	v8 =	vand.u32 @!p0 $0xFFFF0000, v13  }
0x1d4: {  	v9 =	vadd.f32 @!p0 v9, v11;
	v11 =	vshll.u32 @!p0 v13, $0x10;
	v8 =	vmul.f32 @!p0 v8, v10  }
0x1d5: {  	v6 =	vmul.f32 @!p0 v11, v10;
	v10 =	vand.u32 @!p0 $0xFFFF0000, v7;
	v11 =	vmul.f32 @!p0 $8.192000000e+03, v3  }
0x1d6: {  	v8 =	vadd.f32 @!p0 v8, v9;
	v9 =	vmul.f32 @!p0 v10, v4;
	v10 =	vmul.f32 @!p0 $8.192000000e+03, v1  }
0x1d7: {  	v16 =	vor.u32 @!p0 $0x17, v0;
	v17 =	vtrunc.f32 @!p0 v12  }
0x1d8: {  	v14 =	vor.u32 @!p0 $0x16, v0;
	v13 =	vtrunc.f32 @!p0 v11;
	v15 =	vtrunc.f32 @!p0 v10  }
0x1d9: {  	v7 =	vshll.u32 @!p0 v7, $0x10;
	v13 =	vcvt.f32.s32 @!p0 v13;
	v15 =	vcvt.f32.s32 @!p0 v15  }
0x1da: {  	v5 =	vadd.f32 @!p0 v6, v5;
	v4 =	vmul.f32 @!p0 v7, v4;
	v6 =	vcvt.f32.s32 @!p0 v17  }
0x1db: {  	v7 =	vadd.f32 @!p0 v9, v8;
	v8 =	vcvt.s32.f32 @!p0 v13;
	v9 =	vcvt.s32.f32 @!p0 v15  }
0x1dc: {  	v4 =	vadd.f32 @!p0 v4, v5;
	v5 =	vcvt.s32.f32 @!p0 v6  }
0x1dd: {  	[tilespmem:v14+s25+$0x0] =	vst.idx.msk @!p0 $0xffff, v7;
	v6 =	vsub.f32 @!p0 v11, v8;
	v7 =	vsub.f32 @!p0 v10, v9  }
0x1de: {  	[tilespmem:v16+s25+$0x0] =	vst.idx.msk @!p0 $0xffff, v4;
	v4 =	vsub.f32 @!p0 v12, v5  }
0x1df: {  	v5 =	vsub.f32 @!p0 $1.000000000e+00, v6;
	v9 =	vld @!p0 [tilespmem:s28+$0x2980];
	v8 =	vsub.f32 @!p0 $1.000000000e+00, v7;
	_ =	sdelay $0x1  }
0x1e0: {  	v12 =	vld @!p0 [tilespmem:s28+$0x2990];
	v10 =	vsub.f32 @!p0 $1.000000000e+00, v4;
	v11 =	vmul.f32 @!p0 v8, v5;
	_ =	sdelay $0x1  }
0x1e1: {  	v13 =	vmul.f32 @!p0 v10, v11  }
0x1e2: {  	v15 =	vld @!p0 [tilespmem:s28+$0x29A0];
	v5 =	vmul.f32 @!p0 v7, v5;
	v14 =	vand.u32 @!p0 $0xFFFF0000, v9  }
0x1e3: {  	v9 =	vshll.u32 @!p0 v9, $0x10;
	v11 =	vmul.f32 @!p0 v11, v4;
	v14 =	vmul.f32 @!p0 v14, v13  }
0x1e4: {  	v9 =	vmul.f32 @!p0 v9, v13;
	v13 =	vand.u32 @!p0 $0xFFFF0000, v12;
	v12 =	vshll.u32 @!p0 v12, $0x10  }
0x1e5: {  	v16 =	vld @!p0 [tilespmem:s28+$0x29B0];
	v13 =	vmul.f32 @!p0 v13, v11;
	v11 =	vmul.f32 @!p0 v12, v11  }
0x1e6: {  	v12 =	vmul.f32 @!p0 v10, v5;
	v14 =	vadd.f32 @!p0 $0.0e+00, v14;
	v9 =	vadd.f32 @!p0 $0.0e+00, v9  }
0x1e7: {  	v18 =	vld @!p0 [tilespmem:s28+$0x29C0];
	v17 =	vand.u32 @!p0 $0xFFFF0000, v15  }
0x1e8: {  	v13 =	vadd.f32 @!p0 v13, v14;
	v9 =	vadd.f32 @!p0 v11, v9;
	v11 =	vmul.f32 @!p0 v17, v12  }
0x1e9: {  	v8 =	vmul.f32 @!p0 v8, v6;
	v5 =	vmul.f32 @!p0 v4, v5;
	v14 =	vshll.u32 @!p0 v15, $0x10  }
0x1ea: {  	v12 =	vmul.f32 @!p0 v14, v12;
	v11 =	vadd.f32 @!p0 v11, v13;
	v13 =	vand.u32 @!p0 $0xFFFF0000, v16  }
0x1eb: {  	v15 =	vmul.f32 @!p0 v10, v8;
	v14 =	vshll.u32 @!p0 v16, $0x10;
	v16 =	vld @!p0 [tilespmem:s28+$0x29D0];
	v13 =	vmul.f32 @!p0 v13, v5  }
0x1ec: {  	v9 =	vadd.f32 @!p0 v12, v9;
	v5 =	vmul.f32 @!p0 v14, v5;
	v12 =	vand.u32 @!p0 $0xFFFF0000, v18  }
0x1ed: {  	v6 =	vmul.f32 @!p0 v7, v6;
	v12 =	vmul.f32 @!p0 v12, v15  }
0x1ee: {  	v11 =	vadd.f32 @!p0 v13, v11;
	v5 =	vadd.f32 @!p0 v5, v9;
	v9 =	vshll.u32 @!p0 v18, $0x10;
	v13 =	vld @!p0 [tilespmem:s28+$0x29E0]  }
0x1ef: {  	v8 =	vmul.f32 @!p0 v8, v4;
	v9 =	vmul.f32 @!p0 v9, v15  }
0x1f0: {  	v7 =	vld @!p0 [tilespmem:s28+$0x29F0];
	v11 =	vadd.f32 @!p0 v12, v11;
	v12 =	vand.u32 @!p0 $0xFFFF0000, v16;
	v14 =	vshll.u32 @!p0 v16, $0x10  }
0x1f1: {  	v5 =	vadd.f32 @!p0 v9, v5;
	v9 =	vmul.f32 @!p0 v12, v8;
	v8 =	vmul.f32 @!p0 v14, v8  }
0x1f2: {  	v10 =	vmul.f32 @!p0 v10, v6;
	v4 =	vmul.f32 @!p0 v4, v6  }
0x1f3: {  	v12 =	vmul.f32 @!p0 $1.638400000e+04, v2;
	v5 =	vadd.f32 @!p0 v8, v5;
	v8 =	vand.u32 @!p0 $0xFFFF0000, v13  }
0x1f4: {  	v9 =	vadd.f32 @!p0 v9, v11;
	v11 =	vshll.u32 @!p0 v13, $0x10;
	v8 =	vmul.f32 @!p0 v8, v10  }
0x1f5: {  	v6 =	vmul.f32 @!p0 v11, v10;
	v10 =	vand.u32 @!p0 $0xFFFF0000, v7;
	v11 =	vmul.f32 @!p0 $1.638400000e+04, v3  }
0x1f6: {  	v8 =	vadd.f32 @!p0 v8, v9;
	v9 =	vmul.f32 @!p0 v10, v4;
	v10 =	vmul.f32 @!p0 $1.638400000e+04, v1  }
0x1f7: {  	v16 =	vor.u32 @!p0 $0x19, v0;
	v17 =	vtrunc.f32 @!p0 v12  }
0x1f8: {  	v14 =	vor.u32 @!p0 $0x18, v0;
	v13 =	vtrunc.f32 @!p0 v11;
	v15 =	vtrunc.f32 @!p0 v10  }
0x1f9: {  	v7 =	vshll.u32 @!p0 v7, $0x10;
	v13 =	vcvt.f32.s32 @!p0 v13;
	v15 =	vcvt.f32.s32 @!p0 v15  }
0x1fa: {  	v5 =	vadd.f32 @!p0 v6, v5;
	v4 =	vmul.f32 @!p0 v7, v4;
	v6 =	vcvt.f32.s32 @!p0 v17  }
0x1fb: {  	v7 =	vadd.f32 @!p0 v9, v8;
	v8 =	vcvt.s32.f32 @!p0 v13;
	v9 =	vcvt.s32.f32 @!p0 v15  }
0x1fc: {  	v4 =	vadd.f32 @!p0 v4, v5;
	v5 =	vcvt.s32.f32 @!p0 v6  }
0x1fd: {  	[tilespmem:v14+s25+$0x0] =	vst.idx.msk @!p0 $0xffff, v7;
	v6 =	vsub.f32 @!p0 v11, v8;
	v7 =	vsub.f32 @!p0 v10, v9  }
0x1fe: {  	[tilespmem:v16+s25+$0x0] =	vst.idx.msk @!p0 $0xffff, v4;
	v4 =	vsub.f32 @!p0 v12, v5  }
0x1ff: {  	v5 =	vsub.f32 @!p0 $1.000000000e+00, v6;
	v9 =	vld @!p0 [tilespmem:s28+$0x2A00];
	v8 =	vsub.f32 @!p0 $1.000000000e+00, v7;
	_ =	sdelay $0x1  }
0x200: {  	v12 =	vld @!p0 [tilespmem:s28+$0x2A10];
	v10 =	vsub.f32 @!p0 $1.000000000e+00, v4;
	v11 =	vmul.f32 @!p0 v8, v5;
	_ =	sdelay $0x1  }
0x201: {  	v13 =	vmul.f32 @!p0 v10, v11  }
0x202: {  	v15 =	vld @!p0 [tilespmem:s28+$0x2A20];
	v5 =	vmul.f32 @!p0 v7, v5;
	v14 =	vand.u32 @!p0 $0xFFFF0000, v9  }
0x203: {  	v9 =	vshll.u32 @!p0 v9, $0x10;
	v11 =	vmul.f32 @!p0 v11, v4;
	v14 =	vmul.f32 @!p0 v14, v13  }
0x204: {  	v9 =	vmul.f32 @!p0 v9, v13;
	v13 =	vand.u32 @!p0 $0xFFFF0000, v12;
	v12 =	vshll.u32 @!p0 v12, $0x10  }
0x205: {  	v16 =	vld @!p0 [tilespmem:s28+$0x2A30];
	v13 =	vmul.f32 @!p0 v13, v11;
	v11 =	vmul.f32 @!p0 v12, v11  }
0x206: {  	v12 =	vmul.f32 @!p0 v10, v5;
	v14 =	vadd.f32 @!p0 $0.0e+00, v14;
	v9 =	vadd.f32 @!p0 $0.0e+00, v9  }
0x207: {  	v18 =	vld @!p0 [tilespmem:s28+$0x2A40];
	v17 =	vand.u32 @!p0 $0xFFFF0000, v15  }
0x208: {  	v13 =	vadd.f32 @!p0 v13, v14;
	v9 =	vadd.f32 @!p0 v11, v9;
	v11 =	vmul.f32 @!p0 v17, v12  }
0x209: {  	v8 =	vmul.f32 @!p0 v8, v6;
	v5 =	vmul.f32 @!p0 v4, v5;
	v14 =	vshll.u32 @!p0 v15, $0x10  }
0x20a: {  	v12 =	vmul.f32 @!p0 v14, v12;
	v11 =	vadd.f32 @!p0 v11, v13;
	v13 =	vand.u32 @!p0 $0xFFFF0000, v16  }
0x20b: {  	v15 =	vmul.f32 @!p0 v10, v8;
	v14 =	vshll.u32 @!p0 v16, $0x10;
	v16 =	vld @!p0 [tilespmem:s28+$0x2A50];
	v13 =	vmul.f32 @!p0 v13, v5  }
0x20c: {  	v9 =	vadd.f32 @!p0 v12, v9;
	v5 =	vmul.f32 @!p0 v14, v5;
	v12 =	vand.u32 @!p0 $0xFFFF0000, v18  }
0x20d: {  	v6 =	vmul.f32 @!p0 v7, v6;
	v12 =	vmul.f32 @!p0 v12, v15  }
0x20e: {  	v11 =	vadd.f32 @!p0 v13, v11;
	v5 =	vadd.f32 @!p0 v5, v9;
	v9 =	vshll.u32 @!p0 v18, $0x10;
	v13 =	vld @!p0 [tilespmem:s28+$0x2A60]  }
0x20f: {  	v8 =	vmul.f32 @!p0 v8, v4;
	v9 =	vmul.f32 @!p0 v9, v15  }
0x210: {  	v7 =	vld @!p0 [tilespmem:s28+$0x2A70];
	v11 =	vadd.f32 @!p0 v12, v11;
	v12 =	vand.u32 @!p0 $0xFFFF0000, v16;
	v14 =	vshll.u32 @!p0 v16, $0x10  }
0x211: {  	v5 =	vadd.f32 @!p0 v9, v5;
	v9 =	vmul.f32 @!p0 v12, v8;
	v8 =	vmul.f32 @!p0 v14, v8  }
0x212: {  	v10 =	vmul.f32 @!p0 v10, v6;
	v4 =	vmul.f32 @!p0 v4, v6  }
0x213: {  	v12 =	vmul.f32 @!p0 $3.276800000e+04, v2;
	v5 =	vadd.f32 @!p0 v8, v5;
	v8 =	vand.u32 @!p0 $0xFFFF0000, v13  }
0x214: {  	v9 =	vadd.f32 @!p0 v9, v11;
	v11 =	vshll.u32 @!p0 v13, $0x10;
	v8 =	vmul.f32 @!p0 v8, v10  }
0x215: {  	v6 =	vmul.f32 @!p0 v11, v10;
	v10 =	vand.u32 @!p0 $0xFFFF0000, v7;
	v11 =	vmul.f32 @!p0 $3.276800000e+04, v3  }
0x216: {  	v8 =	vadd.f32 @!p0 v8, v9;
	v9 =	vmul.f32 @!p0 v10, v4;
	v10 =	vmul.f32 @!p0 $3.276800000e+04, v1  }
0x217: {  	v16 =	vor.u32 @!p0 $0x1B, v0;
	v17 =	vtrunc.f32 @!p0 v12  }
0x218: {  	v14 =	vor.u32 @!p0 $0x1A, v0;
	v13 =	vtrunc.f32 @!p0 v11;
	v15 =	vtrunc.f32 @!p0 v10  }
0x219: {  	v7 =	vshll.u32 @!p0 v7, $0x10;
	v13 =	vcvt.f32.s32 @!p0 v13;
	v15 =	vcvt.f32.s32 @!p0 v15  }
0x21a: {  	v5 =	vadd.f32 @!p0 v6, v5;
	v4 =	vmul.f32 @!p0 v7, v4;
	v6 =	vcvt.f32.s32 @!p0 v17  }
0x21b: {  	v7 =	vadd.f32 @!p0 v9, v8;
	v8 =	vcvt.s32.f32 @!p0 v13;
	v9 =	vcvt.s32.f32 @!p0 v15  }
0x21c: {  	v4 =	vadd.f32 @!p0 v4, v5;
	v5 =	vcvt.s32.f32 @!p0 v6  }
0x21d: {  	[tilespmem:v14+s25+$0x0] =	vst.idx.msk @!p0 $0xffff, v7;
	v6 =	vsub.f32 @!p0 v11, v8;
	v7 =	vsub.f32 @!p0 v10, v9  }
0x21e: {  	[tilespmem:v16+s25+$0x0] =	vst.idx.msk @!p0 $0xffff, v4;
	v4 =	vsub.f32 @!p0 v12, v5  }
0x21f: {  	v5 =	vsub.f32 @!p0 $1.000000000e+00, v6;
	v9 =	vld @!p0 [tilespmem:s28+$0x2A80];
	v8 =	vsub.f32 @!p0 $1.000000000e+00, v7;
	_ =	sdelay $0x1  }
0x220: {  	v12 =	vld @!p0 [tilespmem:s28+$0x2A90];
	v10 =	vsub.f32 @!p0 $1.000000000e+00, v4;
	v11 =	vmul.f32 @!p0 v8, v5  }
0x221: {  	v2 =	vmul.f32 @!p0 $6.553600000e+04, v2  }
0x222: {  	v3 =	vmul.f32 @!p0 $6.553600000e+04, v3;
	v13 =	vmul.f32 @!p0 v10, v11  }
0x223: {  	v1 =	vmul.f32 @!p0 $6.553600000e+04, v1;
	v15 =	vld @!p0 [tilespmem:s28+$0x2AA0];
	v5 =	vmul.f32 @!p0 v7, v5;
	v14 =	vand.u32 @!p0 $0xFFFF0000, v9  }
0x224: {  	v9 =	vshll.u32 @!p0 v9, $0x10;
	v11 =	vmul.f32 @!p0 v11, v4;
	v14 =	vmul.f32 @!p0 v14, v13  }
0x225: {  	v9 =	vmul.f32 @!p0 v9, v13;
	v13 =	vand.u32 @!p0 $0xFFFF0000, v12;
	v12 =	vshll.u32 @!p0 v12, $0x10  }
0x226: {  	v16 =	vld @!p0 [tilespmem:s28+$0x2AB0];
	v13 =	vmul.f32 @!p0 v13, v11;
	v11 =	vmul.f32 @!p0 v12, v11  }
0x227: {  	v12 =	vmul.f32 @!p0 v10, v5;
	v14 =	vadd.f32 @!p0 $0.0e+00, v14;
	v9 =	vadd.f32 @!p0 $0.0e+00, v9  }
0x228: {  	v18 =	vld @!p0 [tilespmem:s28+$0x2AC0];
	v17 =	vand.u32 @!p0 $0xFFFF0000, v15;
	v8 =	vmul.f32 @!p0 v8, v6;
	v6 =	vmul.f32 @!p0 v7, v6  }
0x229: {  	v13 =	vadd.f32 @!p0 v13, v14;
	v9 =	vadd.f32 @!p0 v11, v9;
	v11 =	vmul.f32 @!p0 v17, v12  }
0x22a: {  	v5 =	vmul.f32 @!p0 v4, v5;
	v14 =	vshll.u32 @!p0 v15, $0x10;
	v15 =	vmul.f32 @!p0 v10, v8  }
0x22b: {  	v12 =	vmul.f32 @!p0 v14, v12;
	v11 =	vadd.f32 @!p0 v11, v13;
	v13 =	vand.u32 @!p0 $0xFFFF0000, v16  }
0x22c: {  	v8 =	vmul.f32 @!p0 v8, v4;
	v14 =	vshll.u32 @!p0 v16, $0x10;
	v16 =	vld @!p0 [tilespmem:s28+$0x2AD0];
	v13 =	vmul.f32 @!p0 v13, v5  }
0x22d: {  	v9 =	vadd.f32 @!p0 v12, v9;
	v5 =	vmul.f32 @!p0 v14, v5;
	v12 =	vand.u32 @!p0 $0xFFFF0000, v18  }
0x22e: {  	v10 =	vmul.f32 @!p0 v10, v6;
	v12 =	vmul.f32 @!p0 v12, v15  }
0x22f: {  	v11 =	vadd.f32 @!p0 v13, v11;
	v5 =	vadd.f32 @!p0 v5, v9;
	v9 =	vshll.u32 @!p0 v18, $0x10;
	v13 =	vld @!p0 [tilespmem:s28+$0x2AE0]  }
0x230: {  	v4 =	vmul.f32 @!p0 v4, v6;
	v9 =	vmul.f32 @!p0 v9, v15  }
0x231: {  	v7 =	vld @!p0 [tilespmem:s28+$0x2AF0];
	v11 =	vadd.f32 @!p0 v12, v11;
	v12 =	vand.u32 @!p0 $0xFFFF0000, v16;
	v14 =	vshll.u32 @!p0 v16, $0x10  }
0x232: {  	v5 =	vadd.f32 @!p0 v9, v5;
	v9 =	vmul.f32 @!p0 v12, v8;
	v8 =	vmul.f32 @!p0 v14, v8  }
0x233: {  	v12 =	vtrunc.f32 @!p0 v1;
	v14 =	vtrunc.f32 @!p0 v2  }
0x234: {  	v12 =	vcvt.f32.s32 @!p0 v12;
	v5 =	vadd.f32 @!p0 v8, v5;
	v8 =	vand.u32 @!p0 $0xFFFF0000, v13  }
0x235: {  	v9 =	vadd.f32 @!p0 v9, v11;
	v11 =	vshll.u32 @!p0 v13, $0x10;
	v8 =	vmul.f32 @!p0 v8, v10  }
0x236: {  	v6 =	vmul.f32 @!p0 v11, v10;
	v10 =	vand.u32 @!p0 $0xFFFF0000, v7;
	v11 =	vor.u32 @!p0 $0x1C, v0  }
0x237: {  	v8 =	vadd.f32 @!p0 v8, v9;
	v9 =	vmul.f32 @!p0 v10, v4;
	v10 =	vtrunc.f32 @!p0 v3  }
0x238: {  	v13 =	vor.u32 @!p0 $0x1D, v0;
	v7 =	vshll.u32 @!p0 v7, $0x10;
	v10 =	vcvt.f32.s32 @!p0 v10  }
0x239: {  	v5 =	vadd.f32 @!p0 v6, v5;
	v4 =	vmul.f32 @!p0 v7, v4;
	v6 =	vcvt.f32.s32 @!p0 v14  }
0x23a: {  	v7 =	vadd.f32 @!p0 v9, v8;
	v9 =	vcvt.s32.f32 @!p0 v12;
	v8 =	vcvt.s32.f32 @!p0 v10  }
0x23b: {  	v4 =	vadd.f32 @!p0 v4, v5;
	v5 =	vcvt.s32.f32 @!p0 v6  }
0x23c: {  	[tilespmem:v11+s25+$0x0] =	vst.idx.msk @!p0 $0xffff, v7;
	v1 =	vsub.f32 @!p0 v1, v9;
	v3 =	vsub.f32 @!p0 v3, v8  }
0x23d: {  	v2 =	vsub.f32 @!p0 v2, v5;
	[tilespmem:v13+s25+$0x0] =	vst.idx.msk @!p0 $0xffff, v4  }
0x23e: {  	v5 =	vsub.f32 @!p0 $1.000000000e+00, v1;
	v6 =	vld @!p0 [tilespmem:s28+$0x2B00];
	v4 =	vsub.f32 @!p0 $1.000000000e+00, v3  }
0x23f: {  	v10 =	vld @!p0 [tilespmem:s28+$0x2B10]  }
0x240: {  	v7 =	vsub.f32 @!p0 $1.000000000e+00, v2;
	v8 =	vmul.f32 @!p0 v5, v4;
	_ =	sdelay $0x1  }
0x241: {  	v9 =	vmul.f32 @!p0 v7, v8  }
0x242: {  	v12 =	vld @!p0 [tilespmem:s28+$0x2B20];
	v11 =	vand.u32 @!p0 $0xFFFF0000, v6;
	v6 =	vshll.u32 @!p0 v6, $0x10;
	v8 =	vmul.f32 @!p0 v8, v2  }
0x243: {  	v11 =	vmul.f32 @!p0 v11, v9;
	v6 =	vmul.f32 @!p0 v6, v9;
	v9 =	vand.u32 @!p0 $0xFFFF0000, v10  }
0x244: {  	v13 =	vld @!p0 [tilespmem:s28+$0x2B30];
	v4 =	vmul.f32 @!p0 v1, v4;
	v10 =	vshll.u32 @!p0 v10, $0x10;
	v9 =	vmul.f32 @!p0 v9, v8  }
0x245: {  	v8 =	vmul.f32 @!p0 v10, v8;
	v11 =	vadd.f32 @!p0 $0.0e+00, v11;
	v6 =	vadd.f32 @!p0 $0.0e+00, v6  }
0x246: {  	v10 =	vmul.f32 @!p0 v7, v4  }
0x247: {  	v9 =	vadd.f32 @!p0 v9, v11;
	v6 =	vadd.f32 @!p0 v8, v6;
	v8 =	vand.u32 @!p0 $0xFFFF0000, v12;
	v11 =	vld @!p0 [tilespmem:s28+$0x2B40]  }
0x248: {  	v4 =	vmul.f32 @!p0 v2, v4;
	v12 =	vshll.u32 @!p0 v12, $0x10;
	v8 =	vmul.f32 @!p0 v8, v10  }
0x249: {  	v5 =	vmul.f32 @!p0 v5, v3;
	v10 =	vmul.f32 @!p0 v12, v10;
	v12 =	vand.u32 @!p0 $0xFFFF0000, v13  }
0x24a: {  	v12 =	vmul.f32 @!p0 v12, v4;
	v8 =	vadd.f32 @!p0 v8, v9;
	v9 =	vshll.u32 @!p0 v13, $0x10;
	v13 =	vld @!p0 [tilespmem:s28+$0x2B50]  }
0x24b: {  	v6 =	vadd.f32 @!p0 v10, v6;
	v4 =	vmul.f32 @!p0 v9, v4;
	v9 =	vmul.f32 @!p0 v7, v5  }
0x24c: {  	v14 =	vld @!p0 [tilespmem:s28+$0x2B60];
	v10 =	vand.u32 @!p0 $0xFFFF0000, v11  }
0x24d: {  	v8 =	vadd.f32 @!p0 v12, v8;
	v4 =	vadd.f32 @!p0 v4, v6;
	v6 =	vmul.f32 @!p0 v10, v9  }
0x24e: {  	v1 =	vmul.f32 @!p0 v1, v3;
	v5 =	vmul.f32 @!p0 v5, v2;
	v10 =	vshll.u32 @!p0 v11, $0x10  }
0x24f: {  	v3 =	vadd.f32 @!p0 v6, v8;
	v6 =	vmul.f32 @!p0 v10, v9;
	v8 =	vand.u32 @!p0 $0xFFFF0000, v13  }
0x250: {  	v7 =	vmul.f32 @!p0 v7, v1;
	v10 =	vld @!p0 [tilespmem:s28+$0x2B70];
	v8 =	vmul.f32 @!p0 v8, v5  }
0x251: {  	v9 =	vshll.u32 @!p0 v13, $0x10;
	v4 =	vadd.f32 @!p0 v6, v4;
	v6 =	vand.u32 @!p0 $0xFFFF0000, v14  }
0x252: {  	v5 =	vmul.f32 @!p0 v9, v5;
	v3 =	vadd.f32 @!p0 v8, v3;
	v6 =	vmul.f32 @!p0 v6, v7  }
0x253: {  	v1 =	vmul.f32 @!p0 v2, v1  }
0x254: {  	v4 =	vadd.f32 @!p0 v5, v4;
	v5 =	vshll.u32 @!p0 v14, $0x10;
	v3 =	vadd.f32 @!p0 v6, v3  }
0x255: {  	p1 =	sgt.u32 @!p0 s24, $0x3F;
	v2 =	vmul.f32 @!p0 v5, v7;
	v5 =	vand.u32 @!p0 $0xFFFF0000, v10;
	v6 =	vor.u32 @!p0 $0x1E, v0  }
0x256: {  	p1 =	por p0, !p1;
	v7 =	vshll.u32 @!p0 v10, $0x10;
	v0 =	vor.u32 @!p0 $0x1F, v0;
	v5 =	vmul.f32 @!p0 v5, v1  }
.Ltmp6:
0x257: {  	v1 =	vmul.f32 @!p0 v7, v1;
	v2 =	vadd.f32 @!p0 v2, v4;
	(pc) =	sbr.rel @!p1 .LBB2_5-.Ltmp6, $4  }
0x258: {  	v3 =	vadd.f32 @!p0 v5, v3  }
0x259: {  	v1 =	vadd.f32 @!p0 v1, v2  }
0x25a: {  	[tilespmem:v6+s25+$0x0] =	vst.idx.msk @!p0 $0xffff, v3  }
0x25b: {  	[tilespmem:v0+s25+$0x0] =	vst.idx.msk @!p0 $0xffff, v1  }
0x25c: {  	v0 =	vld [tilespmem:s22+$0x0]  }
0x25d: {  	v1 =	vld [tilespmem:s20+$0x0]  }
0x25e: {  	v3 =	vld [tilespmem:s21+$0x0]  }
0x25f: {  	v4 =	vld [tilespmem:s19+$0x0];
	_ =	sdelay $0x3  }
0x260: {  	v2 =	vmul.f32 v1, v0  }
0x261: {  	v1 =	vmul.f32 v3, v0;
	v0 =	vmul.f32 v4, v0  }
0x262: {  	v21 =	vmul.f32 $6.400000000e+01, v2  }
0x263: {  	v22 =	vmul.f32 $6.400000000e+01, v1;
	v5 =	vmul.f32 $6.400000000e+01, v0  }
0x264: {  	v14 =	vmul.f32 $1.280000000e+02, v2;
	v28 =	vmul.f32 $1.280000000e+02, v1  }
0x265: {  	v15 =	vmul.f32 $1.280000000e+02, v0;
	v37 =	vmul.f32 $2.560000000e+02, v1  }
0x266: {  	v46 =	vmul.f32 $5.120000000e+02, v1;
	v55 =	vmul.f32 $1.024000000e+03, v1  }
0x267: {  	v3 =	vtrunc.f32 v21;
	v4 =	vtrunc.f32 v22  }
0x268: {  	v5 =	vtrunc.f32 v5;
	v14 =	vtrunc.f32 v14  }
0x269: {  	v30 =	vtrunc.f32 v15;
	v22 =	vmul.f32 $2.560000000e+02, v2  }
0x26a: {  	v3 =	vcvt.f32.s32 v3;
	v4 =	vcvt.f32.s32 v4  }
0x26b: {  	v5 =	vcvt.f32.s32 v5;
	v29 =	vcvt.f32.s32 v14  }
0x26c: {  	v31 =	vcvt.f32.s32 v30;
	v30 =	vmul.f32 $5.120000000e+02, v2  }
0x26d: {  	v22 =	vtrunc.f32 v22;
	v3 =	vmul.u32 $0x9E3779B1, v3;
	v9 =	vmul.u32 $0x30025795, v4  }
0x26e: {  	v10 =	vadd.s32 $0x1, v5;
	v32 =	vmul.u32 $0x9E3779B1, v29;
	v30 =	vtrunc.f32 v30  }
0x26f: {  	v18 =	vadd.s32 $0x1, v31;
	v38 =	vcvt.f32.s32 v22;
	v47 =	vcvt.f32.s32 v30  }
0x270: {  	v23 =	vxor.u32 v5, v3;
	v11 =	vadd.s32 $0x30025795, v9;
	v12 =	vadd.s32 $0x9E3779B1, v3  }
0x271: {  	v13 =	vxor.u32 v10, v3;
	v33 =	vxor.u32 v31, v32;
	v20 =	vadd.s32 $0x9E3779B1, v32  }
0x272: {  	v14 =	vxor.u32 v18, v32;
	v41 =	vmul.u32 $0x9E3779B1, v38;
	v38 =	vmul.f32 $1.024000000e+03, v2  }
0x273: {  	v6 =	vxor.u32 v9, v23;
	v4 =	vxor.u32 v23, v11;
	v24 =	vxor.u32 v5, v12  }
0x274: {  	v26 =	vxor.u32 v9, v13;
	v13 =	vxor.u32 v13, v11;
	v10 =	vxor.u32 v10, v12  }
0x275: {  	v23 =	vmul.f32 $2.560000000e+02, v0;
	v18 =	vxor.u32 v18, v20;
	v50 =	vmul.u32 $0x9E3779B1, v47  }
0x276: {  	v47 =	vmul.f32 $4.096000000e+03, v0;
	v6 =	vand.u32 $0x7FFFF, v6;
	v4 =	vand.u32 $0x7FFFF, v4  }
0x277: {  	v25 =	vxor.u32 v9, v24;
	v27 =	vand.u32 $0x7FFFF, v13;
	v13 =	vtrunc.f32 v28  }
0x278: {  	v9 =	vxor.u32 v9, v10;
	v10 =	vxor.u32 v11, v10;
	v28 =	vadd.s32 $0x9E3779B1, v41  }
0x279: {  	v38 =	vtrunc.f32 v38;
	v7 =	vor.u32 $0x280000, v6;
	v5 =	vor.u32 $0x280000, v4  }
0x27a: {  	v6 =	vxor.u32 v11, v24;
	v4 =	vand.u32 $0x7FFFF, v25;
	v13 =	vcvt.f32.s32 v13  }
0x27b: {  	v9 =	vand.u32 $0x7FFFF, v9;
	v10 =	vand.u32 $0x7FFFF, v10;
	v39 =	vtrunc.f32 v23  }
0x27c: {  	v11 =	vxor.u32 v31, v20;
	v31 =	vmul.f32 $5.120000000e+02, v0;
	v56 =	vcvt.f32.s32 v38  }
0x27d: {  	v6 =	vand.u32 $0x7FFFF, v6;
	v8 =	vor.u32 $0x280000, v4;
	v4 =	vand.u32 $0x7FFFF, v26  }
0x27e: {  	v12 =	vor.u32 $0x280000, v9;
	v9 =	vor.u32 $0x280000, v10;
	v40 =	vcvt.f32.s32 v39  }
0x27f: {  	s25 =	smul.u32 $0x580, s26;
	v39 =	vmul.f32 $1.024000000e+03, v0;
	v3 =	vor.u32 $0x280000, v6;
	v6 =	vor.u32 $0x280000, v4  }
0x280: {  	v4 =	vor.u32 $0x280000, v27;
	v17 =	vmul.u32 $0x30025795, v13;
	v48 =	vtrunc.f32 v31  }
0x281: {  	v58 =	vmul.u32 $0x9E3779B1, v56;
	[tilespmem:s25+$0x1060] =	vst v12;
	v12 =	vtrunc.f32 v47;
	v42 =	vxor.u32 v40, v41  }
0x282: {  	v26 =	vadd.s32 $0x1, v40;
	v49 =	vcvt.f32.s32 v48;
	v57 =	vtrunc.f32 v39  }
0x283: {  	v48 =	vmul.f32 $2.048000000e+03, v0;
	v12 =	vcvt.f32.s32 v12;
	v19 =	vadd.s32 $0x30025795, v17  }
0x284: {  	v13 =	vxor.u32 v17, v33;
	v34 =	vxor.u32 v17, v11;
	v35 =	vxor.u32 v17, v14  }
0x285: {  	v17 =	vxor.u32 v17, v18;
	v22 =	vxor.u32 v26, v41;
	v26 =	vxor.u32 v26, v28  }
0x286: {  	v38 =	vcvt.f32.s32 v57;
	v13 =	vand.u32 $0x7FFFF, v13;
	v10 =	vxor.u32 v33, v19  }
0x287: {  	v11 =	vxor.u32 v19, v11;
	v21 =	vxor.u32 v14, v19;
	v18 =	vxor.u32 v19, v18  }
0x288: {  	v17 =	vand.u32 $0x7FFFF, v17;
	v19 =	vxor.u32 v40, v28;
	v51 =	vxor.u32 v49, v50  }
0x289: {  	v15 =	vor.u32 $0x300000, v13;
	v10 =	vand.u32 $0x7FFFF, v10;
	v11 =	vand.u32 $0x7FFFF, v11  }
0x28a: {  	v36 =	vand.u32 $0x7FFFF, v21;
	v21 =	vtrunc.f32 v37;
	v18 =	vand.u32 $0x7FFFF, v18  }
0x28b: {  	v20 =	vor.u32 $0x300000, v17;
	v59 =	vxor.u32 v38, v58;
	v41 =	vadd.s32 $0x1, v38  }
0x28c: {  	v13 =	vor.u32 $0x300000, v10;
	v10 =	vand.u32 $0x7FFFF, v34;
	v21 =	vcvt.f32.s32 v21  }
0x28d: {  	v17 =	vor.u32 $0x300000, v18;
	v34 =	vadd.s32 $0x1, v49;
	v16 =	vor.u32 $0x300000, v10  }
0x28e: {  	v10 =	vor.u32 $0x300000, v11;
	v11 =	vand.u32 $0x7FFFF, v35;
	v25 =	vmul.u32 $0x30025795, v21  }
0x28f: {  	v14 =	vor.u32 $0x300000, v11;
	v11 =	vor.u32 $0x300000, v36;
	v36 =	vadd.s32 $0x9E3779B1, v50  }
0x290: {  	v30 =	vxor.u32 v34, v50;
	v34 =	vxor.u32 v34, v36;
	v27 =	vadd.s32 $0x30025795, v25  }
0x291: {  	v21 =	vxor.u32 v25, v42;
	v43 =	vxor.u32 v25, v19;
	v44 =	vxor.u32 v25, v22  }
0x292: {  	v25 =	vxor.u32 v25, v26;
	v21 =	vand.u32 $0x7FFFF, v21;
	v18 =	vxor.u32 v42, v27  }
0x293: {  	v19 =	vxor.u32 v27, v19;
	v29 =	vxor.u32 v22, v27;
	v26 =	vxor.u32 v27, v26  }
0x294: {  	v25 =	vand.u32 $0x7FFFF, v25;
	v27 =	vxor.u32 v49, v36;
	v23 =	vor.u32 $0x380000, v21  }
0x295: {  	v18 =	vand.u32 $0x7FFFF, v18;
	v19 =	vand.u32 $0x7FFFF, v19;
	v45 =	vand.u32 $0x7FFFF, v29  }
0x296: {  	v29 =	vtrunc.f32 v46;
	v26 =	vand.u32 $0x7FFFF, v26;
	v28 =	vor.u32 $0x380000, v25  }
0x297: {  	v46 =	vmul.f32 $2.048000000e+03, v1;
	v21 =	vor.u32 $0x380000, v18;
	v18 =	vand.u32 $0x7FFFF, v43  }
0x298: {  	v29 =	vcvt.f32.s32 v29;
	v25 =	vor.u32 $0x380000, v26;
	v43 =	vadd.s32 $0x9E3779B1, v58  }
0x299: {  	v24 =	vor.u32 $0x380000, v18;
	v18 =	vor.u32 $0x380000, v19;
	v19 =	vand.u32 $0x7FFFF, v44  }
0x29a: {  	v38 =	vxor.u32 v38, v43;
	v44 =	vxor.u32 v41, v58;
	v63 =	vxor.u32 v41, v43  }
0x29b: {  	v50 =	vtrunc.f32 v46;
	v46 =	vmul.f32 $4.096000000e+03, v1;
	v33 =	vmul.u32 $0x30025795, v29  }
0x29c: {  	v22 =	vor.u32 $0x380000, v19;
	v19 =	vor.u32 $0x380000, v45;
	v45 =	vmul.f32 $2.048000000e+03, v2  }
0x29d: {  	[tilespmem:s25+$0x10C0] =	vst v14;
	v14 =	vtrunc.f32 v46;
	v46 =	vmul.f32 $1.638400000e+04, v0;
	v35 =	vadd.s32 $0x30025795, v33  }
0x29e: {  	v29 =	vxor.u32 v33, v51;
	v52 =	vxor.u32 v33, v27;
	v53 =	vxor.u32 v33, v30  }
0x29f: {  	v33 =	vxor.u32 v33, v34;
	v49 =	vtrunc.f32 v45;
	v14 =	vcvt.f32.s32 v14  }
0x2a0: {  	v29 =	vand.u32 $0x7FFFF, v29;
	v26 =	vxor.u32 v51, v35;
	v27 =	vxor.u32 v35, v27  }
0x2a1: {  	v37 =	vxor.u32 v30, v35;
	v34 =	vxor.u32 v35, v34;
	v33 =	vand.u32 $0x7FFFF, v33  }
0x2a2: {  	v43 =	vcvt.f32.s32 v49;
	v49 =	vadd.s32 $0x1, v12;
	v31 =	vor.u32 $0x400000, v29  }
0x2a3: {  	v26 =	vand.u32 $0x7FFFF, v26;
	v27 =	vand.u32 $0x7FFFF, v27;
	v54 =	vand.u32 $0x7FFFF, v37  }
0x2a4: {  	v37 =	vtrunc.f32 v55;
	v34 =	vand.u32 $0x7FFFF, v34;
	v35 =	vor.u32 $0x400000, v33  }
0x2a5: {  	v14 =	vmul.u32 $0x30025795, v14;
	v29 =	vor.u32 $0x400000, v26;
	v26 =	vand.u32 $0x7FFFF, v52  }
0x2a6: {  	v37 =	vcvt.f32.s32 v37;
	v33 =	vor.u32 $0x400000, v34;
	v52 =	vtrunc.f32 v48  }
0x2a7: {  	v56 =	vmul.u32 $0x9E3779B1, v43;
	v32 =	vor.u32 $0x400000, v26;
	v26 =	vor.u32 $0x400000, v27  }
0x2a8: {  	v27 =	vand.u32 $0x7FFFF, v53;
	v53 =	vcvt.f32.s32 v50;
	v40 =	vmul.u32 $0x30025795, v37  }
0x2a9: {  	v55 =	vcvt.f32.s32 v52;
	v50 =	vadd.s32 $0x30025795, v14;
	v30 =	vor.u32 $0x400000, v27  }
0x2aa: {  	v27 =	vor.u32 $0x400000, v54;
	v58 =	vmul.u32 $0x30025795, v53;
	v42 =	vadd.s32 $0x30025795, v40  }
0x2ab: {  	v60 =	vxor.u32 v40, v59;
	v61 =	vxor.u32 v40, v38;
	v62 =	vxor.u32 v40, v44  }
0x2ac: {  	[tilespmem:s25+$0x1000] =	vst v7;
	v51 =	vxor.u32 v40, v63;
	v36 =	vand.u32 $0x7FFFF, v60;
	v34 =	vxor.u32 v59, v42  }
0x2ad: {  	[tilespmem:s25+$0x1010] =	vst v5;
	v38 =	vxor.u32 v42, v38;
	v44 =	vxor.u32 v44, v42;
	v54 =	vxor.u32 v42, v63  }
0x2ae: {  	[tilespmem:s25+$0x1020] =	vst v8;
	v57 =	vand.u32 $0x7FFFF, v51;
	v59 =	vxor.u32 v55, v56;
	v60 =	vadd.s32 $0x1, v55  }
0x2af: {  	[tilespmem:s25+$0x1030] =	vst v3;
	v41 =	vadd.s32 $0x30025795, v58;
	v37 =	vor.u32 $0x480000, v36;
	v34 =	vand.u32 $0x7FFFF, v34  }
0x2b0: {  	[tilespmem:s25+$0x1040] =	vst v6;
	v38 =	vand.u32 $0x7FFFF, v38;
	v44 =	vand.u32 $0x7FFFF, v44;
	v3 =	vand.u32 $0x7FFFF, v54  }
0x2b1: {  	[tilespmem:s25+$0x1050] =	vst v4;
	v4 =	vor.u32 $0x480000, v57;
	v6 =	vxor.u32 v59, v41;
	v40 =	vxor.u32 v60, v56  }
0x2b2: {  	[tilespmem:s25+$0x1070] =	vst v9;
	v57 =	vmul.f32 $8.192000000e+03, v0;
	v36 =	vor.u32 $0x480000, v34;
	v34 =	vand.u32 $0x7FFFF, v61  }
0x2b3: {  	[tilespmem:s25+$0x1080] =	vst v15;
	v5 =	vor.u32 $0x480000, v44;
	v3 =	vor.u32 $0x480000, v3;
	v61 =	vxor.u32 v58, v59  }
0x2b4: {  	[tilespmem:s25+$0x10E0] =	vst v20;
	v6 =	vand.u32 $0x7FFFF, v6;
	v43 =	vxor.u32 v40, v41;
	v44 =	vmul.f32 $4.096000000e+03, v2  }
0x2b5: {  	[tilespmem:s25+$0x1090] =	vst v13;
	v39 =	vor.u32 $0x480000, v34;
	v34 =	vor.u32 $0x480000, v38;
	v38 =	vand.u32 $0x7FFFF, v62  }
0x2b6: {  	[tilespmem:s25+$0x10F0] =	vst v17;
	v62 =	vadd.s32 $0x9E3779B1, v56;
	v42 =	vand.u32 $0x7FFFF, v61;
	v6 =	vor.u32 $0x500000, v6  }
0x2b7: {  	[tilespmem:s25+$0x1150] =	vst v19;
	v45 =	vand.u32 $0x7FFFF, v43;
	v56 =	vmul.f32 $8.192000000e+03, v1;
	v19 =	vtrunc.f32 v57  }
0x2b8: {  	[tilespmem:s25+$0x10A0] =	vst v16;
	v38 =	vor.u32 $0x480000, v38;
	v15 =	vor.u32 $0x500000, v42;
	v7 =	vxor.u32 v55, v62  }
0x2b9: {  	[tilespmem:s25+$0x10B0] =	vst v10;
	v42 =	vxor.u32 v58, v40;
	v16 =	vtrunc.f32 v44;
	v55 =	vmul.f32 $8.192000000e+03, v2  }
0x2ba: {  	[tilespmem:s25+$0x10D0] =	vst v11;
	v9 =	vxor.u32 v60, v62;
	v19 =	vcvt.f32.s32 v19;
	v44 =	vmul.f32 $1.638400000e+04, v1  }
0x2bb: {  	[tilespmem:s25+$0x1100] =	vst v23;
	v63 =	vxor.u32 v58, v7;
	v7 =	vxor.u32 v41, v7;
	v16 =	vcvt.f32.s32 v16  }
0x2bc: {  	[tilespmem:s25+$0x1170] =	vst v25;
	v8 =	vxor.u32 v58, v9;
	v9 =	vxor.u32 v41, v9;
	v25 =	vtrunc.f32 v56  }
0x2bd: {  	[tilespmem:s25+$0x1160] =	vst v28;
	v41 =	vmul.f32 $1.638400000e+04, v2;
	v13 =	vand.u32 $0x7FFFF, v63;
	v7 =	vand.u32 $0x7FFFF, v7  }
0x2be: {  	[tilespmem:s25+$0x1120] =	vst v24;
	v8 =	vand.u32 $0x7FFFF, v8;
	v9 =	vand.u32 $0x7FFFF, v9;
	v24 =	vtrunc.f32 v55  }
0x2bf: {  	[tilespmem:s25+$0x1110] =	vst v21;
	v25 =	vcvt.f32.s32 v25;
	v61 =	vadd.s32 $0x1, v19;
	v10 =	vor.u32 $0x500000, v13  }
0x2c0: {  	[tilespmem:s25+$0x1130] =	vst v18;
	v7 =	vor.u32 $0x500000, v7;
	v13 =	vand.u32 $0x7FFFF, v42;
	v16 =	vmul.u32 $0x9E3779B1, v16  }
0x2c1: {  	[tilespmem:s25+$0x1140] =	vst v22;
	v8 =	vor.u32 $0x500000, v8;
	v9 =	vor.u32 $0x500000, v9;
	v24 =	vcvt.f32.s32 v24  }
0x2c2: {  	[tilespmem:s25+$0x1180] =	vst v31;
	v11 =	vor.u32 $0x500000, v13;
	v13 =	vor.u32 $0x500000, v45;
	v59 =	vmul.u32 $0x30025795, v25  }
0x2c3: {  	[tilespmem:s25+$0x11E0] =	vst v35;
	v48 =	vxor.u32 v12, v16;
	v52 =	vadd.s32 $0x9E3779B1, v16;
	v16 =	vxor.u32 v49, v16  }
0x2c4: {  	[tilespmem:s25+$0x1190] =	vst v29;
	v58 =	vmul.u32 $0x9E3779B1, v24;
	v51 =	vxor.u32 v14, v48;
	v17 =	vxor.u32 v48, v50  }
0x2c5: {  	[tilespmem:s25+$0x11F0] =	vst v33;
	v12 =	vxor.u32 v12, v52;
	v54 =	vxor.u32 v14, v16;
	v16 =	vxor.u32 v16, v50  }
0x2c6: {  	[tilespmem:s25+$0x11A0] =	vst v32;
	v18 =	vxor.u32 v49, v52;
	v62 =	vadd.s32 $0x30025795, v59;
	v21 =	vand.u32 $0x7FFFF, v51  }
0x2c7: {  	[tilespmem:s25+$0x11B0] =	vst v26;
	v17 =	vand.u32 $0x7FFFF, v17;
	v53 =	vxor.u32 v14, v12;
	v12 =	vxor.u32 v50, v12  }
0x2c8: {  	[tilespmem:s25+$0x11C0] =	vst v30;
	v23 =	vand.u32 $0x7FFFF, v54;
	v16 =	vand.u32 $0x7FFFF, v16;
	v14 =	vxor.u32 v14, v18  }
0x2c9: {  	[tilespmem:s25+$0x11D0] =	vst v27;
	v18 =	vxor.u32 v50, v18;
	v60 =	vxor.u32 v19, v58;
	v32 =	vadd.s32 $0x9E3779B1, v58  }
0x2ca: {  	[tilespmem:s25+$0x1200] =	vst v37;
	v20 =	vxor.u32 v61, v58;
	v50 =	vtrunc.f32 v46;
	v21 =	vor.u32 $0x580000, v21  }
0x2cb: {  	[tilespmem:s25+$0x1260] =	vst v4;
	v17 =	vor.u32 $0x580000, v17;
	v22 =	vand.u32 $0x7FFFF, v53;
	v12 =	vand.u32 $0x7FFFF, v12  }
0x2cc: {  	[tilespmem:s25+$0x1210] =	vst v36;
	v23 =	vor.u32 $0x580000, v23;
	v16 =	vor.u32 $0x580000, v16;
	v14 =	vand.u32 $0x7FFFF, v14  }
0x2cd: {  	[tilespmem:s25+$0x1250] =	vst v5;
	v18 =	vand.u32 $0x7FFFF, v18;
	v63 =	vxor.u32 v59, v60;
	v25 =	vxor.u32 v60, v62  }
0x2ce: {  	[tilespmem:s25+$0x1240] =	vst v38;
	v19 =	vxor.u32 v19, v32;
	v38 =	vxor.u32 v59, v20;
	v40 =	vxor.u32 v20, v62  }
0x2cf: {  	[tilespmem:s25+$0x1270] =	vst v3;
	v45 =	vxor.u32 v61, v32;
	v20 =	vtrunc.f32 v41;
	v51 =	vcvt.f32.s32 v50  }
0x2d0: {  	[tilespmem:s25+$0x1220] =	vst v39;
	v22 =	vor.u32 $0x580000, v22;
	v12 =	vor.u32 $0x580000, v12;
	v14 =	vor.u32 $0x580000, v14  }
0x2d1: {  	[tilespmem:s25+$0x1230] =	vst v34;
	v18 =	vor.u32 $0x580000, v18;
	v28 =	vand.u32 $0x7FFFF, v63;
	v25 =	vand.u32 $0x7FFFF, v25  }
0x2d2: {  	[tilespmem:s25+$0x1290] =	vst v6;
	v34 =	vxor.u32 v59, v19;
	v19 =	vxor.u32 v62, v19;
	v39 =	vand.u32 $0x7FFFF, v38  }
0x2d3: {  	[tilespmem:s25+$0x12A0] =	vst v10;
	v43 =	vand.u32 $0x7FFFF, v40;
	v48 =	vcvt.f32.s32 v20;
	v49 =	vxor.u32 v59, v45  }
0x2d4: {  	v10 =	vxor.u32 v62, v45;
	[tilespmem:s25+$0x1340] =	vst v23;
	v63 =	vmul.f32 $3.276800000e+04, v0;
	v23 =	vmul.f32 $3.276800000e+04, v1  }
0x2d5: {  	[tilespmem:s25+$0x1280] =	vst v15;
	v1 =	vmul.f32 $6.553600000e+04, v1;
	v0 =	vmul.f32 $6.553600000e+04, v0;
	v28 =	vor.u32 $0x600000, v28  }
0x2d6: {  	[tilespmem:s25+$0x12B0] =	vst v7;
	v33 =	vor.u32 $0x600000, v25;
	v35 =	vand.u32 $0x7FFFF, v34;
	v19 =	vand.u32 $0x7FFFF, v19  }
0x2d7: {  	[tilespmem:s25+$0x12E0] =	vst v8;
	v42 =	vor.u32 $0x600000, v39;
	v47 =	vor.u32 $0x600000, v43;
	v52 =	vand.u32 $0x7FFFF, v49  }
0x2d8: {  	v10 =	vand.u32 $0x7FFFF, v10;
	[tilespmem:s25+$0x1320] =	vst v22;
	v22 =	vmul.f32 $3.276800000e+04, v2;
	v2 =	vmul.f32 $6.553600000e+04, v2  }
0x2d9: {  	[tilespmem:s25+$0x1350] =	vst v16;
	v37 =	vor.u32 $0x600000, v19;
	v19 =	vtrunc.f32 v44;
	v16 =	vtrunc.f32 v63  }
0x2da: {  	[tilespmem:s25+$0x12F0] =	vst v9;
	v56 =	vadd.s32 $0x1, v51;
	v26 =	vtrunc.f32 v23;
	v1 =	vtrunc.f32 v1  }
0x2db: {  	[tilespmem:s25+$0x12C0] =	vst v11;
	v36 =	vor.u32 $0x600000, v35;
	v0 =	vtrunc.f32 v0;
	v19 =	vcvt.f32.s32 v19  }
0x2dc: {  	[tilespmem:s25+$0x12D0] =	vst v13;
	v15 =	vmul.u32 $0x9E3779B1, v48;
	v25 =	vtrunc.f32 v22;
	v29 =	vcvt.f32.s32 v26  }
0x2dd: {  	[tilespmem:s25+$0x1300] =	vst v21;
	v8 =	vor.u32 $0x600000, v52;
	v16 =	vcvt.f32.s32 v16;
	v2 =	vtrunc.f32 v2  }
0x2de: {  	[tilespmem:s25+$0x1310] =	vst v17;
	v54 =	vor.u32 $0x600000, v10;
	v1 =	vcvt.f32.s32 v1;
	v0 =	vcvt.f32.s32 v0  }
0x2df: {  	[tilespmem:s25+$0x1330] =	vst v12;
	v55 =	vxor.u32 v51, v15;
	v59 =	vadd.s32 $0x9E3779B1, v15;
	v15 =	vxor.u32 v56, v15  }
0x2e0: {  	[tilespmem:s25+$0x1380] =	vst v28;
	v28 =	vcvt.f32.s32 v25;
	v2 =	vcvt.f32.s32 v2;
	v53 =	vmul.u32 $0x30025795, v19  }
0x2e1: {  	[tilespmem:s25+$0x1360] =	vst v14;
	v13 =	vxor.u32 v51, v59;
	v17 =	vxor.u32 v56, v59;
	v32 =	vmul.u32 $0x30025795, v29  }
0x2e2: {  	[tilespmem:s25+$0x1390] =	vst v33;
	v33 =	vadd.s32 $0x1, v16;
	v1 =	vmul.u32 $0x30025795, v1;
	v48 =	vadd.s32 $0x1, v0  }
0x2e3: {  	[tilespmem:s25+$0x1370] =	vst v18;
	v31 =	vmul.u32 $0x9E3779B1, v28;
	v2 =	vmul.u32 $0x9E3779B1, v2;
	v57 =	vadd.s32 $0x30025795, v53  }
0x2e4: {  	[tilespmem:s25+$0x13C0] =	vst v42;
	v58 =	vxor.u32 v53, v55;
	v60 =	vxor.u32 v53, v13;
	v61 =	vxor.u32 v53, v15  }
0x2e5: {  	[tilespmem:s25+$0x13D0] =	vst v47;
	v27 =	vxor.u32 v53, v17;
	v49 =	vadd.s32 $0x30025795, v1;
	v21 =	vand.u32 $0x7FFFF, v58  }
0x2e6: {  	[tilespmem:s25+$0x13A0] =	vst v36;
	v10 =	vxor.u32 v55, v57;
	v13 =	vxor.u32 v57, v13;
	v12 =	vand.u32 $0x7FFFF, v60  }
0x2e7: {  	[tilespmem:s25+$0x13B0] =	vst v37;
	v62 =	vand.u32 $0x7FFFF, v61;
	v15 =	vxor.u32 v15, v57;
	v3 =	vand.u32 $0x7FFFF, v27  }
0x2e8: {  	[tilespmem:s25+$0x13E0] =	vst v8;
	v30 =	vxor.u32 v57, v17;
	v34 =	vadd.s32 $0x9E3779B1, v31;
	v35 =	vxor.u32 v16, v31  }
0x2e9: {  	[tilespmem:s25+$0x13F0] =	vst v54;
	v6 =	vxor.u32 v33, v31;
	v47 =	vxor.u32 v0, v2;
	v21 =	vor.u32 $0x680000, v21  }
0x2ea: {  	v51 =	vadd.s32 $0x9E3779B1, v2;
	v2 =	vxor.u32 v48, v2;
	v12 =	vor.u32 $0x680000, v12;
	[tilespmem:s25+$0x1400] =	vst v21  }
0x2eb: {  	v10 =	vand.u32 $0x7FFFF, v10;
	v13 =	vand.u32 $0x7FFFF, v13;
	v14 =	vor.u32 $0x680000, v62;
	[tilespmem:s25+$0x1420] =	vst v12  }
0x2ec: {  	v15 =	vand.u32 $0x7FFFF, v15;
	v4 =	vand.u32 $0x7FFFF, v30;
	v3 =	vor.u32 $0x680000, v3;
	[tilespmem:s25+$0x1440] =	vst v14  }
0x2ed: {  	v36 =	vxor.u32 v32, v35;
	v16 =	vxor.u32 v16, v34;
	v10 =	vor.u32 $0x680000, v10;
	[tilespmem:s25+$0x1460] =	vst v3  }
0x2ee: {  	v7 =	vxor.u32 v33, v34;
	v42 =	vxor.u32 v32, v6;
	v13 =	vor.u32 $0x680000, v13;
	[tilespmem:s25+$0x1410] =	vst v10  }
0x2ef: {  	v0 =	vxor.u32 v0, v51;
	v56 =	vxor.u32 v1, v2;
	v24 =	vor.u32 $0x680000, v15;
	[tilespmem:s25+$0x1430] =	vst v13  }
0x2f0: {  	v2 =	vxor.u32 v2, v49;
	v4 =	vor.u32 $0x680000, v4;
	v9 =	vand.u32 $0x7FFFF, v36;
	[tilespmem:s25+$0x1450] =	vst v24  }
0x2f1: {  	v15 =	vadd.s32 $0x30025795, v32;
	v8 =	vand.u32 $0x7FFFF, v42;
	v9 =	vor.u32 $0x700000, v9;
	[tilespmem:s25+$0x1470] =	vst v4  }
0x2f2: {  	v37 =	vxor.u32 v32, v16;
	v57 =	vand.u32 $0x7FFFF, v56;
	v43 =	vor.u32 $0x700000, v8;
	[tilespmem:s25+$0x1480] =	vst v9  }
0x2f3: {  	v45 =	vxor.u32 v32, v7;
	v2 =	vand.u32 $0x7FFFF, v2;
	v58 =	vor.u32 $0x780000, v57;
	[tilespmem:s25+$0x14C0] =	vst v43  }
0x2f4: {  	v54 =	vxor.u32 v1, v0;
	v39 =	vand.u32 $0x7FFFF, v37;
	v59 =	vor.u32 $0x780000, v2;
	[tilespmem:s25+$0x1540] =	vst v58  }
0x2f5: {  	v0 =	vxor.u32 v49, v0;
	v4 =	vand.u32 $0x7FFFF, v45;
	v40 =	vor.u32 $0x700000, v39;
	[tilespmem:s25+$0x1550] =	vst v59  }
0x2f6: {  	v17 =	vxor.u32 v35, v15;
	v0 =	vand.u32 $0x7FFFF, v0;
	v4 =	vor.u32 $0x700000, v4;
	[tilespmem:s25+$0x14A0] =	vst v40  }
0x2f7: {  	v16 =	vxor.u32 v15, v16;
	v17 =	vand.u32 $0x7FFFF, v17;
	v0 =	vor.u32 $0x780000, v0;
	[tilespmem:s25+$0x14E0] =	vst v4  }
0x2f8: {  	v6 =	vxor.u32 v6, v15;
	v41 =	vand.u32 $0x7FFFF, v16;
	v38 =	vor.u32 $0x700000, v17;
	[tilespmem:s25+$0x1530] =	vst v0  }
0x2f9: {  	v46 =	vxor.u32 v15, v7;
	v44 =	vand.u32 $0x7FFFF, v6;
	v13 =	vor.u32 $0x700000, v41;
	[tilespmem:s25+$0x1490] =	vst v38  }
0x2fa: {  	v50 =	vxor.u32 v1, v47;
	v6 =	vand.u32 $0x7FFFF, v46;
	v3 =	vor.u32 $0x700000, v44;
	[tilespmem:s25+$0x14B0] =	vst v13  }
0x2fb: {  	v7 =	vxor.u32 v47, v49;
	v9 =	vand.u32 $0x7FFFF, v50;
	v6 =	vor.u32 $0x700000, v6;
	[tilespmem:s25+$0x14D0] =	vst v3  }
0x2fc: {  	v7 =	vand.u32 $0x7FFFF, v7;
	v52 =	vor.u32 $0x780000, v9;
	[tilespmem:s25+$0x14F0] =	vst v6;
	v3 =	vxor.u32 v48, v51  }
0x2fd: {  	v55 =	vand.u32 $0x7FFFF, v54;
	v53 =	vor.u32 $0x780000, v7;
	[tilespmem:s25+$0x1500] =	vst v52;
	v1 =	vxor.u32 v1, v3  }
.Ltmp7:
0x2fe: {  	v4 =	vor.u32 $0x780000, v55;
	[tilespmem:s25+$0x1510] =	vst v53;
	v60 =	vxor.u32 v49, v3;
	v1 =	vand.u32 $0x7FFFF, v1;
	(pc) =	sbr.rel .LBB2_5-.Ltmp7, $4  }
0x2ff: {  	[tilespmem:s25+$0x1520] =	vst v4;
	v62 =	vand.u32 $0x7FFFF, v60;
	v61 =	vor.u32 $0x780000, v1  }
0x300: {  	v63 =	vor.u32 $0x780000, v62;
	[tilespmem:s25+$0x1560] =	vst v61  }
0x301: {  	s26 =	sadd.s32 $0x1000, s25;
	[tilespmem:s25+$0x1570] =	vst v63;
	s25 =	sadd.s32 $0x2600, s25  }
0x302: {  	[tilespmem:s25], [sflag:$0x1] =	stream.indirect.gather [hbm4b:s5+s14], $0x1, s26, s14, $0xb8;
	[tilespmem:$0x16C00] =	vst v63  }
.LBB2_8:
0x303: {  	_ =	sfence.sel $0x180000  }
0x304: {  	[bflag:$0x0] =	sbarrier.arrive $0xFFFF  }
0x305: {  	p0 =	sne.s32 s8, $0x0;
	_ =	strace $0x90000047  }
0x306: {  	s0 =	sadd.s32 @!p0 $0x100000, s2;
	[bflag:$0x2] =	sbarrier.arrive $0xFFFF  }
0x307: {  	[sflag:s0] =	ssyncadd.tile.s32 @!p0 $0x1;
	_ =	shalt  }
.Lfunc_end2:
_tile_overlayer_lowered:
.L_overlay_start_2:
0x308: {  	(tag) =	ssettag $0x2  }
0x309: {  	s0 =	rddreg [dreg:$0x0];
	s2 =	stileid.u32  }
0x30a: {  	s1 =	rddreg [dreg:$0x1];
	p0 =	sne.s32 s2, $0x0  }
0x30b: {  	s3 =	rddreg [dreg:$0x2];
	[bflag:$0x3] =	sbarrier.arrive $0xFFFF;
	s2 =	simm.s32 @!p0 $0x1C02  }
0x30c: {  	[timem:s3], [sflag:s2] =	dma.local @!p0 [hbm:s0], s1  }
0x30d: {  	s0 =	simm.s32 @!p0 $0x2  }
0x30e: {  	_ =	swait.ge @!p0 [sflag:s0], s1  }
0x30f: {  	s1 =	ssub.s32 @!p0 $0x0, s1;
	[sflag:s0] =	ssyncset.done @!p0 $0x0  }
0x310: {  	[sflag:s0] =	ssyncadd.s32 @!p0 s1  }
0x311: {  	[bflag:$0x3] =	sbarrier.arrive $0xFFFF  }
0x312: {  	_ =	shalt  }

// kernel: sparse-core-data-format-call.cloned.1.call-start
scs
called_computation_lowered:
.L_overlay_start_0:
0x0: {  	s2 =	sld [smem:$0x3FD9]  }
0x1: {  	s3 =	sld [smem:$0x3FFE];
	_ =	sdelay $0x1  }
0x2: {  	s1 =	srdreg.scid  }
0x3: {  	s0 =	sand.u32 $0x1, s1  }
0x4: {  	s18 =	sshll.u32 s0, $0xA;
	s2 =	sadd.s32 s3, s2  }
0x5: {  	s2 =	sadd.s32 s2, s18  }
0x6: {  	[smem:$0x3FC2] =	sst s2  }
0x7: {  	_ = 	snop  }
0x8: {  	s2 =	sld [smem:$0x3FD0];
	(tm) =	ssettm $0x1  }
0x9: {  	s19 =	sld [smem:$0x3FFB];
	_ =	sdelay $0x3  }
0xa: {  	_ =	strace s19  }
0xb: {  	s3 =	sld [smem:$0x3FFC];
	_ =	sdelay $0x3  }
0xc: {  	_ =	strace s3  }
0xd: {  	s3 =	sld [smem:$0x3FFD];
	_ =	sdelay $0x3  }
0xe: {  	_ =	strace s3  }
0xf: {  	_ =	strace $0x8FFFFFFF  }
0x10: {  	s20 =	sld [smem:$0x3FDB];
	_ =	sdelay $0x1  }
0x11: {  	s4 =	simm.s32 $_scs_section_size  }
0x12: {  	s5 =	simm.s32 $_size__tile_overlayer_lowered;
	s6 =	simm.s32 $_tile_overlayer_lowered  }
0x13: {  	s23 =	simm.s32 $0x1BFF;
	s22 =	sshll.u32 s6, $0x1;
	s3 =	sadd.s32 s4, s20  }
0x14: {  	s7 =	simm.s32 $0x0;
	s21 =	sshll.u32 s5, $0x1;
	s5 =	sadd.s32 s22, s3  }
0x15: {  	[timem:s7], [sflag:s23] =	dma.local [hbm:s5], s21  }
0x16: {  	_ =	swait.ge [sflag:s23], s21  }
0x17: {  	s4 =	ssub.s32 $0x0, s21;
	[sflag:s23] =	ssyncset.done $0x0  }
0x18: {  	[sflag:s23] =	ssyncadd.s32 s4;
	_ =	sdelay $0x1  }
0x19: {  	s24 =	simm.s32 $0x1B8B  }
0x1a: {  	_ =	swait.ge [sflag:s24], $0x1  }
0x1b: {  	[sflag:s24] =	ssyncset.done $0x0  }
0x1c: {  	s26 =	simm.s32 $0x1B8E;
	s25 =	sld [smem:$0x3FFE];
	[sflag:s24] =	ssyncadd.s32 $0xFFFFFFFF  }
0x1d: {  	s27 =	simm.s32 $execute0_lowered;
	[smem:$0x3FD2] =	sst s26  }
0x1e: {  	s5 =	sshll.u32 s27, $0x1;
	_ =	strace $0x80000049;
	[dreg:$0x1] =	wrdreg $0xFFFFFFFF  }
0x1f: {  	s28 =	simm.s32 $_size_execute0_lowered;
	s3 =	sadd.s32 s3, s5;
	[dreg:$0x0] =	wrdreg $0x0  }
0x20: {  	s5 =	sshll.u32 s28, $0x1;
	[dreg:$0x2] =	wrdreg s3  }
0x21: {  	[dreg:$0x3] =	wrdreg s5  }
0x22: {  	[dreg:$0x4] =	wrdreg $0xC0  }
0x23: {  	_ =	task [dreg:s7], $0x5FFFF  }
0x24: {  	[dreg:$0x1] =	wrdreg $0xFFFFFFFF  }
0x25: {  	[dreg:$0x0] =	wrdreg $0x60  }
0x26: {  	[dreg:$0x2] =	wrdreg s25  }
0x27: {  	[dreg:$0x3] =	wrdreg s2  }
0x28: {  	[dreg:$0x4] =	wrdreg $0x9  }
0x29: {  	_ =	task.clear_ibuf [dreg:s7], $0x5FFFF;
	_ =	strace $0x90000049  }
0x2a: {  	s29 =	simm.s32 $0x9;
	_ =	strace $0x8000004B  }
0x2b: {  	_ =	swait.ge [sflag:s29], $0x1  }
0x2c: {  	[sflag:s29] =	ssyncadd.s32 $0xFFFFFFFF  }
0x2d: {  	_ =	strace $0x9000004B  }
0x2e: {  	_ =	sfence  }
0x2f: {  	s30 =	sld [smem:$0x0];
	_ =	sdelay $0x2  }
0x30: {  	s31 =	sshll.u32 s1, $0xD;
	s1 =	sshrl.u32 s1, $0x2  }
0x31: {  	s3 =	sand.u32 $0x4000, s31;
	s1 =	sadd.s32 s1, s30  }
0x32: {  	s0 =	sor.u32 s3, s0;
	s1 =	sshll.u32 s1, $0x11  }
0x33: {  	s0 =	sor.u32 s1, s0  }
0x34: {  	s0 =	sadd.s32 $0x8F2B, s0  }
0x35: {  	[sflag:s0] =	ssyncadd.remote.s32 $0x1  }
0x36: {  	_ =	sfence.sel $0xFFFF  }
0x37: {  	[dreg:$0x0] =	wrdreg $0xFFFFFFFF;
	(pc) =	sbr.abs _section_cstart, $3  }
0x38: {  	[dreg:$0x1] =	wrdreg $0xFFFFFFFF  }
0x39: {  	_ =	task.clear_ibuf [dreg:s7], $0x2FFFF;
	_ =	strace $0x9FFFFFFF  }
0x3a: {  	(tm) =	ssettm $0x7FFFFFFF  }
0x3b: {  	_ =	shalt  }
tec
execute0_lowered:
.L_overlay_start_1:
0x0: {  	(tag) =	ssettag $0x1  }
0x1: {  	s0 =	srdreg.scid  }
0x2: {  	s1 =	sshll.u32 s0, $0x4  }
0x3: {  	s4 =	rddreg [dreg:$0x0];
	s0 =	stileid.u32;
	s1 =	sand.u32 $0x10, s1  }
0x4: {  	s2 =	rddreg [dreg:$0x1];
	s7 =	simm.s32 $0x1;
	s1 =	sor.u32 s0, s1  }
0x5: {  	s8 =	simm.s32 $0x2;
	s11 =	simm.s32 $0x0;
	s3 =	sshll.u32 s1, $0x7  }
0x6: {  	s10 =	simm.s32 $0x0;
	s4 =	sadd.s32 $0x800, s4;
	s6 =	ssub.s32 $0x40000, s3  }
.Ltmp0:
0x7: {  	s1 =	rddreg [dreg:$0x2];
	s5 =	sand.u32 $0xF80, s6;
	(pc) =	sbr.rel .LBB1_1-.Ltmp0, $4  }
0x8: {  	_ =	strace $0x8000004A;
	s9 =	smov.u32 s3;
	p0 =	sne.s32 s5, $0x0  }
0x9: {  	s6 =	sshrl.u32 s6, $0xC;
	s5 =	simm.s32 $0x1;
	s7 =	simm.s32 @!p0 $0x0  }
0xa: {  	[sflag:s5] =	ssyncpa.u1 $0x0;
	p0 =	por $0x0, $0x0;
	s6 =	sadd.s32 s7, s6  }
0xb: {  	[sflag:s8] =	ssyncpa.u1 $0x0;
	s8 =	simm.s32 $0x200000;
	s7 =	sadd.s32 $0x1, s6  }
.LBB1_4:
0xc: {  	s13 =	sshll.u32 s11, $0x3  }
0xd: {  	s15 =	sand.u32 $0x78, s11;
	s13 =	sand.u32 $0x3FC00, s13  }
0xe: {  	s30 =	sand.u32 $0xF8000, s11;
	s31 =	sand.u32 $0x7, s11;
	s13 =	sor.u32 s15, s13  }
0xf: {  	s11 =	sshll.u32 s31, $0x12;
	s15 =	sadd.s32 s2, s30;
	s13 =	sshrl.u32 s13, $0x3  }
0x10: {  	[tilespmem:s14+$0x0 ss:$0x81] =	vst.msk $0xffff, v0;
	s11 =	sor.u32 $0x400, s11;
	s13 =	sadd.s32 s13, s15  }
0x11: {  	[hbm4b:s13+s11] =	stream.strided.scatter [tilespmem:s12], [sflag:$0x2], $0x1000, s8, s11, $0x20;
	[tilespmem:$0x4040] =	vst v63  }
.LBB1_5:
0x12: {  	s13 =	sadd.s32 $0x1000, s9  }
0x13: {  	p2 =	sgt.s32 s13, $0x3FFFF  }
0x14: {  	s13 =	smov.u32 @p2 s3;
	p2 =	sne.s32 s10, s7  }
.Ltmp1:
0x15: {  	p1 =	slt.u32 s10, $0x2;
	(pc) =	sbr.rel @!p2 .LBB1_6-.Ltmp1, $4  }
0x16: {  	s12 =	simm.s32 @!p1 $0x2  }
0x17: {  	s14 =	sadd.s32 $0x1, s10;
	_ =	swait.ge @!p1 [sflag:s12], $0x1000  }
0x18: {  	s11 =	smov.u32 s9;
	p0 =	por !p0, !p0;
	[sflag:s12] =	ssyncset.done @!p1 $0x0  }
0x19: {  	s10 =	smov.u32 s14;
	s9 =	smov.u32 s13;
	[sflag:s12] =	ssyncadd.s32 @!p1 $0xFFFFF000  }
.LBB1_1:
0x1a: {  	p1 =	sge.u32 s10, s6  }
0x1b: {  	s31 =	sadd.s32 $0xFFFFFFFF, s10;
	s12 =	sxor.u32 @!p1 $0xFFFFFFFF, s10;
	s13 =	sshll.u32 @!p1 s9, $0x4  }
0x1c: {  	s14 =	simm.s32 @!p1 $0x20;
	s12 =	sshll.u32 @!p1 s12, $0xC;
	s13 =	sand.u32 @!p1 $0x3FFFF0, s13  }
0x1d: {  	s15 =	simm.s32 @!p1 $0x80;
	s12 =	sand.u32 @!p1 $0x1000, s12;
	s13 =	sadd.s32 @!p1 s4, s13  }
0x1e: {  	[tilespmem:s12], [sflag:$0x1] =	stream.strided.gather @!p1 [hbm4b:s13+s14], $0x1000, s15, s14, $0x38;
	[tilespmem:$0x4040] =	vst v63  }
0x1f: {  	p1 =	sge.u32 s31, s6  }
.Ltmp2:
0x20: {  	_ = 	snop;
	(pc) =	sbr.rel @p1 .LBB1_5-.Ltmp2, $1  }
0x21: {  	_ =	sdelay $0x3  }
0x22: {  	s12 =	simm.s32 $0x1  }
0x23: {  	_ =	swait.ge [sflag:s5], $0x1000;
	s12 =	simm.s32 @!p0 $0x0  }
0x24: {  	[sflag:s5] =	ssyncset.done $0x0;
	s13 =	sshll.u32 s12, $0xC  }
0x25: {  	[sflag:s5] =	ssyncadd.s32 $0xFFFFF000;
	s16 =	sor.u32 $0x10, s13  }
0x26: {  	s12 =	smul.u32 $0x4080, s12;
	v1 =	vld [tilespmem:s16+$0x0]  }
0x27: {  	s30 =	sand.u32 $0x1, s10;
	v0 =	vld [tilespmem:s16+$0xFFFFFFF0]  }
0x28: {  	s14 =	smul.u32 $0x4080, s30;
	s12 =	sshrl.u32 s12, $0x2  }
0x29: {  	s13 =	sor.u32 $0x2000, s12  }
0x2a: {  	s31 =	sshrl.u32 s14, $0x2;
	s14 =	sadd.s32 $0x0, s13  }
0x2b: {  	s15 =	simm.s32 $0x4;
	s16 =	sadd.s32 $0x20, s16;
	s12 =	sor.u32 $0x2000, s31;
	[tilespmem:s14+$0x810 ss:$0x81] =	vst.msk $0xffff, v1  }
.LBB1_3:
0x2c: {  	v1 =	vld [tilespmem:s16+$0x0];
	p1 =	sne.s32 s15, $0x1FC;
	[tilespmem:s14+$0x0 ss:$0x81] =	vst.msk $0xffff, v0;
	s14 =	smov.u32 s15;
	s15 =	sadd.s32 $0x4, s15  }
.Ltmp3:
0x2d: {  	v0 =	vld [tilespmem:s16+$0xFFFFFFF0];
	(pc) =	sbr.rel @p1 .LBB1_3-.Ltmp3, $4  }
0x2e: {  	_ = 	snop  }
0x2f: {  	s14 =	sshra.s32 s14, $0x2  }
0x30: {  	s14 =	sadd.s32 s14, s13  }
0x31: {  	s16 =	sadd.s32 $0x20, s16;
	[tilespmem:s14+$0x810 ss:$0x81] =	vst.msk $0xffff, v1  }
.Ltmp4:
0x32: {  	_ = 	snop;
	(pc) =	sbr.rel .LBB1_4-.Ltmp4, $1  }
0x33: {  	_ =	sdelay $0x3  }
.LBB1_6:
0x34: {  	_ =	sfence.sel $0x180000  }
0x35: {  	s2 =	simm.s32 $0x1;
	[bflag:$0x0] =	sbarrier.arrive $0xFFFF  }
0x36: {  	s31 =	simm.s32 $0x2;
	[sflag:s2] =	ssyncpa.u1 $0x1  }
0x37: {  	[sflag:s31] =	ssyncpa.u1 $0x1  }
0x38: {  	p0 =	sne.s32 s0, $0x0;
	_ =	strace $0x9000004A  }
0x39: {  	s0 =	sadd.s32 @!p0 $0x100000, s1;
	[bflag:$0x2] =	sbarrier.arrive $0xFFFF  }
0x3a: {  	[sflag:s0] =	ssyncadd.tile.s32 @!p0 $0x1;
	_ =	shalt  }
.Lfunc_end1:
_tile_overlayer_lowered:
.L_overlay_start_2:
0x3b: {  	(tag) =	ssettag $0x2  }
0x3c: {  	s0 =	rddreg [dreg:$0x0];
	s2 =	stileid.u32  }
0x3d: {  	s1 =	rddreg [dreg:$0x1];
	p0 =	sne.s32 s2, $0x0  }
0x3e: {  	s3 =	rddreg [dreg:$0x2];
	[bflag:$0x3] =	sbarrier.arrive $0xFFFF;
	s2 =	simm.s32 @!p0 $0x1C01  }
0x3f: {  	[timem:s3], [sflag:s2] =	dma.local @!p0 [hbm:s0], s1  }
0x40: {  	s0 =	simm.s32 @!p0 $0x1  }
0x41: {  	_ =	swait.ge @!p0 [sflag:s0], s1  }
0x42: {  	s1 =	ssub.s32 @!p0 $0x0, s1;
	[sflag:s0] =	ssyncset.done @!p0 $0x0  }
0x43: {  	[sflag:s0] =	ssyncadd.s32 @!p0 s1  }
0x44: {  	[bflag:$0x3] =	sbarrier.arrive $0xFFFF  }
0x45: {  	_ =	shalt  }

</sc_bundles>
